<compile_context>
chip_gen: v7x
topology: tpu7x:2x2x1
jax: 0.10.2.dev20260603
libtpu: 0.0.44.dev20260713+nightly
codegen_flags: <defaults>
</compile_context>

<pallas_src>
import functools

import jax
import jax.numpy as jnp
from jax import lax
from jax.experimental import pallas as pl
from jax.experimental.pallas import tpu as pltpu
from jax.experimental.pallas import tpu_sc as plsc


def _sc_gather(tables, dim, Hs, Ws):
    lanes = 16
    nrows = tables.shape[0]
    ncols = tables.shape[1]
    mesh = plsc.VectorSubcoreMesh(
        core_axis_name="c", subcore_axis_name="s", num_cores=1)

    @functools.partial(
        pl.kernel,
        mesh=mesh,
        compiler_params=pltpu.CompilerParams(needs_layout_passes=False),
        out_type=(
            jax.ShapeDtypeStruct((Hs, dim, Hs), jnp.float32),
            jax.ShapeDtypeStruct((Ws, dim, Ws), jnp.float32),
        ),
        scratch_types=[
            pltpu.VMEM((nrows, ncols), jnp.float32),
            pltpu.VMEM((dim, Hs), jnp.float32),
            pltpu.VMEM((dim, Ws), jnp.float32),
            pltpu.SemaphoreType.DMA,
            pltpu.SemaphoreType.DMA,
        ],
    )
    def gather_kernel(tbl_hbm, eh_hbm, ew_hbm, tbl_v, ehs, ews, sem_h, sem_w):
        sid = lax.axis_index("s")
        pltpu.async_copy(tbl_hbm, tbl_v, sem_h).wait()
        lane = lax.iota(jnp.int32, lanes)
        for half in range(2):
            wid = sid + 16 * half
            for c in range(Hs // lanes):
                r = (Hs - 1 + wid - lanes * c) - lane
                for d in range(dim):
                    dv = jnp.full((lanes,), d, jnp.int32)
                    ehs[d, pl.ds(lanes * c, lanes)] = plsc.load_gather(
                        tbl_v, [r, dv])
                    ews[d, pl.ds(lanes * c, lanes)] = plsc.load_gather(
                        tbl_v, [r, dv + dim])
            st_h = pltpu.async_copy(ehs, eh_hbm.at[wid], sem_h)
            st_w = pltpu.async_copy(ews, ew_hbm.at[wid], sem_w)
            st_h.wait()
            st_w.wait()

    return gather_kernel(tables)


def _expand_and_store(ehm, ewm, out_ref, Hs, Ws):
    HW = Hs * Ws
    colh = lax.broadcasted_iota(jnp.int32, (Hs, HW), 1) // Ws
    rowh = lax.broadcasted_iota(jnp.int32, (Hs, HW), 0)
    colw = lax.broadcasted_iota(jnp.int32, (Ws, HW), 1) % Ws
    roww = lax.broadcasted_iota(jnp.int32, (Ws, HW), 0)
    PT = (colh == rowh).astype(jnp.float32)
    QT = (colw == roww).astype(jnp.float32)
    EHb = jnp.dot(ehm, PT, preferred_element_type=jnp.float32)
    EWb = jnp.dot(ewm, QT, preferred_element_type=jnp.float32)
    for i in range(Hs):
        out_ref[0, pl.ds(i * Ws, Ws), :] = EHb[i:i + 1, :] + EWb


def _tc_self_expand(rhT3, rwT3, dim, dim_a, Hs, Ws):
    HW = Hs * Ws

    def body(rh_ref, rw_ref, out_ref):
        ih = lax.broadcasted_iota(jnp.int32, (Hs, Hs), 0)
        kh = lax.broadcasted_iota(jnp.int32, (Hs, Hs), 1)
        idxh = ih - kh + (Hs - 1)
        iw = lax.broadcasted_iota(jnp.int32, (Ws, Ws), 0)
        lw = lax.broadcasted_iota(jnp.int32, (Ws, Ws), 1)
        idxw = iw - lw + (Ws - 1)
        for dd in range(2):
            d = pl.program_id(0) * 2 + dd
            ehm = jnp.zeros((Hs, Hs), jnp.float32)
            ewm = jnp.zeros((Ws, Ws), jnp.float32)
            for t in range(2 * Hs - 1):
                ehm = jnp.where(idxh == t, rh_ref[d, 0, t], ehm)
            for t in range(2 * Ws - 1):
                ewm = jnp.where(idxw == t, rw_ref[d, 0, t], ewm)
            _expand_and_store(ehm, ewm, out_ref.at[pl.ds(dd, 1)], Hs, Ws)

    return pl.pallas_call(
        body,
        grid=(dim_a // 2,),
        in_specs=[
            pl.BlockSpec(memory_space=pltpu.SMEM),
            pl.BlockSpec(memory_space=pltpu.SMEM),
        ],
        out_specs=pl.BlockSpec((2, HW, HW), lambda d: (d, 0, 0)),
        out_shape=jax.ShapeDtypeStruct((dim, HW, HW), jnp.float32),
    )(rhT3, rwT3)


def _tc_expand_rest(eh4, ew4, buf, dim, dim_a, Hs, Ws):
    HW = Hs * Ws

    def body(eh_ref, ew_ref, buf_ref, out_ref):
        del buf_ref
        for dd in range(2):
            ehm = eh_ref[:, dd, 0, :]
            ewm = ew_ref[:, dd, 0, :]
            _expand_and_store(ehm, ewm, out_ref.at[pl.ds(dd, 1)], Hs, Ws)

    return pl.pallas_call(
        body,
        grid=((dim - dim_a) // 2,),
        in_specs=[
            pl.BlockSpec((Hs, 2, 1, Hs), lambda d: (0, d + dim_a // 2, 0, 0)),
            pl.BlockSpec((Ws, 2, 1, Ws), lambda d: (0, d + dim_a // 2, 0, 0)),
            pl.BlockSpec(memory_space=pl.ANY),
        ],
        out_specs=pl.BlockSpec((2, HW, HW), lambda d: (d + dim_a // 2, 0, 0)),
        out_shape=jax.ShapeDtypeStruct((dim, HW, HW), jnp.float32),
        input_output_aliases={2: 0},
    )(eh4, ew4, buf)


def kernel(H, W, rel_height, rel_width):
    del H, W
    dim = rel_height.shape[1]
    Hs = (rel_height.shape[0] + 1) // 2
    Ws = (rel_width.shape[0] + 1) // 2
    dim_a = (10 * dim) // 16
    tables = jnp.concatenate([rel_height, rel_width], axis=1)
    eh_sc, ew_sc = _sc_gather(tables, dim, Hs, Ws)
    eh4 = eh_sc.reshape(Hs, dim, 1, Hs)
    ew4 = ew_sc.reshape(Ws, dim, 1, Ws)
    rhT3 = jnp.transpose(rel_height)[:, None, :]
    rwT3 = jnp.transpose(rel_width)[:, None, :]
    buf = _tc_self_expand(rhT3, rwT3, dim, dim_a, Hs, Ws)
    out = _tc_expand_rest(eh4, ew4, buf, dim, dim_a, Hs, Ws)
    return out[None]

# --- scband reference (transcript-rebuilt; emitter-appended) ---
"""Pipeline reference for scband-relative-position-embedding-47485158425076 (READ-ONLY COPY).

The authoritative reference and input builder live on the scoring server;
editing this copy changes nothing except your own understanding.
"""

import jax, jax.numpy as jnp
import numpy as np

DIM = 16

def setup_inputs(seed: int = 0) -> dict:
    key = jax.random.key(seed)
    k1, k2 = jax.random.split(key)
    H, W = 32, 32
    rel_height = jax.random.normal(k1, (2 * H - 1, DIM), dtype=jnp.float32) * 0.02
    rel_width = jax.random.normal(k2, (2 * W - 1, DIM), dtype=jnp.float32) * 0.02
    return {"H": H, "W": W, "rel_height": rel_height, "rel_width": rel_width}

def reference(H, W, rel_height, rel_width):
    # Build relative coordinate index grids (constants w.r.t. params)
    Hs = (rel_height.shape[0] + 1) // 2
    Ws = (rel_width.shape[0] + 1) // 2
    coords_h = jnp.arange(Hs)
    coords_w = jnp.arange(Ws)
    rel_coords_h = coords_h[:, None] - coords_h[None, :] + (H - 1)  # [H, H] in [0, 2H-2]
    rel_coords_w = coords_w[:, None] - coords_w[None, :] + (W - 1)  # [W, W] in [0, 2W-2]
    # Embedding gathers (SparseCore-friendly): table[idx]
    rel_emb_h = rel_height[rel_coords_h]  # [H, H, dim]
    rel_emb_w = rel_width[rel_coords_w]   # [W, W, dim]
    # Decomposed 2D relative bias: bias[(i,j),(k,l)] = rel_h[i,k] + rel_w[j,l]
    bias = rel_emb_h[:, None, :, None, :] + rel_emb_w[None, :, None, :, :]  # [H, W, H, W, dim]
    bias = bias.reshape(Hs * Ws, Hs * Ws, DIM)
    bias = jnp.transpose(bias, (2, 0, 1))  # [dim, H*W, H*W]
    return bias[None, ...]  # [1, dim, H*W, H*W]

if __name__ == "__main__":
    import jax
    _d = setup_inputs()
    print(jax.jit(kernel)(*tuple(_d.values())))

</pallas_src>

<mosaic_0001>
#map = affine_map<(d0, d1) -> (0, 0)>
#map1 = affine_map<(d0, d1) -> (0, 0, 0)>
module attributes {stable_mosaic.version = 14 : i64} {
  func.func @gather_kernel(%arg0: i32, %arg1: i32, %arg2: memref<63x32xf32, #tpu.memory_space<hbm>>, %arg3: memref<32x16x32xf32, #tpu.memory_space<hbm>>, %arg4: memref<32x16x32xf32, #tpu.memory_space<hbm>>, %arg5: memref<63x32xf32, #tpu.memory_space<vmem>>, %arg6: memref<16x32xf32, #tpu.memory_space<vmem>>, %arg7: memref<16x32xf32, #tpu.memory_space<vmem>>, %arg8: memref<!tpu.dma_semaphore, #tpu.memory_space<semaphore_mem>>, %arg9: memref<!tpu.dma_semaphore, #tpu.memory_space<semaphore_mem>>) attributes {dimension_semantics = [#tpu.dimension_semantics<core_parallel>, #tpu.dimension_semantics<subcore_parallel>], iteration_bounds = array<i64: 1, 16>, scalar_prefetch = 0 : i64, scratch_operands = 5 : i64, tpu.core_type = #tpu.core_type<sc_vector_subcore>, window_params = [{transform_indices = #map}, {transform_indices = #map1}, {transform_indices = #map1}]} {
    tpu.enqueue_dma source(%arg2 : memref<63x32xf32, #tpu.memory_space<hbm>>) target(%arg5 : memref<63x32xf32, #tpu.memory_space<vmem>>) target_semaphore(%arg8 : memref<!tpu.dma_semaphore, #tpu.memory_space<semaphore_mem>>)
    tpu.wait_dma2 semaphore(%arg8 : memref<!tpu.dma_semaphore, #tpu.memory_space<semaphore_mem>>) src(%arg2 : memref<63x32xf32, #tpu.memory_space<hbm>>) dst(%arg5 : memref<63x32xf32, #tpu.memory_space<vmem>>)
    %iota3A = tpu.iota {dimensions = array<i32: 0>} : vector<16xi32>
    %add3A = arith.constant 0 : i32
    %add3A_0 = arith.addi %arg1, %add3A : i32
    %add3A_1 = arith.constant 31 : i32
    %add3A_2 = arith.addi %add3A_1, %add3A_0 : i32
    %sub3A = arith.constant 0 : i32
    %sub3A_3 = arith.subi %add3A_2, %sub3A : i32
    %sub3A_4 = vector.broadcast %sub3A_3 : i32 to vector<16xi32>
    %sub3A_5 = arith.subi %sub3A_4, %iota3A : vector<16xi32>
    %broadcast_in_dim3A = arith.constant 0 : i32
    %broadcast_in_dim3A_6 = vector.broadcast %broadcast_in_dim3A : i32 to vector<16xi32>
    %gather3A = tpu.vector_load_idx %arg5[%sub3A_5, %broadcast_in_dim3A_6] : memref<63x32xf32, #tpu.memory_space<vmem>>[vector<16xi32>, vector<16xi32>], vector<16xf32>,
    %swap3A = arith.constant 0 : i32
    %swap3A_7 = arith.index_cast %swap3A : i32 to index
    %swap3A_8 = arith.constant 0 : index
    %swap3A_9 = tpu.vector_load %arg6[%swap3A_7, %swap3A_8] {strides = array<i32>} : memref<16x32xf32, #tpu.memory_space<vmem>>, vector<16xf32>,
    tpu.vector_store %arg6[%swap3A_7, %swap3A_8], %gather3A {strides = array<i32>} : memref<16x32xf32, #tpu.memory_space<vmem>>, vector<16xf32>,
    %add3A_10 = arith.constant 16 : i32
    %add3A_11 = vector.broadcast %add3A_10 : i32 to vector<16xi32>
    %add3A_12 = arith.addi %broadcast_in_dim3A_6, %add3A_11 : vector<16xi32>
    %gather3A_13 = tpu.vector_load_idx %arg5[%sub3A_5, %add3A_12] : memref<63x32xf32, #tpu.memory_space<vmem>>[vector<16xi32>, vector<16xi32>], vector<16xf32>,
    %swap3A_14 = arith.constant 0 : i32
    %swap3A_15 = arith.index_cast %swap3A_14 : i32 to index
    %swap3A_16 = arith.constant 0 : index
    %swap3A_17 = tpu.vector_load %arg7[%swap3A_15, %swap3A_16] {strides = array<i32>} : memref<16x32xf32, #tpu.memory_space<vmem>>, vector<16xf32>,
    tpu.vector_store %arg7[%swap3A_15, %swap3A_16], %gather3A_13 {strides = array<i32>} : memref<16x32xf32, #tpu.memory_space<vmem>>, vector<16xf32>,
    %broadcast_in_dim3A_18 = arith.constant 1 : i32
    %broadcast_in_dim3A_19 = vector.broadcast %broadcast_in_dim3A_18 : i32 to vector<16xi32>
    %gather3A_20 = tpu.vector_load_idx %arg5[%sub3A_5, %broadcast_in_dim3A_19] : memref<63x32xf32, #tpu.memory_space<vmem>>[vector<16xi32>, vector<16xi32>], vector<16xf32>,
    %swap3A_21 = arith.constant 1 : i32
    %swap3A_22 = arith.index_cast %swap3A_21 : i32 to index
    %swap3A_23 = arith.constant 0 : index
    %swap3A_24 = tpu.vector_load %arg6[%swap3A_22, %swap3A_23] {strides = array<i32>} : memref<16x32xf32, #tpu.memory_space<vmem>>, vector<16xf32>,
    tpu.vector_store %arg6[%swap3A_22, %swap3A_23], %gather3A_20 {strides = array<i32>} : memref<16x32xf32, #tpu.memory_space<vmem>>, vector<16xf32>,
    %add3A_25 = arith.constant 16 : i32
    %add3A_26 = vector.broadcast %add3A_25 : i32 to vector<16xi32>
    %add3A_27 = arith.addi %broadcast_in_dim3A_19, %add3A_26 : vector<16xi32>
    %gather3A_28 = tpu.vector_load_idx %arg5[%sub3A_5, %add3A_27] : memref<63x32xf32, #tpu.memory_space<vmem>>[vector<16xi32>, vector<16xi32>], vector<16xf32>,
    %swap3A_29 = arith.constant 1 : i32
    %swap3A_30 = arith.index_cast %swap3A_29 : i32 to index
    %swap3A_31 = arith.constant 0 : index
    %swap3A_32 = tpu.vector_load %arg7[%swap3A_30, %swap3A_31] {strides = array<i32>} : memref<16x32xf32, #tpu.memory_space<vmem>>, vector<16xf32>,
    tpu.vector_store %arg7[%swap3A_30, %swap3A_31], %gather3A_28 {strides = array<i32>} : memref<16x32xf32, #tpu.memory_space<vmem>>, vector<16xf32>,
    %broadcast_in_dim3A_33 = arith.constant 2 : i32
    %broadcast_in_dim3A_34 = vector.broadcast %broadcast_in_dim3A_33 : i32 to vector<16xi32>
    %gather3A_35 = tpu.vector_load_idx %arg5[%sub3A_5, %broadcast_in_dim3A_34] : memref<63x32xf32, #tpu.memory_space<vmem>>[vector<16xi32>, vector<16xi32>], vector<16xf32>,
    %swap3A_36 = arith.constant 2 : i32
    %swap3A_37 = arith.index_cast %swap3A_36 : i32 to index
    %swap3A_38 = arith.constant 0 : index
    %swap3A_39 = tpu.vector_load %arg6[%swap3A_37, %swap3A_38] {strides = array<i32>} : memref<16x32xf32, #tpu.memory_space<vmem>>, vector<16xf32>,
    tpu.vector_store %arg6[%swap3A_37, %swap3A_38], %gather3A_35 {strides = array<i32>} : memref<16x32xf32, #tpu.memory_space<vmem>>, vector<16xf32>,
    %add3A_40 = arith.constant 16 : i32
    %add3A_41 = vector.broadcast %add3A_40 : i32 to vector<16xi32>
    %add3A_42 = arith.addi %broadcast_in_dim3A_34, %add3A_41 : vector<16xi32>
    %gather3A_43 = tpu.vector_load_idx %arg5[%sub3A_5, %add3A_42] : memref<63x32xf32, #tpu.memory_space<vmem>>[vector<16xi32>, vector<16xi32>], vector<16xf32>,
    %swap3A_44 = arith.constant 2 : i32
    %swap3A_45 = arith.index_cast %swap3A_44 : i32 to index
    %swap3A_46 = arith.constant 0 : index
    %swap3A_47 = tpu.vector_load %arg7[%swap3A_45, %swap3A_46] {strides = array<i32>} : memref<16x32xf32, #tpu.memory_space<vmem>>, vector<16xf32>,
    tpu.vector_store %arg7[%swap3A_45, %swap3A_46], %gather3A_43 {strides = array<i32>} : memref<16x32xf32, #tpu.memory_space<vmem>>, vector<16xf32>,
    %broadcast_in_dim3A_48 = arith.constant 3 : i32
    %broadcast_in_dim3A_49 = vector.broadcast %broadcast_in_dim3A_48 : i32 to vector<16xi32>
    %gather3A_50 = tpu.vector_load_idx %arg5[%sub3A_5, %broadcast_in_dim3A_49] : memref<63x32xf32, #tpu.memory_space<vmem>>[vector<16xi32>, vector<16xi32>], vector<16xf32>,
    %swap3A_51 = arith.constant 3 : i32
    %swap3A_52 = arith.index_cast %swap3A_51 : i32 to index
    %swap3A_53 = arith.constant 0 : index
    %swap3A_54 = tpu.vector_load %arg6[%swap3A_52, %swap3A_53] {strides = array<i32>} : memref<16x32xf32, #tpu.memory_space<vmem>>, vector<16xf32>,
    tpu.vector_store %arg6[%swap3A_52, %swap3A_53], %gather3A_50 {strides = array<i32>} : memref<16x32xf32, #tpu.memory_space<vmem>>, vector<16xf32>,
    %add3A_55 = arith.constant 16 : i32
    %add3A_56 = vector.broadcast %add3A_55 : i32 to vector<16xi32>
    %add3A_57 = arith.addi %broadcast_in_dim3A_49, %add3A_56 : vector<16xi32>
    %gather3A_58 = tpu.vector_load_idx %arg5[%sub3A_5, %add3A_57] : memref<63x32xf32, #tpu.memory_space<vmem>>[vector<16xi32>, vector<16xi32>], vector<16xf32>,
    %swap3A_59 = arith.constant 3 : i32
    %swap3A_60 = arith.index_cast %swap3A_59 : i32 to index
    %swap3A_61 = arith.constant 0 : index
    %swap3A_62 = tpu.vector_load %arg7[%swap3A_60, %swap3A_61] {strides = array<i32>} : memref<16x32xf32, #tpu.memory_space<vmem>>, vector<16xf32>,
    tpu.vector_store %arg7[%swap3A_60, %swap3A_61], %gather3A_58 {strides = array<i32>} : memref<16x32xf32, #tpu.memory_space<vmem>>, vector<16xf32>,
    %broadcast_in_dim3A_63 = arith.constant 4 : i32
    %broadcast_in_dim3A_64 = vector.broadcast %broadcast_in_dim3A_63 : i32 to vector<16xi32>
    %gather3A_65 = tpu.vector_load_idx %arg5[%sub3A_5, %broadcast_in_dim3A_64] : memref<63x32xf32, #tpu.memory_space<vmem>>[vector<16xi32>, vector<16xi32>], vector<16xf32>,
    %swap3A_66 = arith.constant 4 : i32
    %swap3A_67 = arith.index_cast %swap3A_66 : i32 to index
    %swap3A_68 = arith.constant 0 : index
    %swap3A_69 = tpu.vector_load %arg6[%swap3A_67, %swap3A_68] {strides = array<i32>} : memref<16x32xf32, #tpu.memory_space<vmem>>, vector<16xf32>,
    tpu.vector_store %arg6[%swap3A_67, %swap3A_68], %gather3A_65 {strides = array<i32>} : memref<16x32xf32, #tpu.memory_space<vmem>>, vector<16xf32>,
    %add3A_70 = arith.constant 16 : i32
    %add3A_71 = vector.broadcast %add3A_70 : i32 to vector<16xi32>
    %add3A_72 = arith.addi %broadcast_in_dim3A_64, %add3A_71 : vector<16xi32>
    %gather3A_73 = tpu.vector_load_idx %arg5[%sub3A_5, %add3A_72] : memref<63x32xf32, #tpu.memory_space<vmem>>[vector<16xi32>, vector<16xi32>], vector<16xf32>,
    %swap3A_74 = arith.constant 4 : i32
    %swap3A_75 = arith.index_cast %swap3A_74 : i32 to index
    %swap3A_76 = arith.constant 0 : index
    %swap3A_77 = tpu.vector_load %arg7[%swap3A_75, %swap3A_76] {strides = array<i32>} : memref<16x32xf32, #tpu.memory_space<vmem>>, vector<16xf32>,
    tpu.vector_store %arg7[%swap3A_75, %swap3A_76], %gather3A_73 {strides = array<i32>} : memref<16x32xf32, #tpu.memory_space<vmem>>, vector<16xf32>,
    %broadcast_in_dim3A_78 = arith.constant 5 : i32
    %broadcast_in_dim3A_79 = vector.broadcast %broadcast_in_dim3A_78 : i32 to vector<16xi32>
    %gather3A_80 = tpu.vector_load_idx %arg5[%sub3A_5, %broadcast_in_dim3A_79] : memref<63x32xf32, #tpu.memory_space<vmem>>[vector<16xi32>, vector<16xi32>], vector<16xf32>,
    %swap3A_81 = arith.constant 5 : i32
    %swap3A_82 = arith.index_cast %swap3A_81 : i32 to index
    %swap3A_83 = arith.constant 0 : index
    %swap3A_84 = tpu.vector_load %arg6[%swap3A_82, %swap3A_83] {strides = array<i32>} : memref<16x32xf32, #tpu.memory_space<vmem>>, vector<16xf32>,
    tpu.vector_store %arg6[%swap3A_82, %swap3A_83], %gather3A_80 {strides = array<i32>} : memref<16x32xf32, #tpu.memory_space<vmem>>, vector<16xf32>,
    %add3A_85 = arith.constant 16 : i32
    %add3A_86 = vector.broadcast %add3A_85 : i32 to vector<16xi32>
    %add3A_87 = arith.addi %broadcast_in_dim3A_79, %add3A_86 : vector<16xi32>
    %gather3A_88 = tpu.vector_load_idx %arg5[%sub3A_5, %add3A_87] : memref<63x32xf32, #tpu.memory_space<vmem>>[vector<16xi32>, vector<16xi32>], vector<16xf32>,
    %swap3A_89 = arith.constant 5 : i32
    %swap3A_90 = arith.index_cast %swap3A_89 : i32 to index
    %swap3A_91 = arith.constant 0 : index
    %swap3A_92 = tpu.vector_load %arg7[%swap3A_90, %swap3A_91] {strides = array<i32>} : memref<16x32xf32, #tpu.memory_space<vmem>>, vector<16xf32>,
    tpu.vector_store %arg7[%swap3A_90, %swap3A_91], %gather3A_88 {strides = array<i32>} : memref<16x32xf32, #tpu.memory_space<vmem>>, vector<16xf32>,
    %broadcast_in_dim3A_93 = arith.constant 6 : i32
    %broadcast_in_dim3A_94 = vector.broadcast %broadcast_in_dim3A_93 : i32 to vector<16xi32>
    %gather3A_95 = tpu.vector_load_idx %arg5[%sub3A_5, %broadcast_in_dim3A_94] : memref<63x32xf32, #tpu.memory_space<vmem>>[vector<16xi32>, vector<16xi32>], vector<16xf32>,
    %swap3A_96 = arith.constant 6 : i32
    %swap3A_97 = arith.index_cast %swap3A_96 : i32 to index
    %swap3A_98 = arith.constant 0 : index
    %swap3A_99 = tpu.vector_load %arg6[%swap3A_97, %swap3A_98] {strides = array<i32>} : memref<16x32xf32, #tpu.memory_space<vmem>>, vector<16xf32>,
    tpu.vector_store %arg6[%swap3A_97, %swap3A_98], %gather3A_95 {strides = array<i32>} : memref<16x32xf32, #tpu.memory_space<vmem>>, vector<16xf32>,
    %add3A_100 = arith.constant 16 : i32
    %add3A_101 = vector.broadcast %add3A_100 : i32 to vector<16xi32>
    %add3A_102 = arith.addi %broadcast_in_dim3A_94, %add3A_101 : vector<16xi32>
    %gather3A_103 = tpu.vector_load_idx %arg5[%sub3A_5, %add3A_102] : memref<63x32xf32, #tpu.memory_space<vmem>>[vector<16xi32>, vector<16xi32>], vector<16xf32>,
    %swap3A_104 = arith.constant 6 : i32
    %swap3A_105 = arith.index_cast %swap3A_104 : i32 to index
    %swap3A_106 = arith.constant 0 : index
    %swap3A_107 = tpu.vector_load %arg7[%swap3A_105, %swap3A_106] {strides = array<i32>} : memref<16x32xf32, #tpu.memory_space<vmem>>, vector<16xf32>,
    tpu.vector_store %arg7[%swap3A_105, %swap3A_106], %gather3A_103 {strides = array<i32>} : memref<16x32xf32, #tpu.memory_space<vmem>>, vector<16xf32>,
    %broadcast_in_dim3A_108 = arith.constant 7 : i32
    %broadcast_in_dim3A_109 = vector.broadcast %broadcast_in_dim3A_108 : i32 to vector<16xi32>
    %gather3A_110 = tpu.vector_load_idx %arg5[%sub3A_5, %broadcast_in_dim3A_109] : memref<63x32xf32, #tpu.memory_space<vmem>>[vector<16xi32>, vector<16xi32>], vector<16xf32>,
    %swap3A_111 = arith.constant 7 : i32
    %swap3A_112 = arith.index_cast %swap3A_111 : i32 to index
    %swap3A_113 = arith.constant 0 : index
    %swap3A_114 = tpu.vector_load %arg6[%swap3A_112, %swap3A_113] {strides = array<i32>} : memref<16x32xf32, #tpu.memory_space<vmem>>, vector<16xf32>,
    tpu.vector_store %arg6[%swap3A_112, %swap3A_113], %gather3A_110 {strides = array<i32>} : memref<16x32xf32, #tpu.memory_space<vmem>>, vector<16xf32>,
    %add3A_115 = arith.constant 16 : i32
    %add3A_116 = vector.broadcast %add3A_115 : i32 to vector<16xi32>
    %add3A_117 = arith.addi %broadcast_in_dim3A_109, %add3A_116 : vector<16xi32>
    %gather3A_118 = tpu.vector_load_idx %arg5[%sub3A_5, %add3A_117] : memref<63x32xf32, #tpu.memory_space<vmem>>[vector<16xi32>, vector<16xi32>], vector<16xf32>,
    %swap3A_119 = arith.constant 7 : i32
    %swap3A_120 = arith.index_cast %swap3A_119 : i32 to index
    %swap3A_121 = arith.constant 0 : index
    %swap3A_122 = tpu.vector_load %arg7[%swap3A_120, %swap3A_121] {strides = array<i32>} : memref<16x32xf32, #tpu.memory_space<vmem>>, vector<16xf32>,
    tpu.vector_store %arg7[%swap3A_120, %swap3A_121], %gather3A_118 {strides = array<i32>} : memref<16x32xf32, #tpu.memory_space<vmem>>, vector<16xf32>,
    %broadcast_in_dim3A_123 = arith.constant 8 : i32
    %broadcast_in_dim3A_124 = vector.broadcast %broadcast_in_dim3A_123 : i32 to vector<16xi32>
    %gather3A_125 = tpu.vector_load_idx %arg5[%sub3A_5, %broadcast_in_dim3A_124] : memref<63x32xf32, #tpu.memory_space<vmem>>[vector<16xi32>, vector<16xi32>], vector<16xf32>,
    %swap3A_126 = arith.constant 8 : i32
    %swap3A_127 = arith.index_cast %swap3A_126 : i32 to index
    %swap3A_128 = arith.constant 0 : index
    %swap3A_129 = tpu.vector_load %arg6[%swap3A_127, %swap3A_128] {strides = array<i32>} : memref<16x32xf32, #tpu.memory_space<vmem>>, vector<16xf32>,
    tpu.vector_store %arg6[%swap3A_127, %swap3A_128], %gather3A_125 {strides = array<i32>} : memref<16x32xf32, #tpu.memory_space<vmem>>, vector<16xf32>,
    %add3A_130 = arith.constant 16 : i32
    %add3A_131 = vector.broadcast %add3A_130 : i32 to vector<16xi32>
    %add3A_132 = arith.addi %broadcast_in_dim3A_124, %add3A_131 : vector<16xi32>
    %gather3A_133 = tpu.vector_load_idx %arg5[%sub3A_5, %add3A_132] : memref<63x32xf32, #tpu.memory_space<vmem>>[vector<16xi32>, vector<16xi32>], vector<16xf32>,
    %swap3A_134 = arith.constant 8 : i32
    %swap3A_135 = arith.index_cast %swap3A_134 : i32 to index
    %swap3A_136 = arith.constant 0 : index
    %swap3A_137 = tpu.vector_load %arg7[%swap3A_135, %swap3A_136] {strides = array<i32>} : memref<16x32xf32, #tpu.memory_space<vmem>>, vector<16xf32>,
    tpu.vector_store %arg7[%swap3A_135, %swap3A_136], %gather3A_133 {strides = array<i32>} : memref<16x32xf32, #tpu.memory_space<vmem>>, vector<16xf32>,
    %broadcast_in_dim3A_138 = arith.constant 9 : i32
    %broadcast_in_dim3A_139 = vector.broadcast %broadcast_in_dim3A_138 : i32 to vector<16xi32>
    %gather3A_140 = tpu.vector_load_idx %arg5[%sub3A_5, %broadcast_in_dim3A_139] : memref<63x32xf32, #tpu.memory_space<vmem>>[vector<16xi32>, vector<16xi32>], vector<16xf32>,
    %swap3A_141 = arith.constant 9 : i32
    %swap3A_142 = arith.index_cast %swap3A_141 : i32 to index
    %swap3A_143 = arith.constant 0 : index
    %swap3A_144 = tpu.vector_load %arg6[%swap3A_142, %swap3A_143] {strides = array<i32>} : memref<16x32xf32, #tpu.memory_space<vmem>>, vector<16xf32>,
    tpu.vector_store %arg6[%swap3A_142, %swap3A_143], %gather3A_140 {strides = array<i32>} : memref<16x32xf32, #tpu.memory_space<vmem>>, vector<16xf32>,
    %add3A_145 = arith.constant 16 : i32
    %add3A_146 = vector.broadcast %add3A_145 : i32 to vector<16xi32>
    %add3A_147 = arith.addi %broadcast_in_dim3A_139, %add3A_146 : vector<16xi32>
    %gather3A_148 = tpu.vector_load_idx %arg5[%sub3A_5, %add3A_147] : memref<63x32xf32, #tpu.memory_space<vmem>>[vector<16xi32>, vector<16xi32>], vector<16xf32>,
    %swap3A_149 = arith.constant 9 : i32
    %swap3A_150 = arith.index_cast %swap3A_149 : i32 to index
    %swap3A_151 = arith.constant 0 : index
    %swap3A_152 = tpu.vector_load %arg7[%swap3A_150, %swap3A_151] {strides = array<i32>} : memref<16x32xf32, #tpu.memory_space<vmem>>, vector<16xf32>,
    tpu.vector_store %arg7[%swap3A_150, %swap3A_151], %gather3A_148 {strides = array<i32>} : memref<16x32xf32, #tpu.memory_space<vmem>>, vector<16xf32>,
    %broadcast_in_dim3A_153 = arith.constant 10 : i32
    %broadcast_in_dim3A_154 = vector.broadcast %broadcast_in_dim3A_153 : i32 to vector<16xi32>
    %gather3A_155 = tpu.vector_load_idx %arg5[%sub3A_5, %broadcast_in_dim3A_154] : memref<63x32xf32, #tpu.memory_space<vmem>>[vector<16xi32>, vector<16xi32>], vector<16xf32>,
    %swap3A_156 = arith.constant 10 : i32
    %swap3A_157 = arith.index_cast %swap3A_156 : i32 to index
    %swap3A_158 = arith.constant 0 : index
    %swap3A_159 = tpu.vector_load %arg6[%swap3A_157, %swap3A_158] {strides = array<i32>} : memref<16x32xf32, #tpu.memory_space<vmem>>, vector<16xf32>,
    tpu.vector_store %arg6[%swap3A_157, %swap3A_158], %gather3A_155 {strides = array<i32>} : memref<16x32xf32, #tpu.memory_space<vmem>>, vector<16xf32>,
    %add3A_160 = arith.constant 16 : i32
    %add3A_161 = vector.broadcast %add3A_160 : i32 to vector<16xi32>
    %add3A_162 = arith.addi %broadcast_in_dim3A_154, %add3A_161 : vector<16xi32>
    %gather3A_163 = tpu.vector_load_idx %arg5[%sub3A_5, %add3A_162] : memref<63x32xf32, #tpu.memory_space<vmem>>[vector<16xi32>, vector<16xi32>], vector<16xf32>,
    %swap3A_164 = arith.constant 10 : i32
    %swap3A_165 = arith.index_cast %swap3A_164 : i32 to index
    %swap3A_166 = arith.constant 0 : index
    %swap3A_167 = tpu.vector_load %arg7[%swap3A_165, %swap3A_166] {strides = array<i32>} : memref<16x32xf32, #tpu.memory_space<vmem>>, vector<16xf32>,
    tpu.vector_store %arg7[%swap3A_165, %swap3A_166], %gather3A_163 {strides = array<i32>} : memref<16x32xf32, #tpu.memory_space<vmem>>, vector<16xf32>,
    %broadcast_in_dim3A_168 = arith.constant 11 : i32
    %broadcast_in_dim3A_169 = vector.broadcast %broadcast_in_dim3A_168 : i32 to vector<16xi32>
    %gather3A_170 = tpu.vector_load_idx %arg5[%sub3A_5, %broadcast_in_dim3A_169] : memref<63x32xf32, #tpu.memory_space<vmem>>[vector<16xi32>, vector<16xi32>], vector<16xf32>,
    %swap3A_171 = arith.constant 11 : i32
    %swap3A_172 = arith.index_cast %swap3A_171 : i32 to index
    %swap3A_173 = arith.constant 0 : index
    %swap3A_174 = tpu.vector_load %arg6[%swap3A_172, %swap3A_173] {strides = array<i32>} : memref<16x32xf32, #tpu.memory_space<vmem>>, vector<16xf32>,
    tpu.vector_store %arg6[%swap3A_172, %swap3A_173], %gather3A_170 {strides = array<i32>} : memref<16x32xf32, #tpu.memory_space<vmem>>, vector<16xf32>,
    %add3A_175 = arith.constant 16 : i32
    %add3A_176 = vector.broadcast %add3A_175 : i32 to vector<16xi32>
    %add3A_177 = arith.addi %broadcast_in_dim3A_169, %add3A_176 : vector<16xi32>
    %gather3A_178 = tpu.vector_load_idx %arg5[%sub3A_5, %add3A_177] : memref<63x32xf32, #tpu.memory_space<vmem>>[vector<16xi32>, vector<16xi32>], vector<16xf32>,
    %swap3A_179 = arith.constant 11 : i32
    %swap3A_180 = arith.index_cast %swap3A_179 : i32 to index
    %swap3A_181 = arith.constant 0 : index
    %swap3A_182 = tpu.vector_load %arg7[%swap3A_180, %swap3A_181] {strides = array<i32>} : memref<16x32xf32, #tpu.memory_space<vmem>>, vector<16xf32>,
    tpu.vector_store %arg7[%swap3A_180, %swap3A_181], %gather3A_178 {strides = array<i32>} : memref<16x32xf32, #tpu.memory_space<vmem>>, vector<16xf32>,
    %broadcast_in_dim3A_183 = arith.constant 12 : i32
    %broadcast_in_dim3A_184 = vector.broadcast %broadcast_in_dim3A_183 : i32 to vector<16xi32>
    %gather3A_185 = tpu.vector_load_idx %arg5[%sub3A_5, %broadcast_in_dim3A_184] : memref<63x32xf32, #tpu.memory_space<vmem>>[vector<16xi32>, vector<16xi32>], vector<16xf32>,
    %swap3A_186 = arith.constant 12 : i32
    %swap3A_187 = arith.index_cast %swap3A_186 : i32 to index
    %swap3A_188 = arith.constant 0 : index
    %swap3A_189 = tpu.vector_load %arg6[%swap3A_187, %swap3A_188] {strides = array<i32>} : memref<16x32xf32, #tpu.memory_space<vmem>>, vector<16xf32>,
    tpu.vector_store %arg6[%swap3A_187, %swap3A_188], %gather3A_185 {strides = array<i32>} : memref<16x32xf32, #tpu.memory_space<vmem>>, vector<16xf32>,
    %add3A_190 = arith.constant 16 : i32
    %add3A_191 = vector.broadcast %add3A_190 : i32 to vector<16xi32>
    %add3A_192 = arith.addi %broadcast_in_dim3A_184, %add3A_191 : vector<16xi32>
    %gather3A_193 = tpu.vector_load_idx %arg5[%sub3A_5, %add3A_192] : memref<63x32xf32, #tpu.memory_space<vmem>>[vector<16xi32>, vector<16xi32>], vector<16xf32>,
    %swap3A_194 = arith.constant 12 : i32
    %swap3A_195 = arith.index_cast %swap3A_194 : i32 to index
    %swap3A_196 = arith.constant 0 : index
    %swap3A_197 = tpu.vector_load %arg7[%swap3A_195, %swap3A_196] {strides = array<i32>} : memref<16x32xf32, #tpu.memory_space<vmem>>, vector<16xf32>,
    tpu.vector_store %arg7[%swap3A_195, %swap3A_196], %gather3A_193 {strides = array<i32>} : memref<16x32xf32, #tpu.memory_space<vmem>>, vector<16xf32>,
    %broadcast_in_dim3A_198 = arith.constant 13 : i32
    %broadcast_in_dim3A_199 = vector.broadcast %broadcast_in_dim3A_198 : i32 to vector<16xi32>
    %gather3A_200 = tpu.vector_load_idx %arg5[%sub3A_5, %broadcast_in_dim3A_199] : memref<63x32xf32, #tpu.memory_space<vmem>>[vector<16xi32>, vector<16xi32>], vector<16xf32>,
    %swap3A_201 = arith.constant 13 : i32
    %swap3A_202 = arith.index_cast %swap3A_201 : i32 to index
    %swap3A_203 = arith.constant 0 : index
    %swap3A_204 = tpu.vector_load %arg6[%swap3A_202, %swap3A_203] {strides = array<i32>} : memref<16x32xf32, #tpu.memory_space<vmem>>, vector<16xf32>,
    tpu.vector_store %arg6[%swap3A_202, %swap3A_203], %gather3A_200 {strides = array<i32>} : memref<16x32xf32, #tpu.memory_space<vmem>>, vector<16xf32>,
    %add3A_205 = arith.constant 16 : i32
    %add3A_206 = vector.broadcast %add3A_205 : i32 to vector<16xi32>
    %add3A_207 = arith.addi %broadcast_in_dim3A_199, %add3A_206 : vector<16xi32>
    %gather3A_208 = tpu.vector_load_idx %arg5[%sub3A_5, %add3A_207] : memref<63x32xf32, #tpu.memory_space<vmem>>[vector<16xi32>, vector<16xi32>], vector<16xf32>,
    %swap3A_209 = arith.constant 13 : i32
    %swap3A_210 = arith.index_cast %swap3A_209 : i32 to index
    %swap3A_211 = arith.constant 0 : index
    %swap3A_212 = tpu.vector_load %arg7[%swap3A_210, %swap3A_211] {strides = array<i32>} : memref<16x32xf32, #tpu.memory_space<vmem>>, vector<16xf32>,
    tpu.vector_store %arg7[%swap3A_210, %swap3A_211], %gather3A_208 {strides = array<i32>} : memref<16x32xf32, #tpu.memory_space<vmem>>, vector<16xf32>,
    %broadcast_in_dim3A_213 = arith.constant 14 : i32
    %broadcast_in_dim3A_214 = vector.broadcast %broadcast_in_dim3A_213 : i32 to vector<16xi32>
    %gather3A_215 = tpu.vector_load_idx %arg5[%sub3A_5, %broadcast_in_dim3A_214] : memref<63x32xf32, #tpu.memory_space<vmem>>[vector<16xi32>, vector<16xi32>], vector<16xf32>,
    %swap3A_216 = arith.constant 14 : i32
    %swap3A_217 = arith.index_cast %swap3A_216 : i32 to index
    %swap3A_218 = arith.constant 0 : index
    %swap3A_219 = tpu.vector_load %arg6[%swap3A_217, %swap3A_218] {strides = array<i32>} : memref<16x32xf32, #tpu.memory_space<vmem>>, vector<16xf32>,
    tpu.vector_store %arg6[%swap3A_217, %swap3A_218], %gather3A_215 {strides = array<i32>} : memref<16x32xf32, #tpu.memory_space<vmem>>, vector<16xf32>,
    %add3A_220 = arith.constant 16 : i32
    %add3A_221 = vector.broadcast %add3A_220 : i32 to vector<16xi32>
    %add3A_222 = arith.addi %broadcast_in_dim3A_214, %add3A_221 : vector<16xi32>
    %gather3A_223 = tpu.vector_load_idx %arg5[%sub3A_5, %add3A_222] : memref<63x32xf32, #tpu.memory_space<vmem>>[vector<16xi32>, vector<16xi32>], vector<16xf32>,
    %swap3A_224 = arith.constant 14 : i32
    %swap3A_225 = arith.index_cast %swap3A_224 : i32 to index
    %swap3A_226 = arith.constant 0 : index
    %swap3A_227 = tpu.vector_load %arg7[%swap3A_225, %swap3A_226] {strides = array<i32>} : memref<16x32xf32, #tpu.memory_space<vmem>>, vector<16xf32>,
    tpu.vector_store %arg7[%swap3A_225, %swap3A_226], %gather3A_223 {strides = array<i32>} : memref<16x32xf32, #tpu.memory_space<vmem>>, vector<16xf32>,
    %broadcast_in_dim3A_228 = arith.constant 15 : i32
    %broadcast_in_dim3A_229 = vector.broadcast %broadcast_in_dim3A_228 : i32 to vector<16xi32>
    %gather3A_230 = tpu.vector_load_idx %arg5[%sub3A_5, %broadcast_in_dim3A_229] : memref<63x32xf32, #tpu.memory_space<vmem>>[vector<16xi32>, vector<16xi32>], vector<16xf32>,
    %swap3A_231 = arith.constant 15 : i32
    %swap3A_232 = arith.index_cast %swap3A_231 : i32 to index
    %swap3A_233 = arith.constant 0 : index
    %swap3A_234 = tpu.vector_load %arg6[%swap3A_232, %swap3A_233] {strides = array<i32>} : memref<16x32xf32, #tpu.memory_space<vmem>>, vector<16xf32>,
    tpu.vector_store %arg6[%swap3A_232, %swap3A_233], %gather3A_230 {strides = array<i32>} : memref<16x32xf32, #tpu.memory_space<vmem>>, vector<16xf32>,
    %add3A_235 = arith.constant 16 : i32
    %add3A_236 = vector.broadcast %add3A_235 : i32 to vector<16xi32>
    %add3A_237 = arith.addi %broadcast_in_dim3A_229, %add3A_236 : vector<16xi32>
    %gather3A_238 = tpu.vector_load_idx %arg5[%sub3A_5, %add3A_237] : memref<63x32xf32, #tpu.memory_space<vmem>>[vector<16xi32>, vector<16xi32>], vector<16xf32>,
    %swap3A_239 = arith.constant 15 : i32
    %swap3A_240 = arith.index_cast %swap3A_239 : i32 to index
    %swap3A_241 = arith.constant 0 : index
    %swap3A_242 = tpu.vector_load %arg7[%swap3A_240, %swap3A_241] {strides = array<i32>} : memref<16x32xf32, #tpu.memory_space<vmem>>, vector<16xf32>,
    tpu.vector_store %arg7[%swap3A_240, %swap3A_241], %gather3A_238 {strides = array<i32>} : memref<16x32xf32, #tpu.memory_space<vmem>>, vector<16xf32>,
    %add3A_243 = arith.constant 31 : i32
    %add3A_244 = arith.addi %add3A_243, %add3A_0 : i32
    %sub3A_245 = arith.constant 16 : i32
    %sub3A_246 = arith.subi %add3A_244, %sub3A_245 : i32
    %sub3A_247 = vector.broadcast %sub3A_246 : i32 to vector<16xi32>
    %sub3A_248 = arith.subi %sub3A_247, %iota3A : vector<16xi32>
    %broadcast_in_dim3A_249 = arith.constant 0 : i32
    %broadcast_in_dim3A_250 = vector.broadcast %broadcast_in_dim3A_249 : i32 to vector<16xi32>
    %gather3A_251 = tpu.vector_load_idx %arg5[%sub3A_248, %broadcast_in_dim3A_250] : memref<63x32xf32, #tpu.memory_space<vmem>>[vector<16xi32>, vector<16xi32>], vector<16xf32>,
    %swap3A_252 = arith.constant 0 : i32
    %swap3A_253 = arith.index_cast %swap3A_252 : i32 to index
    %swap3A_254 = arith.constant 16 : index
    %swap3A_255 = tpu.vector_load %arg6[%swap3A_253, %swap3A_254] {strides = array<i32>} : memref<16x32xf32, #tpu.memory_space<vmem>>, vector<16xf32>,
    tpu.vector_store %arg6[%swap3A_253, %swap3A_254], %gather3A_251 {strides = array<i32>} : memref<16x32xf32, #tpu.memory_space<vmem>>, vector<16xf32>,
    %add3A_256 = arith.constant 16 : i32
    %add3A_257 = vector.broadcast %add3A_256 : i32 to vector<16xi32>
    %add3A_258 = arith.addi %broadcast_in_dim3A_250, %add3A_257 : vector<16xi32>
    %gather3A_259 = tpu.vector_load_idx %arg5[%sub3A_248, %add3A_258] : memref<63x32xf32, #tpu.memory_space<vmem>>[vector<16xi32>, vector<16xi32>], vector<16xf32>,
    %swap3A_260 = arith.constant 0 : i32
    %swap3A_261 = arith.index_cast %swap3A_260 : i32 to index
    %swap3A_262 = arith.constant 16 : index
    %swap3A_263 = tpu.vector_load %arg7[%swap3A_261, %swap3A_262] {strides = array<i32>} : memref<16x32xf32, #tpu.memory_space<vmem>>, vector<16xf32>,
    tpu.vector_store %arg7[%swap3A_261, %swap3A_262], %gather3A_259 {strides = array<i32>} : memref<16x32xf32, #tpu.memory_space<vmem>>, vector<16xf32>,
    %broadcast_in_dim3A_264 = arith.constant 1 : i32
    %broadcast_in_dim3A_265 = vector.broadcast %broadcast_in_dim3A_264 : i32 to vector<16xi32>
    %gather3A_266 = tpu.vector_load_idx %arg5[%sub3A_248, %broadcast_in_dim3A_265] : memref<63x32xf32, #tpu.memory_space<vmem>>[vector<16xi32>, vector<16xi32>], vector<16xf32>,
    %swap3A_267 = arith.constant 1 : i32
    %swap3A_268 = arith.index_cast %swap3A_267 : i32 to index
    %swap3A_269 = arith.constant 16 : index
    %swap3A_270 = tpu.vector_load %arg6[%swap3A_268, %swap3A_269] {strides = array<i32>} : memref<16x32xf32, #tpu.memory_space<vmem>>, vector<16xf32>,
    tpu.vector_store %arg6[%swap3A_268, %swap3A_269], %gather3A_266 {strides = array<i32>} : memref<16x32xf32, #tpu.memory_space<vmem>>, vector<16xf32>,
    %add3A_271 = arith.constant 16 : i32
    %add3A_272 = vector.broadcast %add3A_271 : i32 to vector<16xi32>
    %add3A_273 = arith.addi %broadcast_in_dim3A_265, %add3A_272 : vector<16xi32>
    %gather3A_274 = tpu.vector_load_idx %arg5[%sub3A_248, %add3A_273] : memref<63x32xf32, #tpu.memory_space<vmem>>[vector<16xi32>, vector<16xi32>], vector<16xf32>,
    %swap3A_275 = arith.constant 1 : i32
    %swap3A_276 = arith.index_cast %swap3A_275 : i32 to index
    %swap3A_277 = arith.constant 16 : index
    %swap3A_278 = tpu.vector_load %arg7[%swap3A_276, %swap3A_277] {strides = array<i32>} : memref<16x32xf32, #tpu.memory_space<vmem>>, vector<16xf32>,
    tpu.vector_store %arg7[%swap3A_276, %swap3A_277], %gather3A_274 {strides = array<i32>} : memref<16x32xf32, #tpu.memory_space<vmem>>, vector<16xf32>,
    %broadcast_in_dim3A_279 = arith.constant 2 : i32
    %broadcast_in_dim3A_280 = vector.broadcast %broadcast_in_dim3A_279 : i32 to vector<16xi32>
    %gather3A_281 = tpu.vector_load_idx %arg5[%sub3A_248, %broadcast_in_dim3A_280] : memref<63x32xf32, #tpu.memory_space<vmem>>[vector<16xi32>, vector<16xi32>], vector<16xf32>,
    %swap3A_282 = arith.constant 2 : i32
    %swap3A_283 = arith.index_cast %swap3A_282 : i32 to index
    %swap3A_284 = arith.constant 16 : index
    %swap3A_285 = tpu.vector_load %arg6[%swap3A_283, %swap3A_284] {strides = array<i32>} : memref<16x32xf32, #tpu.memory_space<vmem>>, vector<16xf32>,
    tpu.vector_store %arg6[%swap3A_283, %swap3A_284], %gather3A_281 {strides = array<i32>} : memref<16x32xf32, #tpu.memory_space<vmem>>, vector<16xf32>,
    %add3A_286 = arith.constant 16 : i32
    %add3A_287 = vector.broadcast %add3A_286 : i32 to vector<16xi32>
    %add3A_288 = arith.addi %broadcast_in_dim3A_280, %add3A_287 : vector<16xi32>
    %gather3A_289 = tpu.vector_load_idx %arg5[%sub3A_248, %add3A_288] : memref<63x32xf32, #tpu.memory_space<vmem>>[vector<16xi32>, vector<16xi32>], vector<16xf32>,
    %swap3A_290 = arith.constant 2 : i32
    %swap3A_291 = arith.index_cast %swap3A_290 : i32 to index
    %swap3A_292 = arith.constant 16 : index
    %swap3A_293 = tpu.vector_load %arg7[%swap3A_291, %swap3A_292] {strides = array<i32>} : memref<16x32xf32, #tpu.memory_space<vmem>>, vector<16xf32>,
    tpu.vector_store %arg7[%swap3A_291, %swap3A_292], %gather3A_289 {strides = array<i32>} : memref<16x32xf32, #tpu.memory_space<vmem>>, vector<16xf32>,
    %broadcast_in_dim3A_294 = arith.constant 3 : i32
    %broadcast_in_dim3A_295 = vector.broadcast %broadcast_in_dim3A_294 : i32 to vector<16xi32>
    %gather3A_296 = tpu.vector_load_idx %arg5[%sub3A_248, %broadcast_in_dim3A_295] : memref<63x32xf32, #tpu.memory_space<vmem>>[vector<16xi32>, vector<16xi32>], vector<16xf32>,
    %swap3A_297 = arith.constant 3 : i32
    %swap3A_298 = arith.index_cast %swap3A_297 : i32 to index
    %swap3A_299 = arith.constant 16 : index
    %swap3A_300 = tpu.vector_load %arg6[%swap3A_298, %swap3A_299] {strides = array<i32>} : memref<16x32xf32, #tpu.memory_space<vmem>>, vector<16xf32>,
    tpu.vector_store %arg6[%swap3A_298, %swap3A_299], %gather3A_296 {strides = array<i32>} : memref<16x32xf32, #tpu.memory_space<vmem>>, vector<16xf32>,
    %add3A_301 = arith.constant 16 : i32
    %add3A_302 = vector.broadcast %add3A_301 : i32 to vector<16xi32>
    %add3A_303 = arith.addi %broadcast_in_dim3A_295, %add3A_302 : vector<16xi32>
    %gather3A_304 = tpu.vector_load_idx %arg5[%sub3A_248, %add3A_303] : memref<63x32xf32, #tpu.memory_space<vmem>>[vector<16xi32>, vector<16xi32>], vector<16xf32>,
    %swap3A_305 = arith.constant 3 : i32
    %swap3A_306 = arith.index_cast %swap3A_305 : i32 to index
    %swap3A_307 = arith.constant 16 : index
    %swap3A_308 = tpu.vector_load %arg7[%swap3A_306, %swap3A_307] {strides = array<i32>} : memref<16x32xf32, #tpu.memory_space<vmem>>, vector<16xf32>,
    tpu.vector_store %arg7[%swap3A_306, %swap3A_307], %gather3A_304 {strides = array<i32>} : memref<16x32xf32, #tpu.memory_space<vmem>>, vector<16xf32>,
    %broadcast_in_dim3A_309 = arith.constant 4 : i32
    %broadcast_in_dim3A_310 = vector.broadcast %broadcast_in_dim3A_309 : i32 to vector<16xi32>
    %gather3A_311 = tpu.vector_load_idx %arg5[%sub3A_248, %broadcast_in_dim3A_310] : memref<63x32xf32, #tpu.memory_space<vmem>>[vector<16xi32>, vector<16xi32>], vector<16xf32>,
    %swap3A_312 = arith.constant 4 : i32
    %swap3A_313 = arith.index_cast %swap3A_312 : i32 to index
    %swap3A_314 = arith.constant 16 : index
    %swap3A_315 = tpu.vector_load %arg6[%swap3A_313, %swap3A_314] {strides = array<i32>} : memref<16x32xf32, #tpu.memory_space<vmem>>, vector<16xf32>,
    tpu.vector_store %arg6[%swap3A_313, %swap3A_314], %gather3A_311 {strides = array<i32>} : memref<16x32xf32, #tpu.memory_space<vmem>>, vector<16xf32>,
    %add3A_316 = arith.constant 16 : i32
    %add3A_317 = vector.broadcast %add3A_316 : i32 to vector<16xi32>
    %add3A_318 = arith.addi %broadcast_in_dim3A_310, %add3A_317 : vector<16xi32>
    %gather3A_319 = tpu.vector_load_idx %arg5[%sub3A_248, %add3A_318] : memref<63x32xf32, #tpu.memory_space<vmem>>[vector<16xi32>, vector<16xi32>], vector<16xf32>,
    %swap3A_320 = arith.constant 4 : i32
    %swap3A_321 = arith.index_cast %swap3A_320 : i32 to index
    %swap3A_322 = arith.constant 16 : index
    %swap3A_323 = tpu.vector_load %arg7[%swap3A_321, %swap3A_322] {strides = array<i32>} : memref<16x32xf32, #tpu.memory_space<vmem>>, vector<16xf32>,
    tpu.vector_store %arg7[%swap3A_321, %swap3A_322], %gather3A_319 {strides = array<i32>} : memref<16x32xf32, #tpu.memory_space<vmem>>, vector<16xf32>,
    %broadcast_in_dim3A_324 = arith.constant 5 : i32
    %broadcast_in_dim3A_325 = vector.broadcast %broadcast_in_dim3A_324 : i32 to vector<16xi32>
    %gather3A_326 = tpu.vector_load_idx %arg5[%sub3A_248, %broadcast_in_dim3A_325] : memref<63x32xf32, #tpu.memory_space<vmem>>[vector<16xi32>, vector<16xi32>], vector<16xf32>,
    %swap3A_327 = arith.constant 5 : i32
    %swap3A_328 = arith.index_cast %swap3A_327 : i32 to index
    %swap3A_329 = arith.constant 16 : index
    %swap3A_330 = tpu.vector_load %arg6[%swap3A_328, %swap3A_329] {strides = array<i32>} : memref<16x32xf32, #tpu.memory_space<vmem>>, vector<16xf32>,
    tpu.vector_store %arg6[%swap3A_328, %swap3A_329], %gather3A_326 {strides = array<i32>} : memref<16x32xf32, #tpu.memory_space<vmem>>, vector<16xf32>,
    %add3A_331 = arith.constant 16 : i32
    %add3A_332 = vector.broadcast %add3A_331 : i32 to vector<16xi32>
    %add3A_333 = arith.addi %broadcast_in_dim3A_325, %add3A_332 : vector<16xi32>
    %gather3A_334 = tpu.vector_load_idx %arg5[%sub3A_248, %add3A_333] : memref<63x32xf32, #tpu.memory_space<vmem>>[vector<16xi32>, vector<16xi32>], vector<16xf32>,
    %swap3A_335 = arith.constant 5 : i32
    %swap3A_336 = arith.index_cast %swap3A_335 : i32 to index
    %swap3A_337 = arith.constant 16 : index
    %swap3A_338 = tpu.vector_load %arg7[%swap3A_336, %swap3A_337] {strides = array<i32>} : memref<16x32xf32, #tpu.memory_space<vmem>>, vector<16xf32>,
    tpu.vector_store %arg7[%swap3A_336, %swap3A_337], %gather3A_334 {strides = array<i32>} : memref<16x32xf32, #tpu.memory_space<vmem>>, vector<16xf32>,
    %broadcast_in_dim3A_339 = arith.constant 6 : i32
    %broadcast_in_dim3A_340 = vector.broadcast %broadcast_in_dim3A_339 : i32 to vector<16xi32>
    %gather3A_341 = tpu.vector_load_idx %arg5[%sub3A_248, %broadcast_in_dim3A_340] : memref<63x32xf32, #tpu.memory_space<vmem>>[vector<16xi32>, vector<16xi32>], vector<16xf32>,
    %swap3A_342 = arith.constant 6 : i32
    %swap3A_343 = arith.index_cast %swap3A_342 : i32 to index
    %swap3A_344 = arith.constant 16 : index
    %swap3A_345 = tpu.vector_load %arg6[%swap3A_343, %swap3A_344] {strides = array<i32>} : memref<16x32xf32, #tpu.memory_space<vmem>>, vector<16xf32>,
    tpu.vector_store %arg6[%swap3A_343, %swap3A_344], %gather3A_341 {strides = array<i32>} : memref<16x32xf32, #tpu.memory_space<vmem>>, vector<16xf32>,
    %add3A_346 = arith.constant 16 : i32
    %add3A_347 = vector.broadcast %add3A_346 : i32 to vector<16xi32>
    %add3A_348 = arith.addi %broadcast_in_dim3A_340, %add3A_347 : vector<16xi32>
    %gather3A_349 = tpu.vector_load_idx %arg5[%sub3A_248, %add3A_348] : memref<63x32xf32, #tpu.memory_space<vmem>>[vector<16xi32>, vector<16xi32>], vector<16xf32>,
    %swap3A_350 = arith.constant 6 : i32
    %swap3A_351 = arith.index_cast %swap3A_350 : i32 to index
    %swap3A_352 = arith.constant 16 : index
    %swap3A_353 = tpu.vector_load %arg7[%swap3A_351, %swap3A_352] {strides = array<i32>} : memref<16x32xf32, #tpu.memory_space<vmem>>, vector<16xf32>,
    tpu.vector_store %arg7[%swap3A_351, %swap3A_352], %gather3A_349 {strides = array<i32>} : memref<16x32xf32, #tpu.memory_space<vmem>>, vector<16xf32>,
    %broadcast_in_dim3A_354 = arith.constant 7 : i32
    %broadcast_in_dim3A_355 = vector.broadcast %broadcast_in_dim3A_354 : i32 to vector<16xi32>
    %gather3A_356 = tpu.vector_load_idx %arg5[%sub3A_248, %broadcast_in_dim3A_355] : memref<63x32xf32, #tpu.memory_space<vmem>>[vector<16xi32>, vector<16xi32>], vector<16xf32>,
    %swap3A_357 = arith.constant 7 : i32
    %swap3A_358 = arith.index_cast %swap3A_357 : i32 to index
    %swap3A_359 = arith.constant 16 : index
    %swap3A_360 = tpu.vector_load %arg6[%swap3A_358, %swap3A_359] {strides = array<i32>} : memref<16x32xf32, #tpu.memory_space<vmem>>, vector<16xf32>,
    tpu.vector_store %arg6[%swap3A_358, %swap3A_359], %gather3A_356 {strides = array<i32>} : memref<16x32xf32, #tpu.memory_space<vmem>>, vector<16xf32>,
    %add3A_361 = arith.constant 16 : i32
    %add3A_362 = vector.broadcast %add3A_361 : i32 to vector<16xi32>
    %add3A_363 = arith.addi %broadcast_in_dim3A_355, %add3A_362 : vector<16xi32>
    %gather3A_364 = tpu.vector_load_idx %arg5[%sub3A_248, %add3A_363] : memref<63x32xf32, #tpu.memory_space<vmem>>[vector<16xi32>, vector<16xi32>], vector<16xf32>,
    %swap3A_365 = arith.constant 7 : i32
    %swap3A_366 = arith.index_cast %swap3A_365 : i32 to index
    %swap3A_367 = arith.constant 16 : index
    %swap3A_368 = tpu.vector_load %arg7[%swap3A_366, %swap3A_367] {strides = array<i32>} : memref<16x32xf32, #tpu.memory_space<vmem>>, vector<16xf32>,
    tpu.vector_store %arg7[%swap3A_366, %swap3A_367], %gather3A_364 {strides = array<i32>} : memref<16x32xf32, #tpu.memory_space<vmem>>, vector<16xf32>,
    %broadcast_in_dim3A_369 = arith.constant 8 : i32
    %broadcast_in_dim3A_370 = vector.broadcast %broadcast_in_dim3A_369 : i32 to vector<16xi32>
    %gather3A_371 = tpu.vector_load_idx %arg5[%sub3A_248, %broadcast_in_dim3A_370] : memref<63x32xf32, #tpu.memory_space<vmem>>[vector<16xi32>, vector<16xi32>], vector<16xf32>,
    %swap3A_372 = arith.constant 8 : i32
    %swap3A_373 = arith.index_cast %swap3A_372 : i32 to index
    %swap3A_374 = arith.constant 16 : index
    %swap3A_375 = tpu.vector_load %arg6[%swap3A_373, %swap3A_374] {strides = array<i32>} : memref<16x32xf32, #tpu.memory_space<vmem>>, vector<16xf32>,
    tpu.vector_store %arg6[%swap3A_373, %swap3A_374], %gather3A_371 {strides = array<i32>} : memref<16x32xf32, #tpu.memory_space<vmem>>, vector<16xf32>,
    %add3A_376 = arith.constant 16 : i32
    %add3A_377 = vector.broadcast %add3A_376 : i32 to vector<16xi32>
    %add3A_378 = arith.addi %broadcast_in_dim3A_370, %add3A_377 : vector<16xi32>
    %gather3A_379 = tpu.vector_load_idx %arg5[%sub3A_248, %add3A_378] : memref<63x32xf32, #tpu.memory_space<vmem>>[vector<16xi32>, vector<16xi32>], vector<16xf32>,
    %swap3A_380 = arith.constant 8 : i32
    %swap3A_381 = arith.index_cast %swap3A_380 : i32 to index
    %swap3A_382 = arith.constant 16 : index
    %swap3A_383 = tpu.vector_load %arg7[%swap3A_381, %swap3A_382] {strides = array<i32>} : memref<16x32xf32, #tpu.memory_space<vmem>>, vector<16xf32>,
    tpu.vector_store %arg7[%swap3A_381, %swap3A_382], %gather3A_379 {strides = array<i32>} : memref<16x32xf32, #tpu.memory_space<vmem>>, vector<16xf32>,
    %broadcast_in_dim3A_384 = arith.constant 9 : i32
    %broadcast_in_dim3A_385 = vector.broadcast %broadcast_in_dim3A_384 : i32 to vector<16xi32>
    %gather3A_386 = tpu.vector_load_idx %arg5[%sub3A_248, %broadcast_in_dim3A_385] : memref<63x32xf32, #tpu.memory_space<vmem>>[vector<16xi32>, vector<16xi32>], vector<16xf32>,
    %swap3A_387 = arith.constant 9 : i32
    %swap3A_388 = arith.index_cast %swap3A_387 : i32 to index
    %swap3A_389 = arith.constant 16 : index
    %swap3A_390 = tpu.vector_load %arg6[%swap3A_388, %swap3A_389] {strides = array<i32>} : memref<16x32xf32, #tpu.memory_space<vmem>>, vector<16xf32>,
    tpu.vector_store %arg6[%swap3A_388, %swap3A_389], %gather3A_386 {strides = array<i32>} : memref<16x32xf32, #tpu.memory_space<vmem>>, vector<16xf32>,
    %add3A_391 = arith.constant 16 : i32
    %add3A_392 = vector.broadcast %add3A_391 : i32 to vector<16xi32>
    %add3A_393 = arith.addi %broadcast_in_dim3A_385, %add3A_392 : vector<16xi32>
    %gather3A_394 = tpu.vector_load_idx %arg5[%sub3A_248, %add3A_393] : memref<63x32xf32, #tpu.memory_space<vmem>>[vector<16xi32>, vector<16xi32>], vector<16xf32>,
    %swap3A_395 = arith.constant 9 : i32
    %swap3A_396 = arith.index_cast %swap3A_395 : i32 to index
    %swap3A_397 = arith.constant 16 : index
    %swap3A_398 = tpu.vector_load %arg7[%swap3A_396, %swap3A_397] {strides = array<i32>} : memref<16x32xf32, #tpu.memory_space<vmem>>, vector<16xf32>,
    tpu.vector_store %arg7[%swap3A_396, %swap3A_397], %gather3A_394 {strides = array<i32>} : memref<16x32xf32, #tpu.memory_space<vmem>>, vector<16xf32>,
    %broadcast_in_dim3A_399 = arith.constant 10 : i32
    %broadcast_in_dim3A_400 = vector.broadcast %broadcast_in_dim3A_399 : i32 to vector<16xi32>
    %gather3A_401 = tpu.vector_load_idx %arg5[%sub3A_248, %broadcast_in_dim3A_400] : memref<63x32xf32, #tpu.memory_space<vmem>>[vector<16xi32>, vector<16xi32>], vector<16xf32>,
    %swap3A_402 = arith.constant 10 : i32
    %swap3A_403 = arith.index_cast %swap3A_402 : i32 to index
    %swap3A_404 = arith.constant 16 : index
    %swap3A_405 = tpu.vector_load %arg6[%swap3A_403, %swap3A_404] {strides = array<i32>} : memref<16x32xf32, #tpu.memory_space<vmem>>, vector<16xf32>,
    tpu.vector_store %arg6[%swap3A_403, %swap3A_404], %gather3A_401 {strides = array<i32>} : memref<16x32xf32, #tpu.memory_space<vmem>>, vector<16xf32>,
    %add3A_406 = arith.constant 16 : i32
    %add3A_407 = vector.broadcast %add3A_406 : i32 to vector<16xi32>
    %add3A_408 = arith.addi %broadcast_in_dim3A_400, %add3A_407 : vector<16xi32>
    %gather3A_409 = tpu.vector_load_idx %arg5[%sub3A_248, %add3A_408] : memref<63x32xf32, #tpu.memory_space<vmem>>[vector<16xi32>, vector<16xi32>], vector<16xf32>,
    %swap3A_410 = arith.constant 10 : i32
    %swap3A_411 = arith.index_cast %swap3A_410 : i32 to index
    %swap3A_412 = arith.constant 16 : index
    %swap3A_413 = tpu.vector_load %arg7[%swap3A_411, %swap3A_412] {strides = array<i32>} : memref<16x32xf32, #tpu.memory_space<vmem>>, vector<16xf32>,
    tpu.vector_store %arg7[%swap3A_411, %swap3A_412], %gather3A_409 {strides = array<i32>} : memref<16x32xf32, #tpu.memory_space<vmem>>, vector<16xf32>,
    %broadcast_in_dim3A_414 = arith.constant 11 : i32
    %broadcast_in_dim3A_415 = vector.broadcast %broadcast_in_dim3A_414 : i32 to vector<16xi32>
    %gather3A_416 = tpu.vector_load_idx %arg5[%sub3A_248, %broadcast_in_dim3A_415] : memref<63x32xf32, #tpu.memory_space<vmem>>[vector<16xi32>, vector<16xi32>], vector<16xf32>,
    %swap3A_417 = arith.constant 11 : i32
    %swap3A_418 = arith.index_cast %swap3A_417 : i32 to index
    %swap3A_419 = arith.constant 16 : index
    %swap3A_420 = tpu.vector_load %arg6[%swap3A_418, %swap3A_419] {strides = array<i32>} : memref<16x32xf32, #tpu.memory_space<vmem>>, vector<16xf32>,
    tpu.vector_store %arg6[%swap3A_418, %swap3A_419], %gather3A_416 {strides = array<i32>} : memref<16x32xf32, #tpu.memory_space<vmem>>, vector<16xf32>,
    %add3A_421 = arith.constant 16 : i32
    %add3A_422 = vector.broadcast %add3A_421 : i32 to vector<16xi32>
    %add3A_423 = arith.addi %broadcast_in_dim3A_415, %add3A_422 : vector<16xi32>
    %gather3A_424 = tpu.vector_load_idx %arg5[%sub3A_248, %add3A_423] : memref<63x32xf32, #tpu.memory_space<vmem>>[vector<16xi32>, vector<16xi32>], vector<16xf32>,
    %swap3A_425 = arith.constant 11 : i32
    %swap3A_426 = arith.index_cast %swap3A_425 : i32 to index
    %swap3A_427 = arith.constant 16 : index
    %swap3A_428 = tpu.vector_load %arg7[%swap3A_426, %swap3A_427] {strides = array<i32>} : memref<16x32xf32, #tpu.memory_space<vmem>>, vector<16xf32>,
    tpu.vector_store %arg7[%swap3A_426, %swap3A_427], %gather3A_424 {strides = array<i32>} : memref<16x32xf32, #tpu.memory_space<vmem>>, vector<16xf32>,
    %broadcast_in_dim3A_429 = arith.constant 12 : i32
    %broadcast_in_dim3A_430 = vector.broadcast %broadcast_in_dim3A_429 : i32 to vector<16xi32>
    %gather3A_431 = tpu.vector_load_idx %arg5[%sub3A_248, %broadcast_in_dim3A_430] : memref<63x32xf32, #tpu.memory_space<vmem>>[vector<16xi32>, vector<16xi32>], vector<16xf32>,
    %swap3A_432 = arith.constant 12 : i32
    %swap3A_433 = arith.index_cast %swap3A_432 : i32 to index
    %swap3A_434 = arith.constant 16 : index
    %swap3A_435 = tpu.vector_load %arg6[%swap3A_433, %swap3A_434] {strides = array<i32>} : memref<16x32xf32, #tpu.memory_space<vmem>>, vector<16xf32>,
    tpu.vector_store %arg6[%swap3A_433, %swap3A_434], %gather3A_431 {strides = array<i32>} : memref<16x32xf32, #tpu.memory_space<vmem>>, vector<16xf32>,
    %add3A_436 = arith.constant 16 : i32
    %add3A_437 = vector.broadcast %add3A_436 : i32 to vector<16xi32>
    %add3A_438 = arith.addi %broadcast_in_dim3A_430, %add3A_437 : vector<16xi32>
    %gather3A_439 = tpu.vector_load_idx %arg5[%sub3A_248, %add3A_438] : memref<63x32xf32, #tpu.memory_space<vmem>>[vector<16xi32>, vector<16xi32>], vector<16xf32>,
    %swap3A_440 = arith.constant 12 : i32
    %swap3A_441 = arith.index_cast %swap3A_440 : i32 to index
    %swap3A_442 = arith.constant 16 : index
    %swap3A_443 = tpu.vector_load %arg7[%swap3A_441, %swap3A_442] {strides = array<i32>} : memref<16x32xf32, #tpu.memory_space<vmem>>, vector<16xf32>,
    tpu.vector_store %arg7[%swap3A_441, %swap3A_442], %gather3A_439 {strides = array<i32>} : memref<16x32xf32, #tpu.memory_space<vmem>>, vector<16xf32>,
    %broadcast_in_dim3A_444 = arith.constant 13 : i32
    %broadcast_in_dim3A_445 = vector.broadcast %broadcast_in_dim3A_444 : i32 to vector<16xi32>
    %gather3A_446 = tpu.vector_load_idx %arg5[%sub3A_248, %broadcast_in_dim3A_445] : memref<63x32xf32, #tpu.memory_space<vmem>>[vector<16xi32>, vector<16xi32>], vector<16xf32>,
    %swap3A_447 = arith.constant 13 : i32
    %swap3A_448 = arith.index_cast %swap3A_447 : i32 to index
    %swap3A_449 = arith.constant 16 : index
    %swap3A_450 = tpu.vector_load %arg6[%swap3A_448, %swap3A_449] {strides = array<i32>} : memref<16x32xf32, #tpu.memory_space<vmem>>, vector<16xf32>,
    tpu.vector_store %arg6[%swap3A_448, %swap3A_449], %gather3A_446 {strides = array<i32>} : memref<16x32xf32, #tpu.memory_space<vmem>>, vector<16xf32>,
    %add3A_451 = arith.constant 16 : i32
    %add3A_452 = vector.broadcast %add3A_451 : i32 to vector<16xi32>
    %add3A_453 = arith.addi %broadcast_in_dim3A_445, %add3A_452 : vector<16xi32>
    %gather3A_454 = tpu.vector_load_idx %arg5[%sub3A_248, %add3A_453] : memref<63x32xf32, #tpu.memory_space<vmem>>[vector<16xi32>, vector<16xi32>], vector<16xf32>,
    %swap3A_455 = arith.constant 13 : i32
    %swap3A_456 = arith.index_cast %swap3A_455 : i32 to index
    %swap3A_457 = arith.constant 16 : index
    %swap3A_458 = tpu.vector_load %arg7[%swap3A_456, %swap3A_457] {strides = array<i32>} : memref<16x32xf32, #tpu.memory_space<vmem>>, vector<16xf32>,
    tpu.vector_store %arg7[%swap3A_456, %swap3A_457], %gather3A_454 {strides = array<i32>} : memref<16x32xf32, #tpu.memory_space<vmem>>, vector<16xf32>,
    %broadcast_in_dim3A_459 = arith.constant 14 : i32
    %broadcast_in_dim3A_460 = vector.broadcast %broadcast_in_dim3A_459 : i32 to vector<16xi32>
    %gather3A_461 = tpu.vector_load_idx %arg5[%sub3A_248, %broadcast_in_dim3A_460] : memref<63x32xf32, #tpu.memory_space<vmem>>[vector<16xi32>, vector<16xi32>], vector<16xf32>,
    %swap3A_462 = arith.constant 14 : i32
    %swap3A_463 = arith.index_cast %swap3A_462 : i32 to index
    %swap3A_464 = arith.constant 16 : index
    %swap3A_465 = tpu.vector_load %arg6[%swap3A_463, %swap3A_464] {strides = array<i32>} : memref<16x32xf32, #tpu.memory_space<vmem>>, vector<16xf32>,
    tpu.vector_store %arg6[%swap3A_463, %swap3A_464], %gather3A_461 {strides = array<i32>} : memref<16x32xf32, #tpu.memory_space<vmem>>, vector<16xf32>,
    %add3A_466 = arith.constant 16 : i32
    %add3A_467 = vector.broadcast %add3A_466 : i32 to vector<16xi32>
    %add3A_468 = arith.addi %broadcast_in_dim3A_460, %add3A_467 : vector<16xi32>
    %gather3A_469 = tpu.vector_load_idx %arg5[%sub3A_248, %add3A_468] : memref<63x32xf32, #tpu.memory_space<vmem>>[vector<16xi32>, vector<16xi32>], vector<16xf32>,
    %swap3A_470 = arith.constant 14 : i32
    %swap3A_471 = arith.index_cast %swap3A_470 : i32 to index
    %swap3A_472 = arith.constant 16 : index
    %swap3A_473 = tpu.vector_load %arg7[%swap3A_471, %swap3A_472] {strides = array<i32>} : memref<16x32xf32, #tpu.memory_space<vmem>>, vector<16xf32>,
    tpu.vector_store %arg7[%swap3A_471, %swap3A_472], %gather3A_469 {strides = array<i32>} : memref<16x32xf32, #tpu.memory_space<vmem>>, vector<16xf32>,
    %broadcast_in_dim3A_474 = arith.constant 15 : i32
    %broadcast_in_dim3A_475 = vector.broadcast %broadcast_in_dim3A_474 : i32 to vector<16xi32>
    %gather3A_476 = tpu.vector_load_idx %arg5[%sub3A_248, %broadcast_in_dim3A_475] : memref<63x32xf32, #tpu.memory_space<vmem>>[vector<16xi32>, vector<16xi32>], vector<16xf32>,
    %swap3A_477 = arith.constant 15 : i32
    %swap3A_478 = arith.index_cast %swap3A_477 : i32 to index
    %swap3A_479 = arith.constant 16 : index
    %swap3A_480 = tpu.vector_load %arg6[%swap3A_478, %swap3A_479] {strides = array<i32>} : memref<16x32xf32, #tpu.memory_space<vmem>>, vector<16xf32>,
    tpu.vector_store %arg6[%swap3A_478, %swap3A_479], %gather3A_476 {strides = array<i32>} : memref<16x32xf32, #tpu.memory_space<vmem>>, vector<16xf32>,
    %add3A_481 = arith.constant 16 : i32
    %add3A_482 = vector.broadcast %add3A_481 : i32 to vector<16xi32>
    %add3A_483 = arith.addi %broadcast_in_dim3A_475, %add3A_482 : vector<16xi32>
    %gather3A_484 = tpu.vector_load_idx %arg5[%sub3A_248, %add3A_483] : memref<63x32xf32, #tpu.memory_space<vmem>>[vector<16xi32>, vector<16xi32>], vector<16xf32>,
    %swap3A_485 = arith.constant 15 : i32
    %swap3A_486 = arith.index_cast %swap3A_485 : i32 to index
    %swap3A_487 = arith.constant 16 : index
    %swap3A_488 = tpu.vector_load %arg7[%swap3A_486, %swap3A_487] {strides = array<i32>} : memref<16x32xf32, #tpu.memory_space<vmem>>, vector<16xf32>,
    tpu.vector_store %arg7[%swap3A_486, %swap3A_487], %gather3A_484 {strides = array<i32>} : memref<16x32xf32, #tpu.memory_space<vmem>>, vector<16xf32>,
    %dma_start3A = arith.constant 0 : i32
    %dma_start3A_489 = arith.constant 0 : i32
    %dma_start3A_490 = tpu.memref_slice %arg3[%add3A_0, %dma_start3A, %dma_start3A_489] : memref<32x16x32xf32, #tpu.memory_space<hbm>> -> memref<1x16x32xf32, #tpu.memory_space<hbm>>
    %dma_start3A_491 = tpu.memref_squeeze %dma_start3A_490 : memref<1x16x32xf32, #tpu.memory_space<hbm>> -> memref<16x32xf32, #tpu.memory_space<hbm>>
    %dma_start3A_492 = arith.constant 0 : i32
    %dma_start3A_493 = arith.constant 0 : i32
    %dma_start3A_494 = tpu.memref_slice %arg3[%add3A_0, %dma_start3A_492, %dma_start3A_493] : memref<32x16x32xf32, #tpu.memory_space<hbm>> -> memref<1x16x32xf32, #tpu.memory_space<hbm>>
    %dma_start3A_495 = tpu.memref_squeeze %dma_start3A_494 : memref<1x16x32xf32, #tpu.memory_space<hbm>> -> memref<16x32xf32, #tpu.memory_space<hbm>>
    tpu.enqueue_dma source(%arg6 : memref<16x32xf32, #tpu.memory_space<vmem>>) target(%dma_start3A_495 : memref<16x32xf32, #tpu.memory_space<hbm>>) target_semaphore(%arg8 : memref<!tpu.dma_semaphore, #tpu.memory_space<semaphore_mem>>)
    %dma_start3A_496 = arith.constant 0 : i32
    %dma_start3A_497 = arith.constant 0 : i32
    %dma_start3A_498 = tpu.memref_slice %arg4[%add3A_0, %dma_start3A_496, %dma_start3A_497] : memref<32x16x32xf32, #tpu.memory_space<hbm>> -> memref<1x16x32xf32, #tpu.memory_space<hbm>>
    %dma_start3A_499 = tpu.memref_squeeze %dma_start3A_498 : memref<1x16x32xf32, #tpu.memory_space<hbm>> -> memref<16x32xf32, #tpu.memory_space<hbm>>
    %dma_start3A_500 = arith.constant 0 : i32
    %dma_start3A_501 = arith.constant 0 : i32
    %dma_start3A_502 = tpu.memref_slice %arg4[%add3A_0, %dma_start3A_500, %dma_start3A_501] : memref<32x16x32xf32, #tpu.memory_space<hbm>> -> memref<1x16x32xf32, #tpu.memory_space<hbm>>
    %dma_start3A_503 = tpu.memref_squeeze %dma_start3A_502 : memref<1x16x32xf32, #tpu.memory_space<hbm>> -> memref<16x32xf32, #tpu.memory_space<hbm>>
    tpu.enqueue_dma source(%arg7 : memref<16x32xf32, #tpu.memory_space<vmem>>) target(%dma_start3A_503 : memref<16x32xf32, #tpu.memory_space<hbm>>) target_semaphore(%arg9 : memref<!tpu.dma_semaphore, #tpu.memory_space<semaphore_mem>>)
    %dma_wait3A = arith.constant 0 : i32
    %dma_wait3A_504 = arith.constant 0 : i32
    %dma_wait3A_505 = tpu.memref_slice %arg3[%add3A_0, %dma_wait3A, %dma_wait3A_504] : memref<32x16x32xf32, #tpu.memory_space<hbm>> -> memref<1x16x32xf32, #tpu.memory_space<hbm>>
    %dma_wait3A_506 = tpu.memref_squeeze %dma_wait3A_505 : memref<1x16x32xf32, #tpu.memory_space<hbm>> -> memref<16x32xf32, #tpu.memory_space<hbm>>
    %dma_wait3A_507 = arith.constant 0 : i32
    %dma_wait3A_508 = arith.constant 0 : i32
    %dma_wait3A_509 = tpu.memref_slice %arg3[%add3A_0, %dma_wait3A_507, %dma_wait3A_508] : memref<32x16x32xf32, #tpu.memory_space<hbm>> -> memref<1x16x32xf32, #tpu.memory_space<hbm>>
    %dma_wait3A_510 = tpu.memref_squeeze %dma_wait3A_509 : memref<1x16x32xf32, #tpu.memory_space<hbm>> -> memref<16x32xf32, #tpu.memory_space<hbm>>
    tpu.wait_dma2 semaphore(%arg8 : memref<!tpu.dma_semaphore, #tpu.memory_space<semaphore_mem>>) src(%arg6 : memref<16x32xf32, #tpu.memory_space<vmem>>) dst(%dma_wait3A_510 : memref<16x32xf32, #tpu.memory_space<hbm>>)
    %dma_wait3A_511 = arith.constant 0 : i32
    %dma_wait3A_512 = arith.constant 0 : i32
    %dma_wait3A_513 = tpu.memref_slice %arg4[%add3A_0, %dma_wait3A_511, %dma_wait3A_512] : memref<32x16x32xf32, #tpu.memory_space<hbm>> -> memref<1x16x32xf32, #tpu.memory_space<hbm>>
    %dma_wait3A_514 = tpu.memref_squeeze %dma_wait3A_513 : memref<1x16x32xf32, #tpu.memory_space<hbm>> -> memref<16x32xf32, #tpu.memory_space<hbm>>
    %dma_wait3A_515 = arith.constant 0 : i32
    %dma_wait3A_516 = arith.constant 0 : i32
    %dma_wait3A_517 = tpu.memref_slice %arg4[%add3A_0, %dma_wait3A_515, %dma_wait3A_516] : memref<32x16x32xf32, #tpu.memory_space<hbm>> -> memref<1x16x32xf32, #tpu.memory_space<hbm>>
    %dma_wait3A_518 = tpu.memref_squeeze %dma_wait3A_517 : memref<1x16x32xf32, #tpu.memory_space<hbm>> -> memref<16x32xf32, #tpu.memory_space<hbm>>
    tpu.wait_dma2 semaphore(%arg9 : memref<!tpu.dma_semaphore, #tpu.memory_space<semaphore_mem>>) src(%arg7 : memref<16x32xf32, #tpu.memory_space<vmem>>) dst(%dma_wait3A_518 : memref<16x32xf32, #tpu.memory_space<hbm>>)
    %add3A_519 = arith.constant 16 : i32
    %add3A_520 = arith.addi %arg1, %add3A_519 : i32
    %add3A_521 = arith.constant 31 : i32
    %add3A_522 = arith.addi %add3A_521, %add3A_520 : i32
    %sub3A_523 = arith.constant 0 : i32
    %sub3A_524 = arith.subi %add3A_522, %sub3A_523 : i32
    %sub3A_525 = vector.broadcast %sub3A_524 : i32 to vector<16xi32>
    %sub3A_526 = arith.subi %sub3A_525, %iota3A : vector<16xi32>
    %broadcast_in_dim3A_527 = arith.constant 0 : i32
    %broadcast_in_dim3A_528 = vector.broadcast %broadcast_in_dim3A_527 : i32 to vector<16xi32>
    %gather3A_529 = tpu.vector_load_idx %arg5[%sub3A_526, %broadcast_in_dim3A_528] : memref<63x32xf32, #tpu.memory_space<vmem>>[vector<16xi32>, vector<16xi32>], vector<16xf32>,
    %swap3A_530 = arith.constant 0 : i32
    %swap3A_531 = arith.index_cast %swap3A_530 : i32 to index
    %swap3A_532 = arith.constant 0 : index
    %swap3A_533 = tpu.vector_load %arg6[%swap3A_531, %swap3A_532] {strides = array<i32>} : memref<16x32xf32, #tpu.memory_space<vmem>>, vector<16xf32>,
    tpu.vector_store %arg6[%swap3A_531, %swap3A_532], %gather3A_529 {strides = array<i32>} : memref<16x32xf32, #tpu.memory_space<vmem>>, vector<16xf32>,
    %add3A_534 = arith.constant 16 : i32
    %add3A_535 = vector.broadcast %add3A_534 : i32 to vector<16xi32>
    %add3A_536 = arith.addi %broadcast_in_dim3A_528, %add3A_535 : vector<16xi32>
    %gather3A_537 = tpu.vector_load_idx %arg5[%sub3A_526, %add3A_536] : memref<63x32xf32, #tpu.memory_space<vmem>>[vector<16xi32>, vector<16xi32>], vector<16xf32>,
    %swap3A_538 = arith.constant 0 : i32
    %swap3A_539 = arith.index_cast %swap3A_538 : i32 to index
    %swap3A_540 = arith.constant 0 : index
    %swap3A_541 = tpu.vector_load %arg7[%swap3A_539, %swap3A_540] {strides = array<i32>} : memref<16x32xf32, #tpu.memory_space<vmem>>, vector<16xf32>,
    tpu.vector_store %arg7[%swap3A_539, %swap3A_540], %gather3A_537 {strides = array<i32>} : memref<16x32xf32, #tpu.memory_space<vmem>>, vector<16xf32>,
    %broadcast_in_dim3A_542 = arith.constant 1 : i32
    %broadcast_in_dim3A_543 = vector.broadcast %broadcast_in_dim3A_542 : i32 to vector<16xi32>
    %gather3A_544 = tpu.vector_load_idx %arg5[%sub3A_526, %broadcast_in_dim3A_543] : memref<63x32xf32, #tpu.memory_space<vmem>>[vector<16xi32>, vector<16xi32>], vector<16xf32>,
    %swap3A_545 = arith.constant 1 : i32
    %swap3A_546 = arith.index_cast %swap3A_545 : i32 to index
    %swap3A_547 = arith.constant 0 : index
    %swap3A_548 = tpu.vector_load %arg6[%swap3A_546, %swap3A_547] {strides = array<i32>} : memref<16x32xf32, #tpu.memory_space<vmem>>, vector<16xf32>,
    tpu.vector_store %arg6[%swap3A_546, %swap3A_547], %gather3A_544 {strides = array<i32>} : memref<16x32xf32, #tpu.memory_space<vmem>>, vector<16xf32>,
    %add3A_549 = arith.constant 16 : i32
    %add3A_550 = vector.broadcast %add3A_549 : i32 to vector<16xi32>
    %add3A_551 = arith.addi %broadcast_in_dim3A_543, %add3A_550 : vector<16xi32>
    %gather3A_552 = tpu.vector_load_idx %arg5[%sub3A_526, %add3A_551] : memref<63x32xf32, #tpu.memory_space<vmem>>[vector<16xi32>, vector<16xi32>], vector<16xf32>,
    %swap3A_553 = arith.constant 1 : i32
    %swap3A_554 = arith.index_cast %swap3A_553 : i32 to index
    %swap3A_555 = arith.constant 0 : index
    %swap3A_556 = tpu.vector_load %arg7[%swap3A_554, %swap3A_555] {strides = array<i32>} : memref<16x32xf32, #tpu.memory_space<vmem>>, vector<16xf32>,
    tpu.vector_store %arg7[%swap3A_554, %swap3A_555], %gather3A_552 {strides = array<i32>} : memref<16x32xf32, #tpu.memory_space<vmem>>, vector<16xf32>,
    %broadcast_in_dim3A_557 = arith.constant 2 : i32
    %broadcast_in_dim3A_558 = vector.broadcast %broadcast_in_dim3A_557 : i32 to vector<16xi32>
    %gather3A_559 = tpu.vector_load_idx %arg5[%sub3A_526, %broadcast_in_dim3A_558] : memref<63x32xf32, #tpu.memory_space<vmem>>[vector<16xi32>, vector<16xi32>], vector<16xf32>,
    %swap3A_560 = arith.constant 2 : i32
    %swap3A_561 = arith.index_cast %swap3A_560 : i32 to index
    %swap3A_562 = arith.constant 0 : index
    %swap3A_563 = tpu.vector_load %arg6[%swap3A_561, %swap3A_562] {strides = array<i32>} : memref<16x32xf32, #tpu.memory_space<vmem>>, vector<16xf32>,
    tpu.vector_store %arg6[%swap3A_561, %swap3A_562], %gather3A_559 {strides = array<i32>} : memref<16x32xf32, #tpu.memory_space<vmem>>, vector<16xf32>,
    %add3A_564 = arith.constant 16 : i32
    %add3A_565 = vector.broadcast %add3A_564 : i32 to vector<16xi32>
    %add3A_566 = arith.addi %broadcast_in_dim3A_558, %add3A_565 : vector<16xi32>
    %gather3A_567 = tpu.vector_load_idx %arg5[%sub3A_526, %add3A_566] : memref<63x32xf32, #tpu.memory_space<vmem>>[vector<16xi32>, vector<16xi32>], vector<16xf32>,
    %swap3A_568 = arith.constant 2 : i32
    %swap3A_569 = arith.index_cast %swap3A_568 : i32 to index
    %swap3A_570 = arith.constant 0 : index
    %swap3A_571 = tpu.vector_load %arg7[%swap3A_569, %swap3A_570] {strides = array<i32>} : memref<16x32xf32, #tpu.memory_space<vmem>>, vector<16xf32>,
    tpu.vector_store %arg7[%swap3A_569, %swap3A_570], %gather3A_567 {strides = array<i32>} : memref<16x32xf32, #tpu.memory_space<vmem>>, vector<16xf32>,
    %broadcast_in_dim3A_572 = arith.constant 3 : i32
    %broadcast_in_dim3A_573 = vector.broadcast %broadcast_in_dim3A_572 : i32 to vector<16xi32>
    %gather3A_574 = tpu.vector_load_idx %arg5[%sub3A_526, %broadcast_in_dim3A_573] : memref<63x32xf32, #tpu.memory_space<vmem>>[vector<16xi32>, vector<16xi32>], vector<16xf32>,
    %swap3A_575 = arith.constant 3 : i32
    %swap3A_576 = arith.index_cast %swap3A_575 : i32 to index
    %swap3A_577 = arith.constant 0 : index
    %swap3A_578 = tpu.vector_load %arg6[%swap3A_576, %swap3A_577] {strides = array<i32>} : memref<16x32xf32, #tpu.memory_space<vmem>>, vector<16xf32>,
    tpu.vector_store %arg6[%swap3A_576, %swap3A_577], %gather3A_574 {strides = array<i32>} : memref<16x32xf32, #tpu.memory_space<vmem>>, vector<16xf32>,
    %add3A_579 = arith.constant 16 : i32
    %add3A_580 = vector.broadcast %add3A_579 : i32 to vector<16xi32>
    %add3A_581 = arith.addi %broadcast_in_dim3A_573, %add3A_580 : vector<16xi32>
    %gather3A_582 = tpu.vector_load_idx %arg5[%sub3A_526, %add3A_581] : memref<63x32xf32, #tpu.memory_space<vmem>>[vector<16xi32>, vector<16xi32>], vector<16xf32>,
    %swap3A_583 = arith.constant 3 : i32
    %swap3A_584 = arith.index_cast %swap3A_583 : i32 to index
    %swap3A_585 = arith.constant 0 : index
    %swap3A_586 = tpu.vector_load %arg7[%swap3A_584, %swap3A_585] {strides = array<i32>} : memref<16x32xf32, #tpu.memory_space<vmem>>, vector<16xf32>,
    tpu.vector_store %arg7[%swap3A_584, %swap3A_585], %gather3A_582 {strides = array<i32>} : memref<16x32xf32, #tpu.memory_space<vmem>>, vector<16xf32>,
    %broadcast_in_dim3A_587 = arith.constant 4 : i32
    %broadcast_in_dim3A_588 = vector.broadcast %broadcast_in_dim3A_587 : i32 to vector<16xi32>
    %gather3A_589 = tpu.vector_load_idx %arg5[%sub3A_526, %broadcast_in_dim3A_588] : memref<63x32xf32, #tpu.memory_space<vmem>>[vector<16xi32>, vector<16xi32>], vector<16xf32>,
    %swap3A_590 = arith.constant 4 : i32
    %swap3A_591 = arith.index_cast %swap3A_590 : i32 to index
    %swap3A_592 = arith.constant 0 : index
    %swap3A_593 = tpu.vector_load %arg6[%swap3A_591, %swap3A_592] {strides = array<i32>} : memref<16x32xf32, #tpu.memory_space<vmem>>, vector<16xf32>,
    tpu.vector_store %arg6[%swap3A_591, %swap3A_592], %gather3A_589 {strides = array<i32>} : memref<16x32xf32, #tpu.memory_space<vmem>>, vector<16xf32>,
    %add3A_594 = arith.constant 16 : i32
    %add3A_595 = vector.broadcast %add3A_594 : i32 to vector<16xi32>
    %add3A_596 = arith.addi %broadcast_in_dim3A_588, %add3A_595 : vector<16xi32>
    %gather3A_597 = tpu.vector_load_idx %arg5[%sub3A_526, %add3A_596] : memref<63x32xf32, #tpu.memory_space<vmem>>[vector<16xi32>, vector<16xi32>], vector<16xf32>,
    %swap3A_598 = arith.constant 4 : i32
    %swap3A_599 = arith.index_cast %swap3A_598 : i32 to index
    %swap3A_600 = arith.constant 0 : index
    %swap3A_601 = tpu.vector_load %arg7[%swap3A_599, %swap3A_600] {strides = array<i32>} : memref<16x32xf32, #tpu.memory_space<vmem>>, vector<16xf32>,
    tpu.vector_store %arg7[%swap3A_599, %swap3A_600], %gather3A_597 {strides = array<i32>} : memref<16x32xf32, #tpu.memory_space<vmem>>, vector<16xf32>,
    %broadcast_in_dim3A_602 = arith.constant 5 : i32
    %broadcast_in_dim3A_603 = vector.broadcast %broadcast_in_dim3A_602 : i32 to vector<16xi32>
    %gather3A_604 = tpu.vector_load_idx %arg5[%sub3A_526, %broadcast_in_dim3A_603] : memref<63x32xf32, #tpu.memory_space<vmem>>[vector<16xi32>, vector<16xi32>], vector<16xf32>,
    %swap3A_605 = arith.constant 5 : i32
    %swap3A_606 = arith.index_cast %swap3A_605 : i32 to index
    %swap3A_607 = arith.constant 0 : index
    %swap3A_608 = tpu.vector_load %arg6[%swap3A_606, %swap3A_607] {strides = array<i32>} : memref<16x32xf32, #tpu.memory_space<vmem>>, vector<16xf32>,
    tpu.vector_store %arg6[%swap3A_606, %swap3A_607], %gather3A_604 {strides = array<i32>} : memref<16x32xf32, #tpu.memory_space<vmem>>, vector<16xf32>,
    %add3A_609 = arith.constant 16 : i32
    %add3A_610 = vector.broadcast %add3A_609 : i32 to vector<16xi32>
    %add3A_611 = arith.addi %broadcast_in_dim3A_603, %add3A_610 : vector<16xi32>
    %gather3A_612 = tpu.vector_load_idx %arg5[%sub3A_526, %add3A_611] : memref<63x32xf32, #tpu.memory_space<vmem>>[vector<16xi32>, vector<16xi32>], vector<16xf32>,
    %swap3A_613 = arith.constant 5 : i32
    %swap3A_614 = arith.index_cast %swap3A_613 : i32 to index
    %swap3A_615 = arith.constant 0 : index
    %swap3A_616 = tpu.vector_load %arg7[%swap3A_614, %swap3A_615] {strides = array<i32>} : memref<16x32xf32, #tpu.memory_space<vmem>>, vector<16xf32>,
    tpu.vector_store %arg7[%swap3A_614, %swap3A_615], %gather3A_612 {strides = array<i32>} : memref<16x32xf32, #tpu.memory_space<vmem>>, vector<16xf32>,
    %broadcast_in_dim3A_617 = arith.constant 6 : i32
    %broadcast_in_dim3A_618 = vector.broadcast %broadcast_in_dim3A_617 : i32 to vector<16xi32>
    %gather3A_619 = tpu.vector_load_idx %arg5[%sub3A_526, %broadcast_in_dim3A_618] : memref<63x32xf32, #tpu.memory_space<vmem>>[vector<16xi32>, vector<16xi32>], vector<16xf32>,
    %swap3A_620 = arith.constant 6 : i32
    %swap3A_621 = arith.index_cast %swap3A_620 : i32 to index
    %swap3A_622 = arith.constant 0 : index
    %swap3A_623 = tpu.vector_load %arg6[%swap3A_621, %swap3A_622] {strides = array<i32>} : memref<16x32xf32, #tpu.memory_space<vmem>>, vector<16xf32>,
    tpu.vector_store %arg6[%swap3A_621, %swap3A_622], %gather3A_619 {strides = array<i32>} : memref<16x32xf32, #tpu.memory_space<vmem>>, vector<16xf32>,
    %add3A_624 = arith.constant 16 : i32
    %add3A_625 = vector.broadcast %add3A_624 : i32 to vector<16xi32>
    %add3A_626 = arith.addi %broadcast_in_dim3A_618, %add3A_625 : vector<16xi32>
    %gather3A_627 = tpu.vector_load_idx %arg5[%sub3A_526, %add3A_626] : memref<63x32xf32, #tpu.memory_space<vmem>>[vector<16xi32>, vector<16xi32>], vector<16xf32>,
    %swap3A_628 = arith.constant 6 : i32
    %swap3A_629 = arith.index_cast %swap3A_628 : i32 to index
    %swap3A_630 = arith.constant 0 : index
    %swap3A_631 = tpu.vector_load %arg7[%swap3A_629, %swap3A_630] {strides = array<i32>} : memref<16x32xf32, #tpu.memory_space<vmem>>, vector<16xf32>,
    tpu.vector_store %arg7[%swap3A_629, %swap3A_630], %gather3A_627 {strides = array<i32>} : memref<16x32xf32, #tpu.memory_space<vmem>>, vector<16xf32>,
    %broadcast_in_dim3A_632 = arith.constant 7 : i32
    %broadcast_in_dim3A_633 = vector.broadcast %broadcast_in_dim3A_632 : i32 to vector<16xi32>
    %gather3A_634 = tpu.vector_load_idx %arg5[%sub3A_526, %broadcast_in_dim3A_633] : memref<63x32xf32, #tpu.memory_space<vmem>>[vector<16xi32>, vector<16xi32>], vector<16xf32>,
    %swap3A_635 = arith.constant 7 : i32
    %swap3A_636 = arith.index_cast %swap3A_635 : i32 to index
    %swap3A_637 = arith.constant 0 : index
    %swap3A_638 = tpu.vector_load %arg6[%swap3A_636, %swap3A_637] {strides = array<i32>} : memref<16x32xf32, #tpu.memory_space<vmem>>, vector<16xf32>,
    tpu.vector_store %arg6[%swap3A_636, %swap3A_637], %gather3A_634 {strides = array<i32>} : memref<16x32xf32, #tpu.memory_space<vmem>>, vector<16xf32>,
    %add3A_639 = arith.constant 16 : i32
    %add3A_640 = vector.broadcast %add3A_639 : i32 to vector<16xi32>
    %add3A_641 = arith.addi %broadcast_in_dim3A_633, %add3A_640 : vector<16xi32>
    %gather3A_642 = tpu.vector_load_idx %arg5[%sub3A_526, %add3A_641] : memref<63x32xf32, #tpu.memory_space<vmem>>[vector<16xi32>, vector<16xi32>], vector<16xf32>,
    %swap3A_643 = arith.constant 7 : i32
    %swap3A_644 = arith.index_cast %swap3A_643 : i32 to index
    %swap3A_645 = arith.constant 0 : index
    %swap3A_646 = tpu.vector_load %arg7[%swap3A_644, %swap3A_645] {strides = array<i32>} : memref<16x32xf32, #tpu.memory_space<vmem>>, vector<16xf32>,
    tpu.vector_store %arg7[%swap3A_644, %swap3A_645], %gather3A_642 {strides = array<i32>} : memref<16x32xf32, #tpu.memory_space<vmem>>, vector<16xf32>,
    %broadcast_in_dim3A_647 = arith.constant 8 : i32
    %broadcast_in_dim3A_648 = vector.broadcast %broadcast_in_dim3A_647 : i32 to vector<16xi32>
    %gather3A_649 = tpu.vector_load_idx %arg5[%sub3A_526, %broadcast_in_dim3A_648] : memref<63x32xf32, #tpu.memory_space<vmem>>[vector<16xi32>, vector<16xi32>], vector<16xf32>,
    %swap3A_650 = arith.constant 8 : i32
    %swap3A_651 = arith.index_cast %swap3A_650 : i32 to index
    %swap3A_652 = arith.constant 0 : index
    %swap3A_653 = tpu.vector_load %arg6[%swap3A_651, %swap3A_652] {strides = array<i32>} : memref<16x32xf32, #tpu.memory_space<vmem>>, vector<16xf32>,
    tpu.vector_store %arg6[%swap3A_651, %swap3A_652], %gather3A_649 {strides = array<i32>} : memref<16x32xf32, #tpu.memory_space<vmem>>, vector<16xf32>,
    %add3A_654 = arith.constant 16 : i32
    %add3A_655 = vector.broadcast %add3A_654 : i32 to vector<16xi32>
    %add3A_656 = arith.addi %broadcast_in_dim3A_648, %add3A_655 : vector<16xi32>
    %gather3A_657 = tpu.vector_load_idx %arg5[%sub3A_526, %add3A_656] : memref<63x32xf32, #tpu.memory_space<vmem>>[vector<16xi32>, vector<16xi32>], vector<16xf32>,
    %swap3A_658 = arith.constant 8 : i32
    %swap3A_659 = arith.index_cast %swap3A_658 : i32 to index
    %swap3A_660 = arith.constant 0 : index
    %swap3A_661 = tpu.vector_load %arg7[%swap3A_659, %swap3A_660] {strides = array<i32>} : memref<16x32xf32, #tpu.memory_space<vmem>>, vector<16xf32>,
    tpu.vector_store %arg7[%swap3A_659, %swap3A_660], %gather3A_657 {strides = array<i32>} : memref<16x32xf32, #tpu.memory_space<vmem>>, vector<16xf32>,
    %broadcast_in_dim3A_662 = arith.constant 9 : i32
    %broadcast_in_dim3A_663 = vector.broadcast %broadcast_in_dim3A_662 : i32 to vector<16xi32>
    %gather3A_664 = tpu.vector_load_idx %arg5[%sub3A_526, %broadcast_in_dim3A_663] : memref<63x32xf32, #tpu.memory_space<vmem>>[vector<16xi32>, vector<16xi32>], vector<16xf32>,
    %swap3A_665 = arith.constant 9 : i32
    %swap3A_666 = arith.index_cast %swap3A_665 : i32 to index
    %swap3A_667 = arith.constant 0 : index
    %swap3A_668 = tpu.vector_load %arg6[%swap3A_666, %swap3A_667] {strides = array<i32>} : memref<16x32xf32, #tpu.memory_space<vmem>>, vector<16xf32>,
    tpu.vector_store %arg6[%swap3A_666, %swap3A_667], %gather3A_664 {strides = array<i32>} : memref<16x32xf32, #tpu.memory_space<vmem>>, vector<16xf32>,
    %add3A_669 = arith.constant 16 : i32
    %add3A_670 = vector.broadcast %add3A_669 : i32 to vector<16xi32>
    %add3A_671 = arith.addi %broadcast_in_dim3A_663, %add3A_670 : vector<16xi32>
    %gather3A_672 = tpu.vector_load_idx %arg5[%sub3A_526, %add3A_671] : memref<63x32xf32, #tpu.memory_space<vmem>>[vector<16xi32>, vector<16xi32>], vector<16xf32>,
    %swap3A_673 = arith.constant 9 : i32
    %swap3A_674 = arith.index_cast %swap3A_673 : i32 to index
    %swap3A_675 = arith.constant 0 : index
    %swap3A_676 = tpu.vector_load %arg7[%swap3A_674, %swap3A_675] {strides = array<i32>} : memref<16x32xf32, #tpu.memory_space<vmem>>, vector<16xf32>,
    tpu.vector_store %arg7[%swap3A_674, %swap3A_675], %gather3A_672 {strides = array<i32>} : memref<16x32xf32, #tpu.memory_space<vmem>>, vector<16xf32>,
    %broadcast_in_dim3A_677 = arith.constant 10 : i32
    %broadcast_in_dim3A_678 = vector.broadcast %broadcast_in_dim3A_677 : i32 to vector<16xi32>
    %gather3A_679 = tpu.vector_load_idx %arg5[%sub3A_526, %broadcast_in_dim3A_678] : memref<63x32xf32, #tpu.memory_space<vmem>>[vector<16xi32>, vector<16xi32>], vector<16xf32>,
    %swap3A_680 = arith.constant 10 : i32
    %swap3A_681 = arith.index_cast %swap3A_680 : i32 to index
    %swap3A_682 = arith.constant 0 : index
    %swap3A_683 = tpu.vector_load %arg6[%swap3A_681, %swap3A_682] {strides = array<i32>} : memref<16x32xf32, #tpu.memory_space<vmem>>, vector<16xf32>,
    tpu.vector_store %arg6[%swap3A_681, %swap3A_682], %gather3A_679 {strides = array<i32>} : memref<16x32xf32, #tpu.memory_space<vmem>>, vector<16xf32>,
    %add3A_684 = arith.constant 16 : i32
    %add3A_685 = vector.broadcast %add3A_684 : i32 to vector<16xi32>
    %add3A_686 = arith.addi %broadcast_in_dim3A_678, %add3A_685 : vector<16xi32>
    %gather3A_687 = tpu.vector_load_idx %arg5[%sub3A_526, %add3A_686] : memref<63x32xf32, #tpu.memory_space<vmem>>[vector<16xi32>, vector<16xi32>], vector<16xf32>,
    %swap3A_688 = arith.constant 10 : i32
    %swap3A_689 = arith.index_cast %swap3A_688 : i32 to index
    %swap3A_690 = arith.constant 0 : index
    %swap3A_691 = tpu.vector_load %arg7[%swap3A_689, %swap3A_690] {strides = array<i32>} : memref<16x32xf32, #tpu.memory_space<vmem>>, vector<16xf32>,
    tpu.vector_store %arg7[%swap3A_689, %swap3A_690], %gather3A_687 {strides = array<i32>} : memref<16x32xf32, #tpu.memory_space<vmem>>, vector<16xf32>,
    %broadcast_in_dim3A_692 = arith.constant 11 : i32
    %broadcast_in_dim3A_693 = vector.broadcast %broadcast_in_dim3A_692 : i32 to vector<16xi32>
    %gather3A_694 = tpu.vector_load_idx %arg5[%sub3A_526, %broadcast_in_dim3A_693] : memref<63x32xf32, #tpu.memory_space<vmem>>[vector<16xi32>, vector<16xi32>], vector<16xf32>,
    %swap3A_695 = arith.constant 11 : i32
    %swap3A_696 = arith.index_cast %swap3A_695 : i32 to index
    %swap3A_697 = arith.constant 0 : index
    %swap3A_698 = tpu.vector_load %arg6[%swap3A_696, %swap3A_697] {strides = array<i32>} : memref<16x32xf32, #tpu.memory_space<vmem>>, vector<16xf32>,
    tpu.vector_store %arg6[%swap3A_696, %swap3A_697], %gather3A_694 {strides = array<i32>} : memref<16x32xf32, #tpu.memory_space<vmem>>, vector<16xf32>,
    %add3A_699 = arith.constant 16 : i32
    %add3A_700 = vector.broadcast %add3A_699 : i32 to vector<16xi32>
    %add3A_701 = arith.addi %broadcast_in_dim3A_693, %add3A_700 : vector<16xi32>
    %gather3A_702 = tpu.vector_load_idx %arg5[%sub3A_526, %add3A_701] : memref<63x32xf32, #tpu.memory_space<vmem>>[vector<16xi32>, vector<16xi32>], vector<16xf32>,
    %swap3A_703 = arith.constant 11 : i32
    %swap3A_704 = arith.index_cast %swap3A_703 : i32 to index
    %swap3A_705 = arith.constant 0 : index
    %swap3A_706 = tpu.vector_load %arg7[%swap3A_704, %swap3A_705] {strides = array<i32>} : memref<16x32xf32, #tpu.memory_space<vmem>>, vector<16xf32>,
    tpu.vector_store %arg7[%swap3A_704, %swap3A_705], %gather3A_702 {strides = array<i32>} : memref<16x32xf32, #tpu.memory_space<vmem>>, vector<16xf32>,
    %broadcast_in_dim3A_707 = arith.constant 12 : i32
    %broadcast_in_dim3A_708 = vector.broadcast %broadcast_in_dim3A_707 : i32 to vector<16xi32>
    %gather3A_709 = tpu.vector_load_idx %arg5[%sub3A_526, %broadcast_in_dim3A_708] : memref<63x32xf32, #tpu.memory_space<vmem>>[vector<16xi32>, vector<16xi32>], vector<16xf32>,
    %swap3A_710 = arith.constant 12 : i32
    %swap3A_711 = arith.index_cast %swap3A_710 : i32 to index
    %swap3A_712 = arith.constant 0 : index
    %swap3A_713 = tpu.vector_load %arg6[%swap3A_711, %swap3A_712] {strides = array<i32>} : memref<16x32xf32, #tpu.memory_space<vmem>>, vector<16xf32>,
    tpu.vector_store %arg6[%swap3A_711, %swap3A_712], %gather3A_709 {strides = array<i32>} : memref<16x32xf32, #tpu.memory_space<vmem>>, vector<16xf32>,
    %add3A_714 = arith.constant 16 : i32
    %add3A_715 = vector.broadcast %add3A_714 : i32 to vector<16xi32>
    %add3A_716 = arith.addi %broadcast_in_dim3A_708, %add3A_715 : vector<16xi32>
    %gather3A_717 = tpu.vector_load_idx %arg5[%sub3A_526, %add3A_716] : memref<63x32xf32, #tpu.memory_space<vmem>>[vector<16xi32>, vector<16xi32>], vector<16xf32>,
    %swap3A_718 = arith.constant 12 : i32
    %swap3A_719 = arith.index_cast %swap3A_718 : i32 to index
    %swap3A_720 = arith.constant 0 : index
    %swap3A_721 = tpu.vector_load %arg7[%swap3A_719, %swap3A_720] {strides = array<i32>} : memref<16x32xf32, #tpu.memory_space<vmem>>, vector<16xf32>,
    tpu.vector_store %arg7[%swap3A_719, %swap3A_720], %gather3A_717 {strides = array<i32>} : memref<16x32xf32, #tpu.memory_space<vmem>>, vector<16xf32>,
    %broadcast_in_dim3A_722 = arith.constant 13 : i32
    %broadcast_in_dim3A_723 = vector.broadcast %broadcast_in_dim3A_722 : i32 to vector<16xi32>
    %gather3A_724 = tpu.vector_load_idx %arg5[%sub3A_526, %broadcast_in_dim3A_723] : memref<63x32xf32, #tpu.memory_space<vmem>>[vector<16xi32>, vector<16xi32>], vector<16xf32>,
    %swap3A_725 = arith.constant 13 : i32
    %swap3A_726 = arith.index_cast %swap3A_725 : i32 to index
    %swap3A_727 = arith.constant 0 : index
    %swap3A_728 = tpu.vector_load %arg6[%swap3A_726, %swap3A_727] {strides = array<i32>} : memref<16x32xf32, #tpu.memory_space<vmem>>, vector<16xf32>,
    tpu.vector_store %arg6[%swap3A_726, %swap3A_727], %gather3A_724 {strides = array<i32>} : memref<16x32xf32, #tpu.memory_space<vmem>>, vector<16xf32>,
    %add3A_729 = arith.constant 16 : i32
    %add3A_730 = vector.broadcast %add3A_729 : i32 to vector<16xi32>
    %add3A_731 = arith.addi %broadcast_in_dim3A_723, %add3A_730 : vector<16xi32>
    %gather3A_732 = tpu.vector_load_idx %arg5[%sub3A_526, %add3A_731] : memref<63x32xf32, #tpu.memory_space<vmem>>[vector<16xi32>, vector<16xi32>], vector<16xf32>,
    %swap3A_733 = arith.constant 13 : i32
    %swap3A_734 = arith.index_cast %swap3A_733 : i32 to index
    %swap3A_735 = arith.constant 0 : index
    %swap3A_736 = tpu.vector_load %arg7[%swap3A_734, %swap3A_735] {strides = array<i32>} : memref<16x32xf32, #tpu.memory_space<vmem>>, vector<16xf32>,
    tpu.vector_store %arg7[%swap3A_734, %swap3A_735], %gather3A_732 {strides = array<i32>} : memref<16x32xf32, #tpu.memory_space<vmem>>, vector<16xf32>,
    %broadcast_in_dim3A_737 = arith.constant 14 : i32
    %broadcast_in_dim3A_738 = vector.broadcast %broadcast_in_dim3A_737 : i32 to vector<16xi32>
    %gather3A_739 = tpu.vector_load_idx %arg5[%sub3A_526, %broadcast_in_dim3A_738] : memref<63x32xf32, #tpu.memory_space<vmem>>[vector<16xi32>, vector<16xi32>], vector<16xf32>,
    %swap3A_740 = arith.constant 14 : i32
    %swap3A_741 = arith.index_cast %swap3A_740 : i32 to index
    %swap3A_742 = arith.constant 0 : index
    %swap3A_743 = tpu.vector_load %arg6[%swap3A_741, %swap3A_742] {strides = array<i32>} : memref<16x32xf32, #tpu.memory_space<vmem>>, vector<16xf32>,
    tpu.vector_store %arg6[%swap3A_741, %swap3A_742], %gather3A_739 {strides = array<i32>} : memref<16x32xf32, #tpu.memory_space<vmem>>, vector<16xf32>,
    %add3A_744 = arith.constant 16 : i32
    %add3A_745 = vector.broadcast %add3A_744 : i32 to vector<16xi32>
    %add3A_746 = arith.addi %broadcast_in_dim3A_738, %add3A_745 : vector<16xi32>
    %gather3A_747 = tpu.vector_load_idx %arg5[%sub3A_526, %add3A_746] : memref<63x32xf32, #tpu.memory_space<vmem>>[vector<16xi32>, vector<16xi32>], vector<16xf32>,
    %swap3A_748 = arith.constant 14 : i32
    %swap3A_749 = arith.index_cast %swap3A_748 : i32 to index
    %swap3A_750 = arith.constant 0 : index
    %swap3A_751 = tpu.vector_load %arg7[%swap3A_749, %swap3A_750] {strides = array<i32>} : memref<16x32xf32, #tpu.memory_space<vmem>>, vector<16xf32>,
    tpu.vector_store %arg7[%swap3A_749, %swap3A_750], %gather3A_747 {strides = array<i32>} : memref<16x32xf32, #tpu.memory_space<vmem>>, vector<16xf32>,
    %broadcast_in_dim3A_752 = arith.constant 15 : i32
    %broadcast_in_dim3A_753 = vector.broadcast %broadcast_in_dim3A_752 : i32 to vector<16xi32>
    %gather3A_754 = tpu.vector_load_idx %arg5[%sub3A_526, %broadcast_in_dim3A_753] : memref<63x32xf32, #tpu.memory_space<vmem>>[vector<16xi32>, vector<16xi32>], vector<16xf32>,
    %swap3A_755 = arith.constant 15 : i32
    %swap3A_756 = arith.index_cast %swap3A_755 : i32 to index
    %swap3A_757 = arith.constant 0 : index
    %swap3A_758 = tpu.vector_load %arg6[%swap3A_756, %swap3A_757] {strides = array<i32>} : memref<16x32xf32, #tpu.memory_space<vmem>>, vector<16xf32>,
    tpu.vector_store %arg6[%swap3A_756, %swap3A_757], %gather3A_754 {strides = array<i32>} : memref<16x32xf32, #tpu.memory_space<vmem>>, vector<16xf32>,
    %add3A_759 = arith.constant 16 : i32
    %add3A_760 = vector.broadcast %add3A_759 : i32 to vector<16xi32>
    %add3A_761 = arith.addi %broadcast_in_dim3A_753, %add3A_760 : vector<16xi32>
    %gather3A_762 = tpu.vector_load_idx %arg5[%sub3A_526, %add3A_761] : memref<63x32xf32, #tpu.memory_space<vmem>>[vector<16xi32>, vector<16xi32>], vector<16xf32>,
    %swap3A_763 = arith.constant 15 : i32
    %swap3A_764 = arith.index_cast %swap3A_763 : i32 to index
    %swap3A_765 = arith.constant 0 : index
    %swap3A_766 = tpu.vector_load %arg7[%swap3A_764, %swap3A_765] {strides = array<i32>} : memref<16x32xf32, #tpu.memory_space<vmem>>, vector<16xf32>,
    tpu.vector_store %arg7[%swap3A_764, %swap3A_765], %gather3A_762 {strides = array<i32>} : memref<16x32xf32, #tpu.memory_space<vmem>>, vector<16xf32>,
    %add3A_767 = arith.constant 31 : i32
    %add3A_768 = arith.addi %add3A_767, %add3A_520 : i32
    %sub3A_769 = arith.constant 16 : i32
    %sub3A_770 = arith.subi %add3A_768, %sub3A_769 : i32
    %sub3A_771 = vector.broadcast %sub3A_770 : i32 to vector<16xi32>
    %sub3A_772 = arith.subi %sub3A_771, %iota3A : vector<16xi32>
    %broadcast_in_dim3A_773 = arith.constant 0 : i32
    %broadcast_in_dim3A_774 = vector.broadcast %broadcast_in_dim3A_773 : i32 to vector<16xi32>
    %gather3A_775 = tpu.vector_load_idx %arg5[%sub3A_772, %broadcast_in_dim3A_774] : memref<63x32xf32, #tpu.memory_space<vmem>>[vector<16xi32>, vector<16xi32>], vector<16xf32>,
    %swap3A_776 = arith.constant 0 : i32
    %swap3A_777 = arith.index_cast %swap3A_776 : i32 to index
    %swap3A_778 = arith.constant 16 : index
    %swap3A_779 = tpu.vector_load %arg6[%swap3A_777, %swap3A_778] {strides = array<i32>} : memref<16x32xf32, #tpu.memory_space<vmem>>, vector<16xf32>,
    tpu.vector_store %arg6[%swap3A_777, %swap3A_778], %gather3A_775 {strides = array<i32>} : memref<16x32xf32, #tpu.memory_space<vmem>>, vector<16xf32>,
    %add3A_780 = arith.constant 16 : i32
    %add3A_781 = vector.broadcast %add3A_780 : i32 to vector<16xi32>
    %add3A_782 = arith.addi %broadcast_in_dim3A_774, %add3A_781 : vector<16xi32>
    %gather3A_783 = tpu.vector_load_idx %arg5[%sub3A_772, %add3A_782] : memref<63x32xf32, #tpu.memory_space<vmem>>[vector<16xi32>, vector<16xi32>], vector<16xf32>,
    %swap3A_784 = arith.constant 0 : i32
    %swap3A_785 = arith.index_cast %swap3A_784 : i32 to index
    %swap3A_786 = arith.constant 16 : index
    %swap3A_787 = tpu.vector_load %arg7[%swap3A_785, %swap3A_786] {strides = array<i32>} : memref<16x32xf32, #tpu.memory_space<vmem>>, vector<16xf32>,
    tpu.vector_store %arg7[%swap3A_785, %swap3A_786], %gather3A_783 {strides = array<i32>} : memref<16x32xf32, #tpu.memory_space<vmem>>, vector<16xf32>,
    %broadcast_in_dim3A_788 = arith.constant 1 : i32
    %broadcast_in_dim3A_789 = vector.broadcast %broadcast_in_dim3A_788 : i32 to vector<16xi32>
    %gather3A_790 = tpu.vector_load_idx %arg5[%sub3A_772, %broadcast_in_dim3A_789] : memref<63x32xf32, #tpu.memory_space<vmem>>[vector<16xi32>, vector<16xi32>], vector<16xf32>,
    %swap3A_791 = arith.constant 1 : i32
    %swap3A_792 = arith.index_cast %swap3A_791 : i32 to index
    %swap3A_793 = arith.constant 16 : index
    %swap3A_794 = tpu.vector_load %arg6[%swap3A_792, %swap3A_793] {strides = array<i32>} : memref<16x32xf32, #tpu.memory_space<vmem>>, vector<16xf32>,
    tpu.vector_store %arg6[%swap3A_792, %swap3A_793], %gather3A_790 {strides = array<i32>} : memref<16x32xf32, #tpu.memory_space<vmem>>, vector<16xf32>,
    %add3A_795 = arith.constant 16 : i32
    %add3A_796 = vector.broadcast %add3A_795 : i32 to vector<16xi32>
    %add3A_797 = arith.addi %broadcast_in_dim3A_789, %add3A_796 : vector<16xi32>
    %gather3A_798 = tpu.vector_load_idx %arg5[%sub3A_772, %add3A_797] : memref<63x32xf32, #tpu.memory_space<vmem>>[vector<16xi32>, vector<16xi32>], vector<16xf32>,
    %swap3A_799 = arith.constant 1 : i32
    %swap3A_800 = arith.index_cast %swap3A_799 : i32 to index
    %swap3A_801 = arith.constant 16 : index
    %swap3A_802 = tpu.vector_load %arg7[%swap3A_800, %swap3A_801] {strides = array<i32>} : memref<16x32xf32, #tpu.memory_space<vmem>>, vector<16xf32>,
    tpu.vector_store %arg7[%swap3A_800, %swap3A_801], %gather3A_798 {strides = array<i32>} : memref<16x32xf32, #tpu.memory_space<vmem>>, vector<16xf32>,
    %broadcast_in_dim3A_803 = arith.constant 2 : i32
    %broadcast_in_dim3A_804 = vector.broadcast %broadcast_in_dim3A_803 : i32 to vector<16xi32>
    %gather3A_805 = tpu.vector_load_idx %arg5[%sub3A_772, %broadcast_in_dim3A_804] : memref<63x32xf32, #tpu.memory_space<vmem>>[vector<16xi32>, vector<16xi32>], vector<16xf32>,
    %swap3A_806 = arith.constant 2 : i32
    %swap3A_807 = arith.index_cast %swap3A_806 : i32 to index
    %swap3A_808 = arith.constant 16 : index
    %swap3A_809 = tpu.vector_load %arg6[%swap3A_807, %swap3A_808] {strides = array<i32>} : memref<16x32xf32, #tpu.memory_space<vmem>>, vector<16xf32>,
    tpu.vector_store %arg6[%swap3A_807, %swap3A_808], %gather3A_805 {strides = array<i32>} : memref<16x32xf32, #tpu.memory_space<vmem>>, vector<16xf32>,
    %add3A_810 = arith.constant 16 : i32
    %add3A_811 = vector.broadcast %add3A_810 : i32 to vector<16xi32>
    %add3A_812 = arith.addi %broadcast_in_dim3A_804, %add3A_811 : vector<16xi32>
    %gather3A_813 = tpu.vector_load_idx %arg5[%sub3A_772, %add3A_812] : memref<63x32xf32, #tpu.memory_space<vmem>>[vector<16xi32>, vector<16xi32>], vector<16xf32>,
    %swap3A_814 = arith.constant 2 : i32
    %swap3A_815 = arith.index_cast %swap3A_814 : i32 to index
    %swap3A_816 = arith.constant 16 : index
    %swap3A_817 = tpu.vector_load %arg7[%swap3A_815, %swap3A_816] {strides = array<i32>} : memref<16x32xf32, #tpu.memory_space<vmem>>, vector<16xf32>,
    tpu.vector_store %arg7[%swap3A_815, %swap3A_816], %gather3A_813 {strides = array<i32>} : memref<16x32xf32, #tpu.memory_space<vmem>>, vector<16xf32>,
    %broadcast_in_dim3A_818 = arith.constant 3 : i32
    %broadcast_in_dim3A_819 = vector.broadcast %broadcast_in_dim3A_818 : i32 to vector<16xi32>
    %gather3A_820 = tpu.vector_load_idx %arg5[%sub3A_772, %broadcast_in_dim3A_819] : memref<63x32xf32, #tpu.memory_space<vmem>>[vector<16xi32>, vector<16xi32>], vector<16xf32>,
    %swap3A_821 = arith.constant 3 : i32
    %swap3A_822 = arith.index_cast %swap3A_821 : i32 to index
    %swap3A_823 = arith.constant 16 : index
    %swap3A_824 = tpu.vector_load %arg6[%swap3A_822, %swap3A_823] {strides = array<i32>} : memref<16x32xf32, #tpu.memory_space<vmem>>, vector<16xf32>,
    tpu.vector_store %arg6[%swap3A_822, %swap3A_823], %gather3A_820 {strides = array<i32>} : memref<16x32xf32, #tpu.memory_space<vmem>>, vector<16xf32>,
    %add3A_825 = arith.constant 16 : i32
    %add3A_826 = vector.broadcast %add3A_825 : i32 to vector<16xi32>
    %add3A_827 = arith.addi %broadcast_in_dim3A_819, %add3A_826 : vector<16xi32>
    %gather3A_828 = tpu.vector_load_idx %arg5[%sub3A_772, %add3A_827] : memref<63x32xf32, #tpu.memory_space<vmem>>[vector<16xi32>, vector<16xi32>], vector<16xf32>,
    %swap3A_829 = arith.constant 3 : i32
    %swap3A_830 = arith.index_cast %swap3A_829 : i32 to index
    %swap3A_831 = arith.constant 16 : index
    %swap3A_832 = tpu.vector_load %arg7[%swap3A_830, %swap3A_831] {strides = array<i32>} : memref<16x32xf32, #tpu.memory_space<vmem>>, vector<16xf32>,
    tpu.vector_store %arg7[%swap3A_830, %swap3A_831], %gather3A_828 {strides = array<i32>} : memref<16x32xf32, #tpu.memory_space<vmem>>, vector<16xf32>,
    %broadcast_in_dim3A_833 = arith.constant 4 : i32
    %broadcast_in_dim3A_834 = vector.broadcast %broadcast_in_dim3A_833 : i32 to vector<16xi32>
    %gather3A_835 = tpu.vector_load_idx %arg5[%sub3A_772, %broadcast_in_dim3A_834] : memref<63x32xf32, #tpu.memory_space<vmem>>[vector<16xi32>, vector<16xi32>], vector<16xf32>,
    %swap3A_836 = arith.constant 4 : i32
    %swap3A_837 = arith.index_cast %swap3A_836 : i32 to index
    %swap3A_838 = arith.constant 16 : index
    %swap3A_839 = tpu.vector_load %arg6[%swap3A_837, %swap3A_838] {strides = array<i32>} : memref<16x32xf32, #tpu.memory_space<vmem>>, vector<16xf32>,
    tpu.vector_store %arg6[%swap3A_837, %swap3A_838], %gather3A_835 {strides = array<i32>} : memref<16x32xf32, #tpu.memory_space<vmem>>, vector<16xf32>,
    %add3A_840 = arith.constant 16 : i32
    %add3A_841 = vector.broadcast %add3A_840 : i32 to vector<16xi32>
    %add3A_842 = arith.addi %broadcast_in_dim3A_834, %add3A_841 : vector<16xi32>
    %gather3A_843 = tpu.vector_load_idx %arg5[%sub3A_772, %add3A_842] : memref<63x32xf32, #tpu.memory_space<vmem>>[vector<16xi32>, vector<16xi32>], vector<16xf32>,
    %swap3A_844 = arith.constant 4 : i32
    %swap3A_845 = arith.index_cast %swap3A_844 : i32 to index
    %swap3A_846 = arith.constant 16 : index
    %swap3A_847 = tpu.vector_load %arg7[%swap3A_845, %swap3A_846] {strides = array<i32>} : memref<16x32xf32, #tpu.memory_space<vmem>>, vector<16xf32>,
    tpu.vector_store %arg7[%swap3A_845, %swap3A_846], %gather3A_843 {strides = array<i32>} : memref<16x32xf32, #tpu.memory_space<vmem>>, vector<16xf32>,
    %broadcast_in_dim3A_848 = arith.constant 5 : i32
    %broadcast_in_dim3A_849 = vector.broadcast %broadcast_in_dim3A_848 : i32 to vector<16xi32>
    %gather3A_850 = tpu.vector_load_idx %arg5[%sub3A_772, %broadcast_in_dim3A_849] : memref<63x32xf32, #tpu.memory_space<vmem>>[vector<16xi32>, vector<16xi32>], vector<16xf32>,
    %swap3A_851 = arith.constant 5 : i32
    %swap3A_852 = arith.index_cast %swap3A_851 : i32 to index
    %swap3A_853 = arith.constant 16 : index
    %swap3A_854 = tpu.vector_load %arg6[%swap3A_852, %swap3A_853] {strides = array<i32>} : memref<16x32xf32, #tpu.memory_space<vmem>>, vector<16xf32>,
    tpu.vector_store %arg6[%swap3A_852, %swap3A_853], %gather3A_850 {strides = array<i32>} : memref<16x32xf32, #tpu.memory_space<vmem>>, vector<16xf32>,
    %add3A_855 = arith.constant 16 : i32
    %add3A_856 = vector.broadcast %add3A_855 : i32 to vector<16xi32>
    %add3A_857 = arith.addi %broadcast_in_dim3A_849, %add3A_856 : vector<16xi32>
    %gather3A_858 = tpu.vector_load_idx %arg5[%sub3A_772, %add3A_857] : memref<63x32xf32, #tpu.memory_space<vmem>>[vector<16xi32>, vector<16xi32>], vector<16xf32>,
    %swap3A_859 = arith.constant 5 : i32
    %swap3A_860 = arith.index_cast %swap3A_859 : i32 to index
    %swap3A_861 = arith.constant 16 : index
    %swap3A_862 = tpu.vector_load %arg7[%swap3A_860, %swap3A_861] {strides = array<i32>} : memref<16x32xf32, #tpu.memory_space<vmem>>, vector<16xf32>,
    tpu.vector_store %arg7[%swap3A_860, %swap3A_861], %gather3A_858 {strides = array<i32>} : memref<16x32xf32, #tpu.memory_space<vmem>>, vector<16xf32>,
    %broadcast_in_dim3A_863 = arith.constant 6 : i32
    %broadcast_in_dim3A_864 = vector.broadcast %broadcast_in_dim3A_863 : i32 to vector<16xi32>
    %gather3A_865 = tpu.vector_load_idx %arg5[%sub3A_772, %broadcast_in_dim3A_864] : memref<63x32xf32, #tpu.memory_space<vmem>>[vector<16xi32>, vector<16xi32>], vector<16xf32>,
    %swap3A_866 = arith.constant 6 : i32
    %swap3A_867 = arith.index_cast %swap3A_866 : i32 to index
    %swap3A_868 = arith.constant 16 : index
    %swap3A_869 = tpu.vector_load %arg6[%swap3A_867, %swap3A_868] {strides = array<i32>} : memref<16x32xf32, #tpu.memory_space<vmem>>, vector<16xf32>,
    tpu.vector_store %arg6[%swap3A_867, %swap3A_868], %gather3A_865 {strides = array<i32>} : memref<16x32xf32, #tpu.memory_space<vmem>>, vector<16xf32>,
    %add3A_870 = arith.constant 16 : i32
    %add3A_871 = vector.broadcast %add3A_870 : i32 to vector<16xi32>
    %add3A_872 = arith.addi %broadcast_in_dim3A_864, %add3A_871 : vector<16xi32>
    %gather3A_873 = tpu.vector_load_idx %arg5[%sub3A_772, %add3A_872] : memref<63x32xf32, #tpu.memory_space<vmem>>[vector<16xi32>, vector<16xi32>], vector<16xf32>,
    %swap3A_874 = arith.constant 6 : i32
    %swap3A_875 = arith.index_cast %swap3A_874 : i32 to index
    %swap3A_876 = arith.constant 16 : index
    %swap3A_877 = tpu.vector_load %arg7[%swap3A_875, %swap3A_876] {strides = array<i32>} : memref<16x32xf32, #tpu.memory_space<vmem>>, vector<16xf32>,
    tpu.vector_store %arg7[%swap3A_875, %swap3A_876], %gather3A_873 {strides = array<i32>} : memref<16x32xf32, #tpu.memory_space<vmem>>, vector<16xf32>,
    %broadcast_in_dim3A_878 = arith.constant 7 : i32
    %broadcast_in_dim3A_879 = vector.broadcast %broadcast_in_dim3A_878 : i32 to vector<16xi32>
    %gather3A_880 = tpu.vector_load_idx %arg5[%sub3A_772, %broadcast_in_dim3A_879] : memref<63x32xf32, #tpu.memory_space<vmem>>[vector<16xi32>, vector<16xi32>], vector<16xf32>,
    %swap3A_881 = arith.constant 7 : i32
    %swap3A_882 = arith.index_cast %swap3A_881 : i32 to index
    %swap3A_883 = arith.constant 16 : index
    %swap3A_884 = tpu.vector_load %arg6[%swap3A_882, %swap3A_883] {strides = array<i32>} : memref<16x32xf32, #tpu.memory_space<vmem>>, vector<16xf32>,
    tpu.vector_store %arg6[%swap3A_882, %swap3A_883], %gather3A_880 {strides = array<i32>} : memref<16x32xf32, #tpu.memory_space<vmem>>, vector<16xf32>,
    %add3A_885 = arith.constant 16 : i32
    %add3A_886 = vector.broadcast %add3A_885 : i32 to vector<16xi32>
    %add3A_887 = arith.addi %broadcast_in_dim3A_879, %add3A_886 : vector<16xi32>
    %gather3A_888 = tpu.vector_load_idx %arg5[%sub3A_772, %add3A_887] : memref<63x32xf32, #tpu.memory_space<vmem>>[vector<16xi32>, vector<16xi32>], vector<16xf32>,
    %swap3A_889 = arith.constant 7 : i32
    %swap3A_890 = arith.index_cast %swap3A_889 : i32 to index
    %swap3A_891 = arith.constant 16 : index
    %swap3A_892 = tpu.vector_load %arg7[%swap3A_890, %swap3A_891] {strides = array<i32>} : memref<16x32xf32, #tpu.memory_space<vmem>>, vector<16xf32>,
    tpu.vector_store %arg7[%swap3A_890, %swap3A_891], %gather3A_888 {strides = array<i32>} : memref<16x32xf32, #tpu.memory_space<vmem>>, vector<16xf32>,
    %broadcast_in_dim3A_893 = arith.constant 8 : i32
    %broadcast_in_dim3A_894 = vector.broadcast %broadcast_in_dim3A_893 : i32 to vector<16xi32>
    %gather3A_895 = tpu.vector_load_idx %arg5[%sub3A_772, %broadcast_in_dim3A_894] : memref<63x32xf32, #tpu.memory_space<vmem>>[vector<16xi32>, vector<16xi32>], vector<16xf32>,
    %swap3A_896 = arith.constant 8 : i32
    %swap3A_897 = arith.index_cast %swap3A_896 : i32 to index
    %swap3A_898 = arith.constant 16 : index
    %swap3A_899 = tpu.vector_load %arg6[%swap3A_897, %swap3A_898] {strides = array<i32>} : memref<16x32xf32, #tpu.memory_space<vmem>>, vector<16xf32>,
    tpu.vector_store %arg6[%swap3A_897, %swap3A_898], %gather3A_895 {strides = array<i32>} : memref<16x32xf32, #tpu.memory_space<vmem>>, vector<16xf32>,
    %add3A_900 = arith.constant 16 : i32
    %add3A_901 = vector.broadcast %add3A_900 : i32 to vector<16xi32>
    %add3A_902 = arith.addi %broadcast_in_dim3A_894, %add3A_901 : vector<16xi32>
    %gather3A_903 = tpu.vector_load_idx %arg5[%sub3A_772, %add3A_902] : memref<63x32xf32, #tpu.memory_space<vmem>>[vector<16xi32>, vector<16xi32>], vector<16xf32>,
    %swap3A_904 = arith.constant 8 : i32
    %swap3A_905 = arith.index_cast %swap3A_904 : i32 to index
    %swap3A_906 = arith.constant 16 : index
    %swap3A_907 = tpu.vector_load %arg7[%swap3A_905, %swap3A_906] {strides = array<i32>} : memref<16x32xf32, #tpu.memory_space<vmem>>, vector<16xf32>,
    tpu.vector_store %arg7[%swap3A_905, %swap3A_906], %gather3A_903 {strides = array<i32>} : memref<16x32xf32, #tpu.memory_space<vmem>>, vector<16xf32>,
    %broadcast_in_dim3A_908 = arith.constant 9 : i32
    %broadcast_in_dim3A_909 = vector.broadcast %broadcast_in_dim3A_908 : i32 to vector<16xi32>
    %gather3A_910 = tpu.vector_load_idx %arg5[%sub3A_772, %broadcast_in_dim3A_909] : memref<63x32xf32, #tpu.memory_space<vmem>>[vector<16xi32>, vector<16xi32>], vector<16xf32>,
    %swap3A_911 = arith.constant 9 : i32
    %swap3A_912 = arith.index_cast %swap3A_911 : i32 to index
    %swap3A_913 = arith.constant 16 : index
    %swap3A_914 = tpu.vector_load %arg6[%swap3A_912, %swap3A_913] {strides = array<i32>} : memref<16x32xf32, #tpu.memory_space<vmem>>, vector<16xf32>,
    tpu.vector_store %arg6[%swap3A_912, %swap3A_913], %gather3A_910 {strides = array<i32>} : memref<16x32xf32, #tpu.memory_space<vmem>>, vector<16xf32>,
    %add3A_915 = arith.constant 16 : i32
    %add3A_916 = vector.broadcast %add3A_915 : i32 to vector<16xi32>
    %add3A_917 = arith.addi %broadcast_in_dim3A_909, %add3A_916 : vector<16xi32>
    %gather3A_918 = tpu.vector_load_idx %arg5[%sub3A_772, %add3A_917] : memref<63x32xf32, #tpu.memory_space<vmem>>[vector<16xi32>, vector<16xi32>], vector<16xf32>,
    %swap3A_919 = arith.constant 9 : i32
    %swap3A_920 = arith.index_cast %swap3A_919 : i32 to index
    %swap3A_921 = arith.constant 16 : index
    %swap3A_922 = tpu.vector_load %arg7[%swap3A_920, %swap3A_921] {strides = array<i32>} : memref<16x32xf32, #tpu.memory_space<vmem>>, vector<16xf32>,
    tpu.vector_store %arg7[%swap3A_920, %swap3A_921], %gather3A_918 {strides = array<i32>} : memref<16x32xf32, #tpu.memory_space<vmem>>, vector<16xf32>,
    %broadcast_in_dim3A_923 = arith.constant 10 : i32
    %broadcast_in_dim3A_924 = vector.broadcast %broadcast_in_dim3A_923 : i32 to vector<16xi32>
    %gather3A_925 = tpu.vector_load_idx %arg5[%sub3A_772, %broadcast_in_dim3A_924] : memref<63x32xf32, #tpu.memory_space<vmem>>[vector<16xi32>, vector<16xi32>], vector<16xf32>,
    %swap3A_926 = arith.constant 10 : i32
    %swap3A_927 = arith.index_cast %swap3A_926 : i32 to index
    %swap3A_928 = arith.constant 16 : index
    %swap3A_929 = tpu.vector_load %arg6[%swap3A_927, %swap3A_928] {strides = array<i32>} : memref<16x32xf32, #tpu.memory_space<vmem>>, vector<16xf32>,
    tpu.vector_store %arg6[%swap3A_927, %swap3A_928], %gather3A_925 {strides = array<i32>} : memref<16x32xf32, #tpu.memory_space<vmem>>, vector<16xf32>,
    %add3A_930 = arith.constant 16 : i32
    %add3A_931 = vector.broadcast %add3A_930 : i32 to vector<16xi32>
    %add3A_932 = arith.addi %broadcast_in_dim3A_924, %add3A_931 : vector<16xi32>
    %gather3A_933 = tpu.vector_load_idx %arg5[%sub3A_772, %add3A_932] : memref<63x32xf32, #tpu.memory_space<vmem>>[vector<16xi32>, vector<16xi32>], vector<16xf32>,
    %swap3A_934 = arith.constant 10 : i32
    %swap3A_935 = arith.index_cast %swap3A_934 : i32 to index
    %swap3A_936 = arith.constant 16 : index
    %swap3A_937 = tpu.vector_load %arg7[%swap3A_935, %swap3A_936] {strides = array<i32>} : memref<16x32xf32, #tpu.memory_space<vmem>>, vector<16xf32>,
    tpu.vector_store %arg7[%swap3A_935, %swap3A_936], %gather3A_933 {strides = array<i32>} : memref<16x32xf32, #tpu.memory_space<vmem>>, vector<16xf32>,
    %broadcast_in_dim3A_938 = arith.constant 11 : i32
    %broadcast_in_dim3A_939 = vector.broadcast %broadcast_in_dim3A_938 : i32 to vector<16xi32>
    %gather3A_940 = tpu.vector_load_idx %arg5[%sub3A_772, %broadcast_in_dim3A_939] : memref<63x32xf32, #tpu.memory_space<vmem>>[vector<16xi32>, vector<16xi32>], vector<16xf32>,
    %swap3A_941 = arith.constant 11 : i32
    %swap3A_942 = arith.index_cast %swap3A_941 : i32 to index
    %swap3A_943 = arith.constant 16 : index
    %swap3A_944 = tpu.vector_load %arg6[%swap3A_942, %swap3A_943] {strides = array<i32>} : memref<16x32xf32, #tpu.memory_space<vmem>>, vector<16xf32>,
    tpu.vector_store %arg6[%swap3A_942, %swap3A_943], %gather3A_940 {strides = array<i32>} : memref<16x32xf32, #tpu.memory_space<vmem>>, vector<16xf32>,
    %add3A_945 = arith.constant 16 : i32
    %add3A_946 = vector.broadcast %add3A_945 : i32 to vector<16xi32>
    %add3A_947 = arith.addi %broadcast_in_dim3A_939, %add3A_946 : vector<16xi32>
    %gather3A_948 = tpu.vector_load_idx %arg5[%sub3A_772, %add3A_947] : memref<63x32xf32, #tpu.memory_space<vmem>>[vector<16xi32>, vector<16xi32>], vector<16xf32>,
    %swap3A_949 = arith.constant 11 : i32
    %swap3A_950 = arith.index_cast %swap3A_949 : i32 to index
    %swap3A_951 = arith.constant 16 : index
    %swap3A_952 = tpu.vector_load %arg7[%swap3A_950, %swap3A_951] {strides = array<i32>} : memref<16x32xf32, #tpu.memory_space<vmem>>, vector<16xf32>,
    tpu.vector_store %arg7[%swap3A_950, %swap3A_951], %gather3A_948 {strides = array<i32>} : memref<16x32xf32, #tpu.memory_space<vmem>>, vector<16xf32>,
    %broadcast_in_dim3A_953 = arith.constant 12 : i32
    %broadcast_in_dim3A_954 = vector.broadcast %broadcast_in_dim3A_953 : i32 to vector<16xi32>
    %gather3A_955 = tpu.vector_load_idx %arg5[%sub3A_772, %broadcast_in_dim3A_954] : memref<63x32xf32, #tpu.memory_space<vmem>>[vector<16xi32>, vector<16xi32>], vector<16xf32>,
    %swap3A_956 = arith.constant 12 : i32
    %swap3A_957 = arith.index_cast %swap3A_956 : i32 to index
    %swap3A_958 = arith.constant 16 : index
    %swap3A_959 = tpu.vector_load %arg6[%swap3A_957, %swap3A_958] {strides = array<i32>} : memref<16x32xf32, #tpu.memory_space<vmem>>, vector<16xf32>,
    tpu.vector_store %arg6[%swap3A_957, %swap3A_958], %gather3A_955 {strides = array<i32>} : memref<16x32xf32, #tpu.memory_space<vmem>>, vector<16xf32>,
    %add3A_960 = arith.constant 16 : i32
    %add3A_961 = vector.broadcast %add3A_960 : i32 to vector<16xi32>
    %add3A_962 = arith.addi %broadcast_in_dim3A_954, %add3A_961 : vector<16xi32>
    %gather3A_963 = tpu.vector_load_idx %arg5[%sub3A_772, %add3A_962] : memref<63x32xf32, #tpu.memory_space<vmem>>[vector<16xi32>, vector<16xi32>], vector<16xf32>,
    %swap3A_964 = arith.constant 12 : i32
    %swap3A_965 = arith.index_cast %swap3A_964 : i32 to index
    %swap3A_966 = arith.constant 16 : index
    %swap3A_967 = tpu.vector_load %arg7[%swap3A_965, %swap3A_966] {strides = array<i32>} : memref<16x32xf32, #tpu.memory_space<vmem>>, vector<16xf32>,
    tpu.vector_store %arg7[%swap3A_965, %swap3A_966], %gather3A_963 {strides = array<i32>} : memref<16x32xf32, #tpu.memory_space<vmem>>, vector<16xf32>,
    %broadcast_in_dim3A_968 = arith.constant 13 : i32
    %broadcast_in_dim3A_969 = vector.broadcast %broadcast_in_dim3A_968 : i32 to vector<16xi32>
    %gather3A_970 = tpu.vector_load_idx %arg5[%sub3A_772, %broadcast_in_dim3A_969] : memref<63x32xf32, #tpu.memory_space<vmem>>[vector<16xi32>, vector<16xi32>], vector<16xf32>,
    %swap3A_971 = arith.constant 13 : i32
    %swap3A_972 = arith.index_cast %swap3A_971 : i32 to index
    %swap3A_973 = arith.constant 16 : index
    %swap3A_974 = tpu.vector_load %arg6[%swap3A_972, %swap3A_973] {strides = array<i32>} : memref<16x32xf32, #tpu.memory_space<vmem>>, vector<16xf32>,
    tpu.vector_store %arg6[%swap3A_972, %swap3A_973], %gather3A_970 {strides = array<i32>} : memref<16x32xf32, #tpu.memory_space<vmem>>, vector<16xf32>,
    %add3A_975 = arith.constant 16 : i32
    %add3A_976 = vector.broadcast %add3A_975 : i32 to vector<16xi32>
    %add3A_977 = arith.addi %broadcast_in_dim3A_969, %add3A_976 : vector<16xi32>
    %gather3A_978 = tpu.vector_load_idx %arg5[%sub3A_772, %add3A_977] : memref<63x32xf32, #tpu.memory_space<vmem>>[vector<16xi32>, vector<16xi32>], vector<16xf32>,
    %swap3A_979 = arith.constant 13 : i32
    %swap3A_980 = arith.index_cast %swap3A_979 : i32 to index
    %swap3A_981 = arith.constant 16 : index
    %swap3A_982 = tpu.vector_load %arg7[%swap3A_980, %swap3A_981] {strides = array<i32>} : memref<16x32xf32, #tpu.memory_space<vmem>>, vector<16xf32>,
    tpu.vector_store %arg7[%swap3A_980, %swap3A_981], %gather3A_978 {strides = array<i32>} : memref<16x32xf32, #tpu.memory_space<vmem>>, vector<16xf32>,
    %broadcast_in_dim3A_983 = arith.constant 14 : i32
    %broadcast_in_dim3A_984 = vector.broadcast %broadcast_in_dim3A_983 : i32 to vector<16xi32>
    %gather3A_985 = tpu.vector_load_idx %arg5[%sub3A_772, %broadcast_in_dim3A_984] : memref<63x32xf32, #tpu.memory_space<vmem>>[vector<16xi32>, vector<16xi32>], vector<16xf32>,
    %swap3A_986 = arith.constant 14 : i32
    %swap3A_987 = arith.index_cast %swap3A_986 : i32 to index
    %swap3A_988 = arith.constant 16 : index
    %swap3A_989 = tpu.vector_load %arg6[%swap3A_987, %swap3A_988] {strides = array<i32>} : memref<16x32xf32, #tpu.memory_space<vmem>>, vector<16xf32>,
    tpu.vector_store %arg6[%swap3A_987, %swap3A_988], %gather3A_985 {strides = array<i32>} : memref<16x32xf32, #tpu.memory_space<vmem>>, vector<16xf32>,
    %add3A_990 = arith.constant 16 : i32
    %add3A_991 = vector.broadcast %add3A_990 : i32 to vector<16xi32>
    %add3A_992 = arith.addi %broadcast_in_dim3A_984, %add3A_991 : vector<16xi32>
    %gather3A_993 = tpu.vector_load_idx %arg5[%sub3A_772, %add3A_992] : memref<63x32xf32, #tpu.memory_space<vmem>>[vector<16xi32>, vector<16xi32>], vector<16xf32>,
    %swap3A_994 = arith.constant 14 : i32
    %swap3A_995 = arith.index_cast %swap3A_994 : i32 to index
    %swap3A_996 = arith.constant 16 : index
    %swap3A_997 = tpu.vector_load %arg7[%swap3A_995, %swap3A_996] {strides = array<i32>} : memref<16x32xf32, #tpu.memory_space<vmem>>, vector<16xf32>,
    tpu.vector_store %arg7[%swap3A_995, %swap3A_996], %gather3A_993 {strides = array<i32>} : memref<16x32xf32, #tpu.memory_space<vmem>>, vector<16xf32>,
    %broadcast_in_dim3A_998 = arith.constant 15 : i32
    %broadcast_in_dim3A_999 = vector.broadcast %broadcast_in_dim3A_998 : i32 to vector<16xi32>
    %gather3A_1000 = tpu.vector_load_idx %arg5[%sub3A_772, %broadcast_in_dim3A_999] : memref<63x32xf32, #tpu.memory_space<vmem>>[vector<16xi32>, vector<16xi32>], vector<16xf32>,
    %swap3A_1001 = arith.constant 15 : i32
    %swap3A_1002 = arith.index_cast %swap3A_1001 : i32 to index
    %swap3A_1003 = arith.constant 16 : index
    %swap3A_1004 = tpu.vector_load %arg6[%swap3A_1002, %swap3A_1003] {strides = array<i32>} : memref<16x32xf32, #tpu.memory_space<vmem>>, vector<16xf32>,
    tpu.vector_store %arg6[%swap3A_1002, %swap3A_1003], %gather3A_1000 {strides = array<i32>} : memref<16x32xf32, #tpu.memory_space<vmem>>, vector<16xf32>,
    %add3A_1005 = arith.constant 16 : i32
    %add3A_1006 = vector.broadcast %add3A_1005 : i32 to vector<16xi32>
    %add3A_1007 = arith.addi %broadcast_in_dim3A_999, %add3A_1006 : vector<16xi32>
    %gather3A_1008 = tpu.vector_load_idx %arg5[%sub3A_772, %add3A_1007] : memref<63x32xf32, #tpu.memory_space<vmem>>[vector<16xi32>, vector<16xi32>], vector<16xf32>,
    %swap3A_1009 = arith.constant 15 : i32
    %swap3A_1010 = arith.index_cast %swap3A_1009 : i32 to index
    %swap3A_1011 = arith.constant 16 : index
    %swap3A_1012 = tpu.vector_load %arg7[%swap3A_1010, %swap3A_1011] {strides = array<i32>} : memref<16x32xf32, #tpu.memory_space<vmem>>, vector<16xf32>,
    tpu.vector_store %arg7[%swap3A_1010, %swap3A_1011], %gather3A_1008 {strides = array<i32>} : memref<16x32xf32, #tpu.memory_space<vmem>>, vector<16xf32>,
    %dma_start3A_1013 = arith.constant 0 : i32
    %dma_start3A_1014 = arith.constant 0 : i32
    %dma_start3A_1015 = tpu.memref_slice %arg3[%add3A_520, %dma_start3A_1013, %dma_start3A_1014] : memref<32x16x32xf32, #tpu.memory_space<hbm>> -> memref<1x16x32xf32, #tpu.memory_space<hbm>>
    %dma_start3A_1016 = tpu.memref_squeeze %dma_start3A_1015 : memref<1x16x32xf32, #tpu.memory_space<hbm>> -> memref<16x32xf32, #tpu.memory_space<hbm>>
    %dma_start3A_1017 = arith.constant 0 : i32
    %dma_start3A_1018 = arith.constant 0 : i32
    %dma_start3A_1019 = tpu.memref_slice %arg3[%add3A_520, %dma_start3A_1017, %dma_start3A_1018] : memref<32x16x32xf32, #tpu.memory_space<hbm>> -> memref<1x16x32xf32, #tpu.memory_space<hbm>>
    %dma_start3A_1020 = tpu.memref_squeeze %dma_start3A_1019 : memref<1x16x32xf32, #tpu.memory_space<hbm>> -> memref<16x32xf32, #tpu.memory_space<hbm>>
    tpu.enqueue_dma source(%arg6 : memref<16x32xf32, #tpu.memory_space<vmem>>) target(%dma_start3A_1020 : memref<16x32xf32, #tpu.memory_space<hbm>>) target_semaphore(%arg8 : memref<!tpu.dma_semaphore, #tpu.memory_space<semaphore_mem>>)
    %dma_start3A_1021 = arith.constant 0 : i32
    %dma_start3A_1022 = arith.constant 0 : i32
    %dma_start3A_1023 = tpu.memref_slice %arg4[%add3A_520, %dma_start3A_1021, %dma_start3A_1022] : memref<32x16x32xf32, #tpu.memory_space<hbm>> -> memref<1x16x32xf32, #tpu.memory_space<hbm>>
    %dma_start3A_1024 = tpu.memref_squeeze %dma_start3A_1023 : memref<1x16x32xf32, #tpu.memory_space<hbm>> -> memref<16x32xf32, #tpu.memory_space<hbm>>
    %dma_start3A_1025 = arith.constant 0 : i32
    %dma_start3A_1026 = arith.constant 0 : i32
    %dma_start3A_1027 = tpu.memref_slice %arg4[%add3A_520, %dma_start3A_1025, %dma_start3A_1026] : memref<32x16x32xf32, #tpu.memory_space<hbm>> -> memref<1x16x32xf32, #tpu.memory_space<hbm>>
    %dma_start3A_1028 = tpu.memref_squeeze %dma_start3A_1027 : memref<1x16x32xf32, #tpu.memory_space<hbm>> -> memref<16x32xf32, #tpu.memory_space<hbm>>
    tpu.enqueue_dma source(%arg7 : memref<16x32xf32, #tpu.memory_space<vmem>>) target(%dma_start3A_1028 : memref<16x32xf32, #tpu.memory_space<hbm>>) target_semaphore(%arg9 : memref<!tpu.dma_semaphore, #tpu.memory_space<semaphore_mem>>)
    %dma_wait3A_1029 = arith.constant 0 : i32
    %dma_wait3A_1030 = arith.constant 0 : i32
    %dma_wait3A_1031 = tpu.memref_slice %arg3[%add3A_520, %dma_wait3A_1029, %dma_wait3A_1030] : memref<32x16x32xf32, #tpu.memory_space<hbm>> -> memref<1x16x32xf32, #tpu.memory_space<hbm>>
    %dma_wait3A_1032 = tpu.memref_squeeze %dma_wait3A_1031 : memref<1x16x32xf32, #tpu.memory_space<hbm>> -> memref<16x32xf32, #tpu.memory_space<hbm>>
    %dma_wait3A_1033 = arith.constant 0 : i32
    %dma_wait3A_1034 = arith.constant 0 : i32
    %dma_wait3A_1035 = tpu.memref_slice %arg3[%add3A_520, %dma_wait3A_1033, %dma_wait3A_1034] : memref<32x16x32xf32, #tpu.memory_space<hbm>> -> memref<1x16x32xf32, #tpu.memory_space<hbm>>
    %dma_wait3A_1036 = tpu.memref_squeeze %dma_wait3A_1035 : memref<1x16x32xf32, #tpu.memory_space<hbm>> -> memref<16x32xf32, #tpu.memory_space<hbm>>
    tpu.wait_dma2 semaphore(%arg8 : memref<!tpu.dma_semaphore, #tpu.memory_space<semaphore_mem>>) src(%arg6 : memref<16x32xf32, #tpu.memory_space<vmem>>) dst(%dma_wait3A_1036 : memref<16x32xf32, #tpu.memory_space<hbm>>)
    %dma_wait3A_1037 = arith.constant 0 : i32
    %dma_wait3A_1038 = arith.constant 0 : i32
    %dma_wait3A_1039 = tpu.memref_slice %arg4[%add3A_520, %dma_wait3A_1037, %dma_wait3A_1038] : memref<32x16x32xf32, #tpu.memory_space<hbm>> -> memref<1x16x32xf32, #tpu.memory_space<hbm>>
    %dma_wait3A_1040 = tpu.memref_squeeze %dma_wait3A_1039 : memref<1x16x32xf32, #tpu.memory_space<hbm>> -> memref<16x32xf32, #tpu.memory_space<hbm>>
    %dma_wait3A_1041 = arith.constant 0 : i32
    %dma_wait3A_1042 = arith.constant 0 : i32
    %dma_wait3A_1043 = tpu.memref_slice %arg4[%add3A_520, %dma_wait3A_1041, %dma_wait3A_1042] : memref<32x16x32xf32, #tpu.memory_space<hbm>> -> memref<1x16x32xf32, #tpu.memory_space<hbm>>
    %dma_wait3A_1044 = tpu.memref_squeeze %dma_wait3A_1043 : memref<1x16x32xf32, #tpu.memory_space<hbm>> -> memref<16x32xf32, #tpu.memory_space<hbm>>
    tpu.wait_dma2 semaphore(%arg9 : memref<!tpu.dma_semaphore, #tpu.memory_space<semaphore_mem>>) src(%arg7 : memref<16x32xf32, #tpu.memory_space<vmem>>) dst(%dma_wait3A_1044 : memref<16x32xf32, #tpu.memory_space<hbm>>)
    return
  }
}

module attributes {stable_mosaic.version = 14 : i64} {
  func.func @body(%arg0: i32, %arg1: memref<32x2x1x32xf32, #tpu.memory_space<vmem>>, %arg2: memref<32x2x1x32xf32, #tpu.memory_space<vmem>>, %arg3: memref<16x1024x1024xf32, #tpu.memory_space<any>>, %arg4: memref<2x1024x1024xf32, #tpu.memory_space<vmem>>) attributes {dimension_semantics = [#tpu.dimension_semantics<arbitrary>], iteration_bounds = array<i64: 3>, scalar_prefetch = 0 : i64, scratch_operands = 0 : i64, tpu.core_type = #tpu.core_type<tc>, window_params = [{transform_indices = @transform_0, window_bounds = array<i64: 32, 2, 1, 32>}, {transform_indices = @transform_1, window_bounds = array<i64: 32, 2, 1, 32>}, {}, {transform_indices = @transform_3, window_bounds = array<i64: 2, 1024, 1024>}]} {
    %get3A = arith.constant 0 : index
    %get3A_0 = arith.constant 0 : index
    %get3A_1 = arith.constant 0 : index
    %get3A_2 = arith.constant 0 : index
    %get3A_3 = vector.load %arg1[%get3A, %get3A_0, %get3A_1, %get3A_2] : memref<32x2x1x32xf32, #tpu.memory_space<vmem>>, vector<32x1x1x32xf32>
    %get3A_4 = vector.shape_cast %get3A_3 : vector<32x1x1x32xf32> to vector<32x32xf32>
    %get3A_5 = arith.constant 0 : index
    %get3A_6 = arith.constant 0 : index
    %get3A_7 = arith.constant 0 : index
    %get3A_8 = arith.constant 0 : index
    %get3A_9 = vector.load %arg2[%get3A_5, %get3A_6, %get3A_7, %get3A_8] : memref<32x2x1x32xf32, #tpu.memory_space<vmem>>, vector<32x1x1x32xf32>
    %get3A_10 = vector.shape_cast %get3A_9 : vector<32x1x1x32xf32> to vector<32x32xf32>
    %iota3A = tpu.iota {dimensions = array<i32: 1>} : vector<32x1024xi32>
    %jit3A = arith.constant 32 : i32
    %div3A = vector.broadcast %jit3A : i32 to vector<32x1024xi32>
    %div3A_11 = arith.divsi %iota3A, %div3A : vector<32x1024xi32>
    %sign3A = arith.constant 0 : i32
    %sign3A_12 = vector.broadcast %sign3A : i32 to vector<32x1024xi32>
    %sign3A_13 = arith.cmpi sgt, %iota3A, %sign3A_12 : vector<32x1024xi32>
    %sign3A_14 = arith.extui %sign3A_13 : vector<32x1024xi1> to vector<32x1024xi32>
    %sign3A_15 = arith.constant 0 : i32
    %sign3A_16 = vector.broadcast %sign3A_15 : i32 to vector<32x1024xi32>
    %sign3A_17 = arith.cmpi slt, %iota3A, %sign3A_16 : vector<32x1024xi32>
    %sign3A_18 = arith.extui %sign3A_17 : vector<32x1024xi1> to vector<32x1024xi32>
    %sign3A_19 = arith.subi %sign3A_14, %sign3A_18 : vector<32x1024xi32>
    %sign3A_20 = arith.constant 0 : i32
    %sign3A_21 = arith.cmpi sgt, %jit3A, %sign3A_20 : i32
    %sign3A_22 = arith.extui %sign3A_21 : i1 to i32
    %sign3A_23 = arith.constant 0 : i32
    %sign3A_24 = arith.cmpi slt, %jit3A, %sign3A_23 : i32
    %sign3A_25 = arith.extui %sign3A_24 : i1 to i32
    %sign3A_26 = arith.subi %sign3A_22, %sign3A_25 : i32
    %ne3A = vector.broadcast %sign3A_26 : i32 to vector<32x1024xi32>
    %ne3A_27 = arith.cmpi ne, %sign3A_19, %ne3A : vector<32x1024xi32>
    %rem3A = vector.broadcast %jit3A : i32 to vector<32x1024xi32>
    %rem3A_28 = arith.remsi %iota3A, %rem3A : vector<32x1024xi32>
    %ne3A_29 = arith.constant 0 : i32
    %ne3A_30 = vector.broadcast %ne3A_29 : i32 to vector<32x1024xi32>
    %ne3A_31 = arith.cmpi ne, %rem3A_28, %ne3A_30 : vector<32x1024xi32>
    %and3A = arith.andi %ne3A_27, %ne3A_31 : vector<32x1024xi1>
    %sub3A = arith.constant 1 : i32
    %sub3A_32 = vector.broadcast %sub3A : i32 to vector<32x1024xi32>
    %sub3A_33 = arith.subi %div3A_11, %sub3A_32 : vector<32x1024xi32>
    %select_n3A = arith.select %and3A, %sub3A_33, %div3A_11 : vector<32x1024xi1>, vector<32x1024xi32>
    %iota3A_34 = tpu.iota {dimensions = array<i32: 0>} : vector<32x1024xi32>
    %iota3A_35 = tpu.iota {dimensions = array<i32: 1>} : vector<32x1024xi32>
    %jit3A_36 = arith.constant 32 : i32
    %eq3A = arith.constant 0 : i32
    %eq3A_37 = arith.cmpi eq, %jit3A_36, %eq3A : i32
    %jit3A_38 = arith.constant 1 : i32
    %select_n3A_39 = arith.select %eq3A_37, %jit3A_38, %jit3A_36 : i32
    %rem3A_40 = vector.broadcast %select_n3A_39 : i32 to vector<32x1024xi32>
    %rem3A_41 = arith.remsi %iota3A_35, %rem3A_40 : vector<32x1024xi32>
    %ne3A_42 = arith.constant 0 : i32
    %ne3A_43 = vector.broadcast %ne3A_42 : i32 to vector<32x1024xi32>
    %ne3A_44 = arith.cmpi ne, %rem3A_41, %ne3A_43 : vector<32x1024xi32>
    %lt3A = arith.constant 0 : i32
    %lt3A_45 = vector.broadcast %lt3A : i32 to vector<32x1024xi32>
    %lt3A_46 = arith.cmpi slt, %rem3A_41, %lt3A_45 : vector<32x1024xi32>
    %lt3A_47 = arith.constant 0 : i32
    %lt3A_48 = arith.cmpi slt, %select_n3A_39, %lt3A_47 : i32
    %ne3A_49 = vector.broadcast %lt3A_48 : i1 to vector<32x1024xi1>
    %ne3A_50 = vector.broadcast %ne3A_49 : vector<32x1024xi1> to vector<32x1024xi1>
    %ne3A_51 = arith.xori %lt3A_46, %ne3A_50 : vector<32x1024xi1>
    %and3A_52 = arith.andi %ne3A_51, %ne3A_44 : vector<32x1024xi1>
    %add3A = vector.broadcast %select_n3A_39 : i32 to vector<32x1024xi32>
    %add3A_53 = arith.addi %rem3A_41, %add3A : vector<32x1024xi32>
    %select_n3A_54 = arith.select %and3A_52, %add3A_53, %rem3A_41 : vector<32x1024xi1>, vector<32x1024xi32>
    %iota3A_55 = tpu.iota {dimensions = array<i32: 0>} : vector<32x1024xi32>
    %eq3A_56 = arith.cmpi eq, %select_n3A, %iota3A_34 : vector<32x1024xi32>
    %convert_element_type3A = arith.extui %eq3A_56 : vector<32x1024xi1> to vector<32x1024xi32>
    %convert_element_type3A_57 = arith.sitofp %convert_element_type3A : vector<32x1024xi32> to vector<32x1024xf32>
    %eq3A_58 = arith.cmpi eq, %select_n3A_54, %iota3A_55 : vector<32x1024xi32>
    %convert_element_type3A_59 = arith.extui %eq3A_58 : vector<32x1024xi1> to vector<32x1024xi32>
    %convert_element_type3A_60 = arith.sitofp %convert_element_type3A_59 : vector<32x1024xi32> to vector<32x1024xf32>
    %dot_general3A = arith.constant dense<0.000000e+00> : vector<32x1024xf32>
    %dot_general3A_61 = tpu.matmul %get3A_4, %convert_element_type3A_57, %dot_general3A {dimension_numbers = #tpu.dot_dimension_numbers<[1], [0], [0], [1], [0, 0, 1, 1], [], []>, transpose_lhs_hint = false} : vector<32x32xf32>, vector<32x1024xf32>, vector<32x1024xf32> -> vector<32x1024xf32>
    %dot_general3A_62 = arith.constant dense<0.000000e+00> : vector<32x1024xf32>
    %dot_general3A_63 = tpu.matmul %get3A_10, %convert_element_type3A_60, %dot_general3A_62 {dimension_numbers = #tpu.dot_dimension_numbers<[1], [0], [0], [1], [0, 0, 1, 1], [], []>, transpose_lhs_hint = false} : vector<32x32xf32>, vector<32x1024xf32>, vector<32x1024xf32> -> vector<32x1024xf32>
    %slice3A = vector.extract_strided_slice %dot_general3A_61 {offsets = [0, 0], sizes = [1, 1024], strides = [1, 1]} : vector<32x1024xf32> to vector<1x1024xf32>
    %add3A_64 = vector.broadcast %slice3A : vector<1x1024xf32> to vector<32x1024xf32>
    %add3A_65 = arith.addf %add3A_64, %dot_general3A_63 : vector<32x1024xf32>
    %swap3A = arith.constant 0 : i32
    %swap3A_66 = arith.constant 0 : i32
    %swap3A_67 = arith.constant 0 : i32
    %swap3A_68 = tpu.memref_slice %arg4[%swap3A, %swap3A_66, %swap3A_67] : memref<2x1024x1024xf32, #tpu.memory_space<vmem>> -> memref<1x1024x1024xf32, #tpu.memory_space<vmem>>
    %swap3A_69 = arith.constant 0 : index
    %swap3A_70 = arith.constant 0 : index
    %swap3A_71 = arith.constant 0 : index
    %swap3A_72 = vector.load %swap3A_68[%swap3A_69, %swap3A_70, %swap3A_71] : memref<1x1024x1024xf32, #tpu.memory_space<vmem>>, vector<1x32x1024xf32>
    %swap3A_73 = vector.shape_cast %swap3A_72 : vector<1x32x1024xf32> to vector<32x1024xf32>
    %swap3A_74 = vector.shape_cast %add3A_65 : vector<32x1024xf32> to vector<1x32x1024xf32>
    tpu.vector_store %swap3A_68[%swap3A_69, %swap3A_70, %swap3A_71], %swap3A_74 {strides = array<i32>} : memref<1x1024x1024xf32, #tpu.memory_space<vmem>>, vector<1x32x1024xf32>,
    %slice3A_75 = vector.extract_strided_slice %dot_general3A_61 {offsets = [1, 0], sizes = [1, 1024], strides = [1, 1]} : vector<32x1024xf32> to vector<1x1024xf32>
    %add3A_76 = vector.broadcast %slice3A_75 : vector<1x1024xf32> to vector<32x1024xf32>
    %add3A_77 = arith.addf %add3A_76, %dot_general3A_63 : vector<32x1024xf32>
    %swap3A_78 = arith.constant 0 : i32
    %swap3A_79 = arith.constant 0 : i32
    %swap3A_80 = arith.constant 0 : i32
    %swap3A_81 = tpu.memref_slice %arg4[%swap3A_78, %swap3A_79, %swap3A_80] : memref<2x1024x1024xf32, #tpu.memory_space<vmem>> -> memref<1x1024x1024xf32, #tpu.memory_space<vmem>>
    %swap3A_82 = arith.constant 0 : index
    %swap3A_83 = arith.constant 32 : index
    %swap3A_84 = arith.constant 0 : index
    %swap3A_85 = vector.load %swap3A_81[%swap3A_82, %swap3A_83, %swap3A_84] : memref<1x1024x1024xf32, #tpu.memory_space<vmem>>, vector<1x32x1024xf32>
    %swap3A_86 = vector.shape_cast %swap3A_85 : vector<1x32x1024xf32> to vector<32x1024xf32>
    %swap3A_87 = vector.shape_cast %add3A_77 : vector<32x1024xf32> to vector<1x32x1024xf32>
    tpu.vector_store %swap3A_81[%swap3A_82, %swap3A_83, %swap3A_84], %swap3A_87 {strides = array<i32>} : memref<1x1024x1024xf32, #tpu.memory_space<vmem>>, vector<1x32x1024xf32>,
    %slice3A_88 = vector.extract_strided_slice %dot_general3A_61 {offsets = [2, 0], sizes = [1, 1024], strides = [1, 1]} : vector<32x1024xf32> to vector<1x1024xf32>
    %add3A_89 = vector.broadcast %slice3A_88 : vector<1x1024xf32> to vector<32x1024xf32>
    %add3A_90 = arith.addf %add3A_89, %dot_general3A_63 : vector<32x1024xf32>
    %swap3A_91 = arith.constant 0 : i32
    %swap3A_92 = arith.constant 0 : i32
    %swap3A_93 = arith.constant 0 : i32
    %swap3A_94 = tpu.memref_slice %arg4[%swap3A_91, %swap3A_92, %swap3A_93] : memref<2x1024x1024xf32, #tpu.memory_space<vmem>> -> memref<1x1024x1024xf32, #tpu.memory_space<vmem>>
    %swap3A_95 = arith.constant 0 : index
    %swap3A_96 = arith.constant 64 : index
    %swap3A_97 = arith.constant 0 : index
    %swap3A_98 = vector.load %swap3A_94[%swap3A_95, %swap3A_96, %swap3A_97] : memref<1x1024x1024xf32, #tpu.memory_space<vmem>>, vector<1x32x1024xf32>
    %swap3A_99 = vector.shape_cast %swap3A_98 : vector<1x32x1024xf32> to vector<32x1024xf32>
    %swap3A_100 = vector.shape_cast %add3A_90 : vector<32x1024xf32> to vector<1x32x1024xf32>
    tpu.vector_store %swap3A_94[%swap3A_95, %swap3A_96, %swap3A_97], %swap3A_100 {strides = array<i32>} : memref<1x1024x1024xf32, #tpu.memory_space<vmem>>, vector<1x32x1024xf32>,
    %slice3A_101 = vector.extract_strided_slice %dot_general3A_61 {offsets = [3, 0], sizes = [1, 1024], strides = [1, 1]} : vector<32x1024xf32> to vector<1x1024xf32>
    %add3A_102 = vector.broadcast %slice3A_101 : vector<1x1024xf32> to vector<32x1024xf32>
    %add3A_103 = arith.addf %add3A_102, %dot_general3A_63 : vector<32x1024xf32>
    %swap3A_104 = arith.constant 0 : i32
    %swap3A_105 = arith.constant 0 : i32
    %swap3A_106 = arith.constant 0 : i32
    %swap3A_107 = tpu.memref_slice %arg4[%swap3A_104, %swap3A_105, %swap3A_106] : memref<2x1024x1024xf32, #tpu.memory_space<vmem>> -> memref<1x1024x1024xf32, #tpu.memory_space<vmem>>
    %swap3A_108 = arith.constant 0 : index
    %swap3A_109 = arith.constant 96 : index
    %swap3A_110 = arith.constant 0 : index
    %swap3A_111 = vector.load %swap3A_107[%swap3A_108, %swap3A_109, %swap3A_110] : memref<1x1024x1024xf32, #tpu.memory_space<vmem>>, vector<1x32x1024xf32>
    %swap3A_112 = vector.shape_cast %swap3A_111 : vector<1x32x1024xf32> to vector<32x1024xf32>
    %swap3A_113 = vector.shape_cast %add3A_103 : vector<32x1024xf32> to vector<1x32x1024xf32>
    tpu.vector_store %swap3A_107[%swap3A_108, %swap3A_109, %swap3A_110], %swap3A_113 {strides = array<i32>} : memref<1x1024x1024xf32, #tpu.memory_space<vmem>>, vector<1x32x1024xf32>,
    %slice3A_114 = vector.extract_strided_slice %dot_general3A_61 {offsets = [4, 0], sizes = [1, 1024], strides = [1, 1]} : vector<32x1024xf32> to vector<1x1024xf32>
    %add3A_115 = vector.broadcast %slice3A_114 : vector<1x1024xf32> to vector<32x1024xf32>
    %add3A_116 = arith.addf %add3A_115, %dot_general3A_63 : vector<32x1024xf32>
    %swap3A_117 = arith.constant 0 : i32
    %swap3A_118 = arith.constant 0 : i32
    %swap3A_119 = arith.constant 0 : i32
    %swap3A_120 = tpu.memref_slice %arg4[%swap3A_117, %swap3A_118, %swap3A_119] : memref<2x1024x1024xf32, #tpu.memory_space<vmem>> -> memref<1x1024x1024xf32, #tpu.memory_space<vmem>>
    %swap3A_121 = arith.constant 0 : index
    %swap3A_122 = arith.constant 128 : index
    %swap3A_123 = arith.constant 0 : index
    %swap3A_124 = vector.load %swap3A_120[%swap3A_121, %swap3A_122, %swap3A_123] : memref<1x1024x1024xf32, #tpu.memory_space<vmem>>, vector<1x32x1024xf32>
    %swap3A_125 = vector.shape_cast %swap3A_124 : vector<1x32x1024xf32> to vector<32x1024xf32>
    %swap3A_126 = vector.shape_cast %add3A_116 : vector<32x1024xf32> to vector<1x32x1024xf32>
    tpu.vector_store %swap3A_120[%swap3A_121, %swap3A_122, %swap3A_123], %swap3A_126 {strides = array<i32>} : memref<1x1024x1024xf32, #tpu.memory_space<vmem>>, vector<1x32x1024xf32>,
    %slice3A_127 = vector.extract_strided_slice %dot_general3A_61 {offsets = [5, 0], sizes = [1, 1024], strides = [1, 1]} : vector<32x1024xf32> to vector<1x1024xf32>
    %add3A_128 = vector.broadcast %slice3A_127 : vector<1x1024xf32> to vector<32x1024xf32>
    %add3A_129 = arith.addf %add3A_128, %dot_general3A_63 : vector<32x1024xf32>
    %swap3A_130 = arith.constant 0 : i32
    %swap3A_131 = arith.constant 0 : i32
    %swap3A_132 = arith.constant 0 : i32
    %swap3A_133 = tpu.memref_slice %arg4[%swap3A_130, %swap3A_131, %swap3A_132] : memref<2x1024x1024xf32, #tpu.memory_space<vmem>> -> memref<1x1024x1024xf32, #tpu.memory_space<vmem>>
    %swap3A_134 = arith.constant 0 : index
    %swap3A_135 = arith.constant 160 : index
    %swap3A_136 = arith.constant 0 : index
    %swap3A_137 = vector.load %swap3A_133[%swap3A_134, %swap3A_135, %swap3A_136] : memref<1x1024x1024xf32, #tpu.memory_space<vmem>>, vector<1x32x1024xf32>
    %swap3A_138 = vector.shape_cast %swap3A_137 : vector<1x32x1024xf32> to vector<32x1024xf32>
    %swap3A_139 = vector.shape_cast %add3A_129 : vector<32x1024xf32> to vector<1x32x1024xf32>
    tpu.vector_store %swap3A_133[%swap3A_134, %swap3A_135, %swap3A_136], %swap3A_139 {strides = array<i32>} : memref<1x1024x1024xf32, #tpu.memory_space<vmem>>, vector<1x32x1024xf32>,
    %slice3A_140 = vector.extract_strided_slice %dot_general3A_61 {offsets = [6, 0], sizes = [1, 1024], strides = [1, 1]} : vector<32x1024xf32> to vector<1x1024xf32>
    %add3A_141 = vector.broadcast %slice3A_140 : vector<1x1024xf32> to vector<32x1024xf32>
    %add3A_142 = arith.addf %add3A_141, %dot_general3A_63 : vector<32x1024xf32>
    %swap3A_143 = arith.constant 0 : i32
    %swap3A_144 = arith.constant 0 : i32
    %swap3A_145 = arith.constant 0 : i32
    %swap3A_146 = tpu.memref_slice %arg4[%swap3A_143, %swap3A_144, %swap3A_145] : memref<2x1024x1024xf32, #tpu.memory_space<vmem>> -> memref<1x1024x1024xf32, #tpu.memory_space<vmem>>
    %swap3A_147 = arith.constant 0 : index
    %swap3A_148 = arith.constant 192 : index
    %swap3A_149 = arith.constant 0 : index
    %swap3A_150 = vector.load %swap3A_146[%swap3A_147, %swap3A_148, %swap3A_149] : memref<1x1024x1024xf32, #tpu.memory_space<vmem>>, vector<1x32x1024xf32>
    %swap3A_151 = vector.shape_cast %swap3A_150 : vector<1x32x1024xf32> to vector<32x1024xf32>
    %swap3A_152 = vector.shape_cast %add3A_142 : vector<32x1024xf32> to vector<1x32x1024xf32>
    tpu.vector_store %swap3A_146[%swap3A_147, %swap3A_148, %swap3A_149], %swap3A_152 {strides = array<i32>} : memref<1x1024x1024xf32, #tpu.memory_space<vmem>>, vector<1x32x1024xf32>,
    %slice3A_153 = vector.extract_strided_slice %dot_general3A_61 {offsets = [7, 0], sizes = [1, 1024], strides = [1, 1]} : vector<32x1024xf32> to vector<1x1024xf32>
    %add3A_154 = vector.broadcast %slice3A_153 : vector<1x1024xf32> to vector<32x1024xf32>
    %add3A_155 = arith.addf %add3A_154, %dot_general3A_63 : vector<32x1024xf32>
    %swap3A_156 = arith.constant 0 : i32
    %swap3A_157 = arith.constant 0 : i32
    %swap3A_158 = arith.constant 0 : i32
    %swap3A_159 = tpu.memref_slice %arg4[%swap3A_156, %swap3A_157, %swap3A_158] : memref<2x1024x1024xf32, #tpu.memory_space<vmem>> -> memref<1x1024x1024xf32, #tpu.memory_space<vmem>>
    %swap3A_160 = arith.constant 0 : index
    %swap3A_161 = arith.constant 224 : index
    %swap3A_162 = arith.constant 0 : index
    %swap3A_163 = vector.load %swap3A_159[%swap3A_160, %swap3A_161, %swap3A_162] : memref<1x1024x1024xf32, #tpu.memory_space<vmem>>, vector<1x32x1024xf32>
    %swap3A_164 = vector.shape_cast %swap3A_163 : vector<1x32x1024xf32> to vector<32x1024xf32>
    %swap3A_165 = vector.shape_cast %add3A_155 : vector<32x1024xf32> to vector<1x32x1024xf32>
    tpu.vector_store %swap3A_159[%swap3A_160, %swap3A_161, %swap3A_162], %swap3A_165 {strides = array<i32>} : memref<1x1024x1024xf32, #tpu.memory_space<vmem>>, vector<1x32x1024xf32>,
    %slice3A_166 = vector.extract_strided_slice %dot_general3A_61 {offsets = [8, 0], sizes = [1, 1024], strides = [1, 1]} : vector<32x1024xf32> to vector<1x1024xf32>
    %add3A_167 = vector.broadcast %slice3A_166 : vector<1x1024xf32> to vector<32x1024xf32>
    %add3A_168 = arith.addf %add3A_167, %dot_general3A_63 : vector<32x1024xf32>
    %swap3A_169 = arith.constant 0 : i32
    %swap3A_170 = arith.constant 0 : i32
    %swap3A_171 = arith.constant 0 : i32
    %swap3A_172 = tpu.memref_slice %arg4[%swap3A_169, %swap3A_170, %swap3A_171] : memref<2x1024x1024xf32, #tpu.memory_space<vmem>> -> memref<1x1024x1024xf32, #tpu.memory_space<vmem>>
    %swap3A_173 = arith.constant 0 : index
    %swap3A_174 = arith.constant 256 : index
    %swap3A_175 = arith.constant 0 : index
    %swap3A_176 = vector.load %swap3A_172[%swap3A_173, %swap3A_174, %swap3A_175] : memref<1x1024x1024xf32, #tpu.memory_space<vmem>>, vector<1x32x1024xf32>
    %swap3A_177 = vector.shape_cast %swap3A_176 : vector<1x32x1024xf32> to vector<32x1024xf32>
    %swap3A_178 = vector.shape_cast %add3A_168 : vector<32x1024xf32> to vector<1x32x1024xf32>
    tpu.vector_store %swap3A_172[%swap3A_173, %swap3A_174, %swap3A_175], %swap3A_178 {strides = array<i32>} : memref<1x1024x1024xf32, #tpu.memory_space<vmem>>, vector<1x32x1024xf32>,
    %slice3A_179 = vector.extract_strided_slice %dot_general3A_61 {offsets = [9, 0], sizes = [1, 1024], strides = [1, 1]} : vector<32x1024xf32> to vector<1x1024xf32>
    %add3A_180 = vector.broadcast %slice3A_179 : vector<1x1024xf32> to vector<32x1024xf32>
    %add3A_181 = arith.addf %add3A_180, %dot_general3A_63 : vector<32x1024xf32>
    %swap3A_182 = arith.constant 0 : i32
    %swap3A_183 = arith.constant 0 : i32
    %swap3A_184 = arith.constant 0 : i32
    %swap3A_185 = tpu.memref_slice %arg4[%swap3A_182, %swap3A_183, %swap3A_184] : memref<2x1024x1024xf32, #tpu.memory_space<vmem>> -> memref<1x1024x1024xf32, #tpu.memory_space<vmem>>
    %swap3A_186 = arith.constant 0 : index
    %swap3A_187 = arith.constant 288 : index
    %swap3A_188 = arith.constant 0 : index
    %swap3A_189 = vector.load %swap3A_185[%swap3A_186, %swap3A_187, %swap3A_188] : memref<1x1024x1024xf32, #tpu.memory_space<vmem>>, vector<1x32x1024xf32>
    %swap3A_190 = vector.shape_cast %swap3A_189 : vector<1x32x1024xf32> to vector<32x1024xf32>
    %swap3A_191 = vector.shape_cast %add3A_181 : vector<32x1024xf32> to vector<1x32x1024xf32>
    tpu.vector_store %swap3A_185[%swap3A_186, %swap3A_187, %swap3A_188], %swap3A_191 {strides = array<i32>} : memref<1x1024x1024xf32, #tpu.memory_space<vmem>>, vector<1x32x1024xf32>,
    %slice3A_192 = vector.extract_strided_slice %dot_general3A_61 {offsets = [10, 0], sizes = [1, 1024], strides = [1, 1]} : vector<32x1024xf32> to vector<1x1024xf32>
    %add3A_193 = vector.broadcast %slice3A_192 : vector<1x1024xf32> to vector<32x1024xf32>
    %add3A_194 = arith.addf %add3A_193, %dot_general3A_63 : vector<32x1024xf32>
    %swap3A_195 = arith.constant 0 : i32
    %swap3A_196 = arith.constant 0 : i32
    %swap3A_197 = arith.constant 0 : i32
    %swap3A_198 = tpu.memref_slice %arg4[%swap3A_195, %swap3A_196, %swap3A_197] : memref<2x1024x1024xf32, #tpu.memory_space<vmem>> -> memref<1x1024x1024xf32, #tpu.memory_space<vmem>>
    %swap3A_199 = arith.constant 0 : index
    %swap3A_200 = arith.constant 320 : index
    %swap3A_201 = arith.constant 0 : index
    %swap3A_202 = vector.load %swap3A_198[%swap3A_199, %swap3A_200, %swap3A_201] : memref<1x1024x1024xf32, #tpu.memory_space<vmem>>, vector<1x32x1024xf32>
    %swap3A_203 = vector.shape_cast %swap3A_202 : vector<1x32x1024xf32> to vector<32x1024xf32>
    %swap3A_204 = vector.shape_cast %add3A_194 : vector<32x1024xf32> to vector<1x32x1024xf32>
    tpu.vector_store %swap3A_198[%swap3A_199, %swap3A_200, %swap3A_201], %swap3A_204 {strides = array<i32>} : memref<1x1024x1024xf32, #tpu.memory_space<vmem>>, vector<1x32x1024xf32>,
    %slice3A_205 = vector.extract_strided_slice %dot_general3A_61 {offsets = [11, 0], sizes = [1, 1024], strides = [1, 1]} : vector<32x1024xf32> to vector<1x1024xf32>
    %add3A_206 = vector.broadcast %slice3A_205 : vector<1x1024xf32> to vector<32x1024xf32>
    %add3A_207 = arith.addf %add3A_206, %dot_general3A_63 : vector<32x1024xf32>
    %swap3A_208 = arith.constant 0 : i32
    %swap3A_209 = arith.constant 0 : i32
    %swap3A_210 = arith.constant 0 : i32
    %swap3A_211 = tpu.memref_slice %arg4[%swap3A_208, %swap3A_209, %swap3A_210] : memref<2x1024x1024xf32, #tpu.memory_space<vmem>> -> memref<1x1024x1024xf32, #tpu.memory_space<vmem>>
    %swap3A_212 = arith.constant 0 : index
    %swap3A_213 = arith.constant 352 : index
    %swap3A_214 = arith.constant 0 : index
    %swap3A_215 = vector.load %swap3A_211[%swap3A_212, %swap3A_213, %swap3A_214] : memref<1x1024x1024xf32, #tpu.memory_space<vmem>>, vector<1x32x1024xf32>
    %swap3A_216 = vector.shape_cast %swap3A_215 : vector<1x32x1024xf32> to vector<32x1024xf32>
    %swap3A_217 = vector.shape_cast %add3A_207 : vector<32x1024xf32> to vector<1x32x1024xf32>
    tpu.vector_store %swap3A_211[%swap3A_212, %swap3A_213, %swap3A_214], %swap3A_217 {strides = array<i32>} : memref<1x1024x1024xf32, #tpu.memory_space<vmem>>, vector<1x32x1024xf32>,
    %slice3A_218 = vector.extract_strided_slice %dot_general3A_61 {offsets = [12, 0], sizes = [1, 1024], strides = [1, 1]} : vector<32x1024xf32> to vector<1x1024xf32>
    %add3A_219 = vector.broadcast %slice3A_218 : vector<1x1024xf32> to vector<32x1024xf32>
    %add3A_220 = arith.addf %add3A_219, %dot_general3A_63 : vector<32x1024xf32>
    %swap3A_221 = arith.constant 0 : i32
    %swap3A_222 = arith.constant 0 : i32
    %swap3A_223 = arith.constant 0 : i32
    %swap3A_224 = tpu.memref_slice %arg4[%swap3A_221, %swap3A_222, %swap3A_223] : memref<2x1024x1024xf32, #tpu.memory_space<vmem>> -> memref<1x1024x1024xf32, #tpu.memory_space<vmem>>
    %swap3A_225 = arith.constant 0 : index
    %swap3A_226 = arith.constant 384 : index
    %swap3A_227 = arith.constant 0 : index
    %swap3A_228 = vector.load %swap3A_224[%swap3A_225, %swap3A_226, %swap3A_227] : memref<1x1024x1024xf32, #tpu.memory_space<vmem>>, vector<1x32x1024xf32>
    %swap3A_229 = vector.shape_cast %swap3A_228 : vector<1x32x1024xf32> to vector<32x1024xf32>
    %swap3A_230 = vector.shape_cast %add3A_220 : vector<32x1024xf32> to vector<1x32x1024xf32>
    tpu.vector_store %swap3A_224[%swap3A_225, %swap3A_226, %swap3A_227], %swap3A_230 {strides = array<i32>} : memref<1x1024x1024xf32, #tpu.memory_space<vmem>>, vector<1x32x1024xf32>,
    %slice3A_231 = vector.extract_strided_slice %dot_general3A_61 {offsets = [13, 0], sizes = [1, 1024], strides = [1, 1]} : vector<32x1024xf32> to vector<1x1024xf32>
    %add3A_232 = vector.broadcast %slice3A_231 : vector<1x1024xf32> to vector<32x1024xf32>
    %add3A_233 = arith.addf %add3A_232, %dot_general3A_63 : vector<32x1024xf32>
    %swap3A_234 = arith.constant 0 : i32
    %swap3A_235 = arith.constant 0 : i32
    %swap3A_236 = arith.constant 0 : i32
    %swap3A_237 = tpu.memref_slice %arg4[%swap3A_234, %swap3A_235, %swap3A_236] : memref<2x1024x1024xf32, #tpu.memory_space<vmem>> -> memref<1x1024x1024xf32, #tpu.memory_space<vmem>>
    %swap3A_238 = arith.constant 0 : index
    %swap3A_239 = arith.constant 416 : index
    %swap3A_240 = arith.constant 0 : index
    %swap3A_241 = vector.load %swap3A_237[%swap3A_238, %swap3A_239, %swap3A_240] : memref<1x1024x1024xf32, #tpu.memory_space<vmem>>, vector<1x32x1024xf32>
    %swap3A_242 = vector.shape_cast %swap3A_241 : vector<1x32x1024xf32> to vector<32x1024xf32>
    %swap3A_243 = vector.shape_cast %add3A_233 : vector<32x1024xf32> to vector<1x32x1024xf32>
    tpu.vector_store %swap3A_237[%swap3A_238, %swap3A_239, %swap3A_240], %swap3A_243 {strides = array<i32>} : memref<1x1024x1024xf32, #tpu.memory_space<vmem>>, vector<1x32x1024xf32>,
    %slice3A_244 = vector.extract_strided_slice %dot_general3A_61 {offsets = [14, 0], sizes = [1, 1024], strides = [1, 1]} : vector<32x1024xf32> to vector<1x1024xf32>
    %add3A_245 = vector.broadcast %slice3A_244 : vector<1x1024xf32> to vector<32x1024xf32>
    %add3A_246 = arith.addf %add3A_245, %dot_general3A_63 : vector<32x1024xf32>
    %swap3A_247 = arith.constant 0 : i32
    %swap3A_248 = arith.constant 0 : i32
    %swap3A_249 = arith.constant 0 : i32
    %swap3A_250 = tpu.memref_slice %arg4[%swap3A_247, %swap3A_248, %swap3A_249] : memref<2x1024x1024xf32, #tpu.memory_space<vmem>> -> memref<1x1024x1024xf32, #tpu.memory_space<vmem>>
    %swap3A_251 = arith.constant 0 : index
    %swap3A_252 = arith.constant 448 : index
    %swap3A_253 = arith.constant 0 : index
    %swap3A_254 = vector.load %swap3A_250[%swap3A_251, %swap3A_252, %swap3A_253] : memref<1x1024x1024xf32, #tpu.memory_space<vmem>>, vector<1x32x1024xf32>
    %swap3A_255 = vector.shape_cast %swap3A_254 : vector<1x32x1024xf32> to vector<32x1024xf32>
    %swap3A_256 = vector.shape_cast %add3A_246 : vector<32x1024xf32> to vector<1x32x1024xf32>
    tpu.vector_store %swap3A_250[%swap3A_251, %swap3A_252, %swap3A_253], %swap3A_256 {strides = array<i32>} : memref<1x1024x1024xf32, #tpu.memory_space<vmem>>, vector<1x32x1024xf32>,
    %slice3A_257 = vector.extract_strided_slice %dot_general3A_61 {offsets = [15, 0], sizes = [1, 1024], strides = [1, 1]} : vector<32x1024xf32> to vector<1x1024xf32>
    %add3A_258 = vector.broadcast %slice3A_257 : vector<1x1024xf32> to vector<32x1024xf32>
    %add3A_259 = arith.addf %add3A_258, %dot_general3A_63 : vector<32x1024xf32>
    %swap3A_260 = arith.constant 0 : i32
    %swap3A_261 = arith.constant 0 : i32
    %swap3A_262 = arith.constant 0 : i32
    %swap3A_263 = tpu.memref_slice %arg4[%swap3A_260, %swap3A_261, %swap3A_262] : memref<2x1024x1024xf32, #tpu.memory_space<vmem>> -> memref<1x1024x1024xf32, #tpu.memory_space<vmem>>
    %swap3A_264 = arith.constant 0 : index
    %swap3A_265 = arith.constant 480 : index
    %swap3A_266 = arith.constant 0 : index
    %swap3A_267 = vector.load %swap3A_263[%swap3A_264, %swap3A_265, %swap3A_266] : memref<1x1024x1024xf32, #tpu.memory_space<vmem>>, vector<1x32x1024xf32>
    %swap3A_268 = vector.shape_cast %swap3A_267 : vector<1x32x1024xf32> to vector<32x1024xf32>
    %swap3A_269 = vector.shape_cast %add3A_259 : vector<32x1024xf32> to vector<1x32x1024xf32>
    tpu.vector_store %swap3A_263[%swap3A_264, %swap3A_265, %swap3A_266], %swap3A_269 {strides = array<i32>} : memref<1x1024x1024xf32, #tpu.memory_space<vmem>>, vector<1x32x1024xf32>,
    %slice3A_270 = vector.extract_strided_slice %dot_general3A_61 {offsets = [16, 0], sizes = [1, 1024], strides = [1, 1]} : vector<32x1024xf32> to vector<1x1024xf32>
    %add3A_271 = vector.broadcast %slice3A_270 : vector<1x1024xf32> to vector<32x1024xf32>
    %add3A_272 = arith.addf %add3A_271, %dot_general3A_63 : vector<32x1024xf32>
    %swap3A_273 = arith.constant 0 : i32
    %swap3A_274 = arith.constant 0 : i32
    %swap3A_275 = arith.constant 0 : i32
    %swap3A_276 = tpu.memref_slice %arg4[%swap3A_273, %swap3A_274, %swap3A_275] : memref<2x1024x1024xf32, #tpu.memory_space<vmem>> -> memref<1x1024x1024xf32, #tpu.memory_space<vmem>>
    %swap3A_277 = arith.constant 0 : index
    %swap3A_278 = arith.constant 512 : index
    %swap3A_279 = arith.constant 0 : index
    %swap3A_280 = vector.load %swap3A_276[%swap3A_277, %swap3A_278, %swap3A_279] : memref<1x1024x1024xf32, #tpu.memory_space<vmem>>, vector<1x32x1024xf32>
    %swap3A_281 = vector.shape_cast %swap3A_280 : vector<1x32x1024xf32> to vector<32x1024xf32>
    %swap3A_282 = vector.shape_cast %add3A_272 : vector<32x1024xf32> to vector<1x32x1024xf32>
    tpu.vector_store %swap3A_276[%swap3A_277, %swap3A_278, %swap3A_279], %swap3A_282 {strides = array<i32>} : memref<1x1024x1024xf32, #tpu.memory_space<vmem>>, vector<1x32x1024xf32>,
    %slice3A_283 = vector.extract_strided_slice %dot_general3A_61 {offsets = [17, 0], sizes = [1, 1024], strides = [1, 1]} : vector<32x1024xf32> to vector<1x1024xf32>
    %add3A_284 = vector.broadcast %slice3A_283 : vector<1x1024xf32> to vector<32x1024xf32>
    %add3A_285 = arith.addf %add3A_284, %dot_general3A_63 : vector<32x1024xf32>
    %swap3A_286 = arith.constant 0 : i32
    %swap3A_287 = arith.constant 0 : i32
    %swap3A_288 = arith.constant 0 : i32
    %swap3A_289 = tpu.memref_slice %arg4[%swap3A_286, %swap3A_287, %swap3A_288] : memref<2x1024x1024xf32, #tpu.memory_space<vmem>> -> memref<1x1024x1024xf32, #tpu.memory_space<vmem>>
    %swap3A_290 = arith.constant 0 : index
    %swap3A_291 = arith.constant 544 : index
    %swap3A_292 = arith.constant 0 : index
    %swap3A_293 = vector.load %swap3A_289[%swap3A_290, %swap3A_291, %swap3A_292] : memref<1x1024x1024xf32, #tpu.memory_space<vmem>>, vector<1x32x1024xf32>
    %swap3A_294 = vector.shape_cast %swap3A_293 : vector<1x32x1024xf32> to vector<32x1024xf32>
    %swap3A_295 = vector.shape_cast %add3A_285 : vector<32x1024xf32> to vector<1x32x1024xf32>
    tpu.vector_store %swap3A_289[%swap3A_290, %swap3A_291, %swap3A_292], %swap3A_295 {strides = array<i32>} : memref<1x1024x1024xf32, #tpu.memory_space<vmem>>, vector<1x32x1024xf32>,
    %slice3A_296 = vector.extract_strided_slice %dot_general3A_61 {offsets = [18, 0], sizes = [1, 1024], strides = [1, 1]} : vector<32x1024xf32> to vector<1x1024xf32>
    %add3A_297 = vector.broadcast %slice3A_296 : vector<1x1024xf32> to vector<32x1024xf32>
    %add3A_298 = arith.addf %add3A_297, %dot_general3A_63 : vector<32x1024xf32>
    %swap3A_299 = arith.constant 0 : i32
    %swap3A_300 = arith.constant 0 : i32
    %swap3A_301 = arith.constant 0 : i32
    %swap3A_302 = tpu.memref_slice %arg4[%swap3A_299, %swap3A_300, %swap3A_301] : memref<2x1024x1024xf32, #tpu.memory_space<vmem>> -> memref<1x1024x1024xf32, #tpu.memory_space<vmem>>
    %swap3A_303 = arith.constant 0 : index
    %swap3A_304 = arith.constant 576 : index
    %swap3A_305 = arith.constant 0 : index
    %swap3A_306 = vector.load %swap3A_302[%swap3A_303, %swap3A_304, %swap3A_305] : memref<1x1024x1024xf32, #tpu.memory_space<vmem>>, vector<1x32x1024xf32>
    %swap3A_307 = vector.shape_cast %swap3A_306 : vector<1x32x1024xf32> to vector<32x1024xf32>
    %swap3A_308 = vector.shape_cast %add3A_298 : vector<32x1024xf32> to vector<1x32x1024xf32>
    tpu.vector_store %swap3A_302[%swap3A_303, %swap3A_304, %swap3A_305], %swap3A_308 {strides = array<i32>} : memref<1x1024x1024xf32, #tpu.memory_space<vmem>>, vector<1x32x1024xf32>,
    %slice3A_309 = vector.extract_strided_slice %dot_general3A_61 {offsets = [19, 0], sizes = [1, 1024], strides = [1, 1]} : vector<32x1024xf32> to vector<1x1024xf32>
    %add3A_310 = vector.broadcast %slice3A_309 : vector<1x1024xf32> to vector<32x1024xf32>
    %add3A_311 = arith.addf %add3A_310, %dot_general3A_63 : vector<32x1024xf32>
    %swap3A_312 = arith.constant 0 : i32
    %swap3A_313 = arith.constant 0 : i32
    %swap3A_314 = arith.constant 0 : i32
    %swap3A_315 = tpu.memref_slice %arg4[%swap3A_312, %swap3A_313, %swap3A_314] : memref<2x1024x1024xf32, #tpu.memory_space<vmem>> -> memref<1x1024x1024xf32, #tpu.memory_space<vmem>>
    %swap3A_316 = arith.constant 0 : index
    %swap3A_317 = arith.constant 608 : index
    %swap3A_318 = arith.constant 0 : index
    %swap3A_319 = vector.load %swap3A_315[%swap3A_316, %swap3A_317, %swap3A_318] : memref<1x1024x1024xf32, #tpu.memory_space<vmem>>, vector<1x32x1024xf32>
    %swap3A_320 = vector.shape_cast %swap3A_319 : vector<1x32x1024xf32> to vector<32x1024xf32>
    %swap3A_321 = vector.shape_cast %add3A_311 : vector<32x1024xf32> to vector<1x32x1024xf32>
    tpu.vector_store %swap3A_315[%swap3A_316, %swap3A_317, %swap3A_318], %swap3A_321 {strides = array<i32>} : memref<1x1024x1024xf32, #tpu.memory_space<vmem>>, vector<1x32x1024xf32>,
    %slice3A_322 = vector.extract_strided_slice %dot_general3A_61 {offsets = [20, 0], sizes = [1, 1024], strides = [1, 1]} : vector<32x1024xf32> to vector<1x1024xf32>
    %add3A_323 = vector.broadcast %slice3A_322 : vector<1x1024xf32> to vector<32x1024xf32>
    %add3A_324 = arith.addf %add3A_323, %dot_general3A_63 : vector<32x1024xf32>
    %swap3A_325 = arith.constant 0 : i32
    %swap3A_326 = arith.constant 0 : i32
    %swap3A_327 = arith.constant 0 : i32
    %swap3A_328 = tpu.memref_slice %arg4[%swap3A_325, %swap3A_326, %swap3A_327] : memref<2x1024x1024xf32, #tpu.memory_space<vmem>> -> memref<1x1024x1024xf32, #tpu.memory_space<vmem>>
    %swap3A_329 = arith.constant 0 : index
    %swap3A_330 = arith.constant 640 : index
    %swap3A_331 = arith.constant 0 : index
    %swap3A_332 = vector.load %swap3A_328[%swap3A_329, %swap3A_330, %swap3A_331] : memref<1x1024x1024xf32, #tpu.memory_space<vmem>>, vector<1x32x1024xf32>
    %swap3A_333 = vector.shape_cast %swap3A_332 : vector<1x32x1024xf32> to vector<32x1024xf32>
    %swap3A_334 = vector.shape_cast %add3A_324 : vector<32x1024xf32> to vector<1x32x1024xf32>
    tpu.vector_store %swap3A_328[%swap3A_329, %swap3A_330, %swap3A_331], %swap3A_334 {strides = array<i32>} : memref<1x1024x1024xf32, #tpu.memory_space<vmem>>, vector<1x32x1024xf32>,
    %slice3A_335 = vector.extract_strided_slice %dot_general3A_61 {offsets = [21, 0], sizes = [1, 1024], strides = [1, 1]} : vector<32x1024xf32> to vector<1x1024xf32>
    %add3A_336 = vector.broadcast %slice3A_335 : vector<1x1024xf32> to vector<32x1024xf32>
    %add3A_337 = arith.addf %add3A_336, %dot_general3A_63 : vector<32x1024xf32>
    %swap3A_338 = arith.constant 0 : i32
    %swap3A_339 = arith.constant 0 : i32
    %swap3A_340 = arith.constant 0 : i32
    %swap3A_341 = tpu.memref_slice %arg4[%swap3A_338, %swap3A_339, %swap3A_340] : memref<2x1024x1024xf32, #tpu.memory_space<vmem>> -> memref<1x1024x1024xf32, #tpu.memory_space<vmem>>
    %swap3A_342 = arith.constant 0 : index
    %swap3A_343 = arith.constant 672 : index
    %swap3A_344 = arith.constant 0 : index
    %swap3A_345 = vector.load %swap3A_341[%swap3A_342, %swap3A_343, %swap3A_344] : memref<1x1024x1024xf32, #tpu.memory_space<vmem>>, vector<1x32x1024xf32>
    %swap3A_346 = vector.shape_cast %swap3A_345 : vector<1x32x1024xf32> to vector<32x1024xf32>
    %swap3A_347 = vector.shape_cast %add3A_337 : vector<32x1024xf32> to vector<1x32x1024xf32>
    tpu.vector_store %swap3A_341[%swap3A_342, %swap3A_343, %swap3A_344], %swap3A_347 {strides = array<i32>} : memref<1x1024x1024xf32, #tpu.memory_space<vmem>>, vector<1x32x1024xf32>,
    %slice3A_348 = vector.extract_strided_slice %dot_general3A_61 {offsets = [22, 0], sizes = [1, 1024], strides = [1, 1]} : vector<32x1024xf32> to vector<1x1024xf32>
    %add3A_349 = vector.broadcast %slice3A_348 : vector<1x1024xf32> to vector<32x1024xf32>
    %add3A_350 = arith.addf %add3A_349, %dot_general3A_63 : vector<32x1024xf32>
    %swap3A_351 = arith.constant 0 : i32
    %swap3A_352 = arith.constant 0 : i32
    %swap3A_353 = arith.constant 0 : i32
    %swap3A_354 = tpu.memref_slice %arg4[%swap3A_351, %swap3A_352, %swap3A_353] : memref<2x1024x1024xf32, #tpu.memory_space<vmem>> -> memref<1x1024x1024xf32, #tpu.memory_space<vmem>>
    %swap3A_355 = arith.constant 0 : index
    %swap3A_356 = arith.constant 704 : index
    %swap3A_357 = arith.constant 0 : index
    %swap3A_358 = vector.load %swap3A_354[%swap3A_355, %swap3A_356, %swap3A_357] : memref<1x1024x1024xf32, #tpu.memory_space<vmem>>, vector<1x32x1024xf32>
    %swap3A_359 = vector.shape_cast %swap3A_358 : vector<1x32x1024xf32> to vector<32x1024xf32>
    %swap3A_360 = vector.shape_cast %add3A_350 : vector<32x1024xf32> to vector<1x32x1024xf32>
    tpu.vector_store %swap3A_354[%swap3A_355, %swap3A_356, %swap3A_357], %swap3A_360 {strides = array<i32>} : memref<1x1024x1024xf32, #tpu.memory_space<vmem>>, vector<1x32x1024xf32>,
    %slice3A_361 = vector.extract_strided_slice %dot_general3A_61 {offsets = [23, 0], sizes = [1, 1024], strides = [1, 1]} : vector<32x1024xf32> to vector<1x1024xf32>
    %add3A_362 = vector.broadcast %slice3A_361 : vector<1x1024xf32> to vector<32x1024xf32>
    %add3A_363 = arith.addf %add3A_362, %dot_general3A_63 : vector<32x1024xf32>
    %swap3A_364 = arith.constant 0 : i32
    %swap3A_365 = arith.constant 0 : i32
    %swap3A_366 = arith.constant 0 : i32
    %swap3A_367 = tpu.memref_slice %arg4[%swap3A_364, %swap3A_365, %swap3A_366] : memref<2x1024x1024xf32, #tpu.memory_space<vmem>> -> memref<1x1024x1024xf32, #tpu.memory_space<vmem>>
    %swap3A_368 = arith.constant 0 : index
    %swap3A_369 = arith.constant 736 : index
    %swap3A_370 = arith.constant 0 : index
    %swap3A_371 = vector.load %swap3A_367[%swap3A_368, %swap3A_369, %swap3A_370] : memref<1x1024x1024xf32, #tpu.memory_space<vmem>>, vector<1x32x1024xf32>
    %swap3A_372 = vector.shape_cast %swap3A_371 : vector<1x32x1024xf32> to vector<32x1024xf32>
    %swap3A_373 = vector.shape_cast %add3A_363 : vector<32x1024xf32> to vector<1x32x1024xf32>
    tpu.vector_store %swap3A_367[%swap3A_368, %swap3A_369, %swap3A_370], %swap3A_373 {strides = array<i32>} : memref<1x1024x1024xf32, #tpu.memory_space<vmem>>, vector<1x32x1024xf32>,
    %slice3A_374 = vector.extract_strided_slice %dot_general3A_61 {offsets = [24, 0], sizes = [1, 1024], strides = [1, 1]} : vector<32x1024xf32> to vector<1x1024xf32>
    %add3A_375 = vector.broadcast %slice3A_374 : vector<1x1024xf32> to vector<32x1024xf32>
    %add3A_376 = arith.addf %add3A_375, %dot_general3A_63 : vector<32x1024xf32>
    %swap3A_377 = arith.constant 0 : i32
    %swap3A_378 = arith.constant 0 : i32
    %swap3A_379 = arith.constant 0 : i32
    %swap3A_380 = tpu.memref_slice %arg4[%swap3A_377, %swap3A_378, %swap3A_379] : memref<2x1024x1024xf32, #tpu.memory_space<vmem>> -> memref<1x1024x1024xf32, #tpu.memory_space<vmem>>
    %swap3A_381 = arith.constant 0 : index
    %swap3A_382 = arith.constant 768 : index
    %swap3A_383 = arith.constant 0 : index
    %swap3A_384 = vector.load %swap3A_380[%swap3A_381, %swap3A_382, %swap3A_383] : memref<1x1024x1024xf32, #tpu.memory_space<vmem>>, vector<1x32x1024xf32>
    %swap3A_385 = vector.shape_cast %swap3A_384 : vector<1x32x1024xf32> to vector<32x1024xf32>
    %swap3A_386 = vector.shape_cast %add3A_376 : vector<32x1024xf32> to vector<1x32x1024xf32>
    tpu.vector_store %swap3A_380[%swap3A_381, %swap3A_382, %swap3A_383], %swap3A_386 {strides = array<i32>} : memref<1x1024x1024xf32, #tpu.memory_space<vmem>>, vector<1x32x1024xf32>,
    %slice3A_387 = vector.extract_strided_slice %dot_general3A_61 {offsets = [25, 0], sizes = [1, 1024], strides = [1, 1]} : vector<32x1024xf32> to vector<1x1024xf32>
    %add3A_388 = vector.broadcast %slice3A_387 : vector<1x1024xf32> to vector<32x1024xf32>
    %add3A_389 = arith.addf %add3A_388, %dot_general3A_63 : vector<32x1024xf32>
    %swap3A_390 = arith.constant 0 : i32
    %swap3A_391 = arith.constant 0 : i32
    %swap3A_392 = arith.constant 0 : i32
    %swap3A_393 = tpu.memref_slice %arg4[%swap3A_390, %swap3A_391, %swap3A_392] : memref<2x1024x1024xf32, #tpu.memory_space<vmem>> -> memref<1x1024x1024xf32, #tpu.memory_space<vmem>>
    %swap3A_394 = arith.constant 0 : index
    %swap3A_395 = arith.constant 800 : index
    %swap3A_396 = arith.constant 0 : index
    %swap3A_397 = vector.load %swap3A_393[%swap3A_394, %swap3A_395, %swap3A_396] : memref<1x1024x1024xf32, #tpu.memory_space<vmem>>, vector<1x32x1024xf32>
    %swap3A_398 = vector.shape_cast %swap3A_397 : vector<1x32x1024xf32> to vector<32x1024xf32>
    %swap3A_399 = vector.shape_cast %add3A_389 : vector<32x1024xf32> to vector<1x32x1024xf32>
    tpu.vector_store %swap3A_393[%swap3A_394, %swap3A_395, %swap3A_396], %swap3A_399 {strides = array<i32>} : memref<1x1024x1024xf32, #tpu.memory_space<vmem>>, vector<1x32x1024xf32>,
    %slice3A_400 = vector.extract_strided_slice %dot_general3A_61 {offsets = [26, 0], sizes = [1, 1024], strides = [1, 1]} : vector<32x1024xf32> to vector<1x1024xf32>
    %add3A_401 = vector.broadcast %slice3A_400 : vector<1x1024xf32> to vector<32x1024xf32>
    %add3A_402 = arith.addf %add3A_401, %dot_general3A_63 : vector<32x1024xf32>
    %swap3A_403 = arith.constant 0 : i32
    %swap3A_404 = arith.constant 0 : i32
    %swap3A_405 = arith.constant 0 : i32
    %swap3A_406 = tpu.memref_slice %arg4[%swap3A_403, %swap3A_404, %swap3A_405] : memref<2x1024x1024xf32, #tpu.memory_space<vmem>> -> memref<1x1024x1024xf32, #tpu.memory_space<vmem>>
    %swap3A_407 = arith.constant 0 : index
    %swap3A_408 = arith.constant 832 : index
    %swap3A_409 = arith.constant 0 : index
    %swap3A_410 = vector.load %swap3A_406[%swap3A_407, %swap3A_408, %swap3A_409] : memref<1x1024x1024xf32, #tpu.memory_space<vmem>>, vector<1x32x1024xf32>
    %swap3A_411 = vector.shape_cast %swap3A_410 : vector<1x32x1024xf32> to vector<32x1024xf32>
    %swap3A_412 = vector.shape_cast %add3A_402 : vector<32x1024xf32> to vector<1x32x1024xf32>
    tpu.vector_store %swap3A_406[%swap3A_407, %swap3A_408, %swap3A_409], %swap3A_412 {strides = array<i32>} : memref<1x1024x1024xf32, #tpu.memory_space<vmem>>, vector<1x32x1024xf32>,
    %slice3A_413 = vector.extract_strided_slice %dot_general3A_61 {offsets = [27, 0], sizes = [1, 1024], strides = [1, 1]} : vector<32x1024xf32> to vector<1x1024xf32>
    %add3A_414 = vector.broadcast %slice3A_413 : vector<1x1024xf32> to vector<32x1024xf32>
    %add3A_415 = arith.addf %add3A_414, %dot_general3A_63 : vector<32x1024xf32>
    %swap3A_416 = arith.constant 0 : i32
    %swap3A_417 = arith.constant 0 : i32
    %swap3A_418 = arith.constant 0 : i32
    %swap3A_419 = tpu.memref_slice %arg4[%swap3A_416, %swap3A_417, %swap3A_418] : memref<2x1024x1024xf32, #tpu.memory_space<vmem>> -> memref<1x1024x1024xf32, #tpu.memory_space<vmem>>
    %swap3A_420 = arith.constant 0 : index
    %swap3A_421 = arith.constant 864 : index
    %swap3A_422 = arith.constant 0 : index
    %swap3A_423 = vector.load %swap3A_419[%swap3A_420, %swap3A_421, %swap3A_422] : memref<1x1024x1024xf32, #tpu.memory_space<vmem>>, vector<1x32x1024xf32>
    %swap3A_424 = vector.shape_cast %swap3A_423 : vector<1x32x1024xf32> to vector<32x1024xf32>
    %swap3A_425 = vector.shape_cast %add3A_415 : vector<32x1024xf32> to vector<1x32x1024xf32>
    tpu.vector_store %swap3A_419[%swap3A_420, %swap3A_421, %swap3A_422], %swap3A_425 {strides = array<i32>} : memref<1x1024x1024xf32, #tpu.memory_space<vmem>>, vector<1x32x1024xf32>,
    %slice3A_426 = vector.extract_strided_slice %dot_general3A_61 {offsets = [28, 0], sizes = [1, 1024], strides = [1, 1]} : vector<32x1024xf32> to vector<1x1024xf32>
    %add3A_427 = vector.broadcast %slice3A_426 : vector<1x1024xf32> to vector<32x1024xf32>
    %add3A_428 = arith.addf %add3A_427, %dot_general3A_63 : vector<32x1024xf32>
    %swap3A_429 = arith.constant 0 : i32
    %swap3A_430 = arith.constant 0 : i32
    %swap3A_431 = arith.constant 0 : i32
    %swap3A_432 = tpu.memref_slice %arg4[%swap3A_429, %swap3A_430, %swap3A_431] : memref<2x1024x1024xf32, #tpu.memory_space<vmem>> -> memref<1x1024x1024xf32, #tpu.memory_space<vmem>>
    %swap3A_433 = arith.constant 0 : index
    %swap3A_434 = arith.constant 896 : index
    %swap3A_435 = arith.constant 0 : index
    %swap3A_436 = vector.load %swap3A_432[%swap3A_433, %swap3A_434, %swap3A_435] : memref<1x1024x1024xf32, #tpu.memory_space<vmem>>, vector<1x32x1024xf32>
    %swap3A_437 = vector.shape_cast %swap3A_436 : vector<1x32x1024xf32> to vector<32x1024xf32>
    %swap3A_438 = vector.shape_cast %add3A_428 : vector<32x1024xf32> to vector<1x32x1024xf32>
    tpu.vector_store %swap3A_432[%swap3A_433, %swap3A_434, %swap3A_435], %swap3A_438 {strides = array<i32>} : memref<1x1024x1024xf32, #tpu.memory_space<vmem>>, vector<1x32x1024xf32>,
    %slice3A_439 = vector.extract_strided_slice %dot_general3A_61 {offsets = [29, 0], sizes = [1, 1024], strides = [1, 1]} : vector<32x1024xf32> to vector<1x1024xf32>
    %add3A_440 = vector.broadcast %slice3A_439 : vector<1x1024xf32> to vector<32x1024xf32>
    %add3A_441 = arith.addf %add3A_440, %dot_general3A_63 : vector<32x1024xf32>
    %swap3A_442 = arith.constant 0 : i32
    %swap3A_443 = arith.constant 0 : i32
    %swap3A_444 = arith.constant 0 : i32
    %swap3A_445 = tpu.memref_slice %arg4[%swap3A_442, %swap3A_443, %swap3A_444] : memref<2x1024x1024xf32, #tpu.memory_space<vmem>> -> memref<1x1024x1024xf32, #tpu.memory_space<vmem>>
    %swap3A_446 = arith.constant 0 : index
    %swap3A_447 = arith.constant 928 : index
    %swap3A_448 = arith.constant 0 : index
    %swap3A_449 = vector.load %swap3A_445[%swap3A_446, %swap3A_447, %swap3A_448] : memref<1x1024x1024xf32, #tpu.memory_space<vmem>>, vector<1x32x1024xf32>
    %swap3A_450 = vector.shape_cast %swap3A_449 : vector<1x32x1024xf32> to vector<32x1024xf32>
    %swap3A_451 = vector.shape_cast %add3A_441 : vector<32x1024xf32> to vector<1x32x1024xf32>
    tpu.vector_store %swap3A_445[%swap3A_446, %swap3A_447, %swap3A_448], %swap3A_451 {strides = array<i32>} : memref<1x1024x1024xf32, #tpu.memory_space<vmem>>, vector<1x32x1024xf32>,
    %slice3A_452 = vector.extract_strided_slice %dot_general3A_61 {offsets = [30, 0], sizes = [1, 1024], strides = [1, 1]} : vector<32x1024xf32> to vector<1x1024xf32>
    %add3A_453 = vector.broadcast %slice3A_452 : vector<1x1024xf32> to vector<32x1024xf32>
    %add3A_454 = arith.addf %add3A_453, %dot_general3A_63 : vector<32x1024xf32>
    %swap3A_455 = arith.constant 0 : i32
    %swap3A_456 = arith.constant 0 : i32
    %swap3A_457 = arith.constant 0 : i32
    %swap3A_458 = tpu.memref_slice %arg4[%swap3A_455, %swap3A_456, %swap3A_457] : memref<2x1024x1024xf32, #tpu.memory_space<vmem>> -> memref<1x1024x1024xf32, #tpu.memory_space<vmem>>
    %swap3A_459 = arith.constant 0 : index
    %swap3A_460 = arith.constant 960 : index
    %swap3A_461 = arith.constant 0 : index
    %swap3A_462 = vector.load %swap3A_458[%swap3A_459, %swap3A_460, %swap3A_461] : memref<1x1024x1024xf32, #tpu.memory_space<vmem>>, vector<1x32x1024xf32>
    %swap3A_463 = vector.shape_cast %swap3A_462 : vector<1x32x1024xf32> to vector<32x1024xf32>
    %swap3A_464 = vector.shape_cast %add3A_454 : vector<32x1024xf32> to vector<1x32x1024xf32>
    tpu.vector_store %swap3A_458[%swap3A_459, %swap3A_460, %swap3A_461], %swap3A_464 {strides = array<i32>} : memref<1x1024x1024xf32, #tpu.memory_space<vmem>>, vector<1x32x1024xf32>,
    %slice3A_465 = vector.extract_strided_slice %dot_general3A_61 {offsets = [31, 0], sizes = [1, 1024], strides = [1, 1]} : vector<32x1024xf32> to vector<1x1024xf32>
    %add3A_466 = vector.broadcast %slice3A_465 : vector<1x1024xf32> to vector<32x1024xf32>
    %add3A_467 = arith.addf %add3A_466, %dot_general3A_63 : vector<32x1024xf32>
    %swap3A_468 = arith.constant 0 : i32
    %swap3A_469 = arith.constant 0 : i32
    %swap3A_470 = arith.constant 0 : i32
    %swap3A_471 = tpu.memref_slice %arg4[%swap3A_468, %swap3A_469, %swap3A_470] : memref<2x1024x1024xf32, #tpu.memory_space<vmem>> -> memref<1x1024x1024xf32, #tpu.memory_space<vmem>>
    %swap3A_472 = arith.constant 0 : index
    %swap3A_473 = arith.constant 992 : index
    %swap3A_474 = arith.constant 0 : index
    %swap3A_475 = vector.load %swap3A_471[%swap3A_472, %swap3A_473, %swap3A_474] : memref<1x1024x1024xf32, #tpu.memory_space<vmem>>, vector<1x32x1024xf32>
    %swap3A_476 = vector.shape_cast %swap3A_475 : vector<1x32x1024xf32> to vector<32x1024xf32>
    %swap3A_477 = vector.shape_cast %add3A_467 : vector<32x1024xf32> to vector<1x32x1024xf32>
    tpu.vector_store %swap3A_471[%swap3A_472, %swap3A_473, %swap3A_474], %swap3A_477 {strides = array<i32>} : memref<1x1024x1024xf32, #tpu.memory_space<vmem>>, vector<1x32x1024xf32>,
    %get3A_478 = arith.constant 0 : index
    %get3A_479 = arith.constant 1 : index
    %get3A_480 = arith.constant 0 : index
    %get3A_481 = arith.constant 0 : index
    %get3A_482 = vector.load %arg1[%get3A_478, %get3A_479, %get3A_480, %get3A_481] : memref<32x2x1x32xf32, #tpu.memory_space<vmem>>, vector<32x1x1x32xf32>
    %get3A_483 = vector.shape_cast %get3A_482 : vector<32x1x1x32xf32> to vector<32x32xf32>
    %get3A_484 = arith.constant 0 : index
    %get3A_485 = arith.constant 1 : index
    %get3A_486 = arith.constant 0 : index
    %get3A_487 = arith.constant 0 : index
    %get3A_488 = vector.load %arg2[%get3A_484, %get3A_485, %get3A_486, %get3A_487] : memref<32x2x1x32xf32, #tpu.memory_space<vmem>>, vector<32x1x1x32xf32>
    %get3A_489 = vector.shape_cast %get3A_488 : vector<32x1x1x32xf32> to vector<32x32xf32>
    %iota3A_490 = tpu.iota {dimensions = array<i32: 1>} : vector<32x1024xi32>
    %jit3A_491 = arith.constant 32 : i32
    %div3A_492 = vector.broadcast %jit3A_491 : i32 to vector<32x1024xi32>
    %div3A_493 = arith.divsi %iota3A_490, %div3A_492 : vector<32x1024xi32>
    %sign3A_494 = arith.constant 0 : i32
    %sign3A_495 = vector.broadcast %sign3A_494 : i32 to vector<32x1024xi32>
    %sign3A_496 = arith.cmpi sgt, %iota3A_490, %sign3A_495 : vector<32x1024xi32>
    %sign3A_497 = arith.extui %sign3A_496 : vector<32x1024xi1> to vector<32x1024xi32>
    %sign3A_498 = arith.constant 0 : i32
    %sign3A_499 = vector.broadcast %sign3A_498 : i32 to vector<32x1024xi32>
    %sign3A_500 = arith.cmpi slt, %iota3A_490, %sign3A_499 : vector<32x1024xi32>
    %sign3A_501 = arith.extui %sign3A_500 : vector<32x1024xi1> to vector<32x1024xi32>
    %sign3A_502 = arith.subi %sign3A_497, %sign3A_501 : vector<32x1024xi32>
    %sign3A_503 = arith.constant 0 : i32
    %sign3A_504 = arith.cmpi sgt, %jit3A_491, %sign3A_503 : i32
    %sign3A_505 = arith.extui %sign3A_504 : i1 to i32
    %sign3A_506 = arith.constant 0 : i32
    %sign3A_507 = arith.cmpi slt, %jit3A_491, %sign3A_506 : i32
    %sign3A_508 = arith.extui %sign3A_507 : i1 to i32
    %sign3A_509 = arith.subi %sign3A_505, %sign3A_508 : i32
    %ne3A_510 = vector.broadcast %sign3A_509 : i32 to vector<32x1024xi32>
    %ne3A_511 = arith.cmpi ne, %sign3A_502, %ne3A_510 : vector<32x1024xi32>
    %rem3A_512 = vector.broadcast %jit3A_491 : i32 to vector<32x1024xi32>
    %rem3A_513 = arith.remsi %iota3A_490, %rem3A_512 : vector<32x1024xi32>
    %ne3A_514 = arith.constant 0 : i32
    %ne3A_515 = vector.broadcast %ne3A_514 : i32 to vector<32x1024xi32>
    %ne3A_516 = arith.cmpi ne, %rem3A_513, %ne3A_515 : vector<32x1024xi32>
    %and3A_517 = arith.andi %ne3A_511, %ne3A_516 : vector<32x1024xi1>
    %sub3A_518 = arith.constant 1 : i32
    %sub3A_519 = vector.broadcast %sub3A_518 : i32 to vector<32x1024xi32>
    %sub3A_520 = arith.subi %div3A_493, %sub3A_519 : vector<32x1024xi32>
    %select_n3A_521 = arith.select %and3A_517, %sub3A_520, %div3A_493 : vector<32x1024xi1>, vector<32x1024xi32>
    %iota3A_522 = tpu.iota {dimensions = array<i32: 0>} : vector<32x1024xi32>
    %iota3A_523 = tpu.iota {dimensions = array<i32: 1>} : vector<32x1024xi32>
    %jit3A_524 = arith.constant 32 : i32
    %eq3A_525 = arith.constant 0 : i32
    %eq3A_526 = arith.cmpi eq, %jit3A_524, %eq3A_525 : i32
    %jit3A_527 = arith.constant 1 : i32
    %select_n3A_528 = arith.select %eq3A_526, %jit3A_527, %jit3A_524 : i32
    %rem3A_529 = vector.broadcast %select_n3A_528 : i32 to vector<32x1024xi32>
    %rem3A_530 = arith.remsi %iota3A_523, %rem3A_529 : vector<32x1024xi32>
    %ne3A_531 = arith.constant 0 : i32
    %ne3A_532 = vector.broadcast %ne3A_531 : i32 to vector<32x1024xi32>
    %ne3A_533 = arith.cmpi ne, %rem3A_530, %ne3A_532 : vector<32x1024xi32>
    %lt3A_534 = arith.constant 0 : i32
    %lt3A_535 = vector.broadcast %lt3A_534 : i32 to vector<32x1024xi32>
    %lt3A_536 = arith.cmpi slt, %rem3A_530, %lt3A_535 : vector<32x1024xi32>
    %lt3A_537 = arith.constant 0 : i32
    %lt3A_538 = arith.cmpi slt, %select_n3A_528, %lt3A_537 : i32
    %ne3A_539 = vector.broadcast %lt3A_538 : i1 to vector<32x1024xi1>
    %ne3A_540 = vector.broadcast %ne3A_539 : vector<32x1024xi1> to vector<32x1024xi1>
    %ne3A_541 = arith.xori %lt3A_536, %ne3A_540 : vector<32x1024xi1>
    %and3A_542 = arith.andi %ne3A_541, %ne3A_533 : vector<32x1024xi1>
    %add3A_543 = vector.broadcast %select_n3A_528 : i32 to vector<32x1024xi32>
    %add3A_544 = arith.addi %rem3A_530, %add3A_543 : vector<32x1024xi32>
    %select_n3A_545 = arith.select %and3A_542, %add3A_544, %rem3A_530 : vector<32x1024xi1>, vector<32x1024xi32>
    %iota3A_546 = tpu.iota {dimensions = array<i32: 0>} : vector<32x1024xi32>
    %eq3A_547 = arith.cmpi eq, %select_n3A_521, %iota3A_522 : vector<32x1024xi32>
    %convert_element_type3A_548 = arith.extui %eq3A_547 : vector<32x1024xi1> to vector<32x1024xi32>
    %convert_element_type3A_549 = arith.sitofp %convert_element_type3A_548 : vector<32x1024xi32> to vector<32x1024xf32>
    %eq3A_550 = arith.cmpi eq, %select_n3A_545, %iota3A_546 : vector<32x1024xi32>
    %convert_element_type3A_551 = arith.extui %eq3A_550 : vector<32x1024xi1> to vector<32x1024xi32>
    %convert_element_type3A_552 = arith.sitofp %convert_element_type3A_551 : vector<32x1024xi32> to vector<32x1024xf32>
    %dot_general3A_553 = arith.constant dense<0.000000e+00> : vector<32x1024xf32>
    %dot_general3A_554 = tpu.matmul %get3A_483, %convert_element_type3A_549, %dot_general3A_553 {dimension_numbers = #tpu.dot_dimension_numbers<[1], [0], [0], [1], [0, 0, 1, 1], [], []>, transpose_lhs_hint = false} : vector<32x32xf32>, vector<32x1024xf32>, vector<32x1024xf32> -> vector<32x1024xf32>
    %dot_general3A_555 = arith.constant dense<0.000000e+00> : vector<32x1024xf32>
    %dot_general3A_556 = tpu.matmul %get3A_489, %convert_element_type3A_552, %dot_general3A_555 {dimension_numbers = #tpu.dot_dimension_numbers<[1], [0], [0], [1], [0, 0, 1, 1], [], []>, transpose_lhs_hint = false} : vector<32x32xf32>, vector<32x1024xf32>, vector<32x1024xf32> -> vector<32x1024xf32>
    %slice3A_557 = vector.extract_strided_slice %dot_general3A_554 {offsets = [0, 0], sizes = [1, 1024], strides = [1, 1]} : vector<32x1024xf32> to vector<1x1024xf32>
    %add3A_558 = vector.broadcast %slice3A_557 : vector<1x1024xf32> to vector<32x1024xf32>
    %add3A_559 = arith.addf %add3A_558, %dot_general3A_556 : vector<32x1024xf32>
    %swap3A_560 = arith.constant 1 : i32
    %swap3A_561 = arith.constant 0 : i32
    %swap3A_562 = arith.constant 0 : i32
    %swap3A_563 = tpu.memref_slice %arg4[%swap3A_560, %swap3A_561, %swap3A_562] : memref<2x1024x1024xf32, #tpu.memory_space<vmem>> -> memref<1x1024x1024xf32, #tpu.memory_space<vmem>>
    %swap3A_564 = arith.constant 0 : index
    %swap3A_565 = arith.constant 0 : index
    %swap3A_566 = arith.constant 0 : index
    %swap3A_567 = vector.load %swap3A_563[%swap3A_564, %swap3A_565, %swap3A_566] : memref<1x1024x1024xf32, #tpu.memory_space<vmem>>, vector<1x32x1024xf32>
    %swap3A_568 = vector.shape_cast %swap3A_567 : vector<1x32x1024xf32> to vector<32x1024xf32>
    %swap3A_569 = vector.shape_cast %add3A_559 : vector<32x1024xf32> to vector<1x32x1024xf32>
    tpu.vector_store %swap3A_563[%swap3A_564, %swap3A_565, %swap3A_566], %swap3A_569 {strides = array<i32>} : memref<1x1024x1024xf32, #tpu.memory_space<vmem>>, vector<1x32x1024xf32>,
    %slice3A_570 = vector.extract_strided_slice %dot_general3A_554 {offsets = [1, 0], sizes = [1, 1024], strides = [1, 1]} : vector<32x1024xf32> to vector<1x1024xf32>
    %add3A_571 = vector.broadcast %slice3A_570 : vector<1x1024xf32> to vector<32x1024xf32>
    %add3A_572 = arith.addf %add3A_571, %dot_general3A_556 : vector<32x1024xf32>
    %swap3A_573 = arith.constant 1 : i32
    %swap3A_574 = arith.constant 0 : i32
    %swap3A_575 = arith.constant 0 : i32
    %swap3A_576 = tpu.memref_slice %arg4[%swap3A_573, %swap3A_574, %swap3A_575] : memref<2x1024x1024xf32, #tpu.memory_space<vmem>> -> memref<1x1024x1024xf32, #tpu.memory_space<vmem>>
    %swap3A_577 = arith.constant 0 : index
    %swap3A_578 = arith.constant 32 : index
    %swap3A_579 = arith.constant 0 : index
    %swap3A_580 = vector.load %swap3A_576[%swap3A_577, %swap3A_578, %swap3A_579] : memref<1x1024x1024xf32, #tpu.memory_space<vmem>>, vector<1x32x1024xf32>
    %swap3A_581 = vector.shape_cast %swap3A_580 : vector<1x32x1024xf32> to vector<32x1024xf32>
    %swap3A_582 = vector.shape_cast %add3A_572 : vector<32x1024xf32> to vector<1x32x1024xf32>
    tpu.vector_store %swap3A_576[%swap3A_577, %swap3A_578, %swap3A_579], %swap3A_582 {strides = array<i32>} : memref<1x1024x1024xf32, #tpu.memory_space<vmem>>, vector<1x32x1024xf32>,
    %slice3A_583 = vector.extract_strided_slice %dot_general3A_554 {offsets = [2, 0], sizes = [1, 1024], strides = [1, 1]} : vector<32x1024xf32> to vector<1x1024xf32>
    %add3A_584 = vector.broadcast %slice3A_583 : vector<1x1024xf32> to vector<32x1024xf32>
    %add3A_585 = arith.addf %add3A_584, %dot_general3A_556 : vector<32x1024xf32>
    %swap3A_586 = arith.constant 1 : i32
    %swap3A_587 = arith.constant 0 : i32
    %swap3A_588 = arith.constant 0 : i32
    %swap3A_589 = tpu.memref_slice %arg4[%swap3A_586, %swap3A_587, %swap3A_588] : memref<2x1024x1024xf32, #tpu.memory_space<vmem>> -> memref<1x1024x1024xf32, #tpu.memory_space<vmem>>
    %swap3A_590 = arith.constant 0 : index
    %swap3A_591 = arith.constant 64 : index
    %swap3A_592 = arith.constant 0 : index
    %swap3A_593 = vector.load %swap3A_589[%swap3A_590, %swap3A_591, %swap3A_592] : memref<1x1024x1024xf32, #tpu.memory_space<vmem>>, vector<1x32x1024xf32>
    %swap3A_594 = vector.shape_cast %swap3A_593 : vector<1x32x1024xf32> to vector<32x1024xf32>
    %swap3A_595 = vector.shape_cast %add3A_585 : vector<32x1024xf32> to vector<1x32x1024xf32>
    tpu.vector_store %swap3A_589[%swap3A_590, %swap3A_591, %swap3A_592], %swap3A_595 {strides = array<i32>} : memref<1x1024x1024xf32, #tpu.memory_space<vmem>>, vector<1x32x1024xf32>,
    %slice3A_596 = vector.extract_strided_slice %dot_general3A_554 {offsets = [3, 0], sizes = [1, 1024], strides = [1, 1]} : vector<32x1024xf32> to vector<1x1024xf32>
    %add3A_597 = vector.broadcast %slice3A_596 : vector<1x1024xf32> to vector<32x1024xf32>
    %add3A_598 = arith.addf %add3A_597, %dot_general3A_556 : vector<32x1024xf32>
    %swap3A_599 = arith.constant 1 : i32
    %swap3A_600 = arith.constant 0 : i32
    %swap3A_601 = arith.constant 0 : i32
    %swap3A_602 = tpu.memref_slice %arg4[%swap3A_599, %swap3A_600, %swap3A_601] : memref<2x1024x1024xf32, #tpu.memory_space<vmem>> -> memref<1x1024x1024xf32, #tpu.memory_space<vmem>>
    %swap3A_603 = arith.constant 0 : index
    %swap3A_604 = arith.constant 96 : index
    %swap3A_605 = arith.constant 0 : index
    %swap3A_606 = vector.load %swap3A_602[%swap3A_603, %swap3A_604, %swap3A_605] : memref<1x1024x1024xf32, #tpu.memory_space<vmem>>, vector<1x32x1024xf32>
    %swap3A_607 = vector.shape_cast %swap3A_606 : vector<1x32x1024xf32> to vector<32x1024xf32>
    %swap3A_608 = vector.shape_cast %add3A_598 : vector<32x1024xf32> to vector<1x32x1024xf32>
    tpu.vector_store %swap3A_602[%swap3A_603, %swap3A_604, %swap3A_605], %swap3A_608 {strides = array<i32>} : memref<1x1024x1024xf32, #tpu.memory_space<vmem>>, vector<1x32x1024xf32>,
    %slice3A_609 = vector.extract_strided_slice %dot_general3A_554 {offsets = [4, 0], sizes = [1, 1024], strides = [1, 1]} : vector<32x1024xf32> to vector<1x1024xf32>
    %add3A_610 = vector.broadcast %slice3A_609 : vector<1x1024xf32> to vector<32x1024xf32>
    %add3A_611 = arith.addf %add3A_610, %dot_general3A_556 : vector<32x1024xf32>
    %swap3A_612 = arith.constant 1 : i32
    %swap3A_613 = arith.constant 0 : i32
    %swap3A_614 = arith.constant 0 : i32
    %swap3A_615 = tpu.memref_slice %arg4[%swap3A_612, %swap3A_613, %swap3A_614] : memref<2x1024x1024xf32, #tpu.memory_space<vmem>> -> memref<1x1024x1024xf32, #tpu.memory_space<vmem>>
    %swap3A_616 = arith.constant 0 : index
    %swap3A_617 = arith.constant 128 : index
    %swap3A_618 = arith.constant 0 : index
    %swap3A_619 = vector.load %swap3A_615[%swap3A_616, %swap3A_617, %swap3A_618] : memref<1x1024x1024xf32, #tpu.memory_space<vmem>>, vector<1x32x1024xf32>
    %swap3A_620 = vector.shape_cast %swap3A_619 : vector<1x32x1024xf32> to vector<32x1024xf32>
    %swap3A_621 = vector.shape_cast %add3A_611 : vector<32x1024xf32> to vector<1x32x1024xf32>
    tpu.vector_store %swap3A_615[%swap3A_616, %swap3A_617, %swap3A_618], %swap3A_621 {strides = array<i32>} : memref<1x1024x1024xf32, #tpu.memory_space<vmem>>, vector<1x32x1024xf32>,
    %slice3A_622 = vector.extract_strided_slice %dot_general3A_554 {offsets = [5, 0], sizes = [1, 1024], strides = [1, 1]} : vector<32x1024xf32> to vector<1x1024xf32>
    %add3A_623 = vector.broadcast %slice3A_622 : vector<1x1024xf32> to vector<32x1024xf32>
    %add3A_624 = arith.addf %add3A_623, %dot_general3A_556 : vector<32x1024xf32>
    %swap3A_625 = arith.constant 1 : i32
    %swap3A_626 = arith.constant 0 : i32
    %swap3A_627 = arith.constant 0 : i32
    %swap3A_628 = tpu.memref_slice %arg4[%swap3A_625, %swap3A_626, %swap3A_627] : memref<2x1024x1024xf32, #tpu.memory_space<vmem>> -> memref<1x1024x1024xf32, #tpu.memory_space<vmem>>
    %swap3A_629 = arith.constant 0 : index
    %swap3A_630 = arith.constant 160 : index
    %swap3A_631 = arith.constant 0 : index
    %swap3A_632 = vector.load %swap3A_628[%swap3A_629, %swap3A_630, %swap3A_631] : memref<1x1024x1024xf32, #tpu.memory_space<vmem>>, vector<1x32x1024xf32>
    %swap3A_633 = vector.shape_cast %swap3A_632 : vector<1x32x1024xf32> to vector<32x1024xf32>
    %swap3A_634 = vector.shape_cast %add3A_624 : vector<32x1024xf32> to vector<1x32x1024xf32>
    tpu.vector_store %swap3A_628[%swap3A_629, %swap3A_630, %swap3A_631], %swap3A_634 {strides = array<i32>} : memref<1x1024x1024xf32, #tpu.memory_space<vmem>>, vector<1x32x1024xf32>,
    %slice3A_635 = vector.extract_strided_slice %dot_general3A_554 {offsets = [6, 0], sizes = [1, 1024], strides = [1, 1]} : vector<32x1024xf32> to vector<1x1024xf32>
    %add3A_636 = vector.broadcast %slice3A_635 : vector<1x1024xf32> to vector<32x1024xf32>
    %add3A_637 = arith.addf %add3A_636, %dot_general3A_556 : vector<32x1024xf32>
    %swap3A_638 = arith.constant 1 : i32
    %swap3A_639 = arith.constant 0 : i32
    %swap3A_640 = arith.constant 0 : i32
    %swap3A_641 = tpu.memref_slice %arg4[%swap3A_638, %swap3A_639, %swap3A_640] : memref<2x1024x1024xf32, #tpu.memory_space<vmem>> -> memref<1x1024x1024xf32, #tpu.memory_space<vmem>>
    %swap3A_642 = arith.constant 0 : index
    %swap3A_643 = arith.constant 192 : index
    %swap3A_644 = arith.constant 0 : index
    %swap3A_645 = vector.load %swap3A_641[%swap3A_642, %swap3A_643, %swap3A_644] : memref<1x1024x1024xf32, #tpu.memory_space<vmem>>, vector<1x32x1024xf32>
    %swap3A_646 = vector.shape_cast %swap3A_645 : vector<1x32x1024xf32> to vector<32x1024xf32>
    %swap3A_647 = vector.shape_cast %add3A_637 : vector<32x1024xf32> to vector<1x32x1024xf32>
    tpu.vector_store %swap3A_641[%swap3A_642, %swap3A_643, %swap3A_644], %swap3A_647 {strides = array<i32>} : memref<1x1024x1024xf32, #tpu.memory_space<vmem>>, vector<1x32x1024xf32>,
    %slice3A_648 = vector.extract_strided_slice %dot_general3A_554 {offsets = [7, 0], sizes = [1, 1024], strides = [1, 1]} : vector<32x1024xf32> to vector<1x1024xf32>
    %add3A_649 = vector.broadcast %slice3A_648 : vector<1x1024xf32> to vector<32x1024xf32>
    %add3A_650 = arith.addf %add3A_649, %dot_general3A_556 : vector<32x1024xf32>
    %swap3A_651 = arith.constant 1 : i32
    %swap3A_652 = arith.constant 0 : i32
    %swap3A_653 = arith.constant 0 : i32
    %swap3A_654 = tpu.memref_slice %arg4[%swap3A_651, %swap3A_652, %swap3A_653] : memref<2x1024x1024xf32, #tpu.memory_space<vmem>> -> memref<1x1024x1024xf32, #tpu.memory_space<vmem>>
    %swap3A_655 = arith.constant 0 : index
    %swap3A_656 = arith.constant 224 : index
    %swap3A_657 = arith.constant 0 : index
    %swap3A_658 = vector.load %swap3A_654[%swap3A_655, %swap3A_656, %swap3A_657] : memref<1x1024x1024xf32, #tpu.memory_space<vmem>>, vector<1x32x1024xf32>
    %swap3A_659 = vector.shape_cast %swap3A_658 : vector<1x32x1024xf32> to vector<32x1024xf32>
    %swap3A_660 = vector.shape_cast %add3A_650 : vector<32x1024xf32> to vector<1x32x1024xf32>
    tpu.vector_store %swap3A_654[%swap3A_655, %swap3A_656, %swap3A_657], %swap3A_660 {strides = array<i32>} : memref<1x1024x1024xf32, #tpu.memory_space<vmem>>, vector<1x32x1024xf32>,
    %slice3A_661 = vector.extract_strided_slice %dot_general3A_554 {offsets = [8, 0], sizes = [1, 1024], strides = [1, 1]} : vector<32x1024xf32> to vector<1x1024xf32>
    %add3A_662 = vector.broadcast %slice3A_661 : vector<1x1024xf32> to vector<32x1024xf32>
    %add3A_663 = arith.addf %add3A_662, %dot_general3A_556 : vector<32x1024xf32>
    %swap3A_664 = arith.constant 1 : i32
    %swap3A_665 = arith.constant 0 : i32
    %swap3A_666 = arith.constant 0 : i32
    %swap3A_667 = tpu.memref_slice %arg4[%swap3A_664, %swap3A_665, %swap3A_666] : memref<2x1024x1024xf32, #tpu.memory_space<vmem>> -> memref<1x1024x1024xf32, #tpu.memory_space<vmem>>
    %swap3A_668 = arith.constant 0 : index
    %swap3A_669 = arith.constant 256 : index
    %swap3A_670 = arith.constant 0 : index
    %swap3A_671 = vector.load %swap3A_667[%swap3A_668, %swap3A_669, %swap3A_670] : memref<1x1024x1024xf32, #tpu.memory_space<vmem>>, vector<1x32x1024xf32>
    %swap3A_672 = vector.shape_cast %swap3A_671 : vector<1x32x1024xf32> to vector<32x1024xf32>
    %swap3A_673 = vector.shape_cast %add3A_663 : vector<32x1024xf32> to vector<1x32x1024xf32>
    tpu.vector_store %swap3A_667[%swap3A_668, %swap3A_669, %swap3A_670], %swap3A_673 {strides = array<i32>} : memref<1x1024x1024xf32, #tpu.memory_space<vmem>>, vector<1x32x1024xf32>,
    %slice3A_674 = vector.extract_strided_slice %dot_general3A_554 {offsets = [9, 0], sizes = [1, 1024], strides = [1, 1]} : vector<32x1024xf32> to vector<1x1024xf32>
    %add3A_675 = vector.broadcast %slice3A_674 : vector<1x1024xf32> to vector<32x1024xf32>
    %add3A_676 = arith.addf %add3A_675, %dot_general3A_556 : vector<32x1024xf32>
    %swap3A_677 = arith.constant 1 : i32
    %swap3A_678 = arith.constant 0 : i32
    %swap3A_679 = arith.constant 0 : i32
    %swap3A_680 = tpu.memref_slice %arg4[%swap3A_677, %swap3A_678, %swap3A_679] : memref<2x1024x1024xf32, #tpu.memory_space<vmem>> -> memref<1x1024x1024xf32, #tpu.memory_space<vmem>>
    %swap3A_681 = arith.constant 0 : index
    %swap3A_682 = arith.constant 288 : index
    %swap3A_683 = arith.constant 0 : index
    %swap3A_684 = vector.load %swap3A_680[%swap3A_681, %swap3A_682, %swap3A_683] : memref<1x1024x1024xf32, #tpu.memory_space<vmem>>, vector<1x32x1024xf32>
    %swap3A_685 = vector.shape_cast %swap3A_684 : vector<1x32x1024xf32> to vector<32x1024xf32>
    %swap3A_686 = vector.shape_cast %add3A_676 : vector<32x1024xf32> to vector<1x32x1024xf32>
    tpu.vector_store %swap3A_680[%swap3A_681, %swap3A_682, %swap3A_683], %swap3A_686 {strides = array<i32>} : memref<1x1024x1024xf32, #tpu.memory_space<vmem>>, vector<1x32x1024xf32>,
    %slice3A_687 = vector.extract_strided_slice %dot_general3A_554 {offsets = [10, 0], sizes = [1, 1024], strides = [1, 1]} : vector<32x1024xf32> to vector<1x1024xf32>
    %add3A_688 = vector.broadcast %slice3A_687 : vector<1x1024xf32> to vector<32x1024xf32>
    %add3A_689 = arith.addf %add3A_688, %dot_general3A_556 : vector<32x1024xf32>
    %swap3A_690 = arith.constant 1 : i32
    %swap3A_691 = arith.constant 0 : i32
    %swap3A_692 = arith.constant 0 : i32
    %swap3A_693 = tpu.memref_slice %arg4[%swap3A_690, %swap3A_691, %swap3A_692] : memref<2x1024x1024xf32, #tpu.memory_space<vmem>> -> memref<1x1024x1024xf32, #tpu.memory_space<vmem>>
    %swap3A_694 = arith.constant 0 : index
    %swap3A_695 = arith.constant 320 : index
    %swap3A_696 = arith.constant 0 : index
    %swap3A_697 = vector.load %swap3A_693[%swap3A_694, %swap3A_695, %swap3A_696] : memref<1x1024x1024xf32, #tpu.memory_space<vmem>>, vector<1x32x1024xf32>
    %swap3A_698 = vector.shape_cast %swap3A_697 : vector<1x32x1024xf32> to vector<32x1024xf32>
    %swap3A_699 = vector.shape_cast %add3A_689 : vector<32x1024xf32> to vector<1x32x1024xf32>
    tpu.vector_store %swap3A_693[%swap3A_694, %swap3A_695, %swap3A_696], %swap3A_699 {strides = array<i32>} : memref<1x1024x1024xf32, #tpu.memory_space<vmem>>, vector<1x32x1024xf32>,
    %slice3A_700 = vector.extract_strided_slice %dot_general3A_554 {offsets = [11, 0], sizes = [1, 1024], strides = [1, 1]} : vector<32x1024xf32> to vector<1x1024xf32>
    %add3A_701 = vector.broadcast %slice3A_700 : vector<1x1024xf32> to vector<32x1024xf32>
    %add3A_702 = arith.addf %add3A_701, %dot_general3A_556 : vector<32x1024xf32>
    %swap3A_703 = arith.constant 1 : i32
    %swap3A_704 = arith.constant 0 : i32
    %swap3A_705 = arith.constant 0 : i32
    %swap3A_706 = tpu.memref_slice %arg4[%swap3A_703, %swap3A_704, %swap3A_705] : memref<2x1024x1024xf32, #tpu.memory_space<vmem>> -> memref<1x1024x1024xf32, #tpu.memory_space<vmem>>
    %swap3A_707 = arith.constant 0 : index
    %swap3A_708 = arith.constant 352 : index
    %swap3A_709 = arith.constant 0 : index
    %swap3A_710 = vector.load %swap3A_706[%swap3A_707, %swap3A_708, %swap3A_709] : memref<1x1024x1024xf32, #tpu.memory_space<vmem>>, vector<1x32x1024xf32>
    %swap3A_711 = vector.shape_cast %swap3A_710 : vector<1x32x1024xf32> to vector<32x1024xf32>
    %swap3A_712 = vector.shape_cast %add3A_702 : vector<32x1024xf32> to vector<1x32x1024xf32>
    tpu.vector_store %swap3A_706[%swap3A_707, %swap3A_708, %swap3A_709], %swap3A_712 {strides = array<i32>} : memref<1x1024x1024xf32, #tpu.memory_space<vmem>>, vector<1x32x1024xf32>,
    %slice3A_713 = vector.extract_strided_slice %dot_general3A_554 {offsets = [12, 0], sizes = [1, 1024], strides = [1, 1]} : vector<32x1024xf32> to vector<1x1024xf32>
    %add3A_714 = vector.broadcast %slice3A_713 : vector<1x1024xf32> to vector<32x1024xf32>
    %add3A_715 = arith.addf %add3A_714, %dot_general3A_556 : vector<32x1024xf32>
    %swap3A_716 = arith.constant 1 : i32
    %swap3A_717 = arith.constant 0 : i32
    %swap3A_718 = arith.constant 0 : i32
    %swap3A_719 = tpu.memref_slice %arg4[%swap3A_716, %swap3A_717, %swap3A_718] : memref<2x1024x1024xf32, #tpu.memory_space<vmem>> -> memref<1x1024x1024xf32, #tpu.memory_space<vmem>>
    %swap3A_720 = arith.constant 0 : index
    %swap3A_721 = arith.constant 384 : index
    %swap3A_722 = arith.constant 0 : index
    %swap3A_723 = vector.load %swap3A_719[%swap3A_720, %swap3A_721, %swap3A_722] : memref<1x1024x1024xf32, #tpu.memory_space<vmem>>, vector<1x32x1024xf32>
    %swap3A_724 = vector.shape_cast %swap3A_723 : vector<1x32x1024xf32> to vector<32x1024xf32>
    %swap3A_725 = vector.shape_cast %add3A_715 : vector<32x1024xf32> to vector<1x32x1024xf32>
    tpu.vector_store %swap3A_719[%swap3A_720, %swap3A_721, %swap3A_722], %swap3A_725 {strides = array<i32>} : memref<1x1024x1024xf32, #tpu.memory_space<vmem>>, vector<1x32x1024xf32>,
    %slice3A_726 = vector.extract_strided_slice %dot_general3A_554 {offsets = [13, 0], sizes = [1, 1024], strides = [1, 1]} : vector<32x1024xf32> to vector<1x1024xf32>
    %add3A_727 = vector.broadcast %slice3A_726 : vector<1x1024xf32> to vector<32x1024xf32>
    %add3A_728 = arith.addf %add3A_727, %dot_general3A_556 : vector<32x1024xf32>
    %swap3A_729 = arith.constant 1 : i32
    %swap3A_730 = arith.constant 0 : i32
    %swap3A_731 = arith.constant 0 : i32
    %swap3A_732 = tpu.memref_slice %arg4[%swap3A_729, %swap3A_730, %swap3A_731] : memref<2x1024x1024xf32, #tpu.memory_space<vmem>> -> memref<1x1024x1024xf32, #tpu.memory_space<vmem>>
    %swap3A_733 = arith.constant 0 : index
    %swap3A_734 = arith.constant 416 : index
    %swap3A_735 = arith.constant 0 : index
    %swap3A_736 = vector.load %swap3A_732[%swap3A_733, %swap3A_734, %swap3A_735] : memref<1x1024x1024xf32, #tpu.memory_space<vmem>>, vector<1x32x1024xf32>
    %swap3A_737 = vector.shape_cast %swap3A_736 : vector<1x32x1024xf32> to vector<32x1024xf32>
    %swap3A_738 = vector.shape_cast %add3A_728 : vector<32x1024xf32> to vector<1x32x1024xf32>
    tpu.vector_store %swap3A_732[%swap3A_733, %swap3A_734, %swap3A_735], %swap3A_738 {strides = array<i32>} : memref<1x1024x1024xf32, #tpu.memory_space<vmem>>, vector<1x32x1024xf32>,
    %slice3A_739 = vector.extract_strided_slice %dot_general3A_554 {offsets = [14, 0], sizes = [1, 1024], strides = [1, 1]} : vector<32x1024xf32> to vector<1x1024xf32>
    %add3A_740 = vector.broadcast %slice3A_739 : vector<1x1024xf32> to vector<32x1024xf32>
    %add3A_741 = arith.addf %add3A_740, %dot_general3A_556 : vector<32x1024xf32>
    %swap3A_742 = arith.constant 1 : i32
    %swap3A_743 = arith.constant 0 : i32
    %swap3A_744 = arith.constant 0 : i32
    %swap3A_745 = tpu.memref_slice %arg4[%swap3A_742, %swap3A_743, %swap3A_744] : memref<2x1024x1024xf32, #tpu.memory_space<vmem>> -> memref<1x1024x1024xf32, #tpu.memory_space<vmem>>
    %swap3A_746 = arith.constant 0 : index
    %swap3A_747 = arith.constant 448 : index
    %swap3A_748 = arith.constant 0 : index
    %swap3A_749 = vector.load %swap3A_745[%swap3A_746, %swap3A_747, %swap3A_748] : memref<1x1024x1024xf32, #tpu.memory_space<vmem>>, vector<1x32x1024xf32>
    %swap3A_750 = vector.shape_cast %swap3A_749 : vector<1x32x1024xf32> to vector<32x1024xf32>
    %swap3A_751 = vector.shape_cast %add3A_741 : vector<32x1024xf32> to vector<1x32x1024xf32>
    tpu.vector_store %swap3A_745[%swap3A_746, %swap3A_747, %swap3A_748], %swap3A_751 {strides = array<i32>} : memref<1x1024x1024xf32, #tpu.memory_space<vmem>>, vector<1x32x1024xf32>,
    %slice3A_752 = vector.extract_strided_slice %dot_general3A_554 {offsets = [15, 0], sizes = [1, 1024], strides = [1, 1]} : vector<32x1024xf32> to vector<1x1024xf32>
    %add3A_753 = vector.broadcast %slice3A_752 : vector<1x1024xf32> to vector<32x1024xf32>
    %add3A_754 = arith.addf %add3A_753, %dot_general3A_556 : vector<32x1024xf32>
    %swap3A_755 = arith.constant 1 : i32
    %swap3A_756 = arith.constant 0 : i32
    %swap3A_757 = arith.constant 0 : i32
    %swap3A_758 = tpu.memref_slice %arg4[%swap3A_755, %swap3A_756, %swap3A_757] : memref<2x1024x1024xf32, #tpu.memory_space<vmem>> -> memref<1x1024x1024xf32, #tpu.memory_space<vmem>>
    %swap3A_759 = arith.constant 0 : index
    %swap3A_760 = arith.constant 480 : index
    %swap3A_761 = arith.constant 0 : index
    %swap3A_762 = vector.load %swap3A_758[%swap3A_759, %swap3A_760, %swap3A_761] : memref<1x1024x1024xf32, #tpu.memory_space<vmem>>, vector<1x32x1024xf32>
    %swap3A_763 = vector.shape_cast %swap3A_762 : vector<1x32x1024xf32> to vector<32x1024xf32>
    %swap3A_764 = vector.shape_cast %add3A_754 : vector<32x1024xf32> to vector<1x32x1024xf32>
    tpu.vector_store %swap3A_758[%swap3A_759, %swap3A_760, %swap3A_761], %swap3A_764 {strides = array<i32>} : memref<1x1024x1024xf32, #tpu.memory_space<vmem>>, vector<1x32x1024xf32>,
    %slice3A_765 = vector.extract_strided_slice %dot_general3A_554 {offsets = [16, 0], sizes = [1, 1024], strides = [1, 1]} : vector<32x1024xf32> to vector<1x1024xf32>
    %add3A_766 = vector.broadcast %slice3A_765 : vector<1x1024xf32> to vector<32x1024xf32>
    %add3A_767 = arith.addf %add3A_766, %dot_general3A_556 : vector<32x1024xf32>
    %swap3A_768 = arith.constant 1 : i32
    %swap3A_769 = arith.constant 0 : i32
    %swap3A_770 = arith.constant 0 : i32
    %swap3A_771 = tpu.memref_slice %arg4[%swap3A_768, %swap3A_769, %swap3A_770] : memref<2x1024x1024xf32, #tpu.memory_space<vmem>> -> memref<1x1024x1024xf32, #tpu.memory_space<vmem>>
    %swap3A_772 = arith.constant 0 : index
    %swap3A_773 = arith.constant 512 : index
    %swap3A_774 = arith.constant 0 : index
    %swap3A_775 = vector.load %swap3A_771[%swap3A_772, %swap3A_773, %swap3A_774] : memref<1x1024x1024xf32, #tpu.memory_space<vmem>>, vector<1x32x1024xf32>
    %swap3A_776 = vector.shape_cast %swap3A_775 : vector<1x32x1024xf32> to vector<32x1024xf32>
    %swap3A_777 = vector.shape_cast %add3A_767 : vector<32x1024xf32> to vector<1x32x1024xf32>
    tpu.vector_store %swap3A_771[%swap3A_772, %swap3A_773, %swap3A_774], %swap3A_777 {strides = array<i32>} : memref<1x1024x1024xf32, #tpu.memory_space<vmem>>, vector<1x32x1024xf32>,
    %slice3A_778 = vector.extract_strided_slice %dot_general3A_554 {offsets = [17, 0], sizes = [1, 1024], strides = [1, 1]} : vector<32x1024xf32> to vector<1x1024xf32>
    %add3A_779 = vector.broadcast %slice3A_778 : vector<1x1024xf32> to vector<32x1024xf32>
    %add3A_780 = arith.addf %add3A_779, %dot_general3A_556 : vector<32x1024xf32>
    %swap3A_781 = arith.constant 1 : i32
    %swap3A_782 = arith.constant 0 : i32
    %swap3A_783 = arith.constant 0 : i32
    %swap3A_784 = tpu.memref_slice %arg4[%swap3A_781, %swap3A_782, %swap3A_783] : memref<2x1024x1024xf32, #tpu.memory_space<vmem>> -> memref<1x1024x1024xf32, #tpu.memory_space<vmem>>
    %swap3A_785 = arith.constant 0 : index
    %swap3A_786 = arith.constant 544 : index
    %swap3A_787 = arith.constant 0 : index
    %swap3A_788 = vector.load %swap3A_784[%swap3A_785, %swap3A_786, %swap3A_787] : memref<1x1024x1024xf32, #tpu.memory_space<vmem>>, vector<1x32x1024xf32>
    %swap3A_789 = vector.shape_cast %swap3A_788 : vector<1x32x1024xf32> to vector<32x1024xf32>
    %swap3A_790 = vector.shape_cast %add3A_780 : vector<32x1024xf32> to vector<1x32x1024xf32>
    tpu.vector_store %swap3A_784[%swap3A_785, %swap3A_786, %swap3A_787], %swap3A_790 {strides = array<i32>} : memref<1x1024x1024xf32, #tpu.memory_space<vmem>>, vector<1x32x1024xf32>,
    %slice3A_791 = vector.extract_strided_slice %dot_general3A_554 {offsets = [18, 0], sizes = [1, 1024], strides = [1, 1]} : vector<32x1024xf32> to vector<1x1024xf32>
    %add3A_792 = vector.broadcast %slice3A_791 : vector<1x1024xf32> to vector<32x1024xf32>
    %add3A_793 = arith.addf %add3A_792, %dot_general3A_556 : vector<32x1024xf32>
    %swap3A_794 = arith.constant 1 : i32
    %swap3A_795 = arith.constant 0 : i32
    %swap3A_796 = arith.constant 0 : i32
    %swap3A_797 = tpu.memref_slice %arg4[%swap3A_794, %swap3A_795, %swap3A_796] : memref<2x1024x1024xf32, #tpu.memory_space<vmem>> -> memref<1x1024x1024xf32, #tpu.memory_space<vmem>>
    %swap3A_798 = arith.constant 0 : index
    %swap3A_799 = arith.constant 576 : index
    %swap3A_800 = arith.constant 0 : index
    %swap3A_801 = vector.load %swap3A_797[%swap3A_798, %swap3A_799, %swap3A_800] : memref<1x1024x1024xf32, #tpu.memory_space<vmem>>, vector<1x32x1024xf32>
    %swap3A_802 = vector.shape_cast %swap3A_801 : vector<1x32x1024xf32> to vector<32x1024xf32>
    %swap3A_803 = vector.shape_cast %add3A_793 : vector<32x1024xf32> to vector<1x32x1024xf32>
    tpu.vector_store %swap3A_797[%swap3A_798, %swap3A_799, %swap3A_800], %swap3A_803 {strides = array<i32>} : memref<1x1024x1024xf32, #tpu.memory_space<vmem>>, vector<1x32x1024xf32>,
    %slice3A_804 = vector.extract_strided_slice %dot_general3A_554 {offsets = [19, 0], sizes = [1, 1024], strides = [1, 1]} : vector<32x1024xf32> to vector<1x1024xf32>
    %add3A_805 = vector.broadcast %slice3A_804 : vector<1x1024xf32> to vector<32x1024xf32>
    %add3A_806 = arith.addf %add3A_805, %dot_general3A_556 : vector<32x1024xf32>
    %swap3A_807 = arith.constant 1 : i32
    %swap3A_808 = arith.constant 0 : i32
    %swap3A_809 = arith.constant 0 : i32
    %swap3A_810 = tpu.memref_slice %arg4[%swap3A_807, %swap3A_808, %swap3A_809] : memref<2x1024x1024xf32, #tpu.memory_space<vmem>> -> memref<1x1024x1024xf32, #tpu.memory_space<vmem>>
    %swap3A_811 = arith.constant 0 : index
    %swap3A_812 = arith.constant 608 : index
    %swap3A_813 = arith.constant 0 : index
    %swap3A_814 = vector.load %swap3A_810[%swap3A_811, %swap3A_812, %swap3A_813] : memref<1x1024x1024xf32, #tpu.memory_space<vmem>>, vector<1x32x1024xf32>
    %swap3A_815 = vector.shape_cast %swap3A_814 : vector<1x32x1024xf32> to vector<32x1024xf32>
    %swap3A_816 = vector.shape_cast %add3A_806 : vector<32x1024xf32> to vector<1x32x1024xf32>
    tpu.vector_store %swap3A_810[%swap3A_811, %swap3A_812, %swap3A_813], %swap3A_816 {strides = array<i32>} : memref<1x1024x1024xf32, #tpu.memory_space<vmem>>, vector<1x32x1024xf32>,
    %slice3A_817 = vector.extract_strided_slice %dot_general3A_554 {offsets = [20, 0], sizes = [1, 1024], strides = [1, 1]} : vector<32x1024xf32> to vector<1x1024xf32>
    %add3A_818 = vector.broadcast %slice3A_817 : vector<1x1024xf32> to vector<32x1024xf32>
    %add3A_819 = arith.addf %add3A_818, %dot_general3A_556 : vector<32x1024xf32>
    %swap3A_820 = arith.constant 1 : i32
    %swap3A_821 = arith.constant 0 : i32
    %swap3A_822 = arith.constant 0 : i32
    %swap3A_823 = tpu.memref_slice %arg4[%swap3A_820, %swap3A_821, %swap3A_822] : memref<2x1024x1024xf32, #tpu.memory_space<vmem>> -> memref<1x1024x1024xf32, #tpu.memory_space<vmem>>
    %swap3A_824 = arith.constant 0 : index
    %swap3A_825 = arith.constant 640 : index
    %swap3A_826 = arith.constant 0 : index
    %swap3A_827 = vector.load %swap3A_823[%swap3A_824, %swap3A_825, %swap3A_826] : memref<1x1024x1024xf32, #tpu.memory_space<vmem>>, vector<1x32x1024xf32>
    %swap3A_828 = vector.shape_cast %swap3A_827 : vector<1x32x1024xf32> to vector<32x1024xf32>
    %swap3A_829 = vector.shape_cast %add3A_819 : vector<32x1024xf32> to vector<1x32x1024xf32>
    tpu.vector_store %swap3A_823[%swap3A_824, %swap3A_825, %swap3A_826], %swap3A_829 {strides = array<i32>} : memref<1x1024x1024xf32, #tpu.memory_space<vmem>>, vector<1x32x1024xf32>,
    %slice3A_830 = vector.extract_strided_slice %dot_general3A_554 {offsets = [21, 0], sizes = [1, 1024], strides = [1, 1]} : vector<32x1024xf32> to vector<1x1024xf32>
    %add3A_831 = vector.broadcast %slice3A_830 : vector<1x1024xf32> to vector<32x1024xf32>
    %add3A_832 = arith.addf %add3A_831, %dot_general3A_556 : vector<32x1024xf32>
    %swap3A_833 = arith.constant 1 : i32
    %swap3A_834 = arith.constant 0 : i32
    %swap3A_835 = arith.constant 0 : i32
    %swap3A_836 = tpu.memref_slice %arg4[%swap3A_833, %swap3A_834, %swap3A_835] : memref<2x1024x1024xf32, #tpu.memory_space<vmem>> -> memref<1x1024x1024xf32, #tpu.memory_space<vmem>>
    %swap3A_837 = arith.constant 0 : index
    %swap3A_838 = arith.constant 672 : index
    %swap3A_839 = arith.constant 0 : index
    %swap3A_840 = vector.load %swap3A_836[%swap3A_837, %swap3A_838, %swap3A_839] : memref<1x1024x1024xf32, #tpu.memory_space<vmem>>, vector<1x32x1024xf32>
    %swap3A_841 = vector.shape_cast %swap3A_840 : vector<1x32x1024xf32> to vector<32x1024xf32>
    %swap3A_842 = vector.shape_cast %add3A_832 : vector<32x1024xf32> to vector<1x32x1024xf32>
    tpu.vector_store %swap3A_836[%swap3A_837, %swap3A_838, %swap3A_839], %swap3A_842 {strides = array<i32>} : memref<1x1024x1024xf32, #tpu.memory_space<vmem>>, vector<1x32x1024xf32>,
    %slice3A_843 = vector.extract_strided_slice %dot_general3A_554 {offsets = [22, 0], sizes = [1, 1024], strides = [1, 1]} : vector<32x1024xf32> to vector<1x1024xf32>
    %add3A_844 = vector.broadcast %slice3A_843 : vector<1x1024xf32> to vector<32x1024xf32>
    %add3A_845 = arith.addf %add3A_844, %dot_general3A_556 : vector<32x1024xf32>
    %swap3A_846 = arith.constant 1 : i32
    %swap3A_847 = arith.constant 0 : i32
    %swap3A_848 = arith.constant 0 : i32
    %swap3A_849 = tpu.memref_slice %arg4[%swap3A_846, %swap3A_847, %swap3A_848] : memref<2x1024x1024xf32, #tpu.memory_space<vmem>> -> memref<1x1024x1024xf32, #tpu.memory_space<vmem>>
    %swap3A_850 = arith.constant 0 : index
    %swap3A_851 = arith.constant 704 : index
    %swap3A_852 = arith.constant 0 : index
    %swap3A_853 = vector.load %swap3A_849[%swap3A_850, %swap3A_851, %swap3A_852] : memref<1x1024x1024xf32, #tpu.memory_space<vmem>>, vector<1x32x1024xf32>
    %swap3A_854 = vector.shape_cast %swap3A_853 : vector<1x32x1024xf32> to vector<32x1024xf32>
    %swap3A_855 = vector.shape_cast %add3A_845 : vector<32x1024xf32> to vector<1x32x1024xf32>
    tpu.vector_store %swap3A_849[%swap3A_850, %swap3A_851, %swap3A_852], %swap3A_855 {strides = array<i32>} : memref<1x1024x1024xf32, #tpu.memory_space<vmem>>, vector<1x32x1024xf32>,
    %slice3A_856 = vector.extract_strided_slice %dot_general3A_554 {offsets = [23, 0], sizes = [1, 1024], strides = [1, 1]} : vector<32x1024xf32> to vector<1x1024xf32>
    %add3A_857 = vector.broadcast %slice3A_856 : vector<1x1024xf32> to vector<32x1024xf32>
    %add3A_858 = arith.addf %add3A_857, %dot_general3A_556 : vector<32x1024xf32>
    %swap3A_859 = arith.constant 1 : i32
    %swap3A_860 = arith.constant 0 : i32
    %swap3A_861 = arith.constant 0 : i32
    %swap3A_862 = tpu.memref_slice %arg4[%swap3A_859, %swap3A_860, %swap3A_861] : memref<2x1024x1024xf32, #tpu.memory_space<vmem>> -> memref<1x1024x1024xf32, #tpu.memory_space<vmem>>
    %swap3A_863 = arith.constant 0 : index
    %swap3A_864 = arith.constant 736 : index
    %swap3A_865 = arith.constant 0 : index
    %swap3A_866 = vector.load %swap3A_862[%swap3A_863, %swap3A_864, %swap3A_865] : memref<1x1024x1024xf32, #tpu.memory_space<vmem>>, vector<1x32x1024xf32>
    %swap3A_867 = vector.shape_cast %swap3A_866 : vector<1x32x1024xf32> to vector<32x1024xf32>
    %swap3A_868 = vector.shape_cast %add3A_858 : vector<32x1024xf32> to vector<1x32x1024xf32>
    tpu.vector_store %swap3A_862[%swap3A_863, %swap3A_864, %swap3A_865], %swap3A_868 {strides = array<i32>} : memref<1x1024x1024xf32, #tpu.memory_space<vmem>>, vector<1x32x1024xf32>,
    %slice3A_869 = vector.extract_strided_slice %dot_general3A_554 {offsets = [24, 0], sizes = [1, 1024], strides = [1, 1]} : vector<32x1024xf32> to vector<1x1024xf32>
    %add3A_870 = vector.broadcast %slice3A_869 : vector<1x1024xf32> to vector<32x1024xf32>
    %add3A_871 = arith.addf %add3A_870, %dot_general3A_556 : vector<32x1024xf32>
    %swap3A_872 = arith.constant 1 : i32
    %swap3A_873 = arith.constant 0 : i32
    %swap3A_874 = arith.constant 0 : i32
    %swap3A_875 = tpu.memref_slice %arg4[%swap3A_872, %swap3A_873, %swap3A_874] : memref<2x1024x1024xf32, #tpu.memory_space<vmem>> -> memref<1x1024x1024xf32, #tpu.memory_space<vmem>>
    %swap3A_876 = arith.constant 0 : index
    %swap3A_877 = arith.constant 768 : index
    %swap3A_878 = arith.constant 0 : index
    %swap3A_879 = vector.load %swap3A_875[%swap3A_876, %swap3A_877, %swap3A_878] : memref<1x1024x1024xf32, #tpu.memory_space<vmem>>, vector<1x32x1024xf32>
    %swap3A_880 = vector.shape_cast %swap3A_879 : vector<1x32x1024xf32> to vector<32x1024xf32>
    %swap3A_881 = vector.shape_cast %add3A_871 : vector<32x1024xf32> to vector<1x32x1024xf32>
    tpu.vector_store %swap3A_875[%swap3A_876, %swap3A_877, %swap3A_878], %swap3A_881 {strides = array<i32>} : memref<1x1024x1024xf32, #tpu.memory_space<vmem>>, vector<1x32x1024xf32>,
    %slice3A_882 = vector.extract_strided_slice %dot_general3A_554 {offsets = [25, 0], sizes = [1, 1024], strides = [1, 1]} : vector<32x1024xf32> to vector<1x1024xf32>
    %add3A_883 = vector.broadcast %slice3A_882 : vector<1x1024xf32> to vector<32x1024xf32>
    %add3A_884 = arith.addf %add3A_883, %dot_general3A_556 : vector<32x1024xf32>
    %swap3A_885 = arith.constant 1 : i32
    %swap3A_886 = arith.constant 0 : i32
    %swap3A_887 = arith.constant 0 : i32
    %swap3A_888 = tpu.memref_slice %arg4[%swap3A_885, %swap3A_886, %swap3A_887] : memref<2x1024x1024xf32, #tpu.memory_space<vmem>> -> memref<1x1024x1024xf32, #tpu.memory_space<vmem>>
    %swap3A_889 = arith.constant 0 : index
    %swap3A_890 = arith.constant 800 : index
    %swap3A_891 = arith.constant 0 : index
    %swap3A_892 = vector.load %swap3A_888[%swap3A_889, %swap3A_890, %swap3A_891] : memref<1x1024x1024xf32, #tpu.memory_space<vmem>>, vector<1x32x1024xf32>
    %swap3A_893 = vector.shape_cast %swap3A_892 : vector<1x32x1024xf32> to vector<32x1024xf32>
    %swap3A_894 = vector.shape_cast %add3A_884 : vector<32x1024xf32> to vector<1x32x1024xf32>
    tpu.vector_store %swap3A_888[%swap3A_889, %swap3A_890, %swap3A_891], %swap3A_894 {strides = array<i32>} : memref<1x1024x1024xf32, #tpu.memory_space<vmem>>, vector<1x32x1024xf32>,
    %slice3A_895 = vector.extract_strided_slice %dot_general3A_554 {offsets = [26, 0], sizes = [1, 1024], strides = [1, 1]} : vector<32x1024xf32> to vector<1x1024xf32>
    %add3A_896 = vector.broadcast %slice3A_895 : vector<1x1024xf32> to vector<32x1024xf32>
    %add3A_897 = arith.addf %add3A_896, %dot_general3A_556 : vector<32x1024xf32>
    %swap3A_898 = arith.constant 1 : i32
    %swap3A_899 = arith.constant 0 : i32
    %swap3A_900 = arith.constant 0 : i32
    %swap3A_901 = tpu.memref_slice %arg4[%swap3A_898, %swap3A_899, %swap3A_900] : memref<2x1024x1024xf32, #tpu.memory_space<vmem>> -> memref<1x1024x1024xf32, #tpu.memory_space<vmem>>
    %swap3A_902 = arith.constant 0 : index
    %swap3A_903 = arith.constant 832 : index
    %swap3A_904 = arith.constant 0 : index
    %swap3A_905 = vector.load %swap3A_901[%swap3A_902, %swap3A_903, %swap3A_904] : memref<1x1024x1024xf32, #tpu.memory_space<vmem>>, vector<1x32x1024xf32>
    %swap3A_906 = vector.shape_cast %swap3A_905 : vector<1x32x1024xf32> to vector<32x1024xf32>
    %swap3A_907 = vector.shape_cast %add3A_897 : vector<32x1024xf32> to vector<1x32x1024xf32>
    tpu.vector_store %swap3A_901[%swap3A_902, %swap3A_903, %swap3A_904], %swap3A_907 {strides = array<i32>} : memref<1x1024x1024xf32, #tpu.memory_space<vmem>>, vector<1x32x1024xf32>,
    %slice3A_908 = vector.extract_strided_slice %dot_general3A_554 {offsets = [27, 0], sizes = [1, 1024], strides = [1, 1]} : vector<32x1024xf32> to vector<1x1024xf32>
    %add3A_909 = vector.broadcast %slice3A_908 : vector<1x1024xf32> to vector<32x1024xf32>
    %add3A_910 = arith.addf %add3A_909, %dot_general3A_556 : vector<32x1024xf32>
    %swap3A_911 = arith.constant 1 : i32
    %swap3A_912 = arith.constant 0 : i32
    %swap3A_913 = arith.constant 0 : i32
    %swap3A_914 = tpu.memref_slice %arg4[%swap3A_911, %swap3A_912, %swap3A_913] : memref<2x1024x1024xf32, #tpu.memory_space<vmem>> -> memref<1x1024x1024xf32, #tpu.memory_space<vmem>>
    %swap3A_915 = arith.constant 0 : index
    %swap3A_916 = arith.constant 864 : index
    %swap3A_917 = arith.constant 0 : index
    %swap3A_918 = vector.load %swap3A_914[%swap3A_915, %swap3A_916, %swap3A_917] : memref<1x1024x1024xf32, #tpu.memory_space<vmem>>, vector<1x32x1024xf32>
    %swap3A_919 = vector.shape_cast %swap3A_918 : vector<1x32x1024xf32> to vector<32x1024xf32>
    %swap3A_920 = vector.shape_cast %add3A_910 : vector<32x1024xf32> to vector<1x32x1024xf32>
    tpu.vector_store %swap3A_914[%swap3A_915, %swap3A_916, %swap3A_917], %swap3A_920 {strides = array<i32>} : memref<1x1024x1024xf32, #tpu.memory_space<vmem>>, vector<1x32x1024xf32>,
    %slice3A_921 = vector.extract_strided_slice %dot_general3A_554 {offsets = [28, 0], sizes = [1, 1024], strides = [1, 1]} : vector<32x1024xf32> to vector<1x1024xf32>
    %add3A_922 = vector.broadcast %slice3A_921 : vector<1x1024xf32> to vector<32x1024xf32>
    %add3A_923 = arith.addf %add3A_922, %dot_general3A_556 : vector<32x1024xf32>
    %swap3A_924 = arith.constant 1 : i32
    %swap3A_925 = arith.constant 0 : i32
    %swap3A_926 = arith.constant 0 : i32
    %swap3A_927 = tpu.memref_slice %arg4[%swap3A_924, %swap3A_925, %swap3A_926] : memref<2x1024x1024xf32, #tpu.memory_space<vmem>> -> memref<1x1024x1024xf32, #tpu.memory_space<vmem>>
    %swap3A_928 = arith.constant 0 : index
    %swap3A_929 = arith.constant 896 : index
    %swap3A_930 = arith.constant 0 : index
    %swap3A_931 = vector.load %swap3A_927[%swap3A_928, %swap3A_929, %swap3A_930] : memref<1x1024x1024xf32, #tpu.memory_space<vmem>>, vector<1x32x1024xf32>
    %swap3A_932 = vector.shape_cast %swap3A_931 : vector<1x32x1024xf32> to vector<32x1024xf32>
    %swap3A_933 = vector.shape_cast %add3A_923 : vector<32x1024xf32> to vector<1x32x1024xf32>
    tpu.vector_store %swap3A_927[%swap3A_928, %swap3A_929, %swap3A_930], %swap3A_933 {strides = array<i32>} : memref<1x1024x1024xf32, #tpu.memory_space<vmem>>, vector<1x32x1024xf32>,
    %slice3A_934 = vector.extract_strided_slice %dot_general3A_554 {offsets = [29, 0], sizes = [1, 1024], strides = [1, 1]} : vector<32x1024xf32> to vector<1x1024xf32>
    %add3A_935 = vector.broadcast %slice3A_934 : vector<1x1024xf32> to vector<32x1024xf32>
    %add3A_936 = arith.addf %add3A_935, %dot_general3A_556 : vector<32x1024xf32>
    %swap3A_937 = arith.constant 1 : i32
    %swap3A_938 = arith.constant 0 : i32
    %swap3A_939 = arith.constant 0 : i32
    %swap3A_940 = tpu.memref_slice %arg4[%swap3A_937, %swap3A_938, %swap3A_939] : memref<2x1024x1024xf32, #tpu.memory_space<vmem>> -> memref<1x1024x1024xf32, #tpu.memory_space<vmem>>
    %swap3A_941 = arith.constant 0 : index
    %swap3A_942 = arith.constant 928 : index
    %swap3A_943 = arith.constant 0 : index
    %swap3A_944 = vector.load %swap3A_940[%swap3A_941, %swap3A_942, %swap3A_943] : memref<1x1024x1024xf32, #tpu.memory_space<vmem>>, vector<1x32x1024xf32>
    %swap3A_945 = vector.shape_cast %swap3A_944 : vector<1x32x1024xf32> to vector<32x1024xf32>
    %swap3A_946 = vector.shape_cast %add3A_936 : vector<32x1024xf32> to vector<1x32x1024xf32>
    tpu.vector_store %swap3A_940[%swap3A_941, %swap3A_942, %swap3A_943], %swap3A_946 {strides = array<i32>} : memref<1x1024x1024xf32, #tpu.memory_space<vmem>>, vector<1x32x1024xf32>,
    %slice3A_947 = vector.extract_strided_slice %dot_general3A_554 {offsets = [30, 0], sizes = [1, 1024], strides = [1, 1]} : vector<32x1024xf32> to vector<1x1024xf32>
    %add3A_948 = vector.broadcast %slice3A_947 : vector<1x1024xf32> to vector<32x1024xf32>
    %add3A_949 = arith.addf %add3A_948, %dot_general3A_556 : vector<32x1024xf32>
    %swap3A_950 = arith.constant 1 : i32
    %swap3A_951 = arith.constant 0 : i32
    %swap3A_952 = arith.constant 0 : i32
    %swap3A_953 = tpu.memref_slice %arg4[%swap3A_950, %swap3A_951, %swap3A_952] : memref<2x1024x1024xf32, #tpu.memory_space<vmem>> -> memref<1x1024x1024xf32, #tpu.memory_space<vmem>>
    %swap3A_954 = arith.constant 0 : index
    %swap3A_955 = arith.constant 960 : index
    %swap3A_956 = arith.constant 0 : index
    %swap3A_957 = vector.load %swap3A_953[%swap3A_954, %swap3A_955, %swap3A_956] : memref<1x1024x1024xf32, #tpu.memory_space<vmem>>, vector<1x32x1024xf32>
    %swap3A_958 = vector.shape_cast %swap3A_957 : vector<1x32x1024xf32> to vector<32x1024xf32>
    %swap3A_959 = vector.shape_cast %add3A_949 : vector<32x1024xf32> to vector<1x32x1024xf32>
    tpu.vector_store %swap3A_953[%swap3A_954, %swap3A_955, %swap3A_956], %swap3A_959 {strides = array<i32>} : memref<1x1024x1024xf32, #tpu.memory_space<vmem>>, vector<1x32x1024xf32>,
    %slice3A_960 = vector.extract_strided_slice %dot_general3A_554 {offsets = [31, 0], sizes = [1, 1024], strides = [1, 1]} : vector<32x1024xf32> to vector<1x1024xf32>
    %add3A_961 = vector.broadcast %slice3A_960 : vector<1x1024xf32> to vector<32x1024xf32>
    %add3A_962 = arith.addf %add3A_961, %dot_general3A_556 : vector<32x1024xf32>
    %swap3A_963 = arith.constant 1 : i32
    %swap3A_964 = arith.constant 0 : i32
    %swap3A_965 = arith.constant 0 : i32
    %swap3A_966 = tpu.memref_slice %arg4[%swap3A_963, %swap3A_964, %swap3A_965] : memref<2x1024x1024xf32, #tpu.memory_space<vmem>> -> memref<1x1024x1024xf32, #tpu.memory_space<vmem>>
    %swap3A_967 = arith.constant 0 : index
    %swap3A_968 = arith.constant 992 : index
    %swap3A_969 = arith.constant 0 : index
    %swap3A_970 = vector.load %swap3A_966[%swap3A_967, %swap3A_968, %swap3A_969] : memref<1x1024x1024xf32, #tpu.memory_space<vmem>>, vector<1x32x1024xf32>
    %swap3A_971 = vector.shape_cast %swap3A_970 : vector<1x32x1024xf32> to vector<32x1024xf32>
    %swap3A_972 = vector.shape_cast %add3A_962 : vector<32x1024xf32> to vector<1x32x1024xf32>
    tpu.vector_store %swap3A_966[%swap3A_967, %swap3A_968, %swap3A_969], %swap3A_972 {strides = array<i32>} : memref<1x1024x1024xf32, #tpu.memory_space<vmem>>, vector<1x32x1024xf32>,
    return
  }
  func.func @transform_0(%arg0: i32) -> (i32, i32, i32, i32) {
    %add3A = arith.constant 5 : i32
    %add3A_0 = arith.addi %arg0, %add3A : i32
    %c0_i32 = arith.constant 0 : i32
    %c0_i32_1 = arith.constant 0 : i32
    %c0_i32_2 = arith.constant 0 : i32
    %c0_i32_3 = arith.constant 0 : i32
    return %c0_i32, %add3A_0, %c0_i32_1, %c0_i32_2 : i32, i32, i32, i32
  }
  func.func @transform_1(%arg0: i32) -> (i32, i32, i32, i32) {
    %add3A = arith.constant 5 : i32
    %add3A_0 = arith.addi %arg0, %add3A : i32
    %c0_i32 = arith.constant 0 : i32
    %c0_i32_1 = arith.constant 0 : i32
    %c0_i32_2 = arith.constant 0 : i32
    %c0_i32_3 = arith.constant 0 : i32
    return %c0_i32, %add3A_0, %c0_i32_1, %c0_i32_2 : i32, i32, i32, i32
  }
  func.func @transform_3(%arg0: i32) -> (i32, i32, i32) {
    %add3A = arith.constant 5 : i32
    %add3A_0 = arith.addi %arg0, %add3A : i32
    %c0_i32 = arith.constant 0 : i32
    %c0_i32_1 = arith.constant 0 : i32
    %c0_i32_2 = arith.constant 0 : i32
    return %add3A_0, %c0_i32, %c0_i32_1 : i32, i32, i32
  }
}

module attributes {stable_mosaic.version = 14 : i64} {
  func.func @body(%arg0: i32, %arg1: memref<16x1x63xf32, #tpu.memory_space<smem>>, %arg2: memref<16x1x63xf32, #tpu.memory_space<smem>>, %arg3: memref<2x1024x1024xf32, #tpu.memory_space<vmem>>) attributes {dimension_semantics = [#tpu.dimension_semantics<arbitrary>], iteration_bounds = array<i64: 5>, scalar_prefetch = 0 : i64, scratch_operands = 0 : i64, tpu.core_type = #tpu.core_type<tc>, window_params = [{transform_indices = @transform_0, window_bounds = array<i64: 16, 1, 63>}, {transform_indices = @transform_1, window_bounds = array<i64: 16, 1, 63>}, {transform_indices = @transform_2, window_bounds = array<i64: 2, 1024, 1024>}]} {
    %iota3A = tpu.iota {dimensions = array<i32: 0>} : vector<32x32xi32>
    %iota3A_0 = tpu.iota {dimensions = array<i32: 1>} : vector<32x32xi32>
    %sub3A = arith.subi %iota3A, %iota3A_0 : vector<32x32xi32>
    %add3A = arith.constant 31 : i32
    %add3A_1 = vector.broadcast %add3A : i32 to vector<32x32xi32>
    %add3A_2 = arith.addi %sub3A, %add3A_1 : vector<32x32xi32>
    %iota3A_3 = tpu.iota {dimensions = array<i32: 0>} : vector<32x32xi32>
    %iota3A_4 = tpu.iota {dimensions = array<i32: 1>} : vector<32x32xi32>
    %sub3A_5 = arith.subi %iota3A_3, %iota3A_4 : vector<32x32xi32>
    %add3A_6 = arith.constant 31 : i32
    %add3A_7 = vector.broadcast %add3A_6 : i32 to vector<32x32xi32>
    %add3A_8 = arith.addi %sub3A_5, %add3A_7 : vector<32x32xi32>
    %mul3A = arith.constant 2 : i32
    %mul3A_9 = arith.muli %arg0, %mul3A : i32
    %add3A_10 = arith.constant 0 : i32
    %add3A_11 = arith.addi %mul3A_9, %add3A_10 : i32
    %broadcast_in_dim3A = arith.constant 0.000000e+00 : f32
    %broadcast_in_dim3A_12 = vector.broadcast %broadcast_in_dim3A : f32 to vector<32x32xf32>
    %broadcast_in_dim3A_13 = arith.constant 0.000000e+00 : f32
    %broadcast_in_dim3A_14 = vector.broadcast %broadcast_in_dim3A_13 : f32 to vector<32x32xf32>
    %eq3A = arith.constant 0 : i32
    %eq3A_15 = vector.broadcast %eq3A : i32 to vector<32x32xi32>
    %eq3A_16 = arith.cmpi eq, %add3A_2, %eq3A_15 : vector<32x32xi32>
    %get3A = arith.index_cast %add3A_11 : i32 to index
    %get3A_17 = arith.constant 0 : index
    %get3A_18 = arith.constant 0 : index
    %get3A_19 = memref.load %arg1[%get3A, %get3A_17, %get3A_18] : memref<16x1x63xf32, #tpu.memory_space<smem>>
    %broadcast_in_dim3A_20 = vector.broadcast %get3A_19 : f32 to vector<32x32xf32>
    %select_n3A = arith.select %eq3A_16, %broadcast_in_dim3A_20, %broadcast_in_dim3A_12 : vector<32x32xi1>, vector<32x32xf32>
    %eq3A_21 = arith.constant 1 : i32
    %eq3A_22 = vector.broadcast %eq3A_21 : i32 to vector<32x32xi32>
    %eq3A_23 = arith.cmpi eq, %add3A_2, %eq3A_22 : vector<32x32xi32>
    %get3A_24 = arith.index_cast %add3A_11 : i32 to index
    %get3A_25 = arith.constant 0 : index
    %get3A_26 = arith.constant 1 : index
    %get3A_27 = memref.load %arg1[%get3A_24, %get3A_25, %get3A_26] : memref<16x1x63xf32, #tpu.memory_space<smem>>
    %broadcast_in_dim3A_28 = vector.broadcast %get3A_27 : f32 to vector<32x32xf32>
    %select_n3A_29 = arith.select %eq3A_23, %broadcast_in_dim3A_28, %select_n3A : vector<32x32xi1>, vector<32x32xf32>
    %eq3A_30 = arith.constant 2 : i32
    %eq3A_31 = vector.broadcast %eq3A_30 : i32 to vector<32x32xi32>
    %eq3A_32 = arith.cmpi eq, %add3A_2, %eq3A_31 : vector<32x32xi32>
    %get3A_33 = arith.index_cast %add3A_11 : i32 to index
    %get3A_34 = arith.constant 0 : index
    %get3A_35 = arith.constant 2 : index
    %get3A_36 = memref.load %arg1[%get3A_33, %get3A_34, %get3A_35] : memref<16x1x63xf32, #tpu.memory_space<smem>>
    %broadcast_in_dim3A_37 = vector.broadcast %get3A_36 : f32 to vector<32x32xf32>
    %select_n3A_38 = arith.select %eq3A_32, %broadcast_in_dim3A_37, %select_n3A_29 : vector<32x32xi1>, vector<32x32xf32>
    %eq3A_39 = arith.constant 3 : i32
    %eq3A_40 = vector.broadcast %eq3A_39 : i32 to vector<32x32xi32>
    %eq3A_41 = arith.cmpi eq, %add3A_2, %eq3A_40 : vector<32x32xi32>
    %get3A_42 = arith.index_cast %add3A_11 : i32 to index
    %get3A_43 = arith.constant 0 : index
    %get3A_44 = arith.constant 3 : index
    %get3A_45 = memref.load %arg1[%get3A_42, %get3A_43, %get3A_44] : memref<16x1x63xf32, #tpu.memory_space<smem>>
    %broadcast_in_dim3A_46 = vector.broadcast %get3A_45 : f32 to vector<32x32xf32>
    %select_n3A_47 = arith.select %eq3A_41, %broadcast_in_dim3A_46, %select_n3A_38 : vector<32x32xi1>, vector<32x32xf32>
    %eq3A_48 = arith.constant 4 : i32
    %eq3A_49 = vector.broadcast %eq3A_48 : i32 to vector<32x32xi32>
    %eq3A_50 = arith.cmpi eq, %add3A_2, %eq3A_49 : vector<32x32xi32>
    %get3A_51 = arith.index_cast %add3A_11 : i32 to index
    %get3A_52 = arith.constant 0 : index
    %get3A_53 = arith.constant 4 : index
    %get3A_54 = memref.load %arg1[%get3A_51, %get3A_52, %get3A_53] : memref<16x1x63xf32, #tpu.memory_space<smem>>
    %broadcast_in_dim3A_55 = vector.broadcast %get3A_54 : f32 to vector<32x32xf32>
    %select_n3A_56 = arith.select %eq3A_50, %broadcast_in_dim3A_55, %select_n3A_47 : vector<32x32xi1>, vector<32x32xf32>
    %eq3A_57 = arith.constant 5 : i32
    %eq3A_58 = vector.broadcast %eq3A_57 : i32 to vector<32x32xi32>
    %eq3A_59 = arith.cmpi eq, %add3A_2, %eq3A_58 : vector<32x32xi32>
    %get3A_60 = arith.index_cast %add3A_11 : i32 to index
    %get3A_61 = arith.constant 0 : index
    %get3A_62 = arith.constant 5 : index
    %get3A_63 = memref.load %arg1[%get3A_60, %get3A_61, %get3A_62] : memref<16x1x63xf32, #tpu.memory_space<smem>>
    %broadcast_in_dim3A_64 = vector.broadcast %get3A_63 : f32 to vector<32x32xf32>
    %select_n3A_65 = arith.select %eq3A_59, %broadcast_in_dim3A_64, %select_n3A_56 : vector<32x32xi1>, vector<32x32xf32>
    %eq3A_66 = arith.constant 6 : i32
    %eq3A_67 = vector.broadcast %eq3A_66 : i32 to vector<32x32xi32>
    %eq3A_68 = arith.cmpi eq, %add3A_2, %eq3A_67 : vector<32x32xi32>
    %get3A_69 = arith.index_cast %add3A_11 : i32 to index
    %get3A_70 = arith.constant 0 : index
    %get3A_71 = arith.constant 6 : index
    %get3A_72 = memref.load %arg1[%get3A_69, %get3A_70, %get3A_71] : memref<16x1x63xf32, #tpu.memory_space<smem>>
    %broadcast_in_dim3A_73 = vector.broadcast %get3A_72 : f32 to vector<32x32xf32>
    %select_n3A_74 = arith.select %eq3A_68, %broadcast_in_dim3A_73, %select_n3A_65 : vector<32x32xi1>, vector<32x32xf32>
    %eq3A_75 = arith.constant 7 : i32
    %eq3A_76 = vector.broadcast %eq3A_75 : i32 to vector<32x32xi32>
    %eq3A_77 = arith.cmpi eq, %add3A_2, %eq3A_76 : vector<32x32xi32>
    %get3A_78 = arith.index_cast %add3A_11 : i32 to index
    %get3A_79 = arith.constant 0 : index
    %get3A_80 = arith.constant 7 : index
    %get3A_81 = memref.load %arg1[%get3A_78, %get3A_79, %get3A_80] : memref<16x1x63xf32, #tpu.memory_space<smem>>
    %broadcast_in_dim3A_82 = vector.broadcast %get3A_81 : f32 to vector<32x32xf32>
    %select_n3A_83 = arith.select %eq3A_77, %broadcast_in_dim3A_82, %select_n3A_74 : vector<32x32xi1>, vector<32x32xf32>
    %eq3A_84 = arith.constant 8 : i32
    %eq3A_85 = vector.broadcast %eq3A_84 : i32 to vector<32x32xi32>
    %eq3A_86 = arith.cmpi eq, %add3A_2, %eq3A_85 : vector<32x32xi32>
    %get3A_87 = arith.index_cast %add3A_11 : i32 to index
    %get3A_88 = arith.constant 0 : index
    %get3A_89 = arith.constant 8 : index
    %get3A_90 = memref.load %arg1[%get3A_87, %get3A_88, %get3A_89] : memref<16x1x63xf32, #tpu.memory_space<smem>>
    %broadcast_in_dim3A_91 = vector.broadcast %get3A_90 : f32 to vector<32x32xf32>
    %select_n3A_92 = arith.select %eq3A_86, %broadcast_in_dim3A_91, %select_n3A_83 : vector<32x32xi1>, vector<32x32xf32>
    %eq3A_93 = arith.constant 9 : i32
    %eq3A_94 = vector.broadcast %eq3A_93 : i32 to vector<32x32xi32>
    %eq3A_95 = arith.cmpi eq, %add3A_2, %eq3A_94 : vector<32x32xi32>
    %get3A_96 = arith.index_cast %add3A_11 : i32 to index
    %get3A_97 = arith.constant 0 : index
    %get3A_98 = arith.constant 9 : index
    %get3A_99 = memref.load %arg1[%get3A_96, %get3A_97, %get3A_98] : memref<16x1x63xf32, #tpu.memory_space<smem>>
    %broadcast_in_dim3A_100 = vector.broadcast %get3A_99 : f32 to vector<32x32xf32>
    %select_n3A_101 = arith.select %eq3A_95, %broadcast_in_dim3A_100, %select_n3A_92 : vector<32x32xi1>, vector<32x32xf32>
    %eq3A_102 = arith.constant 10 : i32
    %eq3A_103 = vector.broadcast %eq3A_102 : i32 to vector<32x32xi32>
    %eq3A_104 = arith.cmpi eq, %add3A_2, %eq3A_103 : vector<32x32xi32>
    %get3A_105 = arith.index_cast %add3A_11 : i32 to index
    %get3A_106 = arith.constant 0 : index
    %get3A_107 = arith.constant 10 : index
    %get3A_108 = memref.load %arg1[%get3A_105, %get3A_106, %get3A_107] : memref<16x1x63xf32, #tpu.memory_space<smem>>
    %broadcast_in_dim3A_109 = vector.broadcast %get3A_108 : f32 to vector<32x32xf32>
    %select_n3A_110 = arith.select %eq3A_104, %broadcast_in_dim3A_109, %select_n3A_101 : vector<32x32xi1>, vector<32x32xf32>
    %eq3A_111 = arith.constant 11 : i32
    %eq3A_112 = vector.broadcast %eq3A_111 : i32 to vector<32x32xi32>
    %eq3A_113 = arith.cmpi eq, %add3A_2, %eq3A_112 : vector<32x32xi32>
    %get3A_114 = arith.index_cast %add3A_11 : i32 to index
    %get3A_115 = arith.constant 0 : index
    %get3A_116 = arith.constant 11 : index
    %get3A_117 = memref.load %arg1[%get3A_114, %get3A_115, %get3A_116] : memref<16x1x63xf32, #tpu.memory_space<smem>>
    %broadcast_in_dim3A_118 = vector.broadcast %get3A_117 : f32 to vector<32x32xf32>
    %select_n3A_119 = arith.select %eq3A_113, %broadcast_in_dim3A_118, %select_n3A_110 : vector<32x32xi1>, vector<32x32xf32>
    %eq3A_120 = arith.constant 12 : i32
    %eq3A_121 = vector.broadcast %eq3A_120 : i32 to vector<32x32xi32>
    %eq3A_122 = arith.cmpi eq, %add3A_2, %eq3A_121 : vector<32x32xi32>
    %get3A_123 = arith.index_cast %add3A_11 : i32 to index
    %get3A_124 = arith.constant 0 : index
    %get3A_125 = arith.constant 12 : index
    %get3A_126 = memref.load %arg1[%get3A_123, %get3A_124, %get3A_125] : memref<16x1x63xf32, #tpu.memory_space<smem>>
    %broadcast_in_dim3A_127 = vector.broadcast %get3A_126 : f32 to vector<32x32xf32>
    %select_n3A_128 = arith.select %eq3A_122, %broadcast_in_dim3A_127, %select_n3A_119 : vector<32x32xi1>, vector<32x32xf32>
    %eq3A_129 = arith.constant 13 : i32
    %eq3A_130 = vector.broadcast %eq3A_129 : i32 to vector<32x32xi32>
    %eq3A_131 = arith.cmpi eq, %add3A_2, %eq3A_130 : vector<32x32xi32>
    %get3A_132 = arith.index_cast %add3A_11 : i32 to index
    %get3A_133 = arith.constant 0 : index
    %get3A_134 = arith.constant 13 : index
    %get3A_135 = memref.load %arg1[%get3A_132, %get3A_133, %get3A_134] : memref<16x1x63xf32, #tpu.memory_space<smem>>
    %broadcast_in_dim3A_136 = vector.broadcast %get3A_135 : f32 to vector<32x32xf32>
    %select_n3A_137 = arith.select %eq3A_131, %broadcast_in_dim3A_136, %select_n3A_128 : vector<32x32xi1>, vector<32x32xf32>
    %eq3A_138 = arith.constant 14 : i32
    %eq3A_139 = vector.broadcast %eq3A_138 : i32 to vector<32x32xi32>
    %eq3A_140 = arith.cmpi eq, %add3A_2, %eq3A_139 : vector<32x32xi32>
    %get3A_141 = arith.index_cast %add3A_11 : i32 to index
    %get3A_142 = arith.constant 0 : index
    %get3A_143 = arith.constant 14 : index
    %get3A_144 = memref.load %arg1[%get3A_141, %get3A_142, %get3A_143] : memref<16x1x63xf32, #tpu.memory_space<smem>>
    %broadcast_in_dim3A_145 = vector.broadcast %get3A_144 : f32 to vector<32x32xf32>
    %select_n3A_146 = arith.select %eq3A_140, %broadcast_in_dim3A_145, %select_n3A_137 : vector<32x32xi1>, vector<32x32xf32>
    %eq3A_147 = arith.constant 15 : i32
    %eq3A_148 = vector.broadcast %eq3A_147 : i32 to vector<32x32xi32>
    %eq3A_149 = arith.cmpi eq, %add3A_2, %eq3A_148 : vector<32x32xi32>
    %get3A_150 = arith.index_cast %add3A_11 : i32 to index
    %get3A_151 = arith.constant 0 : index
    %get3A_152 = arith.constant 15 : index
    %get3A_153 = memref.load %arg1[%get3A_150, %get3A_151, %get3A_152] : memref<16x1x63xf32, #tpu.memory_space<smem>>
    %broadcast_in_dim3A_154 = vector.broadcast %get3A_153 : f32 to vector<32x32xf32>
    %select_n3A_155 = arith.select %eq3A_149, %broadcast_in_dim3A_154, %select_n3A_146 : vector<32x32xi1>, vector<32x32xf32>
    %eq3A_156 = arith.constant 16 : i32
    %eq3A_157 = vector.broadcast %eq3A_156 : i32 to vector<32x32xi32>
    %eq3A_158 = arith.cmpi eq, %add3A_2, %eq3A_157 : vector<32x32xi32>
    %get3A_159 = arith.index_cast %add3A_11 : i32 to index
    %get3A_160 = arith.constant 0 : index
    %get3A_161 = arith.constant 16 : index
    %get3A_162 = memref.load %arg1[%get3A_159, %get3A_160, %get3A_161] : memref<16x1x63xf32, #tpu.memory_space<smem>>
    %broadcast_in_dim3A_163 = vector.broadcast %get3A_162 : f32 to vector<32x32xf32>
    %select_n3A_164 = arith.select %eq3A_158, %broadcast_in_dim3A_163, %select_n3A_155 : vector<32x32xi1>, vector<32x32xf32>
    %eq3A_165 = arith.constant 17 : i32
    %eq3A_166 = vector.broadcast %eq3A_165 : i32 to vector<32x32xi32>
    %eq3A_167 = arith.cmpi eq, %add3A_2, %eq3A_166 : vector<32x32xi32>
    %get3A_168 = arith.index_cast %add3A_11 : i32 to index
    %get3A_169 = arith.constant 0 : index
    %get3A_170 = arith.constant 17 : index
    %get3A_171 = memref.load %arg1[%get3A_168, %get3A_169, %get3A_170] : memref<16x1x63xf32, #tpu.memory_space<smem>>
    %broadcast_in_dim3A_172 = vector.broadcast %get3A_171 : f32 to vector<32x32xf32>
    %select_n3A_173 = arith.select %eq3A_167, %broadcast_in_dim3A_172, %select_n3A_164 : vector<32x32xi1>, vector<32x32xf32>
    %eq3A_174 = arith.constant 18 : i32
    %eq3A_175 = vector.broadcast %eq3A_174 : i32 to vector<32x32xi32>
    %eq3A_176 = arith.cmpi eq, %add3A_2, %eq3A_175 : vector<32x32xi32>
    %get3A_177 = arith.index_cast %add3A_11 : i32 to index
    %get3A_178 = arith.constant 0 : index
    %get3A_179 = arith.constant 18 : index
    %get3A_180 = memref.load %arg1[%get3A_177, %get3A_178, %get3A_179] : memref<16x1x63xf32, #tpu.memory_space<smem>>
    %broadcast_in_dim3A_181 = vector.broadcast %get3A_180 : f32 to vector<32x32xf32>
    %select_n3A_182 = arith.select %eq3A_176, %broadcast_in_dim3A_181, %select_n3A_173 : vector<32x32xi1>, vector<32x32xf32>
    %eq3A_183 = arith.constant 19 : i32
    %eq3A_184 = vector.broadcast %eq3A_183 : i32 to vector<32x32xi32>
    %eq3A_185 = arith.cmpi eq, %add3A_2, %eq3A_184 : vector<32x32xi32>
    %get3A_186 = arith.index_cast %add3A_11 : i32 to index
    %get3A_187 = arith.constant 0 : index
    %get3A_188 = arith.constant 19 : index
    %get3A_189 = memref.load %arg1[%get3A_186, %get3A_187, %get3A_188] : memref<16x1x63xf32, #tpu.memory_space<smem>>
    %broadcast_in_dim3A_190 = vector.broadcast %get3A_189 : f32 to vector<32x32xf32>
    %select_n3A_191 = arith.select %eq3A_185, %broadcast_in_dim3A_190, %select_n3A_182 : vector<32x32xi1>, vector<32x32xf32>
    %eq3A_192 = arith.constant 20 : i32
    %eq3A_193 = vector.broadcast %eq3A_192 : i32 to vector<32x32xi32>
    %eq3A_194 = arith.cmpi eq, %add3A_2, %eq3A_193 : vector<32x32xi32>
    %get3A_195 = arith.index_cast %add3A_11 : i32 to index
    %get3A_196 = arith.constant 0 : index
    %get3A_197 = arith.constant 20 : index
    %get3A_198 = memref.load %arg1[%get3A_195, %get3A_196, %get3A_197] : memref<16x1x63xf32, #tpu.memory_space<smem>>
    %broadcast_in_dim3A_199 = vector.broadcast %get3A_198 : f32 to vector<32x32xf32>
    %select_n3A_200 = arith.select %eq3A_194, %broadcast_in_dim3A_199, %select_n3A_191 : vector<32x32xi1>, vector<32x32xf32>
    %eq3A_201 = arith.constant 21 : i32
    %eq3A_202 = vector.broadcast %eq3A_201 : i32 to vector<32x32xi32>
    %eq3A_203 = arith.cmpi eq, %add3A_2, %eq3A_202 : vector<32x32xi32>
    %get3A_204 = arith.index_cast %add3A_11 : i32 to index
    %get3A_205 = arith.constant 0 : index
    %get3A_206 = arith.constant 21 : index
    %get3A_207 = memref.load %arg1[%get3A_204, %get3A_205, %get3A_206] : memref<16x1x63xf32, #tpu.memory_space<smem>>
    %broadcast_in_dim3A_208 = vector.broadcast %get3A_207 : f32 to vector<32x32xf32>
    %select_n3A_209 = arith.select %eq3A_203, %broadcast_in_dim3A_208, %select_n3A_200 : vector<32x32xi1>, vector<32x32xf32>
    %eq3A_210 = arith.constant 22 : i32
    %eq3A_211 = vector.broadcast %eq3A_210 : i32 to vector<32x32xi32>
    %eq3A_212 = arith.cmpi eq, %add3A_2, %eq3A_211 : vector<32x32xi32>
    %get3A_213 = arith.index_cast %add3A_11 : i32 to index
    %get3A_214 = arith.constant 0 : index
    %get3A_215 = arith.constant 22 : index
    %get3A_216 = memref.load %arg1[%get3A_213, %get3A_214, %get3A_215] : memref<16x1x63xf32, #tpu.memory_space<smem>>
    %broadcast_in_dim3A_217 = vector.broadcast %get3A_216 : f32 to vector<32x32xf32>
    %select_n3A_218 = arith.select %eq3A_212, %broadcast_in_dim3A_217, %select_n3A_209 : vector<32x32xi1>, vector<32x32xf32>
    %eq3A_219 = arith.constant 23 : i32
    %eq3A_220 = vector.broadcast %eq3A_219 : i32 to vector<32x32xi32>
    %eq3A_221 = arith.cmpi eq, %add3A_2, %eq3A_220 : vector<32x32xi32>
    %get3A_222 = arith.index_cast %add3A_11 : i32 to index
    %get3A_223 = arith.constant 0 : index
    %get3A_224 = arith.constant 23 : index
    %get3A_225 = memref.load %arg1[%get3A_222, %get3A_223, %get3A_224] : memref<16x1x63xf32, #tpu.memory_space<smem>>
    %broadcast_in_dim3A_226 = vector.broadcast %get3A_225 : f32 to vector<32x32xf32>
    %select_n3A_227 = arith.select %eq3A_221, %broadcast_in_dim3A_226, %select_n3A_218 : vector<32x32xi1>, vector<32x32xf32>
    %eq3A_228 = arith.constant 24 : i32
    %eq3A_229 = vector.broadcast %eq3A_228 : i32 to vector<32x32xi32>
    %eq3A_230 = arith.cmpi eq, %add3A_2, %eq3A_229 : vector<32x32xi32>
    %get3A_231 = arith.index_cast %add3A_11 : i32 to index
    %get3A_232 = arith.constant 0 : index
    %get3A_233 = arith.constant 24 : index
    %get3A_234 = memref.load %arg1[%get3A_231, %get3A_232, %get3A_233] : memref<16x1x63xf32, #tpu.memory_space<smem>>
    %broadcast_in_dim3A_235 = vector.broadcast %get3A_234 : f32 to vector<32x32xf32>
    %select_n3A_236 = arith.select %eq3A_230, %broadcast_in_dim3A_235, %select_n3A_227 : vector<32x32xi1>, vector<32x32xf32>
    %eq3A_237 = arith.constant 25 : i32
    %eq3A_238 = vector.broadcast %eq3A_237 : i32 to vector<32x32xi32>
    %eq3A_239 = arith.cmpi eq, %add3A_2, %eq3A_238 : vector<32x32xi32>
    %get3A_240 = arith.index_cast %add3A_11 : i32 to index
    %get3A_241 = arith.constant 0 : index
    %get3A_242 = arith.constant 25 : index
    %get3A_243 = memref.load %arg1[%get3A_240, %get3A_241, %get3A_242] : memref<16x1x63xf32, #tpu.memory_space<smem>>
    %broadcast_in_dim3A_244 = vector.broadcast %get3A_243 : f32 to vector<32x32xf32>
    %select_n3A_245 = arith.select %eq3A_239, %broadcast_in_dim3A_244, %select_n3A_236 : vector<32x32xi1>, vector<32x32xf32>
    %eq3A_246 = arith.constant 26 : i32
    %eq3A_247 = vector.broadcast %eq3A_246 : i32 to vector<32x32xi32>
    %eq3A_248 = arith.cmpi eq, %add3A_2, %eq3A_247 : vector<32x32xi32>
    %get3A_249 = arith.index_cast %add3A_11 : i32 to index
    %get3A_250 = arith.constant 0 : index
    %get3A_251 = arith.constant 26 : index
    %get3A_252 = memref.load %arg1[%get3A_249, %get3A_250, %get3A_251] : memref<16x1x63xf32, #tpu.memory_space<smem>>
    %broadcast_in_dim3A_253 = vector.broadcast %get3A_252 : f32 to vector<32x32xf32>
    %select_n3A_254 = arith.select %eq3A_248, %broadcast_in_dim3A_253, %select_n3A_245 : vector<32x32xi1>, vector<32x32xf32>
    %eq3A_255 = arith.constant 27 : i32
    %eq3A_256 = vector.broadcast %eq3A_255 : i32 to vector<32x32xi32>
    %eq3A_257 = arith.cmpi eq, %add3A_2, %eq3A_256 : vector<32x32xi32>
    %get3A_258 = arith.index_cast %add3A_11 : i32 to index
    %get3A_259 = arith.constant 0 : index
    %get3A_260 = arith.constant 27 : index
    %get3A_261 = memref.load %arg1[%get3A_258, %get3A_259, %get3A_260] : memref<16x1x63xf32, #tpu.memory_space<smem>>
    %broadcast_in_dim3A_262 = vector.broadcast %get3A_261 : f32 to vector<32x32xf32>
    %select_n3A_263 = arith.select %eq3A_257, %broadcast_in_dim3A_262, %select_n3A_254 : vector<32x32xi1>, vector<32x32xf32>
    %eq3A_264 = arith.constant 28 : i32
    %eq3A_265 = vector.broadcast %eq3A_264 : i32 to vector<32x32xi32>
    %eq3A_266 = arith.cmpi eq, %add3A_2, %eq3A_265 : vector<32x32xi32>
    %get3A_267 = arith.index_cast %add3A_11 : i32 to index
    %get3A_268 = arith.constant 0 : index
    %get3A_269 = arith.constant 28 : index
    %get3A_270 = memref.load %arg1[%get3A_267, %get3A_268, %get3A_269] : memref<16x1x63xf32, #tpu.memory_space<smem>>
    %broadcast_in_dim3A_271 = vector.broadcast %get3A_270 : f32 to vector<32x32xf32>
    %select_n3A_272 = arith.select %eq3A_266, %broadcast_in_dim3A_271, %select_n3A_263 : vector<32x32xi1>, vector<32x32xf32>
    %eq3A_273 = arith.constant 29 : i32
    %eq3A_274 = vector.broadcast %eq3A_273 : i32 to vector<32x32xi32>
    %eq3A_275 = arith.cmpi eq, %add3A_2, %eq3A_274 : vector<32x32xi32>
    %get3A_276 = arith.index_cast %add3A_11 : i32 to index
    %get3A_277 = arith.constant 0 : index
    %get3A_278 = arith.constant 29 : index
    %get3A_279 = memref.load %arg1[%get3A_276, %get3A_277, %get3A_278] : memref<16x1x63xf32, #tpu.memory_space<smem>>
    %broadcast_in_dim3A_280 = vector.broadcast %get3A_279 : f32 to vector<32x32xf32>
    %select_n3A_281 = arith.select %eq3A_275, %broadcast_in_dim3A_280, %select_n3A_272 : vector<32x32xi1>, vector<32x32xf32>
    %eq3A_282 = arith.constant 30 : i32
    %eq3A_283 = vector.broadcast %eq3A_282 : i32 to vector<32x32xi32>
    %eq3A_284 = arith.cmpi eq, %add3A_2, %eq3A_283 : vector<32x32xi32>
    %get3A_285 = arith.index_cast %add3A_11 : i32 to index
    %get3A_286 = arith.constant 0 : index
    %get3A_287 = arith.constant 30 : index
    %get3A_288 = memref.load %arg1[%get3A_285, %get3A_286, %get3A_287] : memref<16x1x63xf32, #tpu.memory_space<smem>>
    %broadcast_in_dim3A_289 = vector.broadcast %get3A_288 : f32 to vector<32x32xf32>
    %select_n3A_290 = arith.select %eq3A_284, %broadcast_in_dim3A_289, %select_n3A_281 : vector<32x32xi1>, vector<32x32xf32>
    %eq3A_291 = arith.constant 31 : i32
    %eq3A_292 = vector.broadcast %eq3A_291 : i32 to vector<32x32xi32>
    %eq3A_293 = arith.cmpi eq, %add3A_2, %eq3A_292 : vector<32x32xi32>
    %get3A_294 = arith.index_cast %add3A_11 : i32 to index
    %get3A_295 = arith.constant 0 : index
    %get3A_296 = arith.constant 31 : index
    %get3A_297 = memref.load %arg1[%get3A_294, %get3A_295, %get3A_296] : memref<16x1x63xf32, #tpu.memory_space<smem>>
    %broadcast_in_dim3A_298 = vector.broadcast %get3A_297 : f32 to vector<32x32xf32>
    %select_n3A_299 = arith.select %eq3A_293, %broadcast_in_dim3A_298, %select_n3A_290 : vector<32x32xi1>, vector<32x32xf32>
    %eq3A_300 = arith.constant 32 : i32
    %eq3A_301 = vector.broadcast %eq3A_300 : i32 to vector<32x32xi32>
    %eq3A_302 = arith.cmpi eq, %add3A_2, %eq3A_301 : vector<32x32xi32>
    %get3A_303 = arith.index_cast %add3A_11 : i32 to index
    %get3A_304 = arith.constant 0 : index
    %get3A_305 = arith.constant 32 : index
    %get3A_306 = memref.load %arg1[%get3A_303, %get3A_304, %get3A_305] : memref<16x1x63xf32, #tpu.memory_space<smem>>
    %broadcast_in_dim3A_307 = vector.broadcast %get3A_306 : f32 to vector<32x32xf32>
    %select_n3A_308 = arith.select %eq3A_302, %broadcast_in_dim3A_307, %select_n3A_299 : vector<32x32xi1>, vector<32x32xf32>
    %eq3A_309 = arith.constant 33 : i32
    %eq3A_310 = vector.broadcast %eq3A_309 : i32 to vector<32x32xi32>
    %eq3A_311 = arith.cmpi eq, %add3A_2, %eq3A_310 : vector<32x32xi32>
    %get3A_312 = arith.index_cast %add3A_11 : i32 to index
    %get3A_313 = arith.constant 0 : index
    %get3A_314 = arith.constant 33 : index
    %get3A_315 = memref.load %arg1[%get3A_312, %get3A_313, %get3A_314] : memref<16x1x63xf32, #tpu.memory_space<smem>>
    %broadcast_in_dim3A_316 = vector.broadcast %get3A_315 : f32 to vector<32x32xf32>
    %select_n3A_317 = arith.select %eq3A_311, %broadcast_in_dim3A_316, %select_n3A_308 : vector<32x32xi1>, vector<32x32xf32>
    %eq3A_318 = arith.constant 34 : i32
    %eq3A_319 = vector.broadcast %eq3A_318 : i32 to vector<32x32xi32>
    %eq3A_320 = arith.cmpi eq, %add3A_2, %eq3A_319 : vector<32x32xi32>
    %get3A_321 = arith.index_cast %add3A_11 : i32 to index
    %get3A_322 = arith.constant 0 : index
    %get3A_323 = arith.constant 34 : index
    %get3A_324 = memref.load %arg1[%get3A_321, %get3A_322, %get3A_323] : memref<16x1x63xf32, #tpu.memory_space<smem>>
    %broadcast_in_dim3A_325 = vector.broadcast %get3A_324 : f32 to vector<32x32xf32>
    %select_n3A_326 = arith.select %eq3A_320, %broadcast_in_dim3A_325, %select_n3A_317 : vector<32x32xi1>, vector<32x32xf32>
    %eq3A_327 = arith.constant 35 : i32
    %eq3A_328 = vector.broadcast %eq3A_327 : i32 to vector<32x32xi32>
    %eq3A_329 = arith.cmpi eq, %add3A_2, %eq3A_328 : vector<32x32xi32>
    %get3A_330 = arith.index_cast %add3A_11 : i32 to index
    %get3A_331 = arith.constant 0 : index
    %get3A_332 = arith.constant 35 : index
    %get3A_333 = memref.load %arg1[%get3A_330, %get3A_331, %get3A_332] : memref<16x1x63xf32, #tpu.memory_space<smem>>
    %broadcast_in_dim3A_334 = vector.broadcast %get3A_333 : f32 to vector<32x32xf32>
    %select_n3A_335 = arith.select %eq3A_329, %broadcast_in_dim3A_334, %select_n3A_326 : vector<32x32xi1>, vector<32x32xf32>
    %eq3A_336 = arith.constant 36 : i32
    %eq3A_337 = vector.broadcast %eq3A_336 : i32 to vector<32x32xi32>
    %eq3A_338 = arith.cmpi eq, %add3A_2, %eq3A_337 : vector<32x32xi32>
    %get3A_339 = arith.index_cast %add3A_11 : i32 to index
    %get3A_340 = arith.constant 0 : index
    %get3A_341 = arith.constant 36 : index
    %get3A_342 = memref.load %arg1[%get3A_339, %get3A_340, %get3A_341] : memref<16x1x63xf32, #tpu.memory_space<smem>>
    %broadcast_in_dim3A_343 = vector.broadcast %get3A_342 : f32 to vector<32x32xf32>
    %select_n3A_344 = arith.select %eq3A_338, %broadcast_in_dim3A_343, %select_n3A_335 : vector<32x32xi1>, vector<32x32xf32>
    %eq3A_345 = arith.constant 37 : i32
    %eq3A_346 = vector.broadcast %eq3A_345 : i32 to vector<32x32xi32>
    %eq3A_347 = arith.cmpi eq, %add3A_2, %eq3A_346 : vector<32x32xi32>
    %get3A_348 = arith.index_cast %add3A_11 : i32 to index
    %get3A_349 = arith.constant 0 : index
    %get3A_350 = arith.constant 37 : index
    %get3A_351 = memref.load %arg1[%get3A_348, %get3A_349, %get3A_350] : memref<16x1x63xf32, #tpu.memory_space<smem>>
    %broadcast_in_dim3A_352 = vector.broadcast %get3A_351 : f32 to vector<32x32xf32>
    %select_n3A_353 = arith.select %eq3A_347, %broadcast_in_dim3A_352, %select_n3A_344 : vector<32x32xi1>, vector<32x32xf32>
    %eq3A_354 = arith.constant 38 : i32
    %eq3A_355 = vector.broadcast %eq3A_354 : i32 to vector<32x32xi32>
    %eq3A_356 = arith.cmpi eq, %add3A_2, %eq3A_355 : vector<32x32xi32>
    %get3A_357 = arith.index_cast %add3A_11 : i32 to index
    %get3A_358 = arith.constant 0 : index
    %get3A_359 = arith.constant 38 : index
    %get3A_360 = memref.load %arg1[%get3A_357, %get3A_358, %get3A_359] : memref<16x1x63xf32, #tpu.memory_space<smem>>
    %broadcast_in_dim3A_361 = vector.broadcast %get3A_360 : f32 to vector<32x32xf32>
    %select_n3A_362 = arith.select %eq3A_356, %broadcast_in_dim3A_361, %select_n3A_353 : vector<32x32xi1>, vector<32x32xf32>
    %eq3A_363 = arith.constant 39 : i32
    %eq3A_364 = vector.broadcast %eq3A_363 : i32 to vector<32x32xi32>
    %eq3A_365 = arith.cmpi eq, %add3A_2, %eq3A_364 : vector<32x32xi32>
    %get3A_366 = arith.index_cast %add3A_11 : i32 to index
    %get3A_367 = arith.constant 0 : index
    %get3A_368 = arith.constant 39 : index
    %get3A_369 = memref.load %arg1[%get3A_366, %get3A_367, %get3A_368] : memref<16x1x63xf32, #tpu.memory_space<smem>>
    %broadcast_in_dim3A_370 = vector.broadcast %get3A_369 : f32 to vector<32x32xf32>
    %select_n3A_371 = arith.select %eq3A_365, %broadcast_in_dim3A_370, %select_n3A_362 : vector<32x32xi1>, vector<32x32xf32>
    %eq3A_372 = arith.constant 40 : i32
    %eq3A_373 = vector.broadcast %eq3A_372 : i32 to vector<32x32xi32>
    %eq3A_374 = arith.cmpi eq, %add3A_2, %eq3A_373 : vector<32x32xi32>
    %get3A_375 = arith.index_cast %add3A_11 : i32 to index
    %get3A_376 = arith.constant 0 : index
    %get3A_377 = arith.constant 40 : index
    %get3A_378 = memref.load %arg1[%get3A_375, %get3A_376, %get3A_377] : memref<16x1x63xf32, #tpu.memory_space<smem>>
    %broadcast_in_dim3A_379 = vector.broadcast %get3A_378 : f32 to vector<32x32xf32>
    %select_n3A_380 = arith.select %eq3A_374, %broadcast_in_dim3A_379, %select_n3A_371 : vector<32x32xi1>, vector<32x32xf32>
    %eq3A_381 = arith.constant 41 : i32
    %eq3A_382 = vector.broadcast %eq3A_381 : i32 to vector<32x32xi32>
    %eq3A_383 = arith.cmpi eq, %add3A_2, %eq3A_382 : vector<32x32xi32>
    %get3A_384 = arith.index_cast %add3A_11 : i32 to index
    %get3A_385 = arith.constant 0 : index
    %get3A_386 = arith.constant 41 : index
    %get3A_387 = memref.load %arg1[%get3A_384, %get3A_385, %get3A_386] : memref<16x1x63xf32, #tpu.memory_space<smem>>
    %broadcast_in_dim3A_388 = vector.broadcast %get3A_387 : f32 to vector<32x32xf32>
    %select_n3A_389 = arith.select %eq3A_383, %broadcast_in_dim3A_388, %select_n3A_380 : vector<32x32xi1>, vector<32x32xf32>
    %eq3A_390 = arith.constant 42 : i32
    %eq3A_391 = vector.broadcast %eq3A_390 : i32 to vector<32x32xi32>
    %eq3A_392 = arith.cmpi eq, %add3A_2, %eq3A_391 : vector<32x32xi32>
    %get3A_393 = arith.index_cast %add3A_11 : i32 to index
    %get3A_394 = arith.constant 0 : index
    %get3A_395 = arith.constant 42 : index
    %get3A_396 = memref.load %arg1[%get3A_393, %get3A_394, %get3A_395] : memref<16x1x63xf32, #tpu.memory_space<smem>>
    %broadcast_in_dim3A_397 = vector.broadcast %get3A_396 : f32 to vector<32x32xf32>
    %select_n3A_398 = arith.select %eq3A_392, %broadcast_in_dim3A_397, %select_n3A_389 : vector<32x32xi1>, vector<32x32xf32>
    %eq3A_399 = arith.constant 43 : i32
    %eq3A_400 = vector.broadcast %eq3A_399 : i32 to vector<32x32xi32>
    %eq3A_401 = arith.cmpi eq, %add3A_2, %eq3A_400 : vector<32x32xi32>
    %get3A_402 = arith.index_cast %add3A_11 : i32 to index
    %get3A_403 = arith.constant 0 : index
    %get3A_404 = arith.constant 43 : index
    %get3A_405 = memref.load %arg1[%get3A_402, %get3A_403, %get3A_404] : memref<16x1x63xf32, #tpu.memory_space<smem>>
    %broadcast_in_dim3A_406 = vector.broadcast %get3A_405 : f32 to vector<32x32xf32>
    %select_n3A_407 = arith.select %eq3A_401, %broadcast_in_dim3A_406, %select_n3A_398 : vector<32x32xi1>, vector<32x32xf32>
    %eq3A_408 = arith.constant 44 : i32
    %eq3A_409 = vector.broadcast %eq3A_408 : i32 to vector<32x32xi32>
    %eq3A_410 = arith.cmpi eq, %add3A_2, %eq3A_409 : vector<32x32xi32>
    %get3A_411 = arith.index_cast %add3A_11 : i32 to index
    %get3A_412 = arith.constant 0 : index
    %get3A_413 = arith.constant 44 : index
    %get3A_414 = memref.load %arg1[%get3A_411, %get3A_412, %get3A_413] : memref<16x1x63xf32, #tpu.memory_space<smem>>
    %broadcast_in_dim3A_415 = vector.broadcast %get3A_414 : f32 to vector<32x32xf32>
    %select_n3A_416 = arith.select %eq3A_410, %broadcast_in_dim3A_415, %select_n3A_407 : vector<32x32xi1>, vector<32x32xf32>
    %eq3A_417 = arith.constant 45 : i32
    %eq3A_418 = vector.broadcast %eq3A_417 : i32 to vector<32x32xi32>
    %eq3A_419 = arith.cmpi eq, %add3A_2, %eq3A_418 : vector<32x32xi32>
    %get3A_420 = arith.index_cast %add3A_11 : i32 to index
    %get3A_421 = arith.constant 0 : index
    %get3A_422 = arith.constant 45 : index
    %get3A_423 = memref.load %arg1[%get3A_420, %get3A_421, %get3A_422] : memref<16x1x63xf32, #tpu.memory_space<smem>>
    %broadcast_in_dim3A_424 = vector.broadcast %get3A_423 : f32 to vector<32x32xf32>
    %select_n3A_425 = arith.select %eq3A_419, %broadcast_in_dim3A_424, %select_n3A_416 : vector<32x32xi1>, vector<32x32xf32>
    %eq3A_426 = arith.constant 46 : i32
    %eq3A_427 = vector.broadcast %eq3A_426 : i32 to vector<32x32xi32>
    %eq3A_428 = arith.cmpi eq, %add3A_2, %eq3A_427 : vector<32x32xi32>
    %get3A_429 = arith.index_cast %add3A_11 : i32 to index
    %get3A_430 = arith.constant 0 : index
    %get3A_431 = arith.constant 46 : index
    %get3A_432 = memref.load %arg1[%get3A_429, %get3A_430, %get3A_431] : memref<16x1x63xf32, #tpu.memory_space<smem>>
    %broadcast_in_dim3A_433 = vector.broadcast %get3A_432 : f32 to vector<32x32xf32>
    %select_n3A_434 = arith.select %eq3A_428, %broadcast_in_dim3A_433, %select_n3A_425 : vector<32x32xi1>, vector<32x32xf32>
    %eq3A_435 = arith.constant 47 : i32
    %eq3A_436 = vector.broadcast %eq3A_435 : i32 to vector<32x32xi32>
    %eq3A_437 = arith.cmpi eq, %add3A_2, %eq3A_436 : vector<32x32xi32>
    %get3A_438 = arith.index_cast %add3A_11 : i32 to index
    %get3A_439 = arith.constant 0 : index
    %get3A_440 = arith.constant 47 : index
    %get3A_441 = memref.load %arg1[%get3A_438, %get3A_439, %get3A_440] : memref<16x1x63xf32, #tpu.memory_space<smem>>
    %broadcast_in_dim3A_442 = vector.broadcast %get3A_441 : f32 to vector<32x32xf32>
    %select_n3A_443 = arith.select %eq3A_437, %broadcast_in_dim3A_442, %select_n3A_434 : vector<32x32xi1>, vector<32x32xf32>
    %eq3A_444 = arith.constant 48 : i32
    %eq3A_445 = vector.broadcast %eq3A_444 : i32 to vector<32x32xi32>
    %eq3A_446 = arith.cmpi eq, %add3A_2, %eq3A_445 : vector<32x32xi32>
    %get3A_447 = arith.index_cast %add3A_11 : i32 to index
    %get3A_448 = arith.constant 0 : index
    %get3A_449 = arith.constant 48 : index
    %get3A_450 = memref.load %arg1[%get3A_447, %get3A_448, %get3A_449] : memref<16x1x63xf32, #tpu.memory_space<smem>>
    %broadcast_in_dim3A_451 = vector.broadcast %get3A_450 : f32 to vector<32x32xf32>
    %select_n3A_452 = arith.select %eq3A_446, %broadcast_in_dim3A_451, %select_n3A_443 : vector<32x32xi1>, vector<32x32xf32>
    %eq3A_453 = arith.constant 49 : i32
    %eq3A_454 = vector.broadcast %eq3A_453 : i32 to vector<32x32xi32>
    %eq3A_455 = arith.cmpi eq, %add3A_2, %eq3A_454 : vector<32x32xi32>
    %get3A_456 = arith.index_cast %add3A_11 : i32 to index
    %get3A_457 = arith.constant 0 : index
    %get3A_458 = arith.constant 49 : index
    %get3A_459 = memref.load %arg1[%get3A_456, %get3A_457, %get3A_458] : memref<16x1x63xf32, #tpu.memory_space<smem>>
    %broadcast_in_dim3A_460 = vector.broadcast %get3A_459 : f32 to vector<32x32xf32>
    %select_n3A_461 = arith.select %eq3A_455, %broadcast_in_dim3A_460, %select_n3A_452 : vector<32x32xi1>, vector<32x32xf32>
    %eq3A_462 = arith.constant 50 : i32
    %eq3A_463 = vector.broadcast %eq3A_462 : i32 to vector<32x32xi32>
    %eq3A_464 = arith.cmpi eq, %add3A_2, %eq3A_463 : vector<32x32xi32>
    %get3A_465 = arith.index_cast %add3A_11 : i32 to index
    %get3A_466 = arith.constant 0 : index
    %get3A_467 = arith.constant 50 : index
    %get3A_468 = memref.load %arg1[%get3A_465, %get3A_466, %get3A_467] : memref<16x1x63xf32, #tpu.memory_space<smem>>
    %broadcast_in_dim3A_469 = vector.broadcast %get3A_468 : f32 to vector<32x32xf32>
    %select_n3A_470 = arith.select %eq3A_464, %broadcast_in_dim3A_469, %select_n3A_461 : vector<32x32xi1>, vector<32x32xf32>
    %eq3A_471 = arith.constant 51 : i32
    %eq3A_472 = vector.broadcast %eq3A_471 : i32 to vector<32x32xi32>
    %eq3A_473 = arith.cmpi eq, %add3A_2, %eq3A_472 : vector<32x32xi32>
    %get3A_474 = arith.index_cast %add3A_11 : i32 to index
    %get3A_475 = arith.constant 0 : index
    %get3A_476 = arith.constant 51 : index
    %get3A_477 = memref.load %arg1[%get3A_474, %get3A_475, %get3A_476] : memref<16x1x63xf32, #tpu.memory_space<smem>>
    %broadcast_in_dim3A_478 = vector.broadcast %get3A_477 : f32 to vector<32x32xf32>
    %select_n3A_479 = arith.select %eq3A_473, %broadcast_in_dim3A_478, %select_n3A_470 : vector<32x32xi1>, vector<32x32xf32>
    %eq3A_480 = arith.constant 52 : i32
    %eq3A_481 = vector.broadcast %eq3A_480 : i32 to vector<32x32xi32>
    %eq3A_482 = arith.cmpi eq, %add3A_2, %eq3A_481 : vector<32x32xi32>
    %get3A_483 = arith.index_cast %add3A_11 : i32 to index
    %get3A_484 = arith.constant 0 : index
    %get3A_485 = arith.constant 52 : index
    %get3A_486 = memref.load %arg1[%get3A_483, %get3A_484, %get3A_485] : memref<16x1x63xf32, #tpu.memory_space<smem>>
    %broadcast_in_dim3A_487 = vector.broadcast %get3A_486 : f32 to vector<32x32xf32>
    %select_n3A_488 = arith.select %eq3A_482, %broadcast_in_dim3A_487, %select_n3A_479 : vector<32x32xi1>, vector<32x32xf32>
    %eq3A_489 = arith.constant 53 : i32
    %eq3A_490 = vector.broadcast %eq3A_489 : i32 to vector<32x32xi32>
    %eq3A_491 = arith.cmpi eq, %add3A_2, %eq3A_490 : vector<32x32xi32>
    %get3A_492 = arith.index_cast %add3A_11 : i32 to index
    %get3A_493 = arith.constant 0 : index
    %get3A_494 = arith.constant 53 : index
    %get3A_495 = memref.load %arg1[%get3A_492, %get3A_493, %get3A_494] : memref<16x1x63xf32, #tpu.memory_space<smem>>
    %broadcast_in_dim3A_496 = vector.broadcast %get3A_495 : f32 to vector<32x32xf32>
    %select_n3A_497 = arith.select %eq3A_491, %broadcast_in_dim3A_496, %select_n3A_488 : vector<32x32xi1>, vector<32x32xf32>
    %eq3A_498 = arith.constant 54 : i32
    %eq3A_499 = vector.broadcast %eq3A_498 : i32 to vector<32x32xi32>
    %eq3A_500 = arith.cmpi eq, %add3A_2, %eq3A_499 : vector<32x32xi32>
    %get3A_501 = arith.index_cast %add3A_11 : i32 to index
    %get3A_502 = arith.constant 0 : index
    %get3A_503 = arith.constant 54 : index
    %get3A_504 = memref.load %arg1[%get3A_501, %get3A_502, %get3A_503] : memref<16x1x63xf32, #tpu.memory_space<smem>>
    %broadcast_in_dim3A_505 = vector.broadcast %get3A_504 : f32 to vector<32x32xf32>
    %select_n3A_506 = arith.select %eq3A_500, %broadcast_in_dim3A_505, %select_n3A_497 : vector<32x32xi1>, vector<32x32xf32>
    %eq3A_507 = arith.constant 55 : i32
    %eq3A_508 = vector.broadcast %eq3A_507 : i32 to vector<32x32xi32>
    %eq3A_509 = arith.cmpi eq, %add3A_2, %eq3A_508 : vector<32x32xi32>
    %get3A_510 = arith.index_cast %add3A_11 : i32 to index
    %get3A_511 = arith.constant 0 : index
    %get3A_512 = arith.constant 55 : index
    %get3A_513 = memref.load %arg1[%get3A_510, %get3A_511, %get3A_512] : memref<16x1x63xf32, #tpu.memory_space<smem>>
    %broadcast_in_dim3A_514 = vector.broadcast %get3A_513 : f32 to vector<32x32xf32>
    %select_n3A_515 = arith.select %eq3A_509, %broadcast_in_dim3A_514, %select_n3A_506 : vector<32x32xi1>, vector<32x32xf32>
    %eq3A_516 = arith.constant 56 : i32
    %eq3A_517 = vector.broadcast %eq3A_516 : i32 to vector<32x32xi32>
    %eq3A_518 = arith.cmpi eq, %add3A_2, %eq3A_517 : vector<32x32xi32>
    %get3A_519 = arith.index_cast %add3A_11 : i32 to index
    %get3A_520 = arith.constant 0 : index
    %get3A_521 = arith.constant 56 : index
    %get3A_522 = memref.load %arg1[%get3A_519, %get3A_520, %get3A_521] : memref<16x1x63xf32, #tpu.memory_space<smem>>
    %broadcast_in_dim3A_523 = vector.broadcast %get3A_522 : f32 to vector<32x32xf32>
    %select_n3A_524 = arith.select %eq3A_518, %broadcast_in_dim3A_523, %select_n3A_515 : vector<32x32xi1>, vector<32x32xf32>
    %eq3A_525 = arith.constant 57 : i32
    %eq3A_526 = vector.broadcast %eq3A_525 : i32 to vector<32x32xi32>
    %eq3A_527 = arith.cmpi eq, %add3A_2, %eq3A_526 : vector<32x32xi32>
    %get3A_528 = arith.index_cast %add3A_11 : i32 to index
    %get3A_529 = arith.constant 0 : index
    %get3A_530 = arith.constant 57 : index
    %get3A_531 = memref.load %arg1[%get3A_528, %get3A_529, %get3A_530] : memref<16x1x63xf32, #tpu.memory_space<smem>>
    %broadcast_in_dim3A_532 = vector.broadcast %get3A_531 : f32 to vector<32x32xf32>
    %select_n3A_533 = arith.select %eq3A_527, %broadcast_in_dim3A_532, %select_n3A_524 : vector<32x32xi1>, vector<32x32xf32>
    %eq3A_534 = arith.constant 58 : i32
    %eq3A_535 = vector.broadcast %eq3A_534 : i32 to vector<32x32xi32>
    %eq3A_536 = arith.cmpi eq, %add3A_2, %eq3A_535 : vector<32x32xi32>
    %get3A_537 = arith.index_cast %add3A_11 : i32 to index
    %get3A_538 = arith.constant 0 : index
    %get3A_539 = arith.constant 58 : index
    %get3A_540 = memref.load %arg1[%get3A_537, %get3A_538, %get3A_539] : memref<16x1x63xf32, #tpu.memory_space<smem>>
    %broadcast_in_dim3A_541 = vector.broadcast %get3A_540 : f32 to vector<32x32xf32>
    %select_n3A_542 = arith.select %eq3A_536, %broadcast_in_dim3A_541, %select_n3A_533 : vector<32x32xi1>, vector<32x32xf32>
    %eq3A_543 = arith.constant 59 : i32
    %eq3A_544 = vector.broadcast %eq3A_543 : i32 to vector<32x32xi32>
    %eq3A_545 = arith.cmpi eq, %add3A_2, %eq3A_544 : vector<32x32xi32>
    %get3A_546 = arith.index_cast %add3A_11 : i32 to index
    %get3A_547 = arith.constant 0 : index
    %get3A_548 = arith.constant 59 : index
    %get3A_549 = memref.load %arg1[%get3A_546, %get3A_547, %get3A_548] : memref<16x1x63xf32, #tpu.memory_space<smem>>
    %broadcast_in_dim3A_550 = vector.broadcast %get3A_549 : f32 to vector<32x32xf32>
    %select_n3A_551 = arith.select %eq3A_545, %broadcast_in_dim3A_550, %select_n3A_542 : vector<32x32xi1>, vector<32x32xf32>
    %eq3A_552 = arith.constant 60 : i32
    %eq3A_553 = vector.broadcast %eq3A_552 : i32 to vector<32x32xi32>
    %eq3A_554 = arith.cmpi eq, %add3A_2, %eq3A_553 : vector<32x32xi32>
    %get3A_555 = arith.index_cast %add3A_11 : i32 to index
    %get3A_556 = arith.constant 0 : index
    %get3A_557 = arith.constant 60 : index
    %get3A_558 = memref.load %arg1[%get3A_555, %get3A_556, %get3A_557] : memref<16x1x63xf32, #tpu.memory_space<smem>>
    %broadcast_in_dim3A_559 = vector.broadcast %get3A_558 : f32 to vector<32x32xf32>
    %select_n3A_560 = arith.select %eq3A_554, %broadcast_in_dim3A_559, %select_n3A_551 : vector<32x32xi1>, vector<32x32xf32>
    %eq3A_561 = arith.constant 61 : i32
    %eq3A_562 = vector.broadcast %eq3A_561 : i32 to vector<32x32xi32>
    %eq3A_563 = arith.cmpi eq, %add3A_2, %eq3A_562 : vector<32x32xi32>
    %get3A_564 = arith.index_cast %add3A_11 : i32 to index
    %get3A_565 = arith.constant 0 : index
    %get3A_566 = arith.constant 61 : index
    %get3A_567 = memref.load %arg1[%get3A_564, %get3A_565, %get3A_566] : memref<16x1x63xf32, #tpu.memory_space<smem>>
    %broadcast_in_dim3A_568 = vector.broadcast %get3A_567 : f32 to vector<32x32xf32>
    %select_n3A_569 = arith.select %eq3A_563, %broadcast_in_dim3A_568, %select_n3A_560 : vector<32x32xi1>, vector<32x32xf32>
    %eq3A_570 = arith.constant 62 : i32
    %eq3A_571 = vector.broadcast %eq3A_570 : i32 to vector<32x32xi32>
    %eq3A_572 = arith.cmpi eq, %add3A_2, %eq3A_571 : vector<32x32xi32>
    %get3A_573 = arith.index_cast %add3A_11 : i32 to index
    %get3A_574 = arith.constant 0 : index
    %get3A_575 = arith.constant 62 : index
    %get3A_576 = memref.load %arg1[%get3A_573, %get3A_574, %get3A_575] : memref<16x1x63xf32, #tpu.memory_space<smem>>
    %broadcast_in_dim3A_577 = vector.broadcast %get3A_576 : f32 to vector<32x32xf32>
    %select_n3A_578 = arith.select %eq3A_572, %broadcast_in_dim3A_577, %select_n3A_569 : vector<32x32xi1>, vector<32x32xf32>
    %eq3A_579 = arith.constant 0 : i32
    %eq3A_580 = vector.broadcast %eq3A_579 : i32 to vector<32x32xi32>
    %eq3A_581 = arith.cmpi eq, %add3A_8, %eq3A_580 : vector<32x32xi32>
    %get3A_582 = arith.index_cast %add3A_11 : i32 to index
    %get3A_583 = arith.constant 0 : index
    %get3A_584 = arith.constant 0 : index
    %get3A_585 = memref.load %arg2[%get3A_582, %get3A_583, %get3A_584] : memref<16x1x63xf32, #tpu.memory_space<smem>>
    %broadcast_in_dim3A_586 = vector.broadcast %get3A_585 : f32 to vector<32x32xf32>
    %select_n3A_587 = arith.select %eq3A_581, %broadcast_in_dim3A_586, %broadcast_in_dim3A_14 : vector<32x32xi1>, vector<32x32xf32>
    %eq3A_588 = arith.constant 1 : i32
    %eq3A_589 = vector.broadcast %eq3A_588 : i32 to vector<32x32xi32>
    %eq3A_590 = arith.cmpi eq, %add3A_8, %eq3A_589 : vector<32x32xi32>
    %get3A_591 = arith.index_cast %add3A_11 : i32 to index
    %get3A_592 = arith.constant 0 : index
    %get3A_593 = arith.constant 1 : index
    %get3A_594 = memref.load %arg2[%get3A_591, %get3A_592, %get3A_593] : memref<16x1x63xf32, #tpu.memory_space<smem>>
    %broadcast_in_dim3A_595 = vector.broadcast %get3A_594 : f32 to vector<32x32xf32>
    %select_n3A_596 = arith.select %eq3A_590, %broadcast_in_dim3A_595, %select_n3A_587 : vector<32x32xi1>, vector<32x32xf32>
    %eq3A_597 = arith.constant 2 : i32
    %eq3A_598 = vector.broadcast %eq3A_597 : i32 to vector<32x32xi32>
    %eq3A_599 = arith.cmpi eq, %add3A_8, %eq3A_598 : vector<32x32xi32>
    %get3A_600 = arith.index_cast %add3A_11 : i32 to index
    %get3A_601 = arith.constant 0 : index
    %get3A_602 = arith.constant 2 : index
    %get3A_603 = memref.load %arg2[%get3A_600, %get3A_601, %get3A_602] : memref<16x1x63xf32, #tpu.memory_space<smem>>
    %broadcast_in_dim3A_604 = vector.broadcast %get3A_603 : f32 to vector<32x32xf32>
    %select_n3A_605 = arith.select %eq3A_599, %broadcast_in_dim3A_604, %select_n3A_596 : vector<32x32xi1>, vector<32x32xf32>
    %eq3A_606 = arith.constant 3 : i32
    %eq3A_607 = vector.broadcast %eq3A_606 : i32 to vector<32x32xi32>
    %eq3A_608 = arith.cmpi eq, %add3A_8, %eq3A_607 : vector<32x32xi32>
    %get3A_609 = arith.index_cast %add3A_11 : i32 to index
    %get3A_610 = arith.constant 0 : index
    %get3A_611 = arith.constant 3 : index
    %get3A_612 = memref.load %arg2[%get3A_609, %get3A_610, %get3A_611] : memref<16x1x63xf32, #tpu.memory_space<smem>>
    %broadcast_in_dim3A_613 = vector.broadcast %get3A_612 : f32 to vector<32x32xf32>
    %select_n3A_614 = arith.select %eq3A_608, %broadcast_in_dim3A_613, %select_n3A_605 : vector<32x32xi1>, vector<32x32xf32>
    %eq3A_615 = arith.constant 4 : i32
    %eq3A_616 = vector.broadcast %eq3A_615 : i32 to vector<32x32xi32>
    %eq3A_617 = arith.cmpi eq, %add3A_8, %eq3A_616 : vector<32x32xi32>
    %get3A_618 = arith.index_cast %add3A_11 : i32 to index
    %get3A_619 = arith.constant 0 : index
    %get3A_620 = arith.constant 4 : index
    %get3A_621 = memref.load %arg2[%get3A_618, %get3A_619, %get3A_620] : memref<16x1x63xf32, #tpu.memory_space<smem>>
    %broadcast_in_dim3A_622 = vector.broadcast %get3A_621 : f32 to vector<32x32xf32>
    %select_n3A_623 = arith.select %eq3A_617, %broadcast_in_dim3A_622, %select_n3A_614 : vector<32x32xi1>, vector<32x32xf32>
    %eq3A_624 = arith.constant 5 : i32
    %eq3A_625 = vector.broadcast %eq3A_624 : i32 to vector<32x32xi32>
    %eq3A_626 = arith.cmpi eq, %add3A_8, %eq3A_625 : vector<32x32xi32>
    %get3A_627 = arith.index_cast %add3A_11 : i32 to index
    %get3A_628 = arith.constant 0 : index
    %get3A_629 = arith.constant 5 : index
    %get3A_630 = memref.load %arg2[%get3A_627, %get3A_628, %get3A_629] : memref<16x1x63xf32, #tpu.memory_space<smem>>
    %broadcast_in_dim3A_631 = vector.broadcast %get3A_630 : f32 to vector<32x32xf32>
    %select_n3A_632 = arith.select %eq3A_626, %broadcast_in_dim3A_631, %select_n3A_623 : vector<32x32xi1>, vector<32x32xf32>
    %eq3A_633 = arith.constant 6 : i32
    %eq3A_634 = vector.broadcast %eq3A_633 : i32 to vector<32x32xi32>
    %eq3A_635 = arith.cmpi eq, %add3A_8, %eq3A_634 : vector<32x32xi32>
    %get3A_636 = arith.index_cast %add3A_11 : i32 to index
    %get3A_637 = arith.constant 0 : index
    %get3A_638 = arith.constant 6 : index
    %get3A_639 = memref.load %arg2[%get3A_636, %get3A_637, %get3A_638] : memref<16x1x63xf32, #tpu.memory_space<smem>>
    %broadcast_in_dim3A_640 = vector.broadcast %get3A_639 : f32 to vector<32x32xf32>
    %select_n3A_641 = arith.select %eq3A_635, %broadcast_in_dim3A_640, %select_n3A_632 : vector<32x32xi1>, vector<32x32xf32>
    %eq3A_642 = arith.constant 7 : i32
    %eq3A_643 = vector.broadcast %eq3A_642 : i32 to vector<32x32xi32>
    %eq3A_644 = arith.cmpi eq, %add3A_8, %eq3A_643 : vector<32x32xi32>
    %get3A_645 = arith.index_cast %add3A_11 : i32 to index
    %get3A_646 = arith.constant 0 : index
    %get3A_647 = arith.constant 7 : index
    %get3A_648 = memref.load %arg2[%get3A_645, %get3A_646, %get3A_647] : memref<16x1x63xf32, #tpu.memory_space<smem>>
    %broadcast_in_dim3A_649 = vector.broadcast %get3A_648 : f32 to vector<32x32xf32>
    %select_n3A_650 = arith.select %eq3A_644, %broadcast_in_dim3A_649, %select_n3A_641 : vector<32x32xi1>, vector<32x32xf32>
    %eq3A_651 = arith.constant 8 : i32
    %eq3A_652 = vector.broadcast %eq3A_651 : i32 to vector<32x32xi32>
    %eq3A_653 = arith.cmpi eq, %add3A_8, %eq3A_652 : vector<32x32xi32>
    %get3A_654 = arith.index_cast %add3A_11 : i32 to index
    %get3A_655 = arith.constant 0 : index
    %get3A_656 = arith.constant 8 : index
    %get3A_657 = memref.load %arg2[%get3A_654, %get3A_655, %get3A_656] : memref<16x1x63xf32, #tpu.memory_space<smem>>
    %broadcast_in_dim3A_658 = vector.broadcast %get3A_657 : f32 to vector<32x32xf32>
    %select_n3A_659 = arith.select %eq3A_653, %broadcast_in_dim3A_658, %select_n3A_650 : vector<32x32xi1>, vector<32x32xf32>
    %eq3A_660 = arith.constant 9 : i32
    %eq3A_661 = vector.broadcast %eq3A_660 : i32 to vector<32x32xi32>
    %eq3A_662 = arith.cmpi eq, %add3A_8, %eq3A_661 : vector<32x32xi32>
    %get3A_663 = arith.index_cast %add3A_11 : i32 to index
    %get3A_664 = arith.constant 0 : index
    %get3A_665 = arith.constant 9 : index
    %get3A_666 = memref.load %arg2[%get3A_663, %get3A_664, %get3A_665] : memref<16x1x63xf32, #tpu.memory_space<smem>>
    %broadcast_in_dim3A_667 = vector.broadcast %get3A_666 : f32 to vector<32x32xf32>
    %select_n3A_668 = arith.select %eq3A_662, %broadcast_in_dim3A_667, %select_n3A_659 : vector<32x32xi1>, vector<32x32xf32>
    %eq3A_669 = arith.constant 10 : i32
    %eq3A_670 = vector.broadcast %eq3A_669 : i32 to vector<32x32xi32>
    %eq3A_671 = arith.cmpi eq, %add3A_8, %eq3A_670 : vector<32x32xi32>
    %get3A_672 = arith.index_cast %add3A_11 : i32 to index
    %get3A_673 = arith.constant 0 : index
    %get3A_674 = arith.constant 10 : index
    %get3A_675 = memref.load %arg2[%get3A_672, %get3A_673, %get3A_674] : memref<16x1x63xf32, #tpu.memory_space<smem>>
    %broadcast_in_dim3A_676 = vector.broadcast %get3A_675 : f32 to vector<32x32xf32>
    %select_n3A_677 = arith.select %eq3A_671, %broadcast_in_dim3A_676, %select_n3A_668 : vector<32x32xi1>, vector<32x32xf32>
    %eq3A_678 = arith.constant 11 : i32
    %eq3A_679 = vector.broadcast %eq3A_678 : i32 to vector<32x32xi32>
    %eq3A_680 = arith.cmpi eq, %add3A_8, %eq3A_679 : vector<32x32xi32>
    %get3A_681 = arith.index_cast %add3A_11 : i32 to index
    %get3A_682 = arith.constant 0 : index
    %get3A_683 = arith.constant 11 : index
    %get3A_684 = memref.load %arg2[%get3A_681, %get3A_682, %get3A_683] : memref<16x1x63xf32, #tpu.memory_space<smem>>
    %broadcast_in_dim3A_685 = vector.broadcast %get3A_684 : f32 to vector<32x32xf32>
    %select_n3A_686 = arith.select %eq3A_680, %broadcast_in_dim3A_685, %select_n3A_677 : vector<32x32xi1>, vector<32x32xf32>
    %eq3A_687 = arith.constant 12 : i32
    %eq3A_688 = vector.broadcast %eq3A_687 : i32 to vector<32x32xi32>
    %eq3A_689 = arith.cmpi eq, %add3A_8, %eq3A_688 : vector<32x32xi32>
    %get3A_690 = arith.index_cast %add3A_11 : i32 to index
    %get3A_691 = arith.constant 0 : index
    %get3A_692 = arith.constant 12 : index
    %get3A_693 = memref.load %arg2[%get3A_690, %get3A_691, %get3A_692] : memref<16x1x63xf32, #tpu.memory_space<smem>>
    %broadcast_in_dim3A_694 = vector.broadcast %get3A_693 : f32 to vector<32x32xf32>
    %select_n3A_695 = arith.select %eq3A_689, %broadcast_in_dim3A_694, %select_n3A_686 : vector<32x32xi1>, vector<32x32xf32>
    %eq3A_696 = arith.constant 13 : i32
    %eq3A_697 = vector.broadcast %eq3A_696 : i32 to vector<32x32xi32>
    %eq3A_698 = arith.cmpi eq, %add3A_8, %eq3A_697 : vector<32x32xi32>
    %get3A_699 = arith.index_cast %add3A_11 : i32 to index
    %get3A_700 = arith.constant 0 : index
    %get3A_701 = arith.constant 13 : index
    %get3A_702 = memref.load %arg2[%get3A_699, %get3A_700, %get3A_701] : memref<16x1x63xf32, #tpu.memory_space<smem>>
    %broadcast_in_dim3A_703 = vector.broadcast %get3A_702 : f32 to vector<32x32xf32>
    %select_n3A_704 = arith.select %eq3A_698, %broadcast_in_dim3A_703, %select_n3A_695 : vector<32x32xi1>, vector<32x32xf32>
    %eq3A_705 = arith.constant 14 : i32
    %eq3A_706 = vector.broadcast %eq3A_705 : i32 to vector<32x32xi32>
    %eq3A_707 = arith.cmpi eq, %add3A_8, %eq3A_706 : vector<32x32xi32>
    %get3A_708 = arith.index_cast %add3A_11 : i32 to index
    %get3A_709 = arith.constant 0 : index
    %get3A_710 = arith.constant 14 : index
    %get3A_711 = memref.load %arg2[%get3A_708, %get3A_709, %get3A_710] : memref<16x1x63xf32, #tpu.memory_space<smem>>
    %broadcast_in_dim3A_712 = vector.broadcast %get3A_711 : f32 to vector<32x32xf32>
    %select_n3A_713 = arith.select %eq3A_707, %broadcast_in_dim3A_712, %select_n3A_704 : vector<32x32xi1>, vector<32x32xf32>
    %eq3A_714 = arith.constant 15 : i32
    %eq3A_715 = vector.broadcast %eq3A_714 : i32 to vector<32x32xi32>
    %eq3A_716 = arith.cmpi eq, %add3A_8, %eq3A_715 : vector<32x32xi32>
    %get3A_717 = arith.index_cast %add3A_11 : i32 to index
    %get3A_718 = arith.constant 0 : index
    %get3A_719 = arith.constant 15 : index
    %get3A_720 = memref.load %arg2[%get3A_717, %get3A_718, %get3A_719] : memref<16x1x63xf32, #tpu.memory_space<smem>>
    %broadcast_in_dim3A_721 = vector.broadcast %get3A_720 : f32 to vector<32x32xf32>
    %select_n3A_722 = arith.select %eq3A_716, %broadcast_in_dim3A_721, %select_n3A_713 : vector<32x32xi1>, vector<32x32xf32>
    %eq3A_723 = arith.constant 16 : i32
    %eq3A_724 = vector.broadcast %eq3A_723 : i32 to vector<32x32xi32>
    %eq3A_725 = arith.cmpi eq, %add3A_8, %eq3A_724 : vector<32x32xi32>
    %get3A_726 = arith.index_cast %add3A_11 : i32 to index
    %get3A_727 = arith.constant 0 : index
    %get3A_728 = arith.constant 16 : index
    %get3A_729 = memref.load %arg2[%get3A_726, %get3A_727, %get3A_728] : memref<16x1x63xf32, #tpu.memory_space<smem>>
    %broadcast_in_dim3A_730 = vector.broadcast %get3A_729 : f32 to vector<32x32xf32>
    %select_n3A_731 = arith.select %eq3A_725, %broadcast_in_dim3A_730, %select_n3A_722 : vector<32x32xi1>, vector<32x32xf32>
    %eq3A_732 = arith.constant 17 : i32
    %eq3A_733 = vector.broadcast %eq3A_732 : i32 to vector<32x32xi32>
    %eq3A_734 = arith.cmpi eq, %add3A_8, %eq3A_733 : vector<32x32xi32>
    %get3A_735 = arith.index_cast %add3A_11 : i32 to index
    %get3A_736 = arith.constant 0 : index
    %get3A_737 = arith.constant 17 : index
    %get3A_738 = memref.load %arg2[%get3A_735, %get3A_736, %get3A_737] : memref<16x1x63xf32, #tpu.memory_space<smem>>
    %broadcast_in_dim3A_739 = vector.broadcast %get3A_738 : f32 to vector<32x32xf32>
    %select_n3A_740 = arith.select %eq3A_734, %broadcast_in_dim3A_739, %select_n3A_731 : vector<32x32xi1>, vector<32x32xf32>
    %eq3A_741 = arith.constant 18 : i32
    %eq3A_742 = vector.broadcast %eq3A_741 : i32 to vector<32x32xi32>
    %eq3A_743 = arith.cmpi eq, %add3A_8, %eq3A_742 : vector<32x32xi32>
    %get3A_744 = arith.index_cast %add3A_11 : i32 to index
    %get3A_745 = arith.constant 0 : index
    %get3A_746 = arith.constant 18 : index
    %get3A_747 = memref.load %arg2[%get3A_744, %get3A_745, %get3A_746] : memref<16x1x63xf32, #tpu.memory_space<smem>>
    %broadcast_in_dim3A_748 = vector.broadcast %get3A_747 : f32 to vector<32x32xf32>
    %select_n3A_749 = arith.select %eq3A_743, %broadcast_in_dim3A_748, %select_n3A_740 : vector<32x32xi1>, vector<32x32xf32>
    %eq3A_750 = arith.constant 19 : i32
    %eq3A_751 = vector.broadcast %eq3A_750 : i32 to vector<32x32xi32>
    %eq3A_752 = arith.cmpi eq, %add3A_8, %eq3A_751 : vector<32x32xi32>
    %get3A_753 = arith.index_cast %add3A_11 : i32 to index
    %get3A_754 = arith.constant 0 : index
    %get3A_755 = arith.constant 19 : index
    %get3A_756 = memref.load %arg2[%get3A_753, %get3A_754, %get3A_755] : memref<16x1x63xf32, #tpu.memory_space<smem>>
    %broadcast_in_dim3A_757 = vector.broadcast %get3A_756 : f32 to vector<32x32xf32>
    %select_n3A_758 = arith.select %eq3A_752, %broadcast_in_dim3A_757, %select_n3A_749 : vector<32x32xi1>, vector<32x32xf32>
    %eq3A_759 = arith.constant 20 : i32
    %eq3A_760 = vector.broadcast %eq3A_759 : i32 to vector<32x32xi32>
    %eq3A_761 = arith.cmpi eq, %add3A_8, %eq3A_760 : vector<32x32xi32>
    %get3A_762 = arith.index_cast %add3A_11 : i32 to index
    %get3A_763 = arith.constant 0 : index
    %get3A_764 = arith.constant 20 : index
    %get3A_765 = memref.load %arg2[%get3A_762, %get3A_763, %get3A_764] : memref<16x1x63xf32, #tpu.memory_space<smem>>
    %broadcast_in_dim3A_766 = vector.broadcast %get3A_765 : f32 to vector<32x32xf32>
    %select_n3A_767 = arith.select %eq3A_761, %broadcast_in_dim3A_766, %select_n3A_758 : vector<32x32xi1>, vector<32x32xf32>
    %eq3A_768 = arith.constant 21 : i32
    %eq3A_769 = vector.broadcast %eq3A_768 : i32 to vector<32x32xi32>
    %eq3A_770 = arith.cmpi eq, %add3A_8, %eq3A_769 : vector<32x32xi32>
    %get3A_771 = arith.index_cast %add3A_11 : i32 to index
    %get3A_772 = arith.constant 0 : index
    %get3A_773 = arith.constant 21 : index
    %get3A_774 = memref.load %arg2[%get3A_771, %get3A_772, %get3A_773] : memref<16x1x63xf32, #tpu.memory_space<smem>>
    %broadcast_in_dim3A_775 = vector.broadcast %get3A_774 : f32 to vector<32x32xf32>
    %select_n3A_776 = arith.select %eq3A_770, %broadcast_in_dim3A_775, %select_n3A_767 : vector<32x32xi1>, vector<32x32xf32>
    %eq3A_777 = arith.constant 22 : i32
    %eq3A_778 = vector.broadcast %eq3A_777 : i32 to vector<32x32xi32>
    %eq3A_779 = arith.cmpi eq, %add3A_8, %eq3A_778 : vector<32x32xi32>
    %get3A_780 = arith.index_cast %add3A_11 : i32 to index
    %get3A_781 = arith.constant 0 : index
    %get3A_782 = arith.constant 22 : index
    %get3A_783 = memref.load %arg2[%get3A_780, %get3A_781, %get3A_782] : memref<16x1x63xf32, #tpu.memory_space<smem>>
    %broadcast_in_dim3A_784 = vector.broadcast %get3A_783 : f32 to vector<32x32xf32>
    %select_n3A_785 = arith.select %eq3A_779, %broadcast_in_dim3A_784, %select_n3A_776 : vector<32x32xi1>, vector<32x32xf32>
    %eq3A_786 = arith.constant 23 : i32
    %eq3A_787 = vector.broadcast %eq3A_786 : i32 to vector<32x32xi32>
    %eq3A_788 = arith.cmpi eq, %add3A_8, %eq3A_787 : vector<32x32xi32>
    %get3A_789 = arith.index_cast %add3A_11 : i32 to index
    %get3A_790 = arith.constant 0 : index
    %get3A_791 = arith.constant 23 : index
    %get3A_792 = memref.load %arg2[%get3A_789, %get3A_790, %get3A_791] : memref<16x1x63xf32, #tpu.memory_space<smem>>
    %broadcast_in_dim3A_793 = vector.broadcast %get3A_792 : f32 to vector<32x32xf32>
    %select_n3A_794 = arith.select %eq3A_788, %broadcast_in_dim3A_793, %select_n3A_785 : vector<32x32xi1>, vector<32x32xf32>
    %eq3A_795 = arith.constant 24 : i32
    %eq3A_796 = vector.broadcast %eq3A_795 : i32 to vector<32x32xi32>
    %eq3A_797 = arith.cmpi eq, %add3A_8, %eq3A_796 : vector<32x32xi32>
    %get3A_798 = arith.index_cast %add3A_11 : i32 to index
    %get3A_799 = arith.constant 0 : index
    %get3A_800 = arith.constant 24 : index
    %get3A_801 = memref.load %arg2[%get3A_798, %get3A_799, %get3A_800] : memref<16x1x63xf32, #tpu.memory_space<smem>>
    %broadcast_in_dim3A_802 = vector.broadcast %get3A_801 : f32 to vector<32x32xf32>
    %select_n3A_803 = arith.select %eq3A_797, %broadcast_in_dim3A_802, %select_n3A_794 : vector<32x32xi1>, vector<32x32xf32>
    %eq3A_804 = arith.constant 25 : i32
    %eq3A_805 = vector.broadcast %eq3A_804 : i32 to vector<32x32xi32>
    %eq3A_806 = arith.cmpi eq, %add3A_8, %eq3A_805 : vector<32x32xi32>
    %get3A_807 = arith.index_cast %add3A_11 : i32 to index
    %get3A_808 = arith.constant 0 : index
    %get3A_809 = arith.constant 25 : index
    %get3A_810 = memref.load %arg2[%get3A_807, %get3A_808, %get3A_809] : memref<16x1x63xf32, #tpu.memory_space<smem>>
    %broadcast_in_dim3A_811 = vector.broadcast %get3A_810 : f32 to vector<32x32xf32>
    %select_n3A_812 = arith.select %eq3A_806, %broadcast_in_dim3A_811, %select_n3A_803 : vector<32x32xi1>, vector<32x32xf32>
    %eq3A_813 = arith.constant 26 : i32
    %eq3A_814 = vector.broadcast %eq3A_813 : i32 to vector<32x32xi32>
    %eq3A_815 = arith.cmpi eq, %add3A_8, %eq3A_814 : vector<32x32xi32>
    %get3A_816 = arith.index_cast %add3A_11 : i32 to index
    %get3A_817 = arith.constant 0 : index
    %get3A_818 = arith.constant 26 : index
    %get3A_819 = memref.load %arg2[%get3A_816, %get3A_817, %get3A_818] : memref<16x1x63xf32, #tpu.memory_space<smem>>
    %broadcast_in_dim3A_820 = vector.broadcast %get3A_819 : f32 to vector<32x32xf32>
    %select_n3A_821 = arith.select %eq3A_815, %broadcast_in_dim3A_820, %select_n3A_812 : vector<32x32xi1>, vector<32x32xf32>
    %eq3A_822 = arith.constant 27 : i32
    %eq3A_823 = vector.broadcast %eq3A_822 : i32 to vector<32x32xi32>
    %eq3A_824 = arith.cmpi eq, %add3A_8, %eq3A_823 : vector<32x32xi32>
    %get3A_825 = arith.index_cast %add3A_11 : i32 to index
    %get3A_826 = arith.constant 0 : index
    %get3A_827 = arith.constant 27 : index
    %get3A_828 = memref.load %arg2[%get3A_825, %get3A_826, %get3A_827] : memref<16x1x63xf32, #tpu.memory_space<smem>>
    %broadcast_in_dim3A_829 = vector.broadcast %get3A_828 : f32 to vector<32x32xf32>
    %select_n3A_830 = arith.select %eq3A_824, %broadcast_in_dim3A_829, %select_n3A_821 : vector<32x32xi1>, vector<32x32xf32>
    %eq3A_831 = arith.constant 28 : i32
    %eq3A_832 = vector.broadcast %eq3A_831 : i32 to vector<32x32xi32>
    %eq3A_833 = arith.cmpi eq, %add3A_8, %eq3A_832 : vector<32x32xi32>
    %get3A_834 = arith.index_cast %add3A_11 : i32 to index
    %get3A_835 = arith.constant 0 : index
    %get3A_836 = arith.constant 28 : index
    %get3A_837 = memref.load %arg2[%get3A_834, %get3A_835, %get3A_836] : memref<16x1x63xf32, #tpu.memory_space<smem>>
    %broadcast_in_dim3A_838 = vector.broadcast %get3A_837 : f32 to vector<32x32xf32>
    %select_n3A_839 = arith.select %eq3A_833, %broadcast_in_dim3A_838, %select_n3A_830 : vector<32x32xi1>, vector<32x32xf32>
    %eq3A_840 = arith.constant 29 : i32
    %eq3A_841 = vector.broadcast %eq3A_840 : i32 to vector<32x32xi32>
    %eq3A_842 = arith.cmpi eq, %add3A_8, %eq3A_841 : vector<32x32xi32>
    %get3A_843 = arith.index_cast %add3A_11 : i32 to index
    %get3A_844 = arith.constant 0 : index
    %get3A_845 = arith.constant 29 : index
    %get3A_846 = memref.load %arg2[%get3A_843, %get3A_844, %get3A_845] : memref<16x1x63xf32, #tpu.memory_space<smem>>
    %broadcast_in_dim3A_847 = vector.broadcast %get3A_846 : f32 to vector<32x32xf32>
    %select_n3A_848 = arith.select %eq3A_842, %broadcast_in_dim3A_847, %select_n3A_839 : vector<32x32xi1>, vector<32x32xf32>
    %eq3A_849 = arith.constant 30 : i32
    %eq3A_850 = vector.broadcast %eq3A_849 : i32 to vector<32x32xi32>
    %eq3A_851 = arith.cmpi eq, %add3A_8, %eq3A_850 : vector<32x32xi32>
    %get3A_852 = arith.index_cast %add3A_11 : i32 to index
    %get3A_853 = arith.constant 0 : index
    %get3A_854 = arith.constant 30 : index
    %get3A_855 = memref.load %arg2[%get3A_852, %get3A_853, %get3A_854] : memref<16x1x63xf32, #tpu.memory_space<smem>>
    %broadcast_in_dim3A_856 = vector.broadcast %get3A_855 : f32 to vector<32x32xf32>
    %select_n3A_857 = arith.select %eq3A_851, %broadcast_in_dim3A_856, %select_n3A_848 : vector<32x32xi1>, vector<32x32xf32>
    %eq3A_858 = arith.constant 31 : i32
    %eq3A_859 = vector.broadcast %eq3A_858 : i32 to vector<32x32xi32>
    %eq3A_860 = arith.cmpi eq, %add3A_8, %eq3A_859 : vector<32x32xi32>
    %get3A_861 = arith.index_cast %add3A_11 : i32 to index
    %get3A_862 = arith.constant 0 : index
    %get3A_863 = arith.constant 31 : index
    %get3A_864 = memref.load %arg2[%get3A_861, %get3A_862, %get3A_863] : memref<16x1x63xf32, #tpu.memory_space<smem>>
    %broadcast_in_dim3A_865 = vector.broadcast %get3A_864 : f32 to vector<32x32xf32>
    %select_n3A_866 = arith.select %eq3A_860, %broadcast_in_dim3A_865, %select_n3A_857 : vector<32x32xi1>, vector<32x32xf32>
    %eq3A_867 = arith.constant 32 : i32
    %eq3A_868 = vector.broadcast %eq3A_867 : i32 to vector<32x32xi32>
    %eq3A_869 = arith.cmpi eq, %add3A_8, %eq3A_868 : vector<32x32xi32>
    %get3A_870 = arith.index_cast %add3A_11 : i32 to index
    %get3A_871 = arith.constant 0 : index
    %get3A_872 = arith.constant 32 : index
    %get3A_873 = memref.load %arg2[%get3A_870, %get3A_871, %get3A_872] : memref<16x1x63xf32, #tpu.memory_space<smem>>
    %broadcast_in_dim3A_874 = vector.broadcast %get3A_873 : f32 to vector<32x32xf32>
    %select_n3A_875 = arith.select %eq3A_869, %broadcast_in_dim3A_874, %select_n3A_866 : vector<32x32xi1>, vector<32x32xf32>
    %eq3A_876 = arith.constant 33 : i32
    %eq3A_877 = vector.broadcast %eq3A_876 : i32 to vector<32x32xi32>
    %eq3A_878 = arith.cmpi eq, %add3A_8, %eq3A_877 : vector<32x32xi32>
    %get3A_879 = arith.index_cast %add3A_11 : i32 to index
    %get3A_880 = arith.constant 0 : index
    %get3A_881 = arith.constant 33 : index
    %get3A_882 = memref.load %arg2[%get3A_879, %get3A_880, %get3A_881] : memref<16x1x63xf32, #tpu.memory_space<smem>>
    %broadcast_in_dim3A_883 = vector.broadcast %get3A_882 : f32 to vector<32x32xf32>
    %select_n3A_884 = arith.select %eq3A_878, %broadcast_in_dim3A_883, %select_n3A_875 : vector<32x32xi1>, vector<32x32xf32>
    %eq3A_885 = arith.constant 34 : i32
    %eq3A_886 = vector.broadcast %eq3A_885 : i32 to vector<32x32xi32>
    %eq3A_887 = arith.cmpi eq, %add3A_8, %eq3A_886 : vector<32x32xi32>
    %get3A_888 = arith.index_cast %add3A_11 : i32 to index
    %get3A_889 = arith.constant 0 : index
    %get3A_890 = arith.constant 34 : index
    %get3A_891 = memref.load %arg2[%get3A_888, %get3A_889, %get3A_890] : memref<16x1x63xf32, #tpu.memory_space<smem>>
    %broadcast_in_dim3A_892 = vector.broadcast %get3A_891 : f32 to vector<32x32xf32>
    %select_n3A_893 = arith.select %eq3A_887, %broadcast_in_dim3A_892, %select_n3A_884 : vector<32x32xi1>, vector<32x32xf32>
    %eq3A_894 = arith.constant 35 : i32
    %eq3A_895 = vector.broadcast %eq3A_894 : i32 to vector<32x32xi32>
    %eq3A_896 = arith.cmpi eq, %add3A_8, %eq3A_895 : vector<32x32xi32>
    %get3A_897 = arith.index_cast %add3A_11 : i32 to index
    %get3A_898 = arith.constant 0 : index
    %get3A_899 = arith.constant 35 : index
    %get3A_900 = memref.load %arg2[%get3A_897, %get3A_898, %get3A_899] : memref<16x1x63xf32, #tpu.memory_space<smem>>
    %broadcast_in_dim3A_901 = vector.broadcast %get3A_900 : f32 to vector<32x32xf32>
    %select_n3A_902 = arith.select %eq3A_896, %broadcast_in_dim3A_901, %select_n3A_893 : vector<32x32xi1>, vector<32x32xf32>
    %eq3A_903 = arith.constant 36 : i32
    %eq3A_904 = vector.broadcast %eq3A_903 : i32 to vector<32x32xi32>
    %eq3A_905 = arith.cmpi eq, %add3A_8, %eq3A_904 : vector<32x32xi32>
    %get3A_906 = arith.index_cast %add3A_11 : i32 to index
    %get3A_907 = arith.constant 0 : index
    %get3A_908 = arith.constant 36 : index
    %get3A_909 = memref.load %arg2[%get3A_906, %get3A_907, %get3A_908] : memref<16x1x63xf32, #tpu.memory_space<smem>>
    %broadcast_in_dim3A_910 = vector.broadcast %get3A_909 : f32 to vector<32x32xf32>
    %select_n3A_911 = arith.select %eq3A_905, %broadcast_in_dim3A_910, %select_n3A_902 : vector<32x32xi1>, vector<32x32xf32>
    %eq3A_912 = arith.constant 37 : i32
    %eq3A_913 = vector.broadcast %eq3A_912 : i32 to vector<32x32xi32>
    %eq3A_914 = arith.cmpi eq, %add3A_8, %eq3A_913 : vector<32x32xi32>
    %get3A_915 = arith.index_cast %add3A_11 : i32 to index
    %get3A_916 = arith.constant 0 : index
    %get3A_917 = arith.constant 37 : index
    %get3A_918 = memref.load %arg2[%get3A_915, %get3A_916, %get3A_917] : memref<16x1x63xf32, #tpu.memory_space<smem>>
    %broadcast_in_dim3A_919 = vector.broadcast %get3A_918 : f32 to vector<32x32xf32>
    %select_n3A_920 = arith.select %eq3A_914, %broadcast_in_dim3A_919, %select_n3A_911 : vector<32x32xi1>, vector<32x32xf32>
    %eq3A_921 = arith.constant 38 : i32
    %eq3A_922 = vector.broadcast %eq3A_921 : i32 to vector<32x32xi32>
    %eq3A_923 = arith.cmpi eq, %add3A_8, %eq3A_922 : vector<32x32xi32>
    %get3A_924 = arith.index_cast %add3A_11 : i32 to index
    %get3A_925 = arith.constant 0 : index
    %get3A_926 = arith.constant 38 : index
    %get3A_927 = memref.load %arg2[%get3A_924, %get3A_925, %get3A_926] : memref<16x1x63xf32, #tpu.memory_space<smem>>
    %broadcast_in_dim3A_928 = vector.broadcast %get3A_927 : f32 to vector<32x32xf32>
    %select_n3A_929 = arith.select %eq3A_923, %broadcast_in_dim3A_928, %select_n3A_920 : vector<32x32xi1>, vector<32x32xf32>
    %eq3A_930 = arith.constant 39 : i32
    %eq3A_931 = vector.broadcast %eq3A_930 : i32 to vector<32x32xi32>
    %eq3A_932 = arith.cmpi eq, %add3A_8, %eq3A_931 : vector<32x32xi32>
    %get3A_933 = arith.index_cast %add3A_11 : i32 to index
    %get3A_934 = arith.constant 0 : index
    %get3A_935 = arith.constant 39 : index
    %get3A_936 = memref.load %arg2[%get3A_933, %get3A_934, %get3A_935] : memref<16x1x63xf32, #tpu.memory_space<smem>>
    %broadcast_in_dim3A_937 = vector.broadcast %get3A_936 : f32 to vector<32x32xf32>
    %select_n3A_938 = arith.select %eq3A_932, %broadcast_in_dim3A_937, %select_n3A_929 : vector<32x32xi1>, vector<32x32xf32>
    %eq3A_939 = arith.constant 40 : i32
    %eq3A_940 = vector.broadcast %eq3A_939 : i32 to vector<32x32xi32>
    %eq3A_941 = arith.cmpi eq, %add3A_8, %eq3A_940 : vector<32x32xi32>
    %get3A_942 = arith.index_cast %add3A_11 : i32 to index
    %get3A_943 = arith.constant 0 : index
    %get3A_944 = arith.constant 40 : index
    %get3A_945 = memref.load %arg2[%get3A_942, %get3A_943, %get3A_944] : memref<16x1x63xf32, #tpu.memory_space<smem>>
    %broadcast_in_dim3A_946 = vector.broadcast %get3A_945 : f32 to vector<32x32xf32>
    %select_n3A_947 = arith.select %eq3A_941, %broadcast_in_dim3A_946, %select_n3A_938 : vector<32x32xi1>, vector<32x32xf32>
    %eq3A_948 = arith.constant 41 : i32
    %eq3A_949 = vector.broadcast %eq3A_948 : i32 to vector<32x32xi32>
    %eq3A_950 = arith.cmpi eq, %add3A_8, %eq3A_949 : vector<32x32xi32>
    %get3A_951 = arith.index_cast %add3A_11 : i32 to index
    %get3A_952 = arith.constant 0 : index
    %get3A_953 = arith.constant 41 : index
    %get3A_954 = memref.load %arg2[%get3A_951, %get3A_952, %get3A_953] : memref<16x1x63xf32, #tpu.memory_space<smem>>
    %broadcast_in_dim3A_955 = vector.broadcast %get3A_954 : f32 to vector<32x32xf32>
    %select_n3A_956 = arith.select %eq3A_950, %broadcast_in_dim3A_955, %select_n3A_947 : vector<32x32xi1>, vector<32x32xf32>
    %eq3A_957 = arith.constant 42 : i32
    %eq3A_958 = vector.broadcast %eq3A_957 : i32 to vector<32x32xi32>
    %eq3A_959 = arith.cmpi eq, %add3A_8, %eq3A_958 : vector<32x32xi32>
    %get3A_960 = arith.index_cast %add3A_11 : i32 to index
    %get3A_961 = arith.constant 0 : index
    %get3A_962 = arith.constant 42 : index
    %get3A_963 = memref.load %arg2[%get3A_960, %get3A_961, %get3A_962] : memref<16x1x63xf32, #tpu.memory_space<smem>>
    %broadcast_in_dim3A_964 = vector.broadcast %get3A_963 : f32 to vector<32x32xf32>
    %select_n3A_965 = arith.select %eq3A_959, %broadcast_in_dim3A_964, %select_n3A_956 : vector<32x32xi1>, vector<32x32xf32>
    %eq3A_966 = arith.constant 43 : i32
    %eq3A_967 = vector.broadcast %eq3A_966 : i32 to vector<32x32xi32>
    %eq3A_968 = arith.cmpi eq, %add3A_8, %eq3A_967 : vector<32x32xi32>
    %get3A_969 = arith.index_cast %add3A_11 : i32 to index
    %get3A_970 = arith.constant 0 : index
    %get3A_971 = arith.constant 43 : index
    %get3A_972 = memref.load %arg2[%get3A_969, %get3A_970, %get3A_971] : memref<16x1x63xf32, #tpu.memory_space<smem>>
    %broadcast_in_dim3A_973 = vector.broadcast %get3A_972 : f32 to vector<32x32xf32>
    %select_n3A_974 = arith.select %eq3A_968, %broadcast_in_dim3A_973, %select_n3A_965 : vector<32x32xi1>, vector<32x32xf32>
    %eq3A_975 = arith.constant 44 : i32
    %eq3A_976 = vector.broadcast %eq3A_975 : i32 to vector<32x32xi32>
    %eq3A_977 = arith.cmpi eq, %add3A_8, %eq3A_976 : vector<32x32xi32>
    %get3A_978 = arith.index_cast %add3A_11 : i32 to index
    %get3A_979 = arith.constant 0 : index
    %get3A_980 = arith.constant 44 : index
    %get3A_981 = memref.load %arg2[%get3A_978, %get3A_979, %get3A_980] : memref<16x1x63xf32, #tpu.memory_space<smem>>
    %broadcast_in_dim3A_982 = vector.broadcast %get3A_981 : f32 to vector<32x32xf32>
    %select_n3A_983 = arith.select %eq3A_977, %broadcast_in_dim3A_982, %select_n3A_974 : vector<32x32xi1>, vector<32x32xf32>
    %eq3A_984 = arith.constant 45 : i32
    %eq3A_985 = vector.broadcast %eq3A_984 : i32 to vector<32x32xi32>
    %eq3A_986 = arith.cmpi eq, %add3A_8, %eq3A_985 : vector<32x32xi32>
    %get3A_987 = arith.index_cast %add3A_11 : i32 to index
    %get3A_988 = arith.constant 0 : index
    %get3A_989 = arith.constant 45 : index
    %get3A_990 = memref.load %arg2[%get3A_987, %get3A_988, %get3A_989] : memref<16x1x63xf32, #tpu.memory_space<smem>>
    %broadcast_in_dim3A_991 = vector.broadcast %get3A_990 : f32 to vector<32x32xf32>
    %select_n3A_992 = arith.select %eq3A_986, %broadcast_in_dim3A_991, %select_n3A_983 : vector<32x32xi1>, vector<32x32xf32>
    %eq3A_993 = arith.constant 46 : i32
    %eq3A_994 = vector.broadcast %eq3A_993 : i32 to vector<32x32xi32>
    %eq3A_995 = arith.cmpi eq, %add3A_8, %eq3A_994 : vector<32x32xi32>
    %get3A_996 = arith.index_cast %add3A_11 : i32 to index
    %get3A_997 = arith.constant 0 : index
    %get3A_998 = arith.constant 46 : index
    %get3A_999 = memref.load %arg2[%get3A_996, %get3A_997, %get3A_998] : memref<16x1x63xf32, #tpu.memory_space<smem>>
    %broadcast_in_dim3A_1000 = vector.broadcast %get3A_999 : f32 to vector<32x32xf32>
    %select_n3A_1001 = arith.select %eq3A_995, %broadcast_in_dim3A_1000, %select_n3A_992 : vector<32x32xi1>, vector<32x32xf32>
    %eq3A_1002 = arith.constant 47 : i32
    %eq3A_1003 = vector.broadcast %eq3A_1002 : i32 to vector<32x32xi32>
    %eq3A_1004 = arith.cmpi eq, %add3A_8, %eq3A_1003 : vector<32x32xi32>
    %get3A_1005 = arith.index_cast %add3A_11 : i32 to index
    %get3A_1006 = arith.constant 0 : index
    %get3A_1007 = arith.constant 47 : index
    %get3A_1008 = memref.load %arg2[%get3A_1005, %get3A_1006, %get3A_1007] : memref<16x1x63xf32, #tpu.memory_space<smem>>
    %broadcast_in_dim3A_1009 = vector.broadcast %get3A_1008 : f32 to vector<32x32xf32>
    %select_n3A_1010 = arith.select %eq3A_1004, %broadcast_in_dim3A_1009, %select_n3A_1001 : vector<32x32xi1>, vector<32x32xf32>
    %eq3A_1011 = arith.constant 48 : i32
    %eq3A_1012 = vector.broadcast %eq3A_1011 : i32 to vector<32x32xi32>
    %eq3A_1013 = arith.cmpi eq, %add3A_8, %eq3A_1012 : vector<32x32xi32>
    %get3A_1014 = arith.index_cast %add3A_11 : i32 to index
    %get3A_1015 = arith.constant 0 : index
    %get3A_1016 = arith.constant 48 : index
    %get3A_1017 = memref.load %arg2[%get3A_1014, %get3A_1015, %get3A_1016] : memref<16x1x63xf32, #tpu.memory_space<smem>>
    %broadcast_in_dim3A_1018 = vector.broadcast %get3A_1017 : f32 to vector<32x32xf32>
    %select_n3A_1019 = arith.select %eq3A_1013, %broadcast_in_dim3A_1018, %select_n3A_1010 : vector<32x32xi1>, vector<32x32xf32>
    %eq3A_1020 = arith.constant 49 : i32
    %eq3A_1021 = vector.broadcast %eq3A_1020 : i32 to vector<32x32xi32>
    %eq3A_1022 = arith.cmpi eq, %add3A_8, %eq3A_1021 : vector<32x32xi32>
    %get3A_1023 = arith.index_cast %add3A_11 : i32 to index
    %get3A_1024 = arith.constant 0 : index
    %get3A_1025 = arith.constant 49 : index
    %get3A_1026 = memref.load %arg2[%get3A_1023, %get3A_1024, %get3A_1025] : memref<16x1x63xf32, #tpu.memory_space<smem>>
    %broadcast_in_dim3A_1027 = vector.broadcast %get3A_1026 : f32 to vector<32x32xf32>
    %select_n3A_1028 = arith.select %eq3A_1022, %broadcast_in_dim3A_1027, %select_n3A_1019 : vector<32x32xi1>, vector<32x32xf32>
    %eq3A_1029 = arith.constant 50 : i32
    %eq3A_1030 = vector.broadcast %eq3A_1029 : i32 to vector<32x32xi32>
    %eq3A_1031 = arith.cmpi eq, %add3A_8, %eq3A_1030 : vector<32x32xi32>
    %get3A_1032 = arith.index_cast %add3A_11 : i32 to index
    %get3A_1033 = arith.constant 0 : index
    %get3A_1034 = arith.constant 50 : index
    %get3A_1035 = memref.load %arg2[%get3A_1032, %get3A_1033, %get3A_1034] : memref<16x1x63xf32, #tpu.memory_space<smem>>
    %broadcast_in_dim3A_1036 = vector.broadcast %get3A_1035 : f32 to vector<32x32xf32>
    %select_n3A_1037 = arith.select %eq3A_1031, %broadcast_in_dim3A_1036, %select_n3A_1028 : vector<32x32xi1>, vector<32x32xf32>
    %eq3A_1038 = arith.constant 51 : i32
    %eq3A_1039 = vector.broadcast %eq3A_1038 : i32 to vector<32x32xi32>
    %eq3A_1040 = arith.cmpi eq, %add3A_8, %eq3A_1039 : vector<32x32xi32>
    %get3A_1041 = arith.index_cast %add3A_11 : i32 to index
    %get3A_1042 = arith.constant 0 : index
    %get3A_1043 = arith.constant 51 : index
    %get3A_1044 = memref.load %arg2[%get3A_1041, %get3A_1042, %get3A_1043] : memref<16x1x63xf32, #tpu.memory_space<smem>>
    %broadcast_in_dim3A_1045 = vector.broadcast %get3A_1044 : f32 to vector<32x32xf32>
    %select_n3A_1046 = arith.select %eq3A_1040, %broadcast_in_dim3A_1045, %select_n3A_1037 : vector<32x32xi1>, vector<32x32xf32>
    %eq3A_1047 = arith.constant 52 : i32
    %eq3A_1048 = vector.broadcast %eq3A_1047 : i32 to vector<32x32xi32>
    %eq3A_1049 = arith.cmpi eq, %add3A_8, %eq3A_1048 : vector<32x32xi32>
    %get3A_1050 = arith.index_cast %add3A_11 : i32 to index
    %get3A_1051 = arith.constant 0 : index
    %get3A_1052 = arith.constant 52 : index
    %get3A_1053 = memref.load %arg2[%get3A_1050, %get3A_1051, %get3A_1052] : memref<16x1x63xf32, #tpu.memory_space<smem>>
    %broadcast_in_dim3A_1054 = vector.broadcast %get3A_1053 : f32 to vector<32x32xf32>
    %select_n3A_1055 = arith.select %eq3A_1049, %broadcast_in_dim3A_1054, %select_n3A_1046 : vector<32x32xi1>, vector<32x32xf32>
    %eq3A_1056 = arith.constant 53 : i32
    %eq3A_1057 = vector.broadcast %eq3A_1056 : i32 to vector<32x32xi32>
    %eq3A_1058 = arith.cmpi eq, %add3A_8, %eq3A_1057 : vector<32x32xi32>
    %get3A_1059 = arith.index_cast %add3A_11 : i32 to index
    %get3A_1060 = arith.constant 0 : index
    %get3A_1061 = arith.constant 53 : index
    %get3A_1062 = memref.load %arg2[%get3A_1059, %get3A_1060, %get3A_1061] : memref<16x1x63xf32, #tpu.memory_space<smem>>
    %broadcast_in_dim3A_1063 = vector.broadcast %get3A_1062 : f32 to vector<32x32xf32>
    %select_n3A_1064 = arith.select %eq3A_1058, %broadcast_in_dim3A_1063, %select_n3A_1055 : vector<32x32xi1>, vector<32x32xf32>
    %eq3A_1065 = arith.constant 54 : i32
    %eq3A_1066 = vector.broadcast %eq3A_1065 : i32 to vector<32x32xi32>
    %eq3A_1067 = arith.cmpi eq, %add3A_8, %eq3A_1066 : vector<32x32xi32>
    %get3A_1068 = arith.index_cast %add3A_11 : i32 to index
    %get3A_1069 = arith.constant 0 : index
    %get3A_1070 = arith.constant 54 : index
    %get3A_1071 = memref.load %arg2[%get3A_1068, %get3A_1069, %get3A_1070] : memref<16x1x63xf32, #tpu.memory_space<smem>>
    %broadcast_in_dim3A_1072 = vector.broadcast %get3A_1071 : f32 to vector<32x32xf32>
    %select_n3A_1073 = arith.select %eq3A_1067, %broadcast_in_dim3A_1072, %select_n3A_1064 : vector<32x32xi1>, vector<32x32xf32>
    %eq3A_1074 = arith.constant 55 : i32
    %eq3A_1075 = vector.broadcast %eq3A_1074 : i32 to vector<32x32xi32>
    %eq3A_1076 = arith.cmpi eq, %add3A_8, %eq3A_1075 : vector<32x32xi32>
    %get3A_1077 = arith.index_cast %add3A_11 : i32 to index
    %get3A_1078 = arith.constant 0 : index
    %get3A_1079 = arith.constant 55 : index
    %get3A_1080 = memref.load %arg2[%get3A_1077, %get3A_1078, %get3A_1079] : memref<16x1x63xf32, #tpu.memory_space<smem>>
    %broadcast_in_dim3A_1081 = vector.broadcast %get3A_1080 : f32 to vector<32x32xf32>
    %select_n3A_1082 = arith.select %eq3A_1076, %broadcast_in_dim3A_1081, %select_n3A_1073 : vector<32x32xi1>, vector<32x32xf32>
    %eq3A_1083 = arith.constant 56 : i32
    %eq3A_1084 = vector.broadcast %eq3A_1083 : i32 to vector<32x32xi32>
    %eq3A_1085 = arith.cmpi eq, %add3A_8, %eq3A_1084 : vector<32x32xi32>
    %get3A_1086 = arith.index_cast %add3A_11 : i32 to index
    %get3A_1087 = arith.constant 0 : index
    %get3A_1088 = arith.constant 56 : index
    %get3A_1089 = memref.load %arg2[%get3A_1086, %get3A_1087, %get3A_1088] : memref<16x1x63xf32, #tpu.memory_space<smem>>
    %broadcast_in_dim3A_1090 = vector.broadcast %get3A_1089 : f32 to vector<32x32xf32>
    %select_n3A_1091 = arith.select %eq3A_1085, %broadcast_in_dim3A_1090, %select_n3A_1082 : vector<32x32xi1>, vector<32x32xf32>
    %eq3A_1092 = arith.constant 57 : i32
    %eq3A_1093 = vector.broadcast %eq3A_1092 : i32 to vector<32x32xi32>
    %eq3A_1094 = arith.cmpi eq, %add3A_8, %eq3A_1093 : vector<32x32xi32>
    %get3A_1095 = arith.index_cast %add3A_11 : i32 to index
    %get3A_1096 = arith.constant 0 : index
    %get3A_1097 = arith.constant 57 : index
    %get3A_1098 = memref.load %arg2[%get3A_1095, %get3A_1096, %get3A_1097] : memref<16x1x63xf32, #tpu.memory_space<smem>>
    %broadcast_in_dim3A_1099 = vector.broadcast %get3A_1098 : f32 to vector<32x32xf32>
    %select_n3A_1100 = arith.select %eq3A_1094, %broadcast_in_dim3A_1099, %select_n3A_1091 : vector<32x32xi1>, vector<32x32xf32>
    %eq3A_1101 = arith.constant 58 : i32
    %eq3A_1102 = vector.broadcast %eq3A_1101 : i32 to vector<32x32xi32>
    %eq3A_1103 = arith.cmpi eq, %add3A_8, %eq3A_1102 : vector<32x32xi32>
    %get3A_1104 = arith.index_cast %add3A_11 : i32 to index
    %get3A_1105 = arith.constant 0 : index
    %get3A_1106 = arith.constant 58 : index
    %get3A_1107 = memref.load %arg2[%get3A_1104, %get3A_1105, %get3A_1106] : memref<16x1x63xf32, #tpu.memory_space<smem>>
    %broadcast_in_dim3A_1108 = vector.broadcast %get3A_1107 : f32 to vector<32x32xf32>
    %select_n3A_1109 = arith.select %eq3A_1103, %broadcast_in_dim3A_1108, %select_n3A_1100 : vector<32x32xi1>, vector<32x32xf32>
    %eq3A_1110 = arith.constant 59 : i32
    %eq3A_1111 = vector.broadcast %eq3A_1110 : i32 to vector<32x32xi32>
    %eq3A_1112 = arith.cmpi eq, %add3A_8, %eq3A_1111 : vector<32x32xi32>
    %get3A_1113 = arith.index_cast %add3A_11 : i32 to index
    %get3A_1114 = arith.constant 0 : index
    %get3A_1115 = arith.constant 59 : index
    %get3A_1116 = memref.load %arg2[%get3A_1113, %get3A_1114, %get3A_1115] : memref<16x1x63xf32, #tpu.memory_space<smem>>
    %broadcast_in_dim3A_1117 = vector.broadcast %get3A_1116 : f32 to vector<32x32xf32>
    %select_n3A_1118 = arith.select %eq3A_1112, %broadcast_in_dim3A_1117, %select_n3A_1109 : vector<32x32xi1>, vector<32x32xf32>
    %eq3A_1119 = arith.constant 60 : i32
    %eq3A_1120 = vector.broadcast %eq3A_1119 : i32 to vector<32x32xi32>
    %eq3A_1121 = arith.cmpi eq, %add3A_8, %eq3A_1120 : vector<32x32xi32>
    %get3A_1122 = arith.index_cast %add3A_11 : i32 to index
    %get3A_1123 = arith.constant 0 : index
    %get3A_1124 = arith.constant 60 : index
    %get3A_1125 = memref.load %arg2[%get3A_1122, %get3A_1123, %get3A_1124] : memref<16x1x63xf32, #tpu.memory_space<smem>>
    %broadcast_in_dim3A_1126 = vector.broadcast %get3A_1125 : f32 to vector<32x32xf32>
    %select_n3A_1127 = arith.select %eq3A_1121, %broadcast_in_dim3A_1126, %select_n3A_1118 : vector<32x32xi1>, vector<32x32xf32>
    %eq3A_1128 = arith.constant 61 : i32
    %eq3A_1129 = vector.broadcast %eq3A_1128 : i32 to vector<32x32xi32>
    %eq3A_1130 = arith.cmpi eq, %add3A_8, %eq3A_1129 : vector<32x32xi32>
    %get3A_1131 = arith.index_cast %add3A_11 : i32 to index
    %get3A_1132 = arith.constant 0 : index
    %get3A_1133 = arith.constant 61 : index
    %get3A_1134 = memref.load %arg2[%get3A_1131, %get3A_1132, %get3A_1133] : memref<16x1x63xf32, #tpu.memory_space<smem>>
    %broadcast_in_dim3A_1135 = vector.broadcast %get3A_1134 : f32 to vector<32x32xf32>
    %select_n3A_1136 = arith.select %eq3A_1130, %broadcast_in_dim3A_1135, %select_n3A_1127 : vector<32x32xi1>, vector<32x32xf32>
    %eq3A_1137 = arith.constant 62 : i32
    %eq3A_1138 = vector.broadcast %eq3A_1137 : i32 to vector<32x32xi32>
    %eq3A_1139 = arith.cmpi eq, %add3A_8, %eq3A_1138 : vector<32x32xi32>
    %get3A_1140 = arith.index_cast %add3A_11 : i32 to index
    %get3A_1141 = arith.constant 0 : index
    %get3A_1142 = arith.constant 62 : index
    %get3A_1143 = memref.load %arg2[%get3A_1140, %get3A_1141, %get3A_1142] : memref<16x1x63xf32, #tpu.memory_space<smem>>
    %broadcast_in_dim3A_1144 = vector.broadcast %get3A_1143 : f32 to vector<32x32xf32>
    %select_n3A_1145 = arith.select %eq3A_1139, %broadcast_in_dim3A_1144, %select_n3A_1136 : vector<32x32xi1>, vector<32x32xf32>
    %iota3A_1146 = tpu.iota {dimensions = array<i32: 1>} : vector<32x1024xi32>
    %jit3A = arith.constant 32 : i32
    %div3A = vector.broadcast %jit3A : i32 to vector<32x1024xi32>
    %div3A_1147 = arith.divsi %iota3A_1146, %div3A : vector<32x1024xi32>
    %sign3A = arith.constant 0 : i32
    %sign3A_1148 = vector.broadcast %sign3A : i32 to vector<32x1024xi32>
    %sign3A_1149 = arith.cmpi sgt, %iota3A_1146, %sign3A_1148 : vector<32x1024xi32>
    %sign3A_1150 = arith.extui %sign3A_1149 : vector<32x1024xi1> to vector<32x1024xi32>
    %sign3A_1151 = arith.constant 0 : i32
    %sign3A_1152 = vector.broadcast %sign3A_1151 : i32 to vector<32x1024xi32>
    %sign3A_1153 = arith.cmpi slt, %iota3A_1146, %sign3A_1152 : vector<32x1024xi32>
    %sign3A_1154 = arith.extui %sign3A_1153 : vector<32x1024xi1> to vector<32x1024xi32>
    %sign3A_1155 = arith.subi %sign3A_1150, %sign3A_1154 : vector<32x1024xi32>
    %sign3A_1156 = arith.constant 0 : i32
    %sign3A_1157 = arith.cmpi sgt, %jit3A, %sign3A_1156 : i32
    %sign3A_1158 = arith.extui %sign3A_1157 : i1 to i32
    %sign3A_1159 = arith.constant 0 : i32
    %sign3A_1160 = arith.cmpi slt, %jit3A, %sign3A_1159 : i32
    %sign3A_1161 = arith.extui %sign3A_1160 : i1 to i32
    %sign3A_1162 = arith.subi %sign3A_1158, %sign3A_1161 : i32
    %ne3A = vector.broadcast %sign3A_1162 : i32 to vector<32x1024xi32>
    %ne3A_1163 = arith.cmpi ne, %sign3A_1155, %ne3A : vector<32x1024xi32>
    %rem3A = vector.broadcast %jit3A : i32 to vector<32x1024xi32>
    %rem3A_1164 = arith.remsi %iota3A_1146, %rem3A : vector<32x1024xi32>
    %ne3A_1165 = arith.constant 0 : i32
    %ne3A_1166 = vector.broadcast %ne3A_1165 : i32 to vector<32x1024xi32>
    %ne3A_1167 = arith.cmpi ne, %rem3A_1164, %ne3A_1166 : vector<32x1024xi32>
    %and3A = arith.andi %ne3A_1163, %ne3A_1167 : vector<32x1024xi1>
    %sub3A_1168 = arith.constant 1 : i32
    %sub3A_1169 = vector.broadcast %sub3A_1168 : i32 to vector<32x1024xi32>
    %sub3A_1170 = arith.subi %div3A_1147, %sub3A_1169 : vector<32x1024xi32>
    %select_n3A_1171 = arith.select %and3A, %sub3A_1170, %div3A_1147 : vector<32x1024xi1>, vector<32x1024xi32>
    %iota3A_1172 = tpu.iota {dimensions = array<i32: 0>} : vector<32x1024xi32>
    %iota3A_1173 = tpu.iota {dimensions = array<i32: 1>} : vector<32x1024xi32>
    %jit3A_1174 = arith.constant 32 : i32
    %eq3A_1175 = arith.constant 0 : i32
    %eq3A_1176 = arith.cmpi eq, %jit3A_1174, %eq3A_1175 : i32
    %jit3A_1177 = arith.constant 1 : i32
    %select_n3A_1178 = arith.select %eq3A_1176, %jit3A_1177, %jit3A_1174 : i32
    %rem3A_1179 = vector.broadcast %select_n3A_1178 : i32 to vector<32x1024xi32>
    %rem3A_1180 = arith.remsi %iota3A_1173, %rem3A_1179 : vector<32x1024xi32>
    %ne3A_1181 = arith.constant 0 : i32
    %ne3A_1182 = vector.broadcast %ne3A_1181 : i32 to vector<32x1024xi32>
    %ne3A_1183 = arith.cmpi ne, %rem3A_1180, %ne3A_1182 : vector<32x1024xi32>
    %lt3A = arith.constant 0 : i32
    %lt3A_1184 = vector.broadcast %lt3A : i32 to vector<32x1024xi32>
    %lt3A_1185 = arith.cmpi slt, %rem3A_1180, %lt3A_1184 : vector<32x1024xi32>
    %lt3A_1186 = arith.constant 0 : i32
    %lt3A_1187 = arith.cmpi slt, %select_n3A_1178, %lt3A_1186 : i32
    %ne3A_1188 = vector.broadcast %lt3A_1187 : i1 to vector<32x1024xi1>
    %ne3A_1189 = vector.broadcast %ne3A_1188 : vector<32x1024xi1> to vector<32x1024xi1>
    %ne3A_1190 = arith.xori %lt3A_1185, %ne3A_1189 : vector<32x1024xi1>
    %and3A_1191 = arith.andi %ne3A_1190, %ne3A_1183 : vector<32x1024xi1>
    %add3A_1192 = vector.broadcast %select_n3A_1178 : i32 to vector<32x1024xi32>
    %add3A_1193 = arith.addi %rem3A_1180, %add3A_1192 : vector<32x1024xi32>
    %select_n3A_1194 = arith.select %and3A_1191, %add3A_1193, %rem3A_1180 : vector<32x1024xi1>, vector<32x1024xi32>
    %iota3A_1195 = tpu.iota {dimensions = array<i32: 0>} : vector<32x1024xi32>
    %eq3A_1196 = arith.cmpi eq, %select_n3A_1171, %iota3A_1172 : vector<32x1024xi32>
    %convert_element_type3A = arith.extui %eq3A_1196 : vector<32x1024xi1> to vector<32x1024xi32>
    %convert_element_type3A_1197 = arith.sitofp %convert_element_type3A : vector<32x1024xi32> to vector<32x1024xf32>
    %eq3A_1198 = arith.cmpi eq, %select_n3A_1194, %iota3A_1195 : vector<32x1024xi32>
    %convert_element_type3A_1199 = arith.extui %eq3A_1198 : vector<32x1024xi1> to vector<32x1024xi32>
    %convert_element_type3A_1200 = arith.sitofp %convert_element_type3A_1199 : vector<32x1024xi32> to vector<32x1024xf32>
    %dot_general3A = arith.constant dense<0.000000e+00> : vector<32x1024xf32>
    %dot_general3A_1201 = tpu.matmul %select_n3A_578, %convert_element_type3A_1197, %dot_general3A {dimension_numbers = #tpu.dot_dimension_numbers<[1], [0], [0], [1], [0, 0, 1, 1], [], []>, transpose_lhs_hint = false} : vector<32x32xf32>, vector<32x1024xf32>, vector<32x1024xf32> -> vector<32x1024xf32>
    %dot_general3A_1202 = arith.constant dense<0.000000e+00> : vector<32x1024xf32>
    %dot_general3A_1203 = tpu.matmul %select_n3A_1145, %convert_element_type3A_1200, %dot_general3A_1202 {dimension_numbers = #tpu.dot_dimension_numbers<[1], [0], [0], [1], [0, 0, 1, 1], [], []>, transpose_lhs_hint = false} : vector<32x32xf32>, vector<32x1024xf32>, vector<32x1024xf32> -> vector<32x1024xf32>
    %slice3A = vector.extract_strided_slice %dot_general3A_1201 {offsets = [0, 0], sizes = [1, 1024], strides = [1, 1]} : vector<32x1024xf32> to vector<1x1024xf32>
    %add3A_1204 = vector.broadcast %slice3A : vector<1x1024xf32> to vector<32x1024xf32>
    %add3A_1205 = arith.addf %add3A_1204, %dot_general3A_1203 : vector<32x1024xf32>
    %swap3A = arith.constant 0 : i32
    %swap3A_1206 = arith.constant 0 : i32
    %swap3A_1207 = arith.constant 0 : i32
    %swap3A_1208 = tpu.memref_slice %arg3[%swap3A, %swap3A_1206, %swap3A_1207] : memref<2x1024x1024xf32, #tpu.memory_space<vmem>> -> memref<1x1024x1024xf32, #tpu.memory_space<vmem>>
    %swap3A_1209 = arith.constant 0 : index
    %swap3A_1210 = arith.constant 0 : index
    %swap3A_1211 = arith.constant 0 : index
    %swap3A_1212 = vector.load %swap3A_1208[%swap3A_1209, %swap3A_1210, %swap3A_1211] : memref<1x1024x1024xf32, #tpu.memory_space<vmem>>, vector<1x32x1024xf32>
    %swap3A_1213 = vector.shape_cast %swap3A_1212 : vector<1x32x1024xf32> to vector<32x1024xf32>
    %swap3A_1214 = vector.shape_cast %add3A_1205 : vector<32x1024xf32> to vector<1x32x1024xf32>
    tpu.vector_store %swap3A_1208[%swap3A_1209, %swap3A_1210, %swap3A_1211], %swap3A_1214 {strides = array<i32>} : memref<1x1024x1024xf32, #tpu.memory_space<vmem>>, vector<1x32x1024xf32>,
    %slice3A_1215 = vector.extract_strided_slice %dot_general3A_1201 {offsets = [1, 0], sizes = [1, 1024], strides = [1, 1]} : vector<32x1024xf32> to vector<1x1024xf32>
    %add3A_1216 = vector.broadcast %slice3A_1215 : vector<1x1024xf32> to vector<32x1024xf32>
    %add3A_1217 = arith.addf %add3A_1216, %dot_general3A_1203 : vector<32x1024xf32>
    %swap3A_1218 = arith.constant 0 : i32
    %swap3A_1219 = arith.constant 0 : i32
    %swap3A_1220 = arith.constant 0 : i32
    %swap3A_1221 = tpu.memref_slice %arg3[%swap3A_1218, %swap3A_1219, %swap3A_1220] : memref<2x1024x1024xf32, #tpu.memory_space<vmem>> -> memref<1x1024x1024xf32, #tpu.memory_space<vmem>>
    %swap3A_1222 = arith.constant 0 : index
    %swap3A_1223 = arith.constant 32 : index
    %swap3A_1224 = arith.constant 0 : index
    %swap3A_1225 = vector.load %swap3A_1221[%swap3A_1222, %swap3A_1223, %swap3A_1224] : memref<1x1024x1024xf32, #tpu.memory_space<vmem>>, vector<1x32x1024xf32>
    %swap3A_1226 = vector.shape_cast %swap3A_1225 : vector<1x32x1024xf32> to vector<32x1024xf32>
    %swap3A_1227 = vector.shape_cast %add3A_1217 : vector<32x1024xf32> to vector<1x32x1024xf32>
    tpu.vector_store %swap3A_1221[%swap3A_1222, %swap3A_1223, %swap3A_1224], %swap3A_1227 {strides = array<i32>} : memref<1x1024x1024xf32, #tpu.memory_space<vmem>>, vector<1x32x1024xf32>,
    %slice3A_1228 = vector.extract_strided_slice %dot_general3A_1201 {offsets = [2, 0], sizes = [1, 1024], strides = [1, 1]} : vector<32x1024xf32> to vector<1x1024xf32>
    %add3A_1229 = vector.broadcast %slice3A_1228 : vector<1x1024xf32> to vector<32x1024xf32>
    %add3A_1230 = arith.addf %add3A_1229, %dot_general3A_1203 : vector<32x1024xf32>
    %swap3A_1231 = arith.constant 0 : i32
    %swap3A_1232 = arith.constant 0 : i32
    %swap3A_1233 = arith.constant 0 : i32
    %swap3A_1234 = tpu.memref_slice %arg3[%swap3A_1231, %swap3A_1232, %swap3A_1233] : memref<2x1024x1024xf32, #tpu.memory_space<vmem>> -> memref<1x1024x1024xf32, #tpu.memory_space<vmem>>
    %swap3A_1235 = arith.constant 0 : index
    %swap3A_1236 = arith.constant 64 : index
    %swap3A_1237 = arith.constant 0 : index
    %swap3A_1238 = vector.load %swap3A_1234[%swap3A_1235, %swap3A_1236, %swap3A_1237] : memref<1x1024x1024xf32, #tpu.memory_space<vmem>>, vector<1x32x1024xf32>
    %swap3A_1239 = vector.shape_cast %swap3A_1238 : vector<1x32x1024xf32> to vector<32x1024xf32>
    %swap3A_1240 = vector.shape_cast %add3A_1230 : vector<32x1024xf32> to vector<1x32x1024xf32>
    tpu.vector_store %swap3A_1234[%swap3A_1235, %swap3A_1236, %swap3A_1237], %swap3A_1240 {strides = array<i32>} : memref<1x1024x1024xf32, #tpu.memory_space<vmem>>, vector<1x32x1024xf32>,
    %slice3A_1241 = vector.extract_strided_slice %dot_general3A_1201 {offsets = [3, 0], sizes = [1, 1024], strides = [1, 1]} : vector<32x1024xf32> to vector<1x1024xf32>
    %add3A_1242 = vector.broadcast %slice3A_1241 : vector<1x1024xf32> to vector<32x1024xf32>
    %add3A_1243 = arith.addf %add3A_1242, %dot_general3A_1203 : vector<32x1024xf32>
    %swap3A_1244 = arith.constant 0 : i32
    %swap3A_1245 = arith.constant 0 : i32
    %swap3A_1246 = arith.constant 0 : i32
    %swap3A_1247 = tpu.memref_slice %arg3[%swap3A_1244, %swap3A_1245, %swap3A_1246] : memref<2x1024x1024xf32, #tpu.memory_space<vmem>> -> memref<1x1024x1024xf32, #tpu.memory_space<vmem>>
    %swap3A_1248 = arith.constant 0 : index
    %swap3A_1249 = arith.constant 96 : index
    %swap3A_1250 = arith.constant 0 : index
    %swap3A_1251 = vector.load %swap3A_1247[%swap3A_1248, %swap3A_1249, %swap3A_1250] : memref<1x1024x1024xf32, #tpu.memory_space<vmem>>, vector<1x32x1024xf32>
    %swap3A_1252 = vector.shape_cast %swap3A_1251 : vector<1x32x1024xf32> to vector<32x1024xf32>
    %swap3A_1253 = vector.shape_cast %add3A_1243 : vector<32x1024xf32> to vector<1x32x1024xf32>
    tpu.vector_store %swap3A_1247[%swap3A_1248, %swap3A_1249, %swap3A_1250], %swap3A_1253 {strides = array<i32>} : memref<1x1024x1024xf32, #tpu.memory_space<vmem>>, vector<1x32x1024xf32>,
    %slice3A_1254 = vector.extract_strided_slice %dot_general3A_1201 {offsets = [4, 0], sizes = [1, 1024], strides = [1, 1]} : vector<32x1024xf32> to vector<1x1024xf32>
    %add3A_1255 = vector.broadcast %slice3A_1254 : vector<1x1024xf32> to vector<32x1024xf32>
    %add3A_1256 = arith.addf %add3A_1255, %dot_general3A_1203 : vector<32x1024xf32>
    %swap3A_1257 = arith.constant 0 : i32
    %swap3A_1258 = arith.constant 0 : i32
    %swap3A_1259 = arith.constant 0 : i32
    %swap3A_1260 = tpu.memref_slice %arg3[%swap3A_1257, %swap3A_1258, %swap3A_1259] : memref<2x1024x1024xf32, #tpu.memory_space<vmem>> -> memref<1x1024x1024xf32, #tpu.memory_space<vmem>>
    %swap3A_1261 = arith.constant 0 : index
    %swap3A_1262 = arith.constant 128 : index
    %swap3A_1263 = arith.constant 0 : index
    %swap3A_1264 = vector.load %swap3A_1260[%swap3A_1261, %swap3A_1262, %swap3A_1263] : memref<1x1024x1024xf32, #tpu.memory_space<vmem>>, vector<1x32x1024xf32>
    %swap3A_1265 = vector.shape_cast %swap3A_1264 : vector<1x32x1024xf32> to vector<32x1024xf32>
    %swap3A_1266 = vector.shape_cast %add3A_1256 : vector<32x1024xf32> to vector<1x32x1024xf32>
    tpu.vector_store %swap3A_1260[%swap3A_1261, %swap3A_1262, %swap3A_1263], %swap3A_1266 {strides = array<i32>} : memref<1x1024x1024xf32, #tpu.memory_space<vmem>>, vector<1x32x1024xf32>,
    %slice3A_1267 = vector.extract_strided_slice %dot_general3A_1201 {offsets = [5, 0], sizes = [1, 1024], strides = [1, 1]} : vector<32x1024xf32> to vector<1x1024xf32>
    %add3A_1268 = vector.broadcast %slice3A_1267 : vector<1x1024xf32> to vector<32x1024xf32>
    %add3A_1269 = arith.addf %add3A_1268, %dot_general3A_1203 : vector<32x1024xf32>
    %swap3A_1270 = arith.constant 0 : i32
    %swap3A_1271 = arith.constant 0 : i32
    %swap3A_1272 = arith.constant 0 : i32
    %swap3A_1273 = tpu.memref_slice %arg3[%swap3A_1270, %swap3A_1271, %swap3A_1272] : memref<2x1024x1024xf32, #tpu.memory_space<vmem>> -> memref<1x1024x1024xf32, #tpu.memory_space<vmem>>
    %swap3A_1274 = arith.constant 0 : index
    %swap3A_1275 = arith.constant 160 : index
    %swap3A_1276 = arith.constant 0 : index
    %swap3A_1277 = vector.load %swap3A_1273[%swap3A_1274, %swap3A_1275, %swap3A_1276] : memref<1x1024x1024xf32, #tpu.memory_space<vmem>>, vector<1x32x1024xf32>
    %swap3A_1278 = vector.shape_cast %swap3A_1277 : vector<1x32x1024xf32> to vector<32x1024xf32>
    %swap3A_1279 = vector.shape_cast %add3A_1269 : vector<32x1024xf32> to vector<1x32x1024xf32>
    tpu.vector_store %swap3A_1273[%swap3A_1274, %swap3A_1275, %swap3A_1276], %swap3A_1279 {strides = array<i32>} : memref<1x1024x1024xf32, #tpu.memory_space<vmem>>, vector<1x32x1024xf32>,
    %slice3A_1280 = vector.extract_strided_slice %dot_general3A_1201 {offsets = [6, 0], sizes = [1, 1024], strides = [1, 1]} : vector<32x1024xf32> to vector<1x1024xf32>
    %add3A_1281 = vector.broadcast %slice3A_1280 : vector<1x1024xf32> to vector<32x1024xf32>
    %add3A_1282 = arith.addf %add3A_1281, %dot_general3A_1203 : vector<32x1024xf32>
    %swap3A_1283 = arith.constant 0 : i32
    %swap3A_1284 = arith.constant 0 : i32
    %swap3A_1285 = arith.constant 0 : i32
    %swap3A_1286 = tpu.memref_slice %arg3[%swap3A_1283, %swap3A_1284, %swap3A_1285] : memref<2x1024x1024xf32, #tpu.memory_space<vmem>> -> memref<1x1024x1024xf32, #tpu.memory_space<vmem>>
    %swap3A_1287 = arith.constant 0 : index
    %swap3A_1288 = arith.constant 192 : index
    %swap3A_1289 = arith.constant 0 : index
    %swap3A_1290 = vector.load %swap3A_1286[%swap3A_1287, %swap3A_1288, %swap3A_1289] : memref<1x1024x1024xf32, #tpu.memory_space<vmem>>, vector<1x32x1024xf32>
    %swap3A_1291 = vector.shape_cast %swap3A_1290 : vector<1x32x1024xf32> to vector<32x1024xf32>
    %swap3A_1292 = vector.shape_cast %add3A_1282 : vector<32x1024xf32> to vector<1x32x1024xf32>
    tpu.vector_store %swap3A_1286[%swap3A_1287, %swap3A_1288, %swap3A_1289], %swap3A_1292 {strides = array<i32>} : memref<1x1024x1024xf32, #tpu.memory_space<vmem>>, vector<1x32x1024xf32>,
    %slice3A_1293 = vector.extract_strided_slice %dot_general3A_1201 {offsets = [7, 0], sizes = [1, 1024], strides = [1, 1]} : vector<32x1024xf32> to vector<1x1024xf32>
    %add3A_1294 = vector.broadcast %slice3A_1293 : vector<1x1024xf32> to vector<32x1024xf32>
    %add3A_1295 = arith.addf %add3A_1294, %dot_general3A_1203 : vector<32x1024xf32>
    %swap3A_1296 = arith.constant 0 : i32
    %swap3A_1297 = arith.constant 0 : i32
    %swap3A_1298 = arith.constant 0 : i32
    %swap3A_1299 = tpu.memref_slice %arg3[%swap3A_1296, %swap3A_1297, %swap3A_1298] : memref<2x1024x1024xf32, #tpu.memory_space<vmem>> -> memref<1x1024x1024xf32, #tpu.memory_space<vmem>>
    %swap3A_1300 = arith.constant 0 : index
    %swap3A_1301 = arith.constant 224 : index
    %swap3A_1302 = arith.constant 0 : index
    %swap3A_1303 = vector.load %swap3A_1299[%swap3A_1300, %swap3A_1301, %swap3A_1302] : memref<1x1024x1024xf32, #tpu.memory_space<vmem>>, vector<1x32x1024xf32>
    %swap3A_1304 = vector.shape_cast %swap3A_1303 : vector<1x32x1024xf32> to vector<32x1024xf32>
    %swap3A_1305 = vector.shape_cast %add3A_1295 : vector<32x1024xf32> to vector<1x32x1024xf32>
    tpu.vector_store %swap3A_1299[%swap3A_1300, %swap3A_1301, %swap3A_1302], %swap3A_1305 {strides = array<i32>} : memref<1x1024x1024xf32, #tpu.memory_space<vmem>>, vector<1x32x1024xf32>,
    %slice3A_1306 = vector.extract_strided_slice %dot_general3A_1201 {offsets = [8, 0], sizes = [1, 1024], strides = [1, 1]} : vector<32x1024xf32> to vector<1x1024xf32>
    %add3A_1307 = vector.broadcast %slice3A_1306 : vector<1x1024xf32> to vector<32x1024xf32>
    %add3A_1308 = arith.addf %add3A_1307, %dot_general3A_1203 : vector<32x1024xf32>
    %swap3A_1309 = arith.constant 0 : i32
    %swap3A_1310 = arith.constant 0 : i32
    %swap3A_1311 = arith.constant 0 : i32
    %swap3A_1312 = tpu.memref_slice %arg3[%swap3A_1309, %swap3A_1310, %swap3A_1311] : memref<2x1024x1024xf32, #tpu.memory_space<vmem>> -> memref<1x1024x1024xf32, #tpu.memory_space<vmem>>
    %swap3A_1313 = arith.constant 0 : index
    %swap3A_1314 = arith.constant 256 : index
    %swap3A_1315 = arith.constant 0 : index
    %swap3A_1316 = vector.load %swap3A_1312[%swap3A_1313, %swap3A_1314, %swap3A_1315] : memref<1x1024x1024xf32, #tpu.memory_space<vmem>>, vector<1x32x1024xf32>
    %swap3A_1317 = vector.shape_cast %swap3A_1316 : vector<1x32x1024xf32> to vector<32x1024xf32>
    %swap3A_1318 = vector.shape_cast %add3A_1308 : vector<32x1024xf32> to vector<1x32x1024xf32>
    tpu.vector_store %swap3A_1312[%swap3A_1313, %swap3A_1314, %swap3A_1315], %swap3A_1318 {strides = array<i32>} : memref<1x1024x1024xf32, #tpu.memory_space<vmem>>, vector<1x32x1024xf32>,
    %slice3A_1319 = vector.extract_strided_slice %dot_general3A_1201 {offsets = [9, 0], sizes = [1, 1024], strides = [1, 1]} : vector<32x1024xf32> to vector<1x1024xf32>
    %add3A_1320 = vector.broadcast %slice3A_1319 : vector<1x1024xf32> to vector<32x1024xf32>
    %add3A_1321 = arith.addf %add3A_1320, %dot_general3A_1203 : vector<32x1024xf32>
    %swap3A_1322 = arith.constant 0 : i32
    %swap3A_1323 = arith.constant 0 : i32
    %swap3A_1324 = arith.constant 0 : i32
    %swap3A_1325 = tpu.memref_slice %arg3[%swap3A_1322, %swap3A_1323, %swap3A_1324] : memref<2x1024x1024xf32, #tpu.memory_space<vmem>> -> memref<1x1024x1024xf32, #tpu.memory_space<vmem>>
    %swap3A_1326 = arith.constant 0 : index
    %swap3A_1327 = arith.constant 288 : index
    %swap3A_1328 = arith.constant 0 : index
    %swap3A_1329 = vector.load %swap3A_1325[%swap3A_1326, %swap3A_1327, %swap3A_1328] : memref<1x1024x1024xf32, #tpu.memory_space<vmem>>, vector<1x32x1024xf32>
    %swap3A_1330 = vector.shape_cast %swap3A_1329 : vector<1x32x1024xf32> to vector<32x1024xf32>
    %swap3A_1331 = vector.shape_cast %add3A_1321 : vector<32x1024xf32> to vector<1x32x1024xf32>
    tpu.vector_store %swap3A_1325[%swap3A_1326, %swap3A_1327, %swap3A_1328], %swap3A_1331 {strides = array<i32>} : memref<1x1024x1024xf32, #tpu.memory_space<vmem>>, vector<1x32x1024xf32>,
    %slice3A_1332 = vector.extract_strided_slice %dot_general3A_1201 {offsets = [10, 0], sizes = [1, 1024], strides = [1, 1]} : vector<32x1024xf32> to vector<1x1024xf32>
    %add3A_1333 = vector.broadcast %slice3A_1332 : vector<1x1024xf32> to vector<32x1024xf32>
    %add3A_1334 = arith.addf %add3A_1333, %dot_general3A_1203 : vector<32x1024xf32>
    %swap3A_1335 = arith.constant 0 : i32
    %swap3A_1336 = arith.constant 0 : i32
    %swap3A_1337 = arith.constant 0 : i32
    %swap3A_1338 = tpu.memref_slice %arg3[%swap3A_1335, %swap3A_1336, %swap3A_1337] : memref<2x1024x1024xf32, #tpu.memory_space<vmem>> -> memref<1x1024x1024xf32, #tpu.memory_space<vmem>>
    %swap3A_1339 = arith.constant 0 : index
    %swap3A_1340 = arith.constant 320 : index
    %swap3A_1341 = arith.constant 0 : index
    %swap3A_1342 = vector.load %swap3A_1338[%swap3A_1339, %swap3A_1340, %swap3A_1341] : memref<1x1024x1024xf32, #tpu.memory_space<vmem>>, vector<1x32x1024xf32>
    %swap3A_1343 = vector.shape_cast %swap3A_1342 : vector<1x32x1024xf32> to vector<32x1024xf32>
    %swap3A_1344 = vector.shape_cast %add3A_1334 : vector<32x1024xf32> to vector<1x32x1024xf32>
    tpu.vector_store %swap3A_1338[%swap3A_1339, %swap3A_1340, %swap3A_1341], %swap3A_1344 {strides = array<i32>} : memref<1x1024x1024xf32, #tpu.memory_space<vmem>>, vector<1x32x1024xf32>,
    %slice3A_1345 = vector.extract_strided_slice %dot_general3A_1201 {offsets = [11, 0], sizes = [1, 1024], strides = [1, 1]} : vector<32x1024xf32> to vector<1x1024xf32>
    %add3A_1346 = vector.broadcast %slice3A_1345 : vector<1x1024xf32> to vector<32x1024xf32>
    %add3A_1347 = arith.addf %add3A_1346, %dot_general3A_1203 : vector<32x1024xf32>
    %swap3A_1348 = arith.constant 0 : i32
    %swap3A_1349 = arith.constant 0 : i32
    %swap3A_1350 = arith.constant 0 : i32
    %swap3A_1351 = tpu.memref_slice %arg3[%swap3A_1348, %swap3A_1349, %swap3A_1350] : memref<2x1024x1024xf32, #tpu.memory_space<vmem>> -> memref<1x1024x1024xf32, #tpu.memory_space<vmem>>
    %swap3A_1352 = arith.constant 0 : index
    %swap3A_1353 = arith.constant 352 : index
    %swap3A_1354 = arith.constant 0 : index
    %swap3A_1355 = vector.load %swap3A_1351[%swap3A_1352, %swap3A_1353, %swap3A_1354] : memref<1x1024x1024xf32, #tpu.memory_space<vmem>>, vector<1x32x1024xf32>
    %swap3A_1356 = vector.shape_cast %swap3A_1355 : vector<1x32x1024xf32> to vector<32x1024xf32>
    %swap3A_1357 = vector.shape_cast %add3A_1347 : vector<32x1024xf32> to vector<1x32x1024xf32>
    tpu.vector_store %swap3A_1351[%swap3A_1352, %swap3A_1353, %swap3A_1354], %swap3A_1357 {strides = array<i32>} : memref<1x1024x1024xf32, #tpu.memory_space<vmem>>, vector<1x32x1024xf32>,
    %slice3A_1358 = vector.extract_strided_slice %dot_general3A_1201 {offsets = [12, 0], sizes = [1, 1024], strides = [1, 1]} : vector<32x1024xf32> to vector<1x1024xf32>
    %add3A_1359 = vector.broadcast %slice3A_1358 : vector<1x1024xf32> to vector<32x1024xf32>
    %add3A_1360 = arith.addf %add3A_1359, %dot_general3A_1203 : vector<32x1024xf32>
    %swap3A_1361 = arith.constant 0 : i32
    %swap3A_1362 = arith.constant 0 : i32
    %swap3A_1363 = arith.constant 0 : i32
    %swap3A_1364 = tpu.memref_slice %arg3[%swap3A_1361, %swap3A_1362, %swap3A_1363] : memref<2x1024x1024xf32, #tpu.memory_space<vmem>> -> memref<1x1024x1024xf32, #tpu.memory_space<vmem>>
    %swap3A_1365 = arith.constant 0 : index
    %swap3A_1366 = arith.constant 384 : index
    %swap3A_1367 = arith.constant 0 : index
    %swap3A_1368 = vector.load %swap3A_1364[%swap3A_1365, %swap3A_1366, %swap3A_1367] : memref<1x1024x1024xf32, #tpu.memory_space<vmem>>, vector<1x32x1024xf32>
    %swap3A_1369 = vector.shape_cast %swap3A_1368 : vector<1x32x1024xf32> to vector<32x1024xf32>
    %swap3A_1370 = vector.shape_cast %add3A_1360 : vector<32x1024xf32> to vector<1x32x1024xf32>
    tpu.vector_store %swap3A_1364[%swap3A_1365, %swap3A_1366, %swap3A_1367], %swap3A_1370 {strides = array<i32>} : memref<1x1024x1024xf32, #tpu.memory_space<vmem>>, vector<1x32x1024xf32>,
    %slice3A_1371 = vector.extract_strided_slice %dot_general3A_1201 {offsets = [13, 0], sizes = [1, 1024], strides = [1, 1]} : vector<32x1024xf32> to vector<1x1024xf32>
    %add3A_1372 = vector.broadcast %slice3A_1371 : vector<1x1024xf32> to vector<32x1024xf32>
    %add3A_1373 = arith.addf %add3A_1372, %dot_general3A_1203 : vector<32x1024xf32>
    %swap3A_1374 = arith.constant 0 : i32
    %swap3A_1375 = arith.constant 0 : i32
    %swap3A_1376 = arith.constant 0 : i32
    %swap3A_1377 = tpu.memref_slice %arg3[%swap3A_1374, %swap3A_1375, %swap3A_1376] : memref<2x1024x1024xf32, #tpu.memory_space<vmem>> -> memref<1x1024x1024xf32, #tpu.memory_space<vmem>>
    %swap3A_1378 = arith.constant 0 : index
    %swap3A_1379 = arith.constant 416 : index
    %swap3A_1380 = arith.constant 0 : index
    %swap3A_1381 = vector.load %swap3A_1377[%swap3A_1378, %swap3A_1379, %swap3A_1380] : memref<1x1024x1024xf32, #tpu.memory_space<vmem>>, vector<1x32x1024xf32>
    %swap3A_1382 = vector.shape_cast %swap3A_1381 : vector<1x32x1024xf32> to vector<32x1024xf32>
    %swap3A_1383 = vector.shape_cast %add3A_1373 : vector<32x1024xf32> to vector<1x32x1024xf32>
    tpu.vector_store %swap3A_1377[%swap3A_1378, %swap3A_1379, %swap3A_1380], %swap3A_1383 {strides = array<i32>} : memref<1x1024x1024xf32, #tpu.memory_space<vmem>>, vector<1x32x1024xf32>,
    %slice3A_1384 = vector.extract_strided_slice %dot_general3A_1201 {offsets = [14, 0], sizes = [1, 1024], strides = [1, 1]} : vector<32x1024xf32> to vector<1x1024xf32>
    %add3A_1385 = vector.broadcast %slice3A_1384 : vector<1x1024xf32> to vector<32x1024xf32>
    %add3A_1386 = arith.addf %add3A_1385, %dot_general3A_1203 : vector<32x1024xf32>
    %swap3A_1387 = arith.constant 0 : i32
    %swap3A_1388 = arith.constant 0 : i32
    %swap3A_1389 = arith.constant 0 : i32
    %swap3A_1390 = tpu.memref_slice %arg3[%swap3A_1387, %swap3A_1388, %swap3A_1389] : memref<2x1024x1024xf32, #tpu.memory_space<vmem>> -> memref<1x1024x1024xf32, #tpu.memory_space<vmem>>
    %swap3A_1391 = arith.constant 0 : index
    %swap3A_1392 = arith.constant 448 : index
    %swap3A_1393 = arith.constant 0 : index
    %swap3A_1394 = vector.load %swap3A_1390[%swap3A_1391, %swap3A_1392, %swap3A_1393] : memref<1x1024x1024xf32, #tpu.memory_space<vmem>>, vector<1x32x1024xf32>
    %swap3A_1395 = vector.shape_cast %swap3A_1394 : vector<1x32x1024xf32> to vector<32x1024xf32>
    %swap3A_1396 = vector.shape_cast %add3A_1386 : vector<32x1024xf32> to vector<1x32x1024xf32>
    tpu.vector_store %swap3A_1390[%swap3A_1391, %swap3A_1392, %swap3A_1393], %swap3A_1396 {strides = array<i32>} : memref<1x1024x1024xf32, #tpu.memory_space<vmem>>, vector<1x32x1024xf32>,
    %slice3A_1397 = vector.extract_strided_slice %dot_general3A_1201 {offsets = [15, 0], sizes = [1, 1024], strides = [1, 1]} : vector<32x1024xf32> to vector<1x1024xf32>
    %add3A_1398 = vector.broadcast %slice3A_1397 : vector<1x1024xf32> to vector<32x1024xf32>
    %add3A_1399 = arith.addf %add3A_1398, %dot_general3A_1203 : vector<32x1024xf32>
    %swap3A_1400 = arith.constant 0 : i32
    %swap3A_1401 = arith.constant 0 : i32
    %swap3A_1402 = arith.constant 0 : i32
    %swap3A_1403 = tpu.memref_slice %arg3[%swap3A_1400, %swap3A_1401, %swap3A_1402] : memref<2x1024x1024xf32, #tpu.memory_space<vmem>> -> memref<1x1024x1024xf32, #tpu.memory_space<vmem>>
    %swap3A_1404 = arith.constant 0 : index
    %swap3A_1405 = arith.constant 480 : index
    %swap3A_1406 = arith.constant 0 : index
    %swap3A_1407 = vector.load %swap3A_1403[%swap3A_1404, %swap3A_1405, %swap3A_1406] : memref<1x1024x1024xf32, #tpu.memory_space<vmem>>, vector<1x32x1024xf32>
    %swap3A_1408 = vector.shape_cast %swap3A_1407 : vector<1x32x1024xf32> to vector<32x1024xf32>
    %swap3A_1409 = vector.shape_cast %add3A_1399 : vector<32x1024xf32> to vector<1x32x1024xf32>
    tpu.vector_store %swap3A_1403[%swap3A_1404, %swap3A_1405, %swap3A_1406], %swap3A_1409 {strides = array<i32>} : memref<1x1024x1024xf32, #tpu.memory_space<vmem>>, vector<1x32x1024xf32>,
    %slice3A_1410 = vector.extract_strided_slice %dot_general3A_1201 {offsets = [16, 0], sizes = [1, 1024], strides = [1, 1]} : vector<32x1024xf32> to vector<1x1024xf32>
    %add3A_1411 = vector.broadcast %slice3A_1410 : vector<1x1024xf32> to vector<32x1024xf32>
    %add3A_1412 = arith.addf %add3A_1411, %dot_general3A_1203 : vector<32x1024xf32>
    %swap3A_1413 = arith.constant 0 : i32
    %swap3A_1414 = arith.constant 0 : i32
    %swap3A_1415 = arith.constant 0 : i32
    %swap3A_1416 = tpu.memref_slice %arg3[%swap3A_1413, %swap3A_1414, %swap3A_1415] : memref<2x1024x1024xf32, #tpu.memory_space<vmem>> -> memref<1x1024x1024xf32, #tpu.memory_space<vmem>>
    %swap3A_1417 = arith.constant 0 : index
    %swap3A_1418 = arith.constant 512 : index
    %swap3A_1419 = arith.constant 0 : index
    %swap3A_1420 = vector.load %swap3A_1416[%swap3A_1417, %swap3A_1418, %swap3A_1419] : memref<1x1024x1024xf32, #tpu.memory_space<vmem>>, vector<1x32x1024xf32>
    %swap3A_1421 = vector.shape_cast %swap3A_1420 : vector<1x32x1024xf32> to vector<32x1024xf32>
    %swap3A_1422 = vector.shape_cast %add3A_1412 : vector<32x1024xf32> to vector<1x32x1024xf32>
    tpu.vector_store %swap3A_1416[%swap3A_1417, %swap3A_1418, %swap3A_1419], %swap3A_1422 {strides = array<i32>} : memref<1x1024x1024xf32, #tpu.memory_space<vmem>>, vector<1x32x1024xf32>,
    %slice3A_1423 = vector.extract_strided_slice %dot_general3A_1201 {offsets = [17, 0], sizes = [1, 1024], strides = [1, 1]} : vector<32x1024xf32> to vector<1x1024xf32>
    %add3A_1424 = vector.broadcast %slice3A_1423 : vector<1x1024xf32> to vector<32x1024xf32>
    %add3A_1425 = arith.addf %add3A_1424, %dot_general3A_1203 : vector<32x1024xf32>
    %swap3A_1426 = arith.constant 0 : i32
    %swap3A_1427 = arith.constant 0 : i32
    %swap3A_1428 = arith.constant 0 : i32
    %swap3A_1429 = tpu.memref_slice %arg3[%swap3A_1426, %swap3A_1427, %swap3A_1428] : memref<2x1024x1024xf32, #tpu.memory_space<vmem>> -> memref<1x1024x1024xf32, #tpu.memory_space<vmem>>
    %swap3A_1430 = arith.constant 0 : index
    %swap3A_1431 = arith.constant 544 : index
    %swap3A_1432 = arith.constant 0 : index
    %swap3A_1433 = vector.load %swap3A_1429[%swap3A_1430, %swap3A_1431, %swap3A_1432] : memref<1x1024x1024xf32, #tpu.memory_space<vmem>>, vector<1x32x1024xf32>
    %swap3A_1434 = vector.shape_cast %swap3A_1433 : vector<1x32x1024xf32> to vector<32x1024xf32>
    %swap3A_1435 = vector.shape_cast %add3A_1425 : vector<32x1024xf32> to vector<1x32x1024xf32>
    tpu.vector_store %swap3A_1429[%swap3A_1430, %swap3A_1431, %swap3A_1432], %swap3A_1435 {strides = array<i32>} : memref<1x1024x1024xf32, #tpu.memory_space<vmem>>, vector<1x32x1024xf32>,
    %slice3A_1436 = vector.extract_strided_slice %dot_general3A_1201 {offsets = [18, 0], sizes = [1, 1024], strides = [1, 1]} : vector<32x1024xf32> to vector<1x1024xf32>
    %add3A_1437 = vector.broadcast %slice3A_1436 : vector<1x1024xf32> to vector<32x1024xf32>
    %add3A_1438 = arith.addf %add3A_1437, %dot_general3A_1203 : vector<32x1024xf32>
    %swap3A_1439 = arith.constant 0 : i32
    %swap3A_1440 = arith.constant 0 : i32
    %swap3A_1441 = arith.constant 0 : i32
    %swap3A_1442 = tpu.memref_slice %arg3[%swap3A_1439, %swap3A_1440, %swap3A_1441] : memref<2x1024x1024xf32, #tpu.memory_space<vmem>> -> memref<1x1024x1024xf32, #tpu.memory_space<vmem>>
    %swap3A_1443 = arith.constant 0 : index
    %swap3A_1444 = arith.constant 576 : index
    %swap3A_1445 = arith.constant 0 : index
    %swap3A_1446 = vector.load %swap3A_1442[%swap3A_1443, %swap3A_1444, %swap3A_1445] : memref<1x1024x1024xf32, #tpu.memory_space<vmem>>, vector<1x32x1024xf32>
    %swap3A_1447 = vector.shape_cast %swap3A_1446 : vector<1x32x1024xf32> to vector<32x1024xf32>
    %swap3A_1448 = vector.shape_cast %add3A_1438 : vector<32x1024xf32> to vector<1x32x1024xf32>
    tpu.vector_store %swap3A_1442[%swap3A_1443, %swap3A_1444, %swap3A_1445], %swap3A_1448 {strides = array<i32>} : memref<1x1024x1024xf32, #tpu.memory_space<vmem>>, vector<1x32x1024xf32>,
    %slice3A_1449 = vector.extract_strided_slice %dot_general3A_1201 {offsets = [19, 0], sizes = [1, 1024], strides = [1, 1]} : vector<32x1024xf32> to vector<1x1024xf32>
    %add3A_1450 = vector.broadcast %slice3A_1449 : vector<1x1024xf32> to vector<32x1024xf32>
    %add3A_1451 = arith.addf %add3A_1450, %dot_general3A_1203 : vector<32x1024xf32>
    %swap3A_1452 = arith.constant 0 : i32
    %swap3A_1453 = arith.constant 0 : i32
    %swap3A_1454 = arith.constant 0 : i32
    %swap3A_1455 = tpu.memref_slice %arg3[%swap3A_1452, %swap3A_1453, %swap3A_1454] : memref<2x1024x1024xf32, #tpu.memory_space<vmem>> -> memref<1x1024x1024xf32, #tpu.memory_space<vmem>>
    %swap3A_1456 = arith.constant 0 : index
    %swap3A_1457 = arith.constant 608 : index
    %swap3A_1458 = arith.constant 0 : index
    %swap3A_1459 = vector.load %swap3A_1455[%swap3A_1456, %swap3A_1457, %swap3A_1458] : memref<1x1024x1024xf32, #tpu.memory_space<vmem>>, vector<1x32x1024xf32>
    %swap3A_1460 = vector.shape_cast %swap3A_1459 : vector<1x32x1024xf32> to vector<32x1024xf32>
    %swap3A_1461 = vector.shape_cast %add3A_1451 : vector<32x1024xf32> to vector<1x32x1024xf32>
    tpu.vector_store %swap3A_1455[%swap3A_1456, %swap3A_1457, %swap3A_1458], %swap3A_1461 {strides = array<i32>} : memref<1x1024x1024xf32, #tpu.memory_space<vmem>>, vector<1x32x1024xf32>,
    %slice3A_1462 = vector.extract_strided_slice %dot_general3A_1201 {offsets = [20, 0], sizes = [1, 1024], strides = [1, 1]} : vector<32x1024xf32> to vector<1x1024xf32>
    %add3A_1463 = vector.broadcast %slice3A_1462 : vector<1x1024xf32> to vector<32x1024xf32>
    %add3A_1464 = arith.addf %add3A_1463, %dot_general3A_1203 : vector<32x1024xf32>
    %swap3A_1465 = arith.constant 0 : i32
    %swap3A_1466 = arith.constant 0 : i32
    %swap3A_1467 = arith.constant 0 : i32
    %swap3A_1468 = tpu.memref_slice %arg3[%swap3A_1465, %swap3A_1466, %swap3A_1467] : memref<2x1024x1024xf32, #tpu.memory_space<vmem>> -> memref<1x1024x1024xf32, #tpu.memory_space<vmem>>
    %swap3A_1469 = arith.constant 0 : index
    %swap3A_1470 = arith.constant 640 : index
    %swap3A_1471 = arith.constant 0 : index
    %swap3A_1472 = vector.load %swap3A_1468[%swap3A_1469, %swap3A_1470, %swap3A_1471] : memref<1x1024x1024xf32, #tpu.memory_space<vmem>>, vector<1x32x1024xf32>
    %swap3A_1473 = vector.shape_cast %swap3A_1472 : vector<1x32x1024xf32> to vector<32x1024xf32>
    %swap3A_1474 = vector.shape_cast %add3A_1464 : vector<32x1024xf32> to vector<1x32x1024xf32>
    tpu.vector_store %swap3A_1468[%swap3A_1469, %swap3A_1470, %swap3A_1471], %swap3A_1474 {strides = array<i32>} : memref<1x1024x1024xf32, #tpu.memory_space<vmem>>, vector<1x32x1024xf32>,
    %slice3A_1475 = vector.extract_strided_slice %dot_general3A_1201 {offsets = [21, 0], sizes = [1, 1024], strides = [1, 1]} : vector<32x1024xf32> to vector<1x1024xf32>
    %add3A_1476 = vector.broadcast %slice3A_1475 : vector<1x1024xf32> to vector<32x1024xf32>
    %add3A_1477 = arith.addf %add3A_1476, %dot_general3A_1203 : vector<32x1024xf32>
    %swap3A_1478 = arith.constant 0 : i32
    %swap3A_1479 = arith.constant 0 : i32
    %swap3A_1480 = arith.constant 0 : i32
    %swap3A_1481 = tpu.memref_slice %arg3[%swap3A_1478, %swap3A_1479, %swap3A_1480] : memref<2x1024x1024xf32, #tpu.memory_space<vmem>> -> memref<1x1024x1024xf32, #tpu.memory_space<vmem>>
    %swap3A_1482 = arith.constant 0 : index
    %swap3A_1483 = arith.constant 672 : index
    %swap3A_1484 = arith.constant 0 : index
    %swap3A_1485 = vector.load %swap3A_1481[%swap3A_1482, %swap3A_1483, %swap3A_1484] : memref<1x1024x1024xf32, #tpu.memory_space<vmem>>, vector<1x32x1024xf32>
    %swap3A_1486 = vector.shape_cast %swap3A_1485 : vector<1x32x1024xf32> to vector<32x1024xf32>
    %swap3A_1487 = vector.shape_cast %add3A_1477 : vector<32x1024xf32> to vector<1x32x1024xf32>
    tpu.vector_store %swap3A_1481[%swap3A_1482, %swap3A_1483, %swap3A_1484], %swap3A_1487 {strides = array<i32>} : memref<1x1024x1024xf32, #tpu.memory_space<vmem>>, vector<1x32x1024xf32>,
    %slice3A_1488 = vector.extract_strided_slice %dot_general3A_1201 {offsets = [22, 0], sizes = [1, 1024], strides = [1, 1]} : vector<32x1024xf32> to vector<1x1024xf32>
    %add3A_1489 = vector.broadcast %slice3A_1488 : vector<1x1024xf32> to vector<32x1024xf32>
    %add3A_1490 = arith.addf %add3A_1489, %dot_general3A_1203 : vector<32x1024xf32>
    %swap3A_1491 = arith.constant 0 : i32
    %swap3A_1492 = arith.constant 0 : i32
    %swap3A_1493 = arith.constant 0 : i32
    %swap3A_1494 = tpu.memref_slice %arg3[%swap3A_1491, %swap3A_1492, %swap3A_1493] : memref<2x1024x1024xf32, #tpu.memory_space<vmem>> -> memref<1x1024x1024xf32, #tpu.memory_space<vmem>>
    %swap3A_1495 = arith.constant 0 : index
    %swap3A_1496 = arith.constant 704 : index
    %swap3A_1497 = arith.constant 0 : index
    %swap3A_1498 = vector.load %swap3A_1494[%swap3A_1495, %swap3A_1496, %swap3A_1497] : memref<1x1024x1024xf32, #tpu.memory_space<vmem>>, vector<1x32x1024xf32>
    %swap3A_1499 = vector.shape_cast %swap3A_1498 : vector<1x32x1024xf32> to vector<32x1024xf32>
    %swap3A_1500 = vector.shape_cast %add3A_1490 : vector<32x1024xf32> to vector<1x32x1024xf32>
    tpu.vector_store %swap3A_1494[%swap3A_1495, %swap3A_1496, %swap3A_1497], %swap3A_1500 {strides = array<i32>} : memref<1x1024x1024xf32, #tpu.memory_space<vmem>>, vector<1x32x1024xf32>,
    %slice3A_1501 = vector.extract_strided_slice %dot_general3A_1201 {offsets = [23, 0], sizes = [1, 1024], strides = [1, 1]} : vector<32x1024xf32> to vector<1x1024xf32>
    %add3A_1502 = vector.broadcast %slice3A_1501 : vector<1x1024xf32> to vector<32x1024xf32>
    %add3A_1503 = arith.addf %add3A_1502, %dot_general3A_1203 : vector<32x1024xf32>
    %swap3A_1504 = arith.constant 0 : i32
    %swap3A_1505 = arith.constant 0 : i32
    %swap3A_1506 = arith.constant 0 : i32
    %swap3A_1507 = tpu.memref_slice %arg3[%swap3A_1504, %swap3A_1505, %swap3A_1506] : memref<2x1024x1024xf32, #tpu.memory_space<vmem>> -> memref<1x1024x1024xf32, #tpu.memory_space<vmem>>
    %swap3A_1508 = arith.constant 0 : index
    %swap3A_1509 = arith.constant 736 : index
    %swap3A_1510 = arith.constant 0 : index
    %swap3A_1511 = vector.load %swap3A_1507[%swap3A_1508, %swap3A_1509, %swap3A_1510] : memref<1x1024x1024xf32, #tpu.memory_space<vmem>>, vector<1x32x1024xf32>
    %swap3A_1512 = vector.shape_cast %swap3A_1511 : vector<1x32x1024xf32> to vector<32x1024xf32>
    %swap3A_1513 = vector.shape_cast %add3A_1503 : vector<32x1024xf32> to vector<1x32x1024xf32>
    tpu.vector_store %swap3A_1507[%swap3A_1508, %swap3A_1509, %swap3A_1510], %swap3A_1513 {strides = array<i32>} : memref<1x1024x1024xf32, #tpu.memory_space<vmem>>, vector<1x32x1024xf32>,
    %slice3A_1514 = vector.extract_strided_slice %dot_general3A_1201 {offsets = [24, 0], sizes = [1, 1024], strides = [1, 1]} : vector<32x1024xf32> to vector<1x1024xf32>
    %add3A_1515 = vector.broadcast %slice3A_1514 : vector<1x1024xf32> to vector<32x1024xf32>
    %add3A_1516 = arith.addf %add3A_1515, %dot_general3A_1203 : vector<32x1024xf32>
    %swap3A_1517 = arith.constant 0 : i32
    %swap3A_1518 = arith.constant 0 : i32
    %swap3A_1519 = arith.constant 0 : i32
    %swap3A_1520 = tpu.memref_slice %arg3[%swap3A_1517, %swap3A_1518, %swap3A_1519] : memref<2x1024x1024xf32, #tpu.memory_space<vmem>> -> memref<1x1024x1024xf32, #tpu.memory_space<vmem>>
    %swap3A_1521 = arith.constant 0 : index
    %swap3A_1522 = arith.constant 768 : index
    %swap3A_1523 = arith.constant 0 : index
    %swap3A_1524 = vector.load %swap3A_1520[%swap3A_1521, %swap3A_1522, %swap3A_1523] : memref<1x1024x1024xf32, #tpu.memory_space<vmem>>, vector<1x32x1024xf32>
    %swap3A_1525 = vector.shape_cast %swap3A_1524 : vector<1x32x1024xf32> to vector<32x1024xf32>
    %swap3A_1526 = vector.shape_cast %add3A_1516 : vector<32x1024xf32> to vector<1x32x1024xf32>
    tpu.vector_store %swap3A_1520[%swap3A_1521, %swap3A_1522, %swap3A_1523], %swap3A_1526 {strides = array<i32>} : memref<1x1024x1024xf32, #tpu.memory_space<vmem>>, vector<1x32x1024xf32>,
    %slice3A_1527 = vector.extract_strided_slice %dot_general3A_1201 {offsets = [25, 0], sizes = [1, 1024], strides = [1, 1]} : vector<32x1024xf32> to vector<1x1024xf32>
    %add3A_1528 = vector.broadcast %slice3A_1527 : vector<1x1024xf32> to vector<32x1024xf32>
    %add3A_1529 = arith.addf %add3A_1528, %dot_general3A_1203 : vector<32x1024xf32>
    %swap3A_1530 = arith.constant 0 : i32
    %swap3A_1531 = arith.constant 0 : i32
    %swap3A_1532 = arith.constant 0 : i32
    %swap3A_1533 = tpu.memref_slice %arg3[%swap3A_1530, %swap3A_1531, %swap3A_1532] : memref<2x1024x1024xf32, #tpu.memory_space<vmem>> -> memref<1x1024x1024xf32, #tpu.memory_space<vmem>>
    %swap3A_1534 = arith.constant 0 : index
    %swap3A_1535 = arith.constant 800 : index
    %swap3A_1536 = arith.constant 0 : index
    %swap3A_1537 = vector.load %swap3A_1533[%swap3A_1534, %swap3A_1535, %swap3A_1536] : memref<1x1024x1024xf32, #tpu.memory_space<vmem>>, vector<1x32x1024xf32>
    %swap3A_1538 = vector.shape_cast %swap3A_1537 : vector<1x32x1024xf32> to vector<32x1024xf32>
    %swap3A_1539 = vector.shape_cast %add3A_1529 : vector<32x1024xf32> to vector<1x32x1024xf32>
    tpu.vector_store %swap3A_1533[%swap3A_1534, %swap3A_1535, %swap3A_1536], %swap3A_1539 {strides = array<i32>} : memref<1x1024x1024xf32, #tpu.memory_space<vmem>>, vector<1x32x1024xf32>,
    %slice3A_1540 = vector.extract_strided_slice %dot_general3A_1201 {offsets = [26, 0], sizes = [1, 1024], strides = [1, 1]} : vector<32x1024xf32> to vector<1x1024xf32>
    %add3A_1541 = vector.broadcast %slice3A_1540 : vector<1x1024xf32> to vector<32x1024xf32>
    %add3A_1542 = arith.addf %add3A_1541, %dot_general3A_1203 : vector<32x1024xf32>
    %swap3A_1543 = arith.constant 0 : i32
    %swap3A_1544 = arith.constant 0 : i32
    %swap3A_1545 = arith.constant 0 : i32
    %swap3A_1546 = tpu.memref_slice %arg3[%swap3A_1543, %swap3A_1544, %swap3A_1545] : memref<2x1024x1024xf32, #tpu.memory_space<vmem>> -> memref<1x1024x1024xf32, #tpu.memory_space<vmem>>
    %swap3A_1547 = arith.constant 0 : index
    %swap3A_1548 = arith.constant 832 : index
    %swap3A_1549 = arith.constant 0 : index
    %swap3A_1550 = vector.load %swap3A_1546[%swap3A_1547, %swap3A_1548, %swap3A_1549] : memref<1x1024x1024xf32, #tpu.memory_space<vmem>>, vector<1x32x1024xf32>
    %swap3A_1551 = vector.shape_cast %swap3A_1550 : vector<1x32x1024xf32> to vector<32x1024xf32>
    %swap3A_1552 = vector.shape_cast %add3A_1542 : vector<32x1024xf32> to vector<1x32x1024xf32>
    tpu.vector_store %swap3A_1546[%swap3A_1547, %swap3A_1548, %swap3A_1549], %swap3A_1552 {strides = array<i32>} : memref<1x1024x1024xf32, #tpu.memory_space<vmem>>, vector<1x32x1024xf32>,
    %slice3A_1553 = vector.extract_strided_slice %dot_general3A_1201 {offsets = [27, 0], sizes = [1, 1024], strides = [1, 1]} : vector<32x1024xf32> to vector<1x1024xf32>
    %add3A_1554 = vector.broadcast %slice3A_1553 : vector<1x1024xf32> to vector<32x1024xf32>
    %add3A_1555 = arith.addf %add3A_1554, %dot_general3A_1203 : vector<32x1024xf32>
    %swap3A_1556 = arith.constant 0 : i32
    %swap3A_1557 = arith.constant 0 : i32
    %swap3A_1558 = arith.constant 0 : i32
    %swap3A_1559 = tpu.memref_slice %arg3[%swap3A_1556, %swap3A_1557, %swap3A_1558] : memref<2x1024x1024xf32, #tpu.memory_space<vmem>> -> memref<1x1024x1024xf32, #tpu.memory_space<vmem>>
    %swap3A_1560 = arith.constant 0 : index
    %swap3A_1561 = arith.constant 864 : index
    %swap3A_1562 = arith.constant 0 : index
    %swap3A_1563 = vector.load %swap3A_1559[%swap3A_1560, %swap3A_1561, %swap3A_1562] : memref<1x1024x1024xf32, #tpu.memory_space<vmem>>, vector<1x32x1024xf32>
    %swap3A_1564 = vector.shape_cast %swap3A_1563 : vector<1x32x1024xf32> to vector<32x1024xf32>
    %swap3A_1565 = vector.shape_cast %add3A_1555 : vector<32x1024xf32> to vector<1x32x1024xf32>
    tpu.vector_store %swap3A_1559[%swap3A_1560, %swap3A_1561, %swap3A_1562], %swap3A_1565 {strides = array<i32>} : memref<1x1024x1024xf32, #tpu.memory_space<vmem>>, vector<1x32x1024xf32>,
    %slice3A_1566 = vector.extract_strided_slice %dot_general3A_1201 {offsets = [28, 0], sizes = [1, 1024], strides = [1, 1]} : vector<32x1024xf32> to vector<1x1024xf32>
    %add3A_1567 = vector.broadcast %slice3A_1566 : vector<1x1024xf32> to vector<32x1024xf32>
    %add3A_1568 = arith.addf %add3A_1567, %dot_general3A_1203 : vector<32x1024xf32>
    %swap3A_1569 = arith.constant 0 : i32
    %swap3A_1570 = arith.constant 0 : i32
    %swap3A_1571 = arith.constant 0 : i32
    %swap3A_1572 = tpu.memref_slice %arg3[%swap3A_1569, %swap3A_1570, %swap3A_1571] : memref<2x1024x1024xf32, #tpu.memory_space<vmem>> -> memref<1x1024x1024xf32, #tpu.memory_space<vmem>>
    %swap3A_1573 = arith.constant 0 : index
    %swap3A_1574 = arith.constant 896 : index
    %swap3A_1575 = arith.constant 0 : index
    %swap3A_1576 = vector.load %swap3A_1572[%swap3A_1573, %swap3A_1574, %swap3A_1575] : memref<1x1024x1024xf32, #tpu.memory_space<vmem>>, vector<1x32x1024xf32>
    %swap3A_1577 = vector.shape_cast %swap3A_1576 : vector<1x32x1024xf32> to vector<32x1024xf32>
    %swap3A_1578 = vector.shape_cast %add3A_1568 : vector<32x1024xf32> to vector<1x32x1024xf32>
    tpu.vector_store %swap3A_1572[%swap3A_1573, %swap3A_1574, %swap3A_1575], %swap3A_1578 {strides = array<i32>} : memref<1x1024x1024xf32, #tpu.memory_space<vmem>>, vector<1x32x1024xf32>,
    %slice3A_1579 = vector.extract_strided_slice %dot_general3A_1201 {offsets = [29, 0], sizes = [1, 1024], strides = [1, 1]} : vector<32x1024xf32> to vector<1x1024xf32>
    %add3A_1580 = vector.broadcast %slice3A_1579 : vector<1x1024xf32> to vector<32x1024xf32>
    %add3A_1581 = arith.addf %add3A_1580, %dot_general3A_1203 : vector<32x1024xf32>
    %swap3A_1582 = arith.constant 0 : i32
    %swap3A_1583 = arith.constant 0 : i32
    %swap3A_1584 = arith.constant 0 : i32
    %swap3A_1585 = tpu.memref_slice %arg3[%swap3A_1582, %swap3A_1583, %swap3A_1584] : memref<2x1024x1024xf32, #tpu.memory_space<vmem>> -> memref<1x1024x1024xf32, #tpu.memory_space<vmem>>
    %swap3A_1586 = arith.constant 0 : index
    %swap3A_1587 = arith.constant 928 : index
    %swap3A_1588 = arith.constant 0 : index
    %swap3A_1589 = vector.load %swap3A_1585[%swap3A_1586, %swap3A_1587, %swap3A_1588] : memref<1x1024x1024xf32, #tpu.memory_space<vmem>>, vector<1x32x1024xf32>
    %swap3A_1590 = vector.shape_cast %swap3A_1589 : vector<1x32x1024xf32> to vector<32x1024xf32>
    %swap3A_1591 = vector.shape_cast %add3A_1581 : vector<32x1024xf32> to vector<1x32x1024xf32>
    tpu.vector_store %swap3A_1585[%swap3A_1586, %swap3A_1587, %swap3A_1588], %swap3A_1591 {strides = array<i32>} : memref<1x1024x1024xf32, #tpu.memory_space<vmem>>, vector<1x32x1024xf32>,
    %slice3A_1592 = vector.extract_strided_slice %dot_general3A_1201 {offsets = [30, 0], sizes = [1, 1024], strides = [1, 1]} : vector<32x1024xf32> to vector<1x1024xf32>
    %add3A_1593 = vector.broadcast %slice3A_1592 : vector<1x1024xf32> to vector<32x1024xf32>
    %add3A_1594 = arith.addf %add3A_1593, %dot_general3A_1203 : vector<32x1024xf32>
    %swap3A_1595 = arith.constant 0 : i32
    %swap3A_1596 = arith.constant 0 : i32
    %swap3A_1597 = arith.constant 0 : i32
    %swap3A_1598 = tpu.memref_slice %arg3[%swap3A_1595, %swap3A_1596, %swap3A_1597] : memref<2x1024x1024xf32, #tpu.memory_space<vmem>> -> memref<1x1024x1024xf32, #tpu.memory_space<vmem>>
    %swap3A_1599 = arith.constant 0 : index
    %swap3A_1600 = arith.constant 960 : index
    %swap3A_1601 = arith.constant 0 : index
    %swap3A_1602 = vector.load %swap3A_1598[%swap3A_1599, %swap3A_1600, %swap3A_1601] : memref<1x1024x1024xf32, #tpu.memory_space<vmem>>, vector<1x32x1024xf32>
    %swap3A_1603 = vector.shape_cast %swap3A_1602 : vector<1x32x1024xf32> to vector<32x1024xf32>
    %swap3A_1604 = vector.shape_cast %add3A_1594 : vector<32x1024xf32> to vector<1x32x1024xf32>
    tpu.vector_store %swap3A_1598[%swap3A_1599, %swap3A_1600, %swap3A_1601], %swap3A_1604 {strides = array<i32>} : memref<1x1024x1024xf32, #tpu.memory_space<vmem>>, vector<1x32x1024xf32>,
    %slice3A_1605 = vector.extract_strided_slice %dot_general3A_1201 {offsets = [31, 0], sizes = [1, 1024], strides = [1, 1]} : vector<32x1024xf32> to vector<1x1024xf32>
    %add3A_1606 = vector.broadcast %slice3A_1605 : vector<1x1024xf32> to vector<32x1024xf32>
    %add3A_1607 = arith.addf %add3A_1606, %dot_general3A_1203 : vector<32x1024xf32>
    %swap3A_1608 = arith.constant 0 : i32
    %swap3A_1609 = arith.constant 0 : i32
    %swap3A_1610 = arith.constant 0 : i32
    %swap3A_1611 = tpu.memref_slice %arg3[%swap3A_1608, %swap3A_1609, %swap3A_1610] : memref<2x1024x1024xf32, #tpu.memory_space<vmem>> -> memref<1x1024x1024xf32, #tpu.memory_space<vmem>>
    %swap3A_1612 = arith.constant 0 : index
    %swap3A_1613 = arith.constant 992 : index
    %swap3A_1614 = arith.constant 0 : index
    %swap3A_1615 = vector.load %swap3A_1611[%swap3A_1612, %swap3A_1613, %swap3A_1614] : memref<1x1024x1024xf32, #tpu.memory_space<vmem>>, vector<1x32x1024xf32>
    %swap3A_1616 = vector.shape_cast %swap3A_1615 : vector<1x32x1024xf32> to vector<32x1024xf32>
    %swap3A_1617 = vector.shape_cast %add3A_1607 : vector<32x1024xf32> to vector<1x32x1024xf32>
    tpu.vector_store %swap3A_1611[%swap3A_1612, %swap3A_1613, %swap3A_1614], %swap3A_1617 {strides = array<i32>} : memref<1x1024x1024xf32, #tpu.memory_space<vmem>>, vector<1x32x1024xf32>,
    %mul3A_1618 = arith.constant 2 : i32
    %mul3A_1619 = arith.muli %arg0, %mul3A_1618 : i32
    %add3A_1620 = arith.constant 1 : i32
    %add3A_1621 = arith.addi %mul3A_1619, %add3A_1620 : i32
    %broadcast_in_dim3A_1622 = arith.constant 0.000000e+00 : f32
    %broadcast_in_dim3A_1623 = vector.broadcast %broadcast_in_dim3A_1622 : f32 to vector<32x32xf32>
    %broadcast_in_dim3A_1624 = arith.constant 0.000000e+00 : f32
    %broadcast_in_dim3A_1625 = vector.broadcast %broadcast_in_dim3A_1624 : f32 to vector<32x32xf32>
    %eq3A_1626 = arith.constant 0 : i32
    %eq3A_1627 = vector.broadcast %eq3A_1626 : i32 to vector<32x32xi32>
    %eq3A_1628 = arith.cmpi eq, %add3A_2, %eq3A_1627 : vector<32x32xi32>
    %get3A_1629 = arith.index_cast %add3A_1621 : i32 to index
    %get3A_1630 = arith.constant 0 : index
    %get3A_1631 = arith.constant 0 : index
    %get3A_1632 = memref.load %arg1[%get3A_1629, %get3A_1630, %get3A_1631] : memref<16x1x63xf32, #tpu.memory_space<smem>>
    %broadcast_in_dim3A_1633 = vector.broadcast %get3A_1632 : f32 to vector<32x32xf32>
    %select_n3A_1634 = arith.select %eq3A_1628, %broadcast_in_dim3A_1633, %broadcast_in_dim3A_1623 : vector<32x32xi1>, vector<32x32xf32>
    %eq3A_1635 = arith.constant 1 : i32
    %eq3A_1636 = vector.broadcast %eq3A_1635 : i32 to vector<32x32xi32>
    %eq3A_1637 = arith.cmpi eq, %add3A_2, %eq3A_1636 : vector<32x32xi32>
    %get3A_1638 = arith.index_cast %add3A_1621 : i32 to index
    %get3A_1639 = arith.constant 0 : index
    %get3A_1640 = arith.constant 1 : index
    %get3A_1641 = memref.load %arg1[%get3A_1638, %get3A_1639, %get3A_1640] : memref<16x1x63xf32, #tpu.memory_space<smem>>
    %broadcast_in_dim3A_1642 = vector.broadcast %get3A_1641 : f32 to vector<32x32xf32>
    %select_n3A_1643 = arith.select %eq3A_1637, %broadcast_in_dim3A_1642, %select_n3A_1634 : vector<32x32xi1>, vector<32x32xf32>
    %eq3A_1644 = arith.constant 2 : i32
    %eq3A_1645 = vector.broadcast %eq3A_1644 : i32 to vector<32x32xi32>
    %eq3A_1646 = arith.cmpi eq, %add3A_2, %eq3A_1645 : vector<32x32xi32>
    %get3A_1647 = arith.index_cast %add3A_1621 : i32 to index
    %get3A_1648 = arith.constant 0 : index
    %get3A_1649 = arith.constant 2 : index
    %get3A_1650 = memref.load %arg1[%get3A_1647, %get3A_1648, %get3A_1649] : memref<16x1x63xf32, #tpu.memory_space<smem>>
    %broadcast_in_dim3A_1651 = vector.broadcast %get3A_1650 : f32 to vector<32x32xf32>
    %select_n3A_1652 = arith.select %eq3A_1646, %broadcast_in_dim3A_1651, %select_n3A_1643 : vector<32x32xi1>, vector<32x32xf32>
    %eq3A_1653 = arith.constant 3 : i32
    %eq3A_1654 = vector.broadcast %eq3A_1653 : i32 to vector<32x32xi32>
    %eq3A_1655 = arith.cmpi eq, %add3A_2, %eq3A_1654 : vector<32x32xi32>
    %get3A_1656 = arith.index_cast %add3A_1621 : i32 to index
    %get3A_1657 = arith.constant 0 : index
    %get3A_1658 = arith.constant 3 : index
    %get3A_1659 = memref.load %arg1[%get3A_1656, %get3A_1657, %get3A_1658] : memref<16x1x63xf32, #tpu.memory_space<smem>>
    %broadcast_in_dim3A_1660 = vector.broadcast %get3A_1659 : f32 to vector<32x32xf32>
    %select_n3A_1661 = arith.select %eq3A_1655, %broadcast_in_dim3A_1660, %select_n3A_1652 : vector<32x32xi1>, vector<32x32xf32>
    %eq3A_1662 = arith.constant 4 : i32
    %eq3A_1663 = vector.broadcast %eq3A_1662 : i32 to vector<32x32xi32>
    %eq3A_1664 = arith.cmpi eq, %add3A_2, %eq3A_1663 : vector<32x32xi32>
    %get3A_1665 = arith.index_cast %add3A_1621 : i32 to index
    %get3A_1666 = arith.constant 0 : index
    %get3A_1667 = arith.constant 4 : index
    %get3A_1668 = memref.load %arg1[%get3A_1665, %get3A_1666, %get3A_1667] : memref<16x1x63xf32, #tpu.memory_space<smem>>
    %broadcast_in_dim3A_1669 = vector.broadcast %get3A_1668 : f32 to vector<32x32xf32>
    %select_n3A_1670 = arith.select %eq3A_1664, %broadcast_in_dim3A_1669, %select_n3A_1661 : vector<32x32xi1>, vector<32x32xf32>
    %eq3A_1671 = arith.constant 5 : i32
    %eq3A_1672 = vector.broadcast %eq3A_1671 : i32 to vector<32x32xi32>
    %eq3A_1673 = arith.cmpi eq, %add3A_2, %eq3A_1672 : vector<32x32xi32>
    %get3A_1674 = arith.index_cast %add3A_1621 : i32 to index
    %get3A_1675 = arith.constant 0 : index
    %get3A_1676 = arith.constant 5 : index
    %get3A_1677 = memref.load %arg1[%get3A_1674, %get3A_1675, %get3A_1676] : memref<16x1x63xf32, #tpu.memory_space<smem>>
    %broadcast_in_dim3A_1678 = vector.broadcast %get3A_1677 : f32 to vector<32x32xf32>
    %select_n3A_1679 = arith.select %eq3A_1673, %broadcast_in_dim3A_1678, %select_n3A_1670 : vector<32x32xi1>, vector<32x32xf32>
    %eq3A_1680 = arith.constant 6 : i32
    %eq3A_1681 = vector.broadcast %eq3A_1680 : i32 to vector<32x32xi32>
    %eq3A_1682 = arith.cmpi eq, %add3A_2, %eq3A_1681 : vector<32x32xi32>
    %get3A_1683 = arith.index_cast %add3A_1621 : i32 to index
    %get3A_1684 = arith.constant 0 : index
    %get3A_1685 = arith.constant 6 : index
    %get3A_1686 = memref.load %arg1[%get3A_1683, %get3A_1684, %get3A_1685] : memref<16x1x63xf32, #tpu.memory_space<smem>>
    %broadcast_in_dim3A_1687 = vector.broadcast %get3A_1686 : f32 to vector<32x32xf32>
    %select_n3A_1688 = arith.select %eq3A_1682, %broadcast_in_dim3A_1687, %select_n3A_1679 : vector<32x32xi1>, vector<32x32xf32>
    %eq3A_1689 = arith.constant 7 : i32
    %eq3A_1690 = vector.broadcast %eq3A_1689 : i32 to vector<32x32xi32>
    %eq3A_1691 = arith.cmpi eq, %add3A_2, %eq3A_1690 : vector<32x32xi32>
    %get3A_1692 = arith.index_cast %add3A_1621 : i32 to index
    %get3A_1693 = arith.constant 0 : index
    %get3A_1694 = arith.constant 7 : index
    %get3A_1695 = memref.load %arg1[%get3A_1692, %get3A_1693, %get3A_1694] : memref<16x1x63xf32, #tpu.memory_space<smem>>
    %broadcast_in_dim3A_1696 = vector.broadcast %get3A_1695 : f32 to vector<32x32xf32>
    %select_n3A_1697 = arith.select %eq3A_1691, %broadcast_in_dim3A_1696, %select_n3A_1688 : vector<32x32xi1>, vector<32x32xf32>
    %eq3A_1698 = arith.constant 8 : i32
    %eq3A_1699 = vector.broadcast %eq3A_1698 : i32 to vector<32x32xi32>
    %eq3A_1700 = arith.cmpi eq, %add3A_2, %eq3A_1699 : vector<32x32xi32>
    %get3A_1701 = arith.index_cast %add3A_1621 : i32 to index
    %get3A_1702 = arith.constant 0 : index
    %get3A_1703 = arith.constant 8 : index
    %get3A_1704 = memref.load %arg1[%get3A_1701, %get3A_1702, %get3A_1703] : memref<16x1x63xf32, #tpu.memory_space<smem>>
    %broadcast_in_dim3A_1705 = vector.broadcast %get3A_1704 : f32 to vector<32x32xf32>
    %select_n3A_1706 = arith.select %eq3A_1700, %broadcast_in_dim3A_1705, %select_n3A_1697 : vector<32x32xi1>, vector<32x32xf32>
    %eq3A_1707 = arith.constant 9 : i32
    %eq3A_1708 = vector.broadcast %eq3A_1707 : i32 to vector<32x32xi32>
    %eq3A_1709 = arith.cmpi eq, %add3A_2, %eq3A_1708 : vector<32x32xi32>
    %get3A_1710 = arith.index_cast %add3A_1621 : i32 to index
    %get3A_1711 = arith.constant 0 : index
    %get3A_1712 = arith.constant 9 : index
    %get3A_1713 = memref.load %arg1[%get3A_1710, %get3A_1711, %get3A_1712] : memref<16x1x63xf32, #tpu.memory_space<smem>>
    %broadcast_in_dim3A_1714 = vector.broadcast %get3A_1713 : f32 to vector<32x32xf32>
    %select_n3A_1715 = arith.select %eq3A_1709, %broadcast_in_dim3A_1714, %select_n3A_1706 : vector<32x32xi1>, vector<32x32xf32>
    %eq3A_1716 = arith.constant 10 : i32
    %eq3A_1717 = vector.broadcast %eq3A_1716 : i32 to vector<32x32xi32>
    %eq3A_1718 = arith.cmpi eq, %add3A_2, %eq3A_1717 : vector<32x32xi32>
    %get3A_1719 = arith.index_cast %add3A_1621 : i32 to index
    %get3A_1720 = arith.constant 0 : index
    %get3A_1721 = arith.constant 10 : index
    %get3A_1722 = memref.load %arg1[%get3A_1719, %get3A_1720, %get3A_1721] : memref<16x1x63xf32, #tpu.memory_space<smem>>
    %broadcast_in_dim3A_1723 = vector.broadcast %get3A_1722 : f32 to vector<32x32xf32>
    %select_n3A_1724 = arith.select %eq3A_1718, %broadcast_in_dim3A_1723, %select_n3A_1715 : vector<32x32xi1>, vector<32x32xf32>
    %eq3A_1725 = arith.constant 11 : i32
    %eq3A_1726 = vector.broadcast %eq3A_1725 : i32 to vector<32x32xi32>
    %eq3A_1727 = arith.cmpi eq, %add3A_2, %eq3A_1726 : vector<32x32xi32>
    %get3A_1728 = arith.index_cast %add3A_1621 : i32 to index
    %get3A_1729 = arith.constant 0 : index
    %get3A_1730 = arith.constant 11 : index
    %get3A_1731 = memref.load %arg1[%get3A_1728, %get3A_1729, %get3A_1730] : memref<16x1x63xf32, #tpu.memory_space<smem>>
    %broadcast_in_dim3A_1732 = vector.broadcast %get3A_1731 : f32 to vector<32x32xf32>
    %select_n3A_1733 = arith.select %eq3A_1727, %broadcast_in_dim3A_1732, %select_n3A_1724 : vector<32x32xi1>, vector<32x32xf32>
    %eq3A_1734 = arith.constant 12 : i32
    %eq3A_1735 = vector.broadcast %eq3A_1734 : i32 to vector<32x32xi32>
    %eq3A_1736 = arith.cmpi eq, %add3A_2, %eq3A_1735 : vector<32x32xi32>
    %get3A_1737 = arith.index_cast %add3A_1621 : i32 to index
    %get3A_1738 = arith.constant 0 : index
    %get3A_1739 = arith.constant 12 : index
    %get3A_1740 = memref.load %arg1[%get3A_1737, %get3A_1738, %get3A_1739] : memref<16x1x63xf32, #tpu.memory_space<smem>>
    %broadcast_in_dim3A_1741 = vector.broadcast %get3A_1740 : f32 to vector<32x32xf32>
    %select_n3A_1742 = arith.select %eq3A_1736, %broadcast_in_dim3A_1741, %select_n3A_1733 : vector<32x32xi1>, vector<32x32xf32>
    %eq3A_1743 = arith.constant 13 : i32
    %eq3A_1744 = vector.broadcast %eq3A_1743 : i32 to vector<32x32xi32>
    %eq3A_1745 = arith.cmpi eq, %add3A_2, %eq3A_1744 : vector<32x32xi32>
    %get3A_1746 = arith.index_cast %add3A_1621 : i32 to index
    %get3A_1747 = arith.constant 0 : index
    %get3A_1748 = arith.constant 13 : index
    %get3A_1749 = memref.load %arg1[%get3A_1746, %get3A_1747, %get3A_1748] : memref<16x1x63xf32, #tpu.memory_space<smem>>
    %broadcast_in_dim3A_1750 = vector.broadcast %get3A_1749 : f32 to vector<32x32xf32>
    %select_n3A_1751 = arith.select %eq3A_1745, %broadcast_in_dim3A_1750, %select_n3A_1742 : vector<32x32xi1>, vector<32x32xf32>
    %eq3A_1752 = arith.constant 14 : i32
    %eq3A_1753 = vector.broadcast %eq3A_1752 : i32 to vector<32x32xi32>
    %eq3A_1754 = arith.cmpi eq, %add3A_2, %eq3A_1753 : vector<32x32xi32>
    %get3A_1755 = arith.index_cast %add3A_1621 : i32 to index
    %get3A_1756 = arith.constant 0 : index
    %get3A_1757 = arith.constant 14 : index
    %get3A_1758 = memref.load %arg1[%get3A_1755, %get3A_1756, %get3A_1757] : memref<16x1x63xf32, #tpu.memory_space<smem>>
    %broadcast_in_dim3A_1759 = vector.broadcast %get3A_1758 : f32 to vector<32x32xf32>
    %select_n3A_1760 = arith.select %eq3A_1754, %broadcast_in_dim3A_1759, %select_n3A_1751 : vector<32x32xi1>, vector<32x32xf32>
    %eq3A_1761 = arith.constant 15 : i32
    %eq3A_1762 = vector.broadcast %eq3A_1761 : i32 to vector<32x32xi32>
    %eq3A_1763 = arith.cmpi eq, %add3A_2, %eq3A_1762 : vector<32x32xi32>
    %get3A_1764 = arith.index_cast %add3A_1621 : i32 to index
    %get3A_1765 = arith.constant 0 : index
    %get3A_1766 = arith.constant 15 : index
    %get3A_1767 = memref.load %arg1[%get3A_1764, %get3A_1765, %get3A_1766] : memref<16x1x63xf32, #tpu.memory_space<smem>>
    %broadcast_in_dim3A_1768 = vector.broadcast %get3A_1767 : f32 to vector<32x32xf32>
    %select_n3A_1769 = arith.select %eq3A_1763, %broadcast_in_dim3A_1768, %select_n3A_1760 : vector<32x32xi1>, vector<32x32xf32>
    %eq3A_1770 = arith.constant 16 : i32
    %eq3A_1771 = vector.broadcast %eq3A_1770 : i32 to vector<32x32xi32>
    %eq3A_1772 = arith.cmpi eq, %add3A_2, %eq3A_1771 : vector<32x32xi32>
    %get3A_1773 = arith.index_cast %add3A_1621 : i32 to index
    %get3A_1774 = arith.constant 0 : index
    %get3A_1775 = arith.constant 16 : index
    %get3A_1776 = memref.load %arg1[%get3A_1773, %get3A_1774, %get3A_1775] : memref<16x1x63xf32, #tpu.memory_space<smem>>
    %broadcast_in_dim3A_1777 = vector.broadcast %get3A_1776 : f32 to vector<32x32xf32>
    %select_n3A_1778 = arith.select %eq3A_1772, %broadcast_in_dim3A_1777, %select_n3A_1769 : vector<32x32xi1>, vector<32x32xf32>
    %eq3A_1779 = arith.constant 17 : i32
    %eq3A_1780 = vector.broadcast %eq3A_1779 : i32 to vector<32x32xi32>
    %eq3A_1781 = arith.cmpi eq, %add3A_2, %eq3A_1780 : vector<32x32xi32>
    %get3A_1782 = arith.index_cast %add3A_1621 : i32 to index
    %get3A_1783 = arith.constant 0 : index
    %get3A_1784 = arith.constant 17 : index
    %get3A_1785 = memref.load %arg1[%get3A_1782, %get3A_1783, %get3A_1784] : memref<16x1x63xf32, #tpu.memory_space<smem>>
    %broadcast_in_dim3A_1786 = vector.broadcast %get3A_1785 : f32 to vector<32x32xf32>
    %select_n3A_1787 = arith.select %eq3A_1781, %broadcast_in_dim3A_1786, %select_n3A_1778 : vector<32x32xi1>, vector<32x32xf32>
    %eq3A_1788 = arith.constant 18 : i32
    %eq3A_1789 = vector.broadcast %eq3A_1788 : i32 to vector<32x32xi32>
    %eq3A_1790 = arith.cmpi eq, %add3A_2, %eq3A_1789 : vector<32x32xi32>
    %get3A_1791 = arith.index_cast %add3A_1621 : i32 to index
    %get3A_1792 = arith.constant 0 : index
    %get3A_1793 = arith.constant 18 : index
    %get3A_1794 = memref.load %arg1[%get3A_1791, %get3A_1792, %get3A_1793] : memref<16x1x63xf32, #tpu.memory_space<smem>>
    %broadcast_in_dim3A_1795 = vector.broadcast %get3A_1794 : f32 to vector<32x32xf32>
    %select_n3A_1796 = arith.select %eq3A_1790, %broadcast_in_dim3A_1795, %select_n3A_1787 : vector<32x32xi1>, vector<32x32xf32>
    %eq3A_1797 = arith.constant 19 : i32
    %eq3A_1798 = vector.broadcast %eq3A_1797 : i32 to vector<32x32xi32>
    %eq3A_1799 = arith.cmpi eq, %add3A_2, %eq3A_1798 : vector<32x32xi32>
    %get3A_1800 = arith.index_cast %add3A_1621 : i32 to index
    %get3A_1801 = arith.constant 0 : index
    %get3A_1802 = arith.constant 19 : index
    %get3A_1803 = memref.load %arg1[%get3A_1800, %get3A_1801, %get3A_1802] : memref<16x1x63xf32, #tpu.memory_space<smem>>
    %broadcast_in_dim3A_1804 = vector.broadcast %get3A_1803 : f32 to vector<32x32xf32>
    %select_n3A_1805 = arith.select %eq3A_1799, %broadcast_in_dim3A_1804, %select_n3A_1796 : vector<32x32xi1>, vector<32x32xf32>
    %eq3A_1806 = arith.constant 20 : i32
    %eq3A_1807 = vector.broadcast %eq3A_1806 : i32 to vector<32x32xi32>
    %eq3A_1808 = arith.cmpi eq, %add3A_2, %eq3A_1807 : vector<32x32xi32>
    %get3A_1809 = arith.index_cast %add3A_1621 : i32 to index
    %get3A_1810 = arith.constant 0 : index
    %get3A_1811 = arith.constant 20 : index
    %get3A_1812 = memref.load %arg1[%get3A_1809, %get3A_1810, %get3A_1811] : memref<16x1x63xf32, #tpu.memory_space<smem>>
    %broadcast_in_dim3A_1813 = vector.broadcast %get3A_1812 : f32 to vector<32x32xf32>
    %select_n3A_1814 = arith.select %eq3A_1808, %broadcast_in_dim3A_1813, %select_n3A_1805 : vector<32x32xi1>, vector<32x32xf32>
    %eq3A_1815 = arith.constant 21 : i32
    %eq3A_1816 = vector.broadcast %eq3A_1815 : i32 to vector<32x32xi32>
    %eq3A_1817 = arith.cmpi eq, %add3A_2, %eq3A_1816 : vector<32x32xi32>
    %get3A_1818 = arith.index_cast %add3A_1621 : i32 to index
    %get3A_1819 = arith.constant 0 : index
    %get3A_1820 = arith.constant 21 : index
    %get3A_1821 = memref.load %arg1[%get3A_1818, %get3A_1819, %get3A_1820] : memref<16x1x63xf32, #tpu.memory_space<smem>>
    %broadcast_in_dim3A_1822 = vector.broadcast %get3A_1821 : f32 to vector<32x32xf32>
    %select_n3A_1823 = arith.select %eq3A_1817, %broadcast_in_dim3A_1822, %select_n3A_1814 : vector<32x32xi1>, vector<32x32xf32>
    %eq3A_1824 = arith.constant 22 : i32
    %eq3A_1825 = vector.broadcast %eq3A_1824 : i32 to vector<32x32xi32>
    %eq3A_1826 = arith.cmpi eq, %add3A_2, %eq3A_1825 : vector<32x32xi32>
    %get3A_1827 = arith.index_cast %add3A_1621 : i32 to index
    %get3A_1828 = arith.constant 0 : index
    %get3A_1829 = arith.constant 22 : index
    %get3A_1830 = memref.load %arg1[%get3A_1827, %get3A_1828, %get3A_1829] : memref<16x1x63xf32, #tpu.memory_space<smem>>
    %broadcast_in_dim3A_1831 = vector.broadcast %get3A_1830 : f32 to vector<32x32xf32>
    %select_n3A_1832 = arith.select %eq3A_1826, %broadcast_in_dim3A_1831, %select_n3A_1823 : vector<32x32xi1>, vector<32x32xf32>
    %eq3A_1833 = arith.constant 23 : i32
    %eq3A_1834 = vector.broadcast %eq3A_1833 : i32 to vector<32x32xi32>
    %eq3A_1835 = arith.cmpi eq, %add3A_2, %eq3A_1834 : vector<32x32xi32>
    %get3A_1836 = arith.index_cast %add3A_1621 : i32 to index
    %get3A_1837 = arith.constant 0 : index
    %get3A_1838 = arith.constant 23 : index
    %get3A_1839 = memref.load %arg1[%get3A_1836, %get3A_1837, %get3A_1838] : memref<16x1x63xf32, #tpu.memory_space<smem>>
    %broadcast_in_dim3A_1840 = vector.broadcast %get3A_1839 : f32 to vector<32x32xf32>
    %select_n3A_1841 = arith.select %eq3A_1835, %broadcast_in_dim3A_1840, %select_n3A_1832 : vector<32x32xi1>, vector<32x32xf32>
    %eq3A_1842 = arith.constant 24 : i32
    %eq3A_1843 = vector.broadcast %eq3A_1842 : i32 to vector<32x32xi32>
    %eq3A_1844 = arith.cmpi eq, %add3A_2, %eq3A_1843 : vector<32x32xi32>
    %get3A_1845 = arith.index_cast %add3A_1621 : i32 to index
    %get3A_1846 = arith.constant 0 : index
    %get3A_1847 = arith.constant 24 : index
    %get3A_1848 = memref.load %arg1[%get3A_1845, %get3A_1846, %get3A_1847] : memref<16x1x63xf32, #tpu.memory_space<smem>>
    %broadcast_in_dim3A_1849 = vector.broadcast %get3A_1848 : f32 to vector<32x32xf32>
    %select_n3A_1850 = arith.select %eq3A_1844, %broadcast_in_dim3A_1849, %select_n3A_1841 : vector<32x32xi1>, vector<32x32xf32>
    %eq3A_1851 = arith.constant 25 : i32
    %eq3A_1852 = vector.broadcast %eq3A_1851 : i32 to vector<32x32xi32>
    %eq3A_1853 = arith.cmpi eq, %add3A_2, %eq3A_1852 : vector<32x32xi32>
    %get3A_1854 = arith.index_cast %add3A_1621 : i32 to index
    %get3A_1855 = arith.constant 0 : index
    %get3A_1856 = arith.constant 25 : index
    %get3A_1857 = memref.load %arg1[%get3A_1854, %get3A_1855, %get3A_1856] : memref<16x1x63xf32, #tpu.memory_space<smem>>
    %broadcast_in_dim3A_1858 = vector.broadcast %get3A_1857 : f32 to vector<32x32xf32>
    %select_n3A_1859 = arith.select %eq3A_1853, %broadcast_in_dim3A_1858, %select_n3A_1850 : vector<32x32xi1>, vector<32x32xf32>
    %eq3A_1860 = arith.constant 26 : i32
    %eq3A_1861 = vector.broadcast %eq3A_1860 : i32 to vector<32x32xi32>
    %eq3A_1862 = arith.cmpi eq, %add3A_2, %eq3A_1861 : vector<32x32xi32>
    %get3A_1863 = arith.index_cast %add3A_1621 : i32 to index
    %get3A_1864 = arith.constant 0 : index
    %get3A_1865 = arith.constant 26 : index
    %get3A_1866 = memref.load %arg1[%get3A_1863, %get3A_1864, %get3A_1865] : memref<16x1x63xf32, #tpu.memory_space<smem>>
    %broadcast_in_dim3A_1867 = vector.broadcast %get3A_1866 : f32 to vector<32x32xf32>
    %select_n3A_1868 = arith.select %eq3A_1862, %broadcast_in_dim3A_1867, %select_n3A_1859 : vector<32x32xi1>, vector<32x32xf32>
    %eq3A_1869 = arith.constant 27 : i32
    %eq3A_1870 = vector.broadcast %eq3A_1869 : i32 to vector<32x32xi32>
    %eq3A_1871 = arith.cmpi eq, %add3A_2, %eq3A_1870 : vector<32x32xi32>
    %get3A_1872 = arith.index_cast %add3A_1621 : i32 to index
    %get3A_1873 = arith.constant 0 : index
    %get3A_1874 = arith.constant 27 : index
    %get3A_1875 = memref.load %arg1[%get3A_1872, %get3A_1873, %get3A_1874] : memref<16x1x63xf32, #tpu.memory_space<smem>>
    %broadcast_in_dim3A_1876 = vector.broadcast %get3A_1875 : f32 to vector<32x32xf32>
    %select_n3A_1877 = arith.select %eq3A_1871, %broadcast_in_dim3A_1876, %select_n3A_1868 : vector<32x32xi1>, vector<32x32xf32>
    %eq3A_1878 = arith.constant 28 : i32
    %eq3A_1879 = vector.broadcast %eq3A_1878 : i32 to vector<32x32xi32>
    %eq3A_1880 = arith.cmpi eq, %add3A_2, %eq3A_1879 : vector<32x32xi32>
    %get3A_1881 = arith.index_cast %add3A_1621 : i32 to index
    %get3A_1882 = arith.constant 0 : index
    %get3A_1883 = arith.constant 28 : index
    %get3A_1884 = memref.load %arg1[%get3A_1881, %get3A_1882, %get3A_1883] : memref<16x1x63xf32, #tpu.memory_space<smem>>
    %broadcast_in_dim3A_1885 = vector.broadcast %get3A_1884 : f32 to vector<32x32xf32>
    %select_n3A_1886 = arith.select %eq3A_1880, %broadcast_in_dim3A_1885, %select_n3A_1877 : vector<32x32xi1>, vector<32x32xf32>
    %eq3A_1887 = arith.constant 29 : i32
    %eq3A_1888 = vector.broadcast %eq3A_1887 : i32 to vector<32x32xi32>
    %eq3A_1889 = arith.cmpi eq, %add3A_2, %eq3A_1888 : vector<32x32xi32>
    %get3A_1890 = arith.index_cast %add3A_1621 : i32 to index
    %get3A_1891 = arith.constant 0 : index
    %get3A_1892 = arith.constant 29 : index
    %get3A_1893 = memref.load %arg1[%get3A_1890, %get3A_1891, %get3A_1892] : memref<16x1x63xf32, #tpu.memory_space<smem>>
    %broadcast_in_dim3A_1894 = vector.broadcast %get3A_1893 : f32 to vector<32x32xf32>
    %select_n3A_1895 = arith.select %eq3A_1889, %broadcast_in_dim3A_1894, %select_n3A_1886 : vector<32x32xi1>, vector<32x32xf32>
    %eq3A_1896 = arith.constant 30 : i32
    %eq3A_1897 = vector.broadcast %eq3A_1896 : i32 to vector<32x32xi32>
    %eq3A_1898 = arith.cmpi eq, %add3A_2, %eq3A_1897 : vector<32x32xi32>
    %get3A_1899 = arith.index_cast %add3A_1621 : i32 to index
    %get3A_1900 = arith.constant 0 : index
    %get3A_1901 = arith.constant 30 : index
    %get3A_1902 = memref.load %arg1[%get3A_1899, %get3A_1900, %get3A_1901] : memref<16x1x63xf32, #tpu.memory_space<smem>>
    %broadcast_in_dim3A_1903 = vector.broadcast %get3A_1902 : f32 to vector<32x32xf32>
    %select_n3A_1904 = arith.select %eq3A_1898, %broadcast_in_dim3A_1903, %select_n3A_1895 : vector<32x32xi1>, vector<32x32xf32>
    %eq3A_1905 = arith.constant 31 : i32
    %eq3A_1906 = vector.broadcast %eq3A_1905 : i32 to vector<32x32xi32>
    %eq3A_1907 = arith.cmpi eq, %add3A_2, %eq3A_1906 : vector<32x32xi32>
    %get3A_1908 = arith.index_cast %add3A_1621 : i32 to index
    %get3A_1909 = arith.constant 0 : index
    %get3A_1910 = arith.constant 31 : index
    %get3A_1911 = memref.load %arg1[%get3A_1908, %get3A_1909, %get3A_1910] : memref<16x1x63xf32, #tpu.memory_space<smem>>
    %broadcast_in_dim3A_1912 = vector.broadcast %get3A_1911 : f32 to vector<32x32xf32>
    %select_n3A_1913 = arith.select %eq3A_1907, %broadcast_in_dim3A_1912, %select_n3A_1904 : vector<32x32xi1>, vector<32x32xf32>
    %eq3A_1914 = arith.constant 32 : i32
    %eq3A_1915 = vector.broadcast %eq3A_1914 : i32 to vector<32x32xi32>
    %eq3A_1916 = arith.cmpi eq, %add3A_2, %eq3A_1915 : vector<32x32xi32>
    %get3A_1917 = arith.index_cast %add3A_1621 : i32 to index
    %get3A_1918 = arith.constant 0 : index
    %get3A_1919 = arith.constant 32 : index
    %get3A_1920 = memref.load %arg1[%get3A_1917, %get3A_1918, %get3A_1919] : memref<16x1x63xf32, #tpu.memory_space<smem>>
    %broadcast_in_dim3A_1921 = vector.broadcast %get3A_1920 : f32 to vector<32x32xf32>
    %select_n3A_1922 = arith.select %eq3A_1916, %broadcast_in_dim3A_1921, %select_n3A_1913 : vector<32x32xi1>, vector<32x32xf32>
    %eq3A_1923 = arith.constant 33 : i32
    %eq3A_1924 = vector.broadcast %eq3A_1923 : i32 to vector<32x32xi32>
    %eq3A_1925 = arith.cmpi eq, %add3A_2, %eq3A_1924 : vector<32x32xi32>
    %get3A_1926 = arith.index_cast %add3A_1621 : i32 to index
    %get3A_1927 = arith.constant 0 : index
    %get3A_1928 = arith.constant 33 : index
    %get3A_1929 = memref.load %arg1[%get3A_1926, %get3A_1927, %get3A_1928] : memref<16x1x63xf32, #tpu.memory_space<smem>>
    %broadcast_in_dim3A_1930 = vector.broadcast %get3A_1929 : f32 to vector<32x32xf32>
    %select_n3A_1931 = arith.select %eq3A_1925, %broadcast_in_dim3A_1930, %select_n3A_1922 : vector<32x32xi1>, vector<32x32xf32>
    %eq3A_1932 = arith.constant 34 : i32
    %eq3A_1933 = vector.broadcast %eq3A_1932 : i32 to vector<32x32xi32>
    %eq3A_1934 = arith.cmpi eq, %add3A_2, %eq3A_1933 : vector<32x32xi32>
    %get3A_1935 = arith.index_cast %add3A_1621 : i32 to index
    %get3A_1936 = arith.constant 0 : index
    %get3A_1937 = arith.constant 34 : index
    %get3A_1938 = memref.load %arg1[%get3A_1935, %get3A_1936, %get3A_1937] : memref<16x1x63xf32, #tpu.memory_space<smem>>
    %broadcast_in_dim3A_1939 = vector.broadcast %get3A_1938 : f32 to vector<32x32xf32>
    %select_n3A_1940 = arith.select %eq3A_1934, %broadcast_in_dim3A_1939, %select_n3A_1931 : vector<32x32xi1>, vector<32x32xf32>
    %eq3A_1941 = arith.constant 35 : i32
    %eq3A_1942 = vector.broadcast %eq3A_1941 : i32 to vector<32x32xi32>
    %eq3A_1943 = arith.cmpi eq, %add3A_2, %eq3A_1942 : vector<32x32xi32>
    %get3A_1944 = arith.index_cast %add3A_1621 : i32 to index
    %get3A_1945 = arith.constant 0 : index
    %get3A_1946 = arith.constant 35 : index
    %get3A_1947 = memref.load %arg1[%get3A_1944, %get3A_1945, %get3A_1946] : memref<16x1x63xf32, #tpu.memory_space<smem>>
    %broadcast_in_dim3A_1948 = vector.broadcast %get3A_1947 : f32 to vector<32x32xf32>
    %select_n3A_1949 = arith.select %eq3A_1943, %broadcast_in_dim3A_1948, %select_n3A_1940 : vector<32x32xi1>, vector<32x32xf32>
    %eq3A_1950 = arith.constant 36 : i32
    %eq3A_1951 = vector.broadcast %eq3A_1950 : i32 to vector<32x32xi32>
    %eq3A_1952 = arith.cmpi eq, %add3A_2, %eq3A_1951 : vector<32x32xi32>
    %get3A_1953 = arith.index_cast %add3A_1621 : i32 to index
    %get3A_1954 = arith.constant 0 : index
    %get3A_1955 = arith.constant 36 : index
    %get3A_1956 = memref.load %arg1[%get3A_1953, %get3A_1954, %get3A_1955] : memref<16x1x63xf32, #tpu.memory_space<smem>>
    %broadcast_in_dim3A_1957 = vector.broadcast %get3A_1956 : f32 to vector<32x32xf32>
    %select_n3A_1958 = arith.select %eq3A_1952, %broadcast_in_dim3A_1957, %select_n3A_1949 : vector<32x32xi1>, vector<32x32xf32>
    %eq3A_1959 = arith.constant 37 : i32
    %eq3A_1960 = vector.broadcast %eq3A_1959 : i32 to vector<32x32xi32>
    %eq3A_1961 = arith.cmpi eq, %add3A_2, %eq3A_1960 : vector<32x32xi32>
    %get3A_1962 = arith.index_cast %add3A_1621 : i32 to index
    %get3A_1963 = arith.constant 0 : index
    %get3A_1964 = arith.constant 37 : index
    %get3A_1965 = memref.load %arg1[%get3A_1962, %get3A_1963, %get3A_1964] : memref<16x1x63xf32, #tpu.memory_space<smem>>
    %broadcast_in_dim3A_1966 = vector.broadcast %get3A_1965 : f32 to vector<32x32xf32>
    %select_n3A_1967 = arith.select %eq3A_1961, %broadcast_in_dim3A_1966, %select_n3A_1958 : vector<32x32xi1>, vector<32x32xf32>
    %eq3A_1968 = arith.constant 38 : i32
    %eq3A_1969 = vector.broadcast %eq3A_1968 : i32 to vector<32x32xi32>
    %eq3A_1970 = arith.cmpi eq, %add3A_2, %eq3A_1969 : vector<32x32xi32>
    %get3A_1971 = arith.index_cast %add3A_1621 : i32 to index
    %get3A_1972 = arith.constant 0 : index
    %get3A_1973 = arith.constant 38 : index
    %get3A_1974 = memref.load %arg1[%get3A_1971, %get3A_1972, %get3A_1973] : memref<16x1x63xf32, #tpu.memory_space<smem>>
    %broadcast_in_dim3A_1975 = vector.broadcast %get3A_1974 : f32 to vector<32x32xf32>
    %select_n3A_1976 = arith.select %eq3A_1970, %broadcast_in_dim3A_1975, %select_n3A_1967 : vector<32x32xi1>, vector<32x32xf32>
    %eq3A_1977 = arith.constant 39 : i32
    %eq3A_1978 = vector.broadcast %eq3A_1977 : i32 to vector<32x32xi32>
    %eq3A_1979 = arith.cmpi eq, %add3A_2, %eq3A_1978 : vector<32x32xi32>
    %get3A_1980 = arith.index_cast %add3A_1621 : i32 to index
    %get3A_1981 = arith.constant 0 : index
    %get3A_1982 = arith.constant 39 : index
    %get3A_1983 = memref.load %arg1[%get3A_1980, %get3A_1981, %get3A_1982] : memref<16x1x63xf32, #tpu.memory_space<smem>>
    %broadcast_in_dim3A_1984 = vector.broadcast %get3A_1983 : f32 to vector<32x32xf32>
    %select_n3A_1985 = arith.select %eq3A_1979, %broadcast_in_dim3A_1984, %select_n3A_1976 : vector<32x32xi1>, vector<32x32xf32>
    %eq3A_1986 = arith.constant 40 : i32
    %eq3A_1987 = vector.broadcast %eq3A_1986 : i32 to vector<32x32xi32>
    %eq3A_1988 = arith.cmpi eq, %add3A_2, %eq3A_1987 : vector<32x32xi32>
    %get3A_1989 = arith.index_cast %add3A_1621 : i32 to index
    %get3A_1990 = arith.constant 0 : index
    %get3A_1991 = arith.constant 40 : index
    %get3A_1992 = memref.load %arg1[%get3A_1989, %get3A_1990, %get3A_1991] : memref<16x1x63xf32, #tpu.memory_space<smem>>
    %broadcast_in_dim3A_1993 = vector.broadcast %get3A_1992 : f32 to vector<32x32xf32>
    %select_n3A_1994 = arith.select %eq3A_1988, %broadcast_in_dim3A_1993, %select_n3A_1985 : vector<32x32xi1>, vector<32x32xf32>
    %eq3A_1995 = arith.constant 41 : i32
    %eq3A_1996 = vector.broadcast %eq3A_1995 : i32 to vector<32x32xi32>
    %eq3A_1997 = arith.cmpi eq, %add3A_2, %eq3A_1996 : vector<32x32xi32>
    %get3A_1998 = arith.index_cast %add3A_1621 : i32 to index
    %get3A_1999 = arith.constant 0 : index
    %get3A_2000 = arith.constant 41 : index
    %get3A_2001 = memref.load %arg1[%get3A_1998, %get3A_1999, %get3A_2000] : memref<16x1x63xf32, #tpu.memory_space<smem>>
    %broadcast_in_dim3A_2002 = vector.broadcast %get3A_2001 : f32 to vector<32x32xf32>
    %select_n3A_2003 = arith.select %eq3A_1997, %broadcast_in_dim3A_2002, %select_n3A_1994 : vector<32x32xi1>, vector<32x32xf32>
    %eq3A_2004 = arith.constant 42 : i32
    %eq3A_2005 = vector.broadcast %eq3A_2004 : i32 to vector<32x32xi32>
    %eq3A_2006 = arith.cmpi eq, %add3A_2, %eq3A_2005 : vector<32x32xi32>
    %get3A_2007 = arith.index_cast %add3A_1621 : i32 to index
    %get3A_2008 = arith.constant 0 : index
    %get3A_2009 = arith.constant 42 : index
    %get3A_2010 = memref.load %arg1[%get3A_2007, %get3A_2008, %get3A_2009] : memref<16x1x63xf32, #tpu.memory_space<smem>>
    %broadcast_in_dim3A_2011 = vector.broadcast %get3A_2010 : f32 to vector<32x32xf32>
    %select_n3A_2012 = arith.select %eq3A_2006, %broadcast_in_dim3A_2011, %select_n3A_2003 : vector<32x32xi1>, vector<32x32xf32>
    %eq3A_2013 = arith.constant 43 : i32
    %eq3A_2014 = vector.broadcast %eq3A_2013 : i32 to vector<32x32xi32>
    %eq3A_2015 = arith.cmpi eq, %add3A_2, %eq3A_2014 : vector<32x32xi32>
    %get3A_2016 = arith.index_cast %add3A_1621 : i32 to index
    %get3A_2017 = arith.constant 0 : index
    %get3A_2018 = arith.constant 43 : index
    %get3A_2019 = memref.load %arg1[%get3A_2016, %get3A_2017, %get3A_2018] : memref<16x1x63xf32, #tpu.memory_space<smem>>
    %broadcast_in_dim3A_2020 = vector.broadcast %get3A_2019 : f32 to vector<32x32xf32>
    %select_n3A_2021 = arith.select %eq3A_2015, %broadcast_in_dim3A_2020, %select_n3A_2012 : vector<32x32xi1>, vector<32x32xf32>
    %eq3A_2022 = arith.constant 44 : i32
    %eq3A_2023 = vector.broadcast %eq3A_2022 : i32 to vector<32x32xi32>
    %eq3A_2024 = arith.cmpi eq, %add3A_2, %eq3A_2023 : vector<32x32xi32>
    %get3A_2025 = arith.index_cast %add3A_1621 : i32 to index
    %get3A_2026 = arith.constant 0 : index
    %get3A_2027 = arith.constant 44 : index
    %get3A_2028 = memref.load %arg1[%get3A_2025, %get3A_2026, %get3A_2027] : memref<16x1x63xf32, #tpu.memory_space<smem>>
    %broadcast_in_dim3A_2029 = vector.broadcast %get3A_2028 : f32 to vector<32x32xf32>
    %select_n3A_2030 = arith.select %eq3A_2024, %broadcast_in_dim3A_2029, %select_n3A_2021 : vector<32x32xi1>, vector<32x32xf32>
    %eq3A_2031 = arith.constant 45 : i32
    %eq3A_2032 = vector.broadcast %eq3A_2031 : i32 to vector<32x32xi32>
    %eq3A_2033 = arith.cmpi eq, %add3A_2, %eq3A_2032 : vector<32x32xi32>
    %get3A_2034 = arith.index_cast %add3A_1621 : i32 to index
    %get3A_2035 = arith.constant 0 : index
    %get3A_2036 = arith.constant 45 : index
    %get3A_2037 = memref.load %arg1[%get3A_2034, %get3A_2035, %get3A_2036] : memref<16x1x63xf32, #tpu.memory_space<smem>>
    %broadcast_in_dim3A_2038 = vector.broadcast %get3A_2037 : f32 to vector<32x32xf32>
    %select_n3A_2039 = arith.select %eq3A_2033, %broadcast_in_dim3A_2038, %select_n3A_2030 : vector<32x32xi1>, vector<32x32xf32>
    %eq3A_2040 = arith.constant 46 : i32
    %eq3A_2041 = vector.broadcast %eq3A_2040 : i32 to vector<32x32xi32>
    %eq3A_2042 = arith.cmpi eq, %add3A_2, %eq3A_2041 : vector<32x32xi32>
    %get3A_2043 = arith.index_cast %add3A_1621 : i32 to index
    %get3A_2044 = arith.constant 0 : index
    %get3A_2045 = arith.constant 46 : index
    %get3A_2046 = memref.load %arg1[%get3A_2043, %get3A_2044, %get3A_2045] : memref<16x1x63xf32, #tpu.memory_space<smem>>
    %broadcast_in_dim3A_2047 = vector.broadcast %get3A_2046 : f32 to vector<32x32xf32>
    %select_n3A_2048 = arith.select %eq3A_2042, %broadcast_in_dim3A_2047, %select_n3A_2039 : vector<32x32xi1>, vector<32x32xf32>
    %eq3A_2049 = arith.constant 47 : i32
    %eq3A_2050 = vector.broadcast %eq3A_2049 : i32 to vector<32x32xi32>
    %eq3A_2051 = arith.cmpi eq, %add3A_2, %eq3A_2050 : vector<32x32xi32>
    %get3A_2052 = arith.index_cast %add3A_1621 : i32 to index
    %get3A_2053 = arith.constant 0 : index
    %get3A_2054 = arith.constant 47 : index
    %get3A_2055 = memref.load %arg1[%get3A_2052, %get3A_2053, %get3A_2054] : memref<16x1x63xf32, #tpu.memory_space<smem>>
    %broadcast_in_dim3A_2056 = vector.broadcast %get3A_2055 : f32 to vector<32x32xf32>
    %select_n3A_2057 = arith.select %eq3A_2051, %broadcast_in_dim3A_2056, %select_n3A_2048 : vector<32x32xi1>, vector<32x32xf32>
    %eq3A_2058 = arith.constant 48 : i32
    %eq3A_2059 = vector.broadcast %eq3A_2058 : i32 to vector<32x32xi32>
    %eq3A_2060 = arith.cmpi eq, %add3A_2, %eq3A_2059 : vector<32x32xi32>
    %get3A_2061 = arith.index_cast %add3A_1621 : i32 to index
    %get3A_2062 = arith.constant 0 : index
    %get3A_2063 = arith.constant 48 : index
    %get3A_2064 = memref.load %arg1[%get3A_2061, %get3A_2062, %get3A_2063] : memref<16x1x63xf32, #tpu.memory_space<smem>>
    %broadcast_in_dim3A_2065 = vector.broadcast %get3A_2064 : f32 to vector<32x32xf32>
    %select_n3A_2066 = arith.select %eq3A_2060, %broadcast_in_dim3A_2065, %select_n3A_2057 : vector<32x32xi1>, vector<32x32xf32>
    %eq3A_2067 = arith.constant 49 : i32
    %eq3A_2068 = vector.broadcast %eq3A_2067 : i32 to vector<32x32xi32>
    %eq3A_2069 = arith.cmpi eq, %add3A_2, %eq3A_2068 : vector<32x32xi32>
    %get3A_2070 = arith.index_cast %add3A_1621 : i32 to index
    %get3A_2071 = arith.constant 0 : index
    %get3A_2072 = arith.constant 49 : index
    %get3A_2073 = memref.load %arg1[%get3A_2070, %get3A_2071, %get3A_2072] : memref<16x1x63xf32, #tpu.memory_space<smem>>
    %broadcast_in_dim3A_2074 = vector.broadcast %get3A_2073 : f32 to vector<32x32xf32>
    %select_n3A_2075 = arith.select %eq3A_2069, %broadcast_in_dim3A_2074, %select_n3A_2066 : vector<32x32xi1>, vector<32x32xf32>
    %eq3A_2076 = arith.constant 50 : i32
    %eq3A_2077 = vector.broadcast %eq3A_2076 : i32 to vector<32x32xi32>
    %eq3A_2078 = arith.cmpi eq, %add3A_2, %eq3A_2077 : vector<32x32xi32>
    %get3A_2079 = arith.index_cast %add3A_1621 : i32 to index
    %get3A_2080 = arith.constant 0 : index
    %get3A_2081 = arith.constant 50 : index
    %get3A_2082 = memref.load %arg1[%get3A_2079, %get3A_2080, %get3A_2081] : memref<16x1x63xf32, #tpu.memory_space<smem>>
    %broadcast_in_dim3A_2083 = vector.broadcast %get3A_2082 : f32 to vector<32x32xf32>
    %select_n3A_2084 = arith.select %eq3A_2078, %broadcast_in_dim3A_2083, %select_n3A_2075 : vector<32x32xi1>, vector<32x32xf32>
    %eq3A_2085 = arith.constant 51 : i32
    %eq3A_2086 = vector.broadcast %eq3A_2085 : i32 to vector<32x32xi32>
    %eq3A_2087 = arith.cmpi eq, %add3A_2, %eq3A_2086 : vector<32x32xi32>
    %get3A_2088 = arith.index_cast %add3A_1621 : i32 to index
    %get3A_2089 = arith.constant 0 : index
    %get3A_2090 = arith.constant 51 : index
    %get3A_2091 = memref.load %arg1[%get3A_2088, %get3A_2089, %get3A_2090] : memref<16x1x63xf32, #tpu.memory_space<smem>>
    %broadcast_in_dim3A_2092 = vector.broadcast %get3A_2091 : f32 to vector<32x32xf32>
    %select_n3A_2093 = arith.select %eq3A_2087, %broadcast_in_dim3A_2092, %select_n3A_2084 : vector<32x32xi1>, vector<32x32xf32>
    %eq3A_2094 = arith.constant 52 : i32
    %eq3A_2095 = vector.broadcast %eq3A_2094 : i32 to vector<32x32xi32>
    %eq3A_2096 = arith.cmpi eq, %add3A_2, %eq3A_2095 : vector<32x32xi32>
    %get3A_2097 = arith.index_cast %add3A_1621 : i32 to index
    %get3A_2098 = arith.constant 0 : index
    %get3A_2099 = arith.constant 52 : index
    %get3A_2100 = memref.load %arg1[%get3A_2097, %get3A_2098, %get3A_2099] : memref<16x1x63xf32, #tpu.memory_space<smem>>
    %broadcast_in_dim3A_2101 = vector.broadcast %get3A_2100 : f32 to vector<32x32xf32>
    %select_n3A_2102 = arith.select %eq3A_2096, %broadcast_in_dim3A_2101, %select_n3A_2093 : vector<32x32xi1>, vector<32x32xf32>
    %eq3A_2103 = arith.constant 53 : i32
    %eq3A_2104 = vector.broadcast %eq3A_2103 : i32 to vector<32x32xi32>
    %eq3A_2105 = arith.cmpi eq, %add3A_2, %eq3A_2104 : vector<32x32xi32>
    %get3A_2106 = arith.index_cast %add3A_1621 : i32 to index
    %get3A_2107 = arith.constant 0 : index
    %get3A_2108 = arith.constant 53 : index
    %get3A_2109 = memref.load %arg1[%get3A_2106, %get3A_2107, %get3A_2108] : memref<16x1x63xf32, #tpu.memory_space<smem>>
    %broadcast_in_dim3A_2110 = vector.broadcast %get3A_2109 : f32 to vector<32x32xf32>
    %select_n3A_2111 = arith.select %eq3A_2105, %broadcast_in_dim3A_2110, %select_n3A_2102 : vector<32x32xi1>, vector<32x32xf32>
    %eq3A_2112 = arith.constant 54 : i32
    %eq3A_2113 = vector.broadcast %eq3A_2112 : i32 to vector<32x32xi32>
    %eq3A_2114 = arith.cmpi eq, %add3A_2, %eq3A_2113 : vector<32x32xi32>
    %get3A_2115 = arith.index_cast %add3A_1621 : i32 to index
    %get3A_2116 = arith.constant 0 : index
    %get3A_2117 = arith.constant 54 : index
    %get3A_2118 = memref.load %arg1[%get3A_2115, %get3A_2116, %get3A_2117] : memref<16x1x63xf32, #tpu.memory_space<smem>>
    %broadcast_in_dim3A_2119 = vector.broadcast %get3A_2118 : f32 to vector<32x32xf32>
    %select_n3A_2120 = arith.select %eq3A_2114, %broadcast_in_dim3A_2119, %select_n3A_2111 : vector<32x32xi1>, vector<32x32xf32>
    %eq3A_2121 = arith.constant 55 : i32
    %eq3A_2122 = vector.broadcast %eq3A_2121 : i32 to vector<32x32xi32>
    %eq3A_2123 = arith.cmpi eq, %add3A_2, %eq3A_2122 : vector<32x32xi32>
    %get3A_2124 = arith.index_cast %add3A_1621 : i32 to index
    %get3A_2125 = arith.constant 0 : index
    %get3A_2126 = arith.constant 55 : index
    %get3A_2127 = memref.load %arg1[%get3A_2124, %get3A_2125, %get3A_2126] : memref<16x1x63xf32, #tpu.memory_space<smem>>
    %broadcast_in_dim3A_2128 = vector.broadcast %get3A_2127 : f32 to vector<32x32xf32>
    %select_n3A_2129 = arith.select %eq3A_2123, %broadcast_in_dim3A_2128, %select_n3A_2120 : vector<32x32xi1>, vector<32x32xf32>
    %eq3A_2130 = arith.constant 56 : i32
    %eq3A_2131 = vector.broadcast %eq3A_2130 : i32 to vector<32x32xi32>
    %eq3A_2132 = arith.cmpi eq, %add3A_2, %eq3A_2131 : vector<32x32xi32>
    %get3A_2133 = arith.index_cast %add3A_1621 : i32 to index
    %get3A_2134 = arith.constant 0 : index
    %get3A_2135 = arith.constant 56 : index
    %get3A_2136 = memref.load %arg1[%get3A_2133, %get3A_2134, %get3A_2135] : memref<16x1x63xf32, #tpu.memory_space<smem>>
    %broadcast_in_dim3A_2137 = vector.broadcast %get3A_2136 : f32 to vector<32x32xf32>
    %select_n3A_2138 = arith.select %eq3A_2132, %broadcast_in_dim3A_2137, %select_n3A_2129 : vector<32x32xi1>, vector<32x32xf32>
    %eq3A_2139 = arith.constant 57 : i32
    %eq3A_2140 = vector.broadcast %eq3A_2139 : i32 to vector<32x32xi32>
    %eq3A_2141 = arith.cmpi eq, %add3A_2, %eq3A_2140 : vector<32x32xi32>
    %get3A_2142 = arith.index_cast %add3A_1621 : i32 to index
    %get3A_2143 = arith.constant 0 : index
    %get3A_2144 = arith.constant 57 : index
    %get3A_2145 = memref.load %arg1[%get3A_2142, %get3A_2143, %get3A_2144] : memref<16x1x63xf32, #tpu.memory_space<smem>>
    %broadcast_in_dim3A_2146 = vector.broadcast %get3A_2145 : f32 to vector<32x32xf32>
    %select_n3A_2147 = arith.select %eq3A_2141, %broadcast_in_dim3A_2146, %select_n3A_2138 : vector<32x32xi1>, vector<32x32xf32>
    %eq3A_2148 = arith.constant 58 : i32
    %eq3A_2149 = vector.broadcast %eq3A_2148 : i32 to vector<32x32xi32>
    %eq3A_2150 = arith.cmpi eq, %add3A_2, %eq3A_2149 : vector<32x32xi32>
    %get3A_2151 = arith.index_cast %add3A_1621 : i32 to index
    %get3A_2152 = arith.constant 0 : index
    %get3A_2153 = arith.constant 58 : index
    %get3A_2154 = memref.load %arg1[%get3A_2151, %get3A_2152, %get3A_2153] : memref<16x1x63xf32, #tpu.memory_space<smem>>
    %broadcast_in_dim3A_2155 = vector.broadcast %get3A_2154 : f32 to vector<32x32xf32>
    %select_n3A_2156 = arith.select %eq3A_2150, %broadcast_in_dim3A_2155, %select_n3A_2147 : vector<32x32xi1>, vector<32x32xf32>
    %eq3A_2157 = arith.constant 59 : i32
    %eq3A_2158 = vector.broadcast %eq3A_2157 : i32 to vector<32x32xi32>
    %eq3A_2159 = arith.cmpi eq, %add3A_2, %eq3A_2158 : vector<32x32xi32>
    %get3A_2160 = arith.index_cast %add3A_1621 : i32 to index
    %get3A_2161 = arith.constant 0 : index
    %get3A_2162 = arith.constant 59 : index
    %get3A_2163 = memref.load %arg1[%get3A_2160, %get3A_2161, %get3A_2162] : memref<16x1x63xf32, #tpu.memory_space<smem>>
    %broadcast_in_dim3A_2164 = vector.broadcast %get3A_2163 : f32 to vector<32x32xf32>
    %select_n3A_2165 = arith.select %eq3A_2159, %broadcast_in_dim3A_2164, %select_n3A_2156 : vector<32x32xi1>, vector<32x32xf32>
    %eq3A_2166 = arith.constant 60 : i32
    %eq3A_2167 = vector.broadcast %eq3A_2166 : i32 to vector<32x32xi32>
    %eq3A_2168 = arith.cmpi eq, %add3A_2, %eq3A_2167 : vector<32x32xi32>
    %get3A_2169 = arith.index_cast %add3A_1621 : i32 to index
    %get3A_2170 = arith.constant 0 : index
    %get3A_2171 = arith.constant 60 : index
    %get3A_2172 = memref.load %arg1[%get3A_2169, %get3A_2170, %get3A_2171] : memref<16x1x63xf32, #tpu.memory_space<smem>>
    %broadcast_in_dim3A_2173 = vector.broadcast %get3A_2172 : f32 to vector<32x32xf32>
    %select_n3A_2174 = arith.select %eq3A_2168, %broadcast_in_dim3A_2173, %select_n3A_2165 : vector<32x32xi1>, vector<32x32xf32>
    %eq3A_2175 = arith.constant 61 : i32
    %eq3A_2176 = vector.broadcast %eq3A_2175 : i32 to vector<32x32xi32>
    %eq3A_2177 = arith.cmpi eq, %add3A_2, %eq3A_2176 : vector<32x32xi32>
    %get3A_2178 = arith.index_cast %add3A_1621 : i32 to index
    %get3A_2179 = arith.constant 0 : index
    %get3A_2180 = arith.constant 61 : index
    %get3A_2181 = memref.load %arg1[%get3A_2178, %get3A_2179, %get3A_2180] : memref<16x1x63xf32, #tpu.memory_space<smem>>
    %broadcast_in_dim3A_2182 = vector.broadcast %get3A_2181 : f32 to vector<32x32xf32>
    %select_n3A_2183 = arith.select %eq3A_2177, %broadcast_in_dim3A_2182, %select_n3A_2174 : vector<32x32xi1>, vector<32x32xf32>
    %eq3A_2184 = arith.constant 62 : i32
    %eq3A_2185 = vector.broadcast %eq3A_2184 : i32 to vector<32x32xi32>
    %eq3A_2186 = arith.cmpi eq, %add3A_2, %eq3A_2185 : vector<32x32xi32>
    %get3A_2187 = arith.index_cast %add3A_1621 : i32 to index
    %get3A_2188 = arith.constant 0 : index
    %get3A_2189 = arith.constant 62 : index
    %get3A_2190 = memref.load %arg1[%get3A_2187, %get3A_2188, %get3A_2189] : memref<16x1x63xf32, #tpu.memory_space<smem>>
    %broadcast_in_dim3A_2191 = vector.broadcast %get3A_2190 : f32 to vector<32x32xf32>
    %select_n3A_2192 = arith.select %eq3A_2186, %broadcast_in_dim3A_2191, %select_n3A_2183 : vector<32x32xi1>, vector<32x32xf32>
    %eq3A_2193 = arith.constant 0 : i32
    %eq3A_2194 = vector.broadcast %eq3A_2193 : i32 to vector<32x32xi32>
    %eq3A_2195 = arith.cmpi eq, %add3A_8, %eq3A_2194 : vector<32x32xi32>
    %get3A_2196 = arith.index_cast %add3A_1621 : i32 to index
    %get3A_2197 = arith.constant 0 : index
    %get3A_2198 = arith.constant 0 : index
    %get3A_2199 = memref.load %arg2[%get3A_2196, %get3A_2197, %get3A_2198] : memref<16x1x63xf32, #tpu.memory_space<smem>>
    %broadcast_in_dim3A_2200 = vector.broadcast %get3A_2199 : f32 to vector<32x32xf32>
    %select_n3A_2201 = arith.select %eq3A_2195, %broadcast_in_dim3A_2200, %broadcast_in_dim3A_1625 : vector<32x32xi1>, vector<32x32xf32>
    %eq3A_2202 = arith.constant 1 : i32
    %eq3A_2203 = vector.broadcast %eq3A_2202 : i32 to vector<32x32xi32>
    %eq3A_2204 = arith.cmpi eq, %add3A_8, %eq3A_2203 : vector<32x32xi32>
    %get3A_2205 = arith.index_cast %add3A_1621 : i32 to index
    %get3A_2206 = arith.constant 0 : index
    %get3A_2207 = arith.constant 1 : index
    %get3A_2208 = memref.load %arg2[%get3A_2205, %get3A_2206, %get3A_2207] : memref<16x1x63xf32, #tpu.memory_space<smem>>
    %broadcast_in_dim3A_2209 = vector.broadcast %get3A_2208 : f32 to vector<32x32xf32>
    %select_n3A_2210 = arith.select %eq3A_2204, %broadcast_in_dim3A_2209, %select_n3A_2201 : vector<32x32xi1>, vector<32x32xf32>
    %eq3A_2211 = arith.constant 2 : i32
    %eq3A_2212 = vector.broadcast %eq3A_2211 : i32 to vector<32x32xi32>
    %eq3A_2213 = arith.cmpi eq, %add3A_8, %eq3A_2212 : vector<32x32xi32>
    %get3A_2214 = arith.index_cast %add3A_1621 : i32 to index
    %get3A_2215 = arith.constant 0 : index
    %get3A_2216 = arith.constant 2 : index
    %get3A_2217 = memref.load %arg2[%get3A_2214, %get3A_2215, %get3A_2216] : memref<16x1x63xf32, #tpu.memory_space<smem>>
    %broadcast_in_dim3A_2218 = vector.broadcast %get3A_2217 : f32 to vector<32x32xf32>
    %select_n3A_2219 = arith.select %eq3A_2213, %broadcast_in_dim3A_2218, %select_n3A_2210 : vector<32x32xi1>, vector<32x32xf32>
    %eq3A_2220 = arith.constant 3 : i32
    %eq3A_2221 = vector.broadcast %eq3A_2220 : i32 to vector<32x32xi32>
    %eq3A_2222 = arith.cmpi eq, %add3A_8, %eq3A_2221 : vector<32x32xi32>
    %get3A_2223 = arith.index_cast %add3A_1621 : i32 to index
    %get3A_2224 = arith.constant 0 : index
    %get3A_2225 = arith.constant 3 : index
    %get3A_2226 = memref.load %arg2[%get3A_2223, %get3A_2224, %get3A_2225] : memref<16x1x63xf32, #tpu.memory_space<smem>>
    %broadcast_in_dim3A_2227 = vector.broadcast %get3A_2226 : f32 to vector<32x32xf32>
    %select_n3A_2228 = arith.select %eq3A_2222, %broadcast_in_dim3A_2227, %select_n3A_2219 : vector<32x32xi1>, vector<32x32xf32>
    %eq3A_2229 = arith.constant 4 : i32
    %eq3A_2230 = vector.broadcast %eq3A_2229 : i32 to vector<32x32xi32>
    %eq3A_2231 = arith.cmpi eq, %add3A_8, %eq3A_2230 : vector<32x32xi32>
    %get3A_2232 = arith.index_cast %add3A_1621 : i32 to index
    %get3A_2233 = arith.constant 0 : index
    %get3A_2234 = arith.constant 4 : index
    %get3A_2235 = memref.load %arg2[%get3A_2232, %get3A_2233, %get3A_2234] : memref<16x1x63xf32, #tpu.memory_space<smem>>
    %broadcast_in_dim3A_2236 = vector.broadcast %get3A_2235 : f32 to vector<32x32xf32>
    %select_n3A_2237 = arith.select %eq3A_2231, %broadcast_in_dim3A_2236, %select_n3A_2228 : vector<32x32xi1>, vector<32x32xf32>
    %eq3A_2238 = arith.constant 5 : i32
    %eq3A_2239 = vector.broadcast %eq3A_2238 : i32 to vector<32x32xi32>
    %eq3A_2240 = arith.cmpi eq, %add3A_8, %eq3A_2239 : vector<32x32xi32>
    %get3A_2241 = arith.index_cast %add3A_1621 : i32 to index
    %get3A_2242 = arith.constant 0 : index
    %get3A_2243 = arith.constant 5 : index
    %get3A_2244 = memref.load %arg2[%get3A_2241, %get3A_2242, %get3A_2243] : memref<16x1x63xf32, #tpu.memory_space<smem>>
    %broadcast_in_dim3A_2245 = vector.broadcast %get3A_2244 : f32 to vector<32x32xf32>
    %select_n3A_2246 = arith.select %eq3A_2240, %broadcast_in_dim3A_2245, %select_n3A_2237 : vector<32x32xi1>, vector<32x32xf32>
    %eq3A_2247 = arith.constant 6 : i32
    %eq3A_2248 = vector.broadcast %eq3A_2247 : i32 to vector<32x32xi32>
    %eq3A_2249 = arith.cmpi eq, %add3A_8, %eq3A_2248 : vector<32x32xi32>
    %get3A_2250 = arith.index_cast %add3A_1621 : i32 to index
    %get3A_2251 = arith.constant 0 : index
    %get3A_2252 = arith.constant 6 : index
    %get3A_2253 = memref.load %arg2[%get3A_2250, %get3A_2251, %get3A_2252] : memref<16x1x63xf32, #tpu.memory_space<smem>>
    %broadcast_in_dim3A_2254 = vector.broadcast %get3A_2253 : f32 to vector<32x32xf32>
    %select_n3A_2255 = arith.select %eq3A_2249, %broadcast_in_dim3A_2254, %select_n3A_2246 : vector<32x32xi1>, vector<32x32xf32>
    %eq3A_2256 = arith.constant 7 : i32
    %eq3A_2257 = vector.broadcast %eq3A_2256 : i32 to vector<32x32xi32>
    %eq3A_2258 = arith.cmpi eq, %add3A_8, %eq3A_2257 : vector<32x32xi32>
    %get3A_2259 = arith.index_cast %add3A_1621 : i32 to index
    %get3A_2260 = arith.constant 0 : index
    %get3A_2261 = arith.constant 7 : index
    %get3A_2262 = memref.load %arg2[%get3A_2259, %get3A_2260, %get3A_2261] : memref<16x1x63xf32, #tpu.memory_space<smem>>
    %broadcast_in_dim3A_2263 = vector.broadcast %get3A_2262 : f32 to vector<32x32xf32>
    %select_n3A_2264 = arith.select %eq3A_2258, %broadcast_in_dim3A_2263, %select_n3A_2255 : vector<32x32xi1>, vector<32x32xf32>
    %eq3A_2265 = arith.constant 8 : i32
    %eq3A_2266 = vector.broadcast %eq3A_2265 : i32 to vector<32x32xi32>
    %eq3A_2267 = arith.cmpi eq, %add3A_8, %eq3A_2266 : vector<32x32xi32>
    %get3A_2268 = arith.index_cast %add3A_1621 : i32 to index
    %get3A_2269 = arith.constant 0 : index
    %get3A_2270 = arith.constant 8 : index
    %get3A_2271 = memref.load %arg2[%get3A_2268, %get3A_2269, %get3A_2270] : memref<16x1x63xf32, #tpu.memory_space<smem>>
    %broadcast_in_dim3A_2272 = vector.broadcast %get3A_2271 : f32 to vector<32x32xf32>
    %select_n3A_2273 = arith.select %eq3A_2267, %broadcast_in_dim3A_2272, %select_n3A_2264 : vector<32x32xi1>, vector<32x32xf32>
    %eq3A_2274 = arith.constant 9 : i32
    %eq3A_2275 = vector.broadcast %eq3A_2274 : i32 to vector<32x32xi32>
    %eq3A_2276 = arith.cmpi eq, %add3A_8, %eq3A_2275 : vector<32x32xi32>
    %get3A_2277 = arith.index_cast %add3A_1621 : i32 to index
    %get3A_2278 = arith.constant 0 : index
    %get3A_2279 = arith.constant 9 : index
    %get3A_2280 = memref.load %arg2[%get3A_2277, %get3A_2278, %get3A_2279] : memref<16x1x63xf32, #tpu.memory_space<smem>>
    %broadcast_in_dim3A_2281 = vector.broadcast %get3A_2280 : f32 to vector<32x32xf32>
    %select_n3A_2282 = arith.select %eq3A_2276, %broadcast_in_dim3A_2281, %select_n3A_2273 : vector<32x32xi1>, vector<32x32xf32>
    %eq3A_2283 = arith.constant 10 : i32
    %eq3A_2284 = vector.broadcast %eq3A_2283 : i32 to vector<32x32xi32>
    %eq3A_2285 = arith.cmpi eq, %add3A_8, %eq3A_2284 : vector<32x32xi32>
    %get3A_2286 = arith.index_cast %add3A_1621 : i32 to index
    %get3A_2287 = arith.constant 0 : index
    %get3A_2288 = arith.constant 10 : index
    %get3A_2289 = memref.load %arg2[%get3A_2286, %get3A_2287, %get3A_2288] : memref<16x1x63xf32, #tpu.memory_space<smem>>
    %broadcast_in_dim3A_2290 = vector.broadcast %get3A_2289 : f32 to vector<32x32xf32>
    %select_n3A_2291 = arith.select %eq3A_2285, %broadcast_in_dim3A_2290, %select_n3A_2282 : vector<32x32xi1>, vector<32x32xf32>
    %eq3A_2292 = arith.constant 11 : i32
    %eq3A_2293 = vector.broadcast %eq3A_2292 : i32 to vector<32x32xi32>
    %eq3A_2294 = arith.cmpi eq, %add3A_8, %eq3A_2293 : vector<32x32xi32>
    %get3A_2295 = arith.index_cast %add3A_1621 : i32 to index
    %get3A_2296 = arith.constant 0 : index
    %get3A_2297 = arith.constant 11 : index
    %get3A_2298 = memref.load %arg2[%get3A_2295, %get3A_2296, %get3A_2297] : memref<16x1x63xf32, #tpu.memory_space<smem>>
    %broadcast_in_dim3A_2299 = vector.broadcast %get3A_2298 : f32 to vector<32x32xf32>
    %select_n3A_2300 = arith.select %eq3A_2294, %broadcast_in_dim3A_2299, %select_n3A_2291 : vector<32x32xi1>, vector<32x32xf32>
    %eq3A_2301 = arith.constant 12 : i32
    %eq3A_2302 = vector.broadcast %eq3A_2301 : i32 to vector<32x32xi32>
    %eq3A_2303 = arith.cmpi eq, %add3A_8, %eq3A_2302 : vector<32x32xi32>
    %get3A_2304 = arith.index_cast %add3A_1621 : i32 to index
    %get3A_2305 = arith.constant 0 : index
    %get3A_2306 = arith.constant 12 : index
    %get3A_2307 = memref.load %arg2[%get3A_2304, %get3A_2305, %get3A_2306] : memref<16x1x63xf32, #tpu.memory_space<smem>>
    %broadcast_in_dim3A_2308 = vector.broadcast %get3A_2307 : f32 to vector<32x32xf32>
    %select_n3A_2309 = arith.select %eq3A_2303, %broadcast_in_dim3A_2308, %select_n3A_2300 : vector<32x32xi1>, vector<32x32xf32>
    %eq3A_2310 = arith.constant 13 : i32
    %eq3A_2311 = vector.broadcast %eq3A_2310 : i32 to vector<32x32xi32>
    %eq3A_2312 = arith.cmpi eq, %add3A_8, %eq3A_2311 : vector<32x32xi32>
    %get3A_2313 = arith.index_cast %add3A_1621 : i32 to index
    %get3A_2314 = arith.constant 0 : index
    %get3A_2315 = arith.constant 13 : index
    %get3A_2316 = memref.load %arg2[%get3A_2313, %get3A_2314, %get3A_2315] : memref<16x1x63xf32, #tpu.memory_space<smem>>
    %broadcast_in_dim3A_2317 = vector.broadcast %get3A_2316 : f32 to vector<32x32xf32>
    %select_n3A_2318 = arith.select %eq3A_2312, %broadcast_in_dim3A_2317, %select_n3A_2309 : vector<32x32xi1>, vector<32x32xf32>
    %eq3A_2319 = arith.constant 14 : i32
    %eq3A_2320 = vector.broadcast %eq3A_2319 : i32 to vector<32x32xi32>
    %eq3A_2321 = arith.cmpi eq, %add3A_8, %eq3A_2320 : vector<32x32xi32>
    %get3A_2322 = arith.index_cast %add3A_1621 : i32 to index
    %get3A_2323 = arith.constant 0 : index
    %get3A_2324 = arith.constant 14 : index
    %get3A_2325 = memref.load %arg2[%get3A_2322, %get3A_2323, %get3A_2324] : memref<16x1x63xf32, #tpu.memory_space<smem>>
    %broadcast_in_dim3A_2326 = vector.broadcast %get3A_2325 : f32 to vector<32x32xf32>
    %select_n3A_2327 = arith.select %eq3A_2321, %broadcast_in_dim3A_2326, %select_n3A_2318 : vector<32x32xi1>, vector<32x32xf32>
    %eq3A_2328 = arith.constant 15 : i32
    %eq3A_2329 = vector.broadcast %eq3A_2328 : i32 to vector<32x32xi32>
    %eq3A_2330 = arith.cmpi eq, %add3A_8, %eq3A_2329 : vector<32x32xi32>
    %get3A_2331 = arith.index_cast %add3A_1621 : i32 to index
    %get3A_2332 = arith.constant 0 : index
    %get3A_2333 = arith.constant 15 : index
    %get3A_2334 = memref.load %arg2[%get3A_2331, %get3A_2332, %get3A_2333] : memref<16x1x63xf32, #tpu.memory_space<smem>>
    %broadcast_in_dim3A_2335 = vector.broadcast %get3A_2334 : f32 to vector<32x32xf32>
    %select_n3A_2336 = arith.select %eq3A_2330, %broadcast_in_dim3A_2335, %select_n3A_2327 : vector<32x32xi1>, vector<32x32xf32>
    %eq3A_2337 = arith.constant 16 : i32
    %eq3A_2338 = vector.broadcast %eq3A_2337 : i32 to vector<32x32xi32>
    %eq3A_2339 = arith.cmpi eq, %add3A_8, %eq3A_2338 : vector<32x32xi32>
    %get3A_2340 = arith.index_cast %add3A_1621 : i32 to index
    %get3A_2341 = arith.constant 0 : index
    %get3A_2342 = arith.constant 16 : index
    %get3A_2343 = memref.load %arg2[%get3A_2340, %get3A_2341, %get3A_2342] : memref<16x1x63xf32, #tpu.memory_space<smem>>
    %broadcast_in_dim3A_2344 = vector.broadcast %get3A_2343 : f32 to vector<32x32xf32>
    %select_n3A_2345 = arith.select %eq3A_2339, %broadcast_in_dim3A_2344, %select_n3A_2336 : vector<32x32xi1>, vector<32x32xf32>
    %eq3A_2346 = arith.constant 17 : i32
    %eq3A_2347 = vector.broadcast %eq3A_2346 : i32 to vector<32x32xi32>
    %eq3A_2348 = arith.cmpi eq, %add3A_8, %eq3A_2347 : vector<32x32xi32>
    %get3A_2349 = arith.index_cast %add3A_1621 : i32 to index
    %get3A_2350 = arith.constant 0 : index
    %get3A_2351 = arith.constant 17 : index
    %get3A_2352 = memref.load %arg2[%get3A_2349, %get3A_2350, %get3A_2351] : memref<16x1x63xf32, #tpu.memory_space<smem>>
    %broadcast_in_dim3A_2353 = vector.broadcast %get3A_2352 : f32 to vector<32x32xf32>
    %select_n3A_2354 = arith.select %eq3A_2348, %broadcast_in_dim3A_2353, %select_n3A_2345 : vector<32x32xi1>, vector<32x32xf32>
    %eq3A_2355 = arith.constant 18 : i32
    %eq3A_2356 = vector.broadcast %eq3A_2355 : i32 to vector<32x32xi32>
    %eq3A_2357 = arith.cmpi eq, %add3A_8, %eq3A_2356 : vector<32x32xi32>
    %get3A_2358 = arith.index_cast %add3A_1621 : i32 to index
    %get3A_2359 = arith.constant 0 : index
    %get3A_2360 = arith.constant 18 : index
    %get3A_2361 = memref.load %arg2[%get3A_2358, %get3A_2359, %get3A_2360] : memref<16x1x63xf32, #tpu.memory_space<smem>>
    %broadcast_in_dim3A_2362 = vector.broadcast %get3A_2361 : f32 to vector<32x32xf32>
    %select_n3A_2363 = arith.select %eq3A_2357, %broadcast_in_dim3A_2362, %select_n3A_2354 : vector<32x32xi1>, vector<32x32xf32>
    %eq3A_2364 = arith.constant 19 : i32
    %eq3A_2365 = vector.broadcast %eq3A_2364 : i32 to vector<32x32xi32>
    %eq3A_2366 = arith.cmpi eq, %add3A_8, %eq3A_2365 : vector<32x32xi32>
    %get3A_2367 = arith.index_cast %add3A_1621 : i32 to index
    %get3A_2368 = arith.constant 0 : index
    %get3A_2369 = arith.constant 19 : index
    %get3A_2370 = memref.load %arg2[%get3A_2367, %get3A_2368, %get3A_2369] : memref<16x1x63xf32, #tpu.memory_space<smem>>
    %broadcast_in_dim3A_2371 = vector.broadcast %get3A_2370 : f32 to vector<32x32xf32>
    %select_n3A_2372 = arith.select %eq3A_2366, %broadcast_in_dim3A_2371, %select_n3A_2363 : vector<32x32xi1>, vector<32x32xf32>
    %eq3A_2373 = arith.constant 20 : i32
    %eq3A_2374 = vector.broadcast %eq3A_2373 : i32 to vector<32x32xi32>
    %eq3A_2375 = arith.cmpi eq, %add3A_8, %eq3A_2374 : vector<32x32xi32>
    %get3A_2376 = arith.index_cast %add3A_1621 : i32 to index
    %get3A_2377 = arith.constant 0 : index
    %get3A_2378 = arith.constant 20 : index
    %get3A_2379 = memref.load %arg2[%get3A_2376, %get3A_2377, %get3A_2378] : memref<16x1x63xf32, #tpu.memory_space<smem>>
    %broadcast_in_dim3A_2380 = vector.broadcast %get3A_2379 : f32 to vector<32x32xf32>
    %select_n3A_2381 = arith.select %eq3A_2375, %broadcast_in_dim3A_2380, %select_n3A_2372 : vector<32x32xi1>, vector<32x32xf32>
    %eq3A_2382 = arith.constant 21 : i32
    %eq3A_2383 = vector.broadcast %eq3A_2382 : i32 to vector<32x32xi32>
    %eq3A_2384 = arith.cmpi eq, %add3A_8, %eq3A_2383 : vector<32x32xi32>
    %get3A_2385 = arith.index_cast %add3A_1621 : i32 to index
    %get3A_2386 = arith.constant 0 : index
    %get3A_2387 = arith.constant 21 : index
    %get3A_2388 = memref.load %arg2[%get3A_2385, %get3A_2386, %get3A_2387] : memref<16x1x63xf32, #tpu.memory_space<smem>>
    %broadcast_in_dim3A_2389 = vector.broadcast %get3A_2388 : f32 to vector<32x32xf32>
    %select_n3A_2390 = arith.select %eq3A_2384, %broadcast_in_dim3A_2389, %select_n3A_2381 : vector<32x32xi1>, vector<32x32xf32>
    %eq3A_2391 = arith.constant 22 : i32
    %eq3A_2392 = vector.broadcast %eq3A_2391 : i32 to vector<32x32xi32>
    %eq3A_2393 = arith.cmpi eq, %add3A_8, %eq3A_2392 : vector<32x32xi32>
    %get3A_2394 = arith.index_cast %add3A_1621 : i32 to index
    %get3A_2395 = arith.constant 0 : index
    %get3A_2396 = arith.constant 22 : index
    %get3A_2397 = memref.load %arg2[%get3A_2394, %get3A_2395, %get3A_2396] : memref<16x1x63xf32, #tpu.memory_space<smem>>
    %broadcast_in_dim3A_2398 = vector.broadcast %get3A_2397 : f32 to vector<32x32xf32>
    %select_n3A_2399 = arith.select %eq3A_2393, %broadcast_in_dim3A_2398, %select_n3A_2390 : vector<32x32xi1>, vector<32x32xf32>
    %eq3A_2400 = arith.constant 23 : i32
    %eq3A_2401 = vector.broadcast %eq3A_2400 : i32 to vector<32x32xi32>
    %eq3A_2402 = arith.cmpi eq, %add3A_8, %eq3A_2401 : vector<32x32xi32>
    %get3A_2403 = arith.index_cast %add3A_1621 : i32 to index
    %get3A_2404 = arith.constant 0 : index
    %get3A_2405 = arith.constant 23 : index
    %get3A_2406 = memref.load %arg2[%get3A_2403, %get3A_2404, %get3A_2405] : memref<16x1x63xf32, #tpu.memory_space<smem>>
    %broadcast_in_dim3A_2407 = vector.broadcast %get3A_2406 : f32 to vector<32x32xf32>
    %select_n3A_2408 = arith.select %eq3A_2402, %broadcast_in_dim3A_2407, %select_n3A_2399 : vector<32x32xi1>, vector<32x32xf32>
    %eq3A_2409 = arith.constant 24 : i32
    %eq3A_2410 = vector.broadcast %eq3A_2409 : i32 to vector<32x32xi32>
    %eq3A_2411 = arith.cmpi eq, %add3A_8, %eq3A_2410 : vector<32x32xi32>
    %get3A_2412 = arith.index_cast %add3A_1621 : i32 to index
    %get3A_2413 = arith.constant 0 : index
    %get3A_2414 = arith.constant 24 : index
    %get3A_2415 = memref.load %arg2[%get3A_2412, %get3A_2413, %get3A_2414] : memref<16x1x63xf32, #tpu.memory_space<smem>>
    %broadcast_in_dim3A_2416 = vector.broadcast %get3A_2415 : f32 to vector<32x32xf32>
    %select_n3A_2417 = arith.select %eq3A_2411, %broadcast_in_dim3A_2416, %select_n3A_2408 : vector<32x32xi1>, vector<32x32xf32>
    %eq3A_2418 = arith.constant 25 : i32
    %eq3A_2419 = vector.broadcast %eq3A_2418 : i32 to vector<32x32xi32>
    %eq3A_2420 = arith.cmpi eq, %add3A_8, %eq3A_2419 : vector<32x32xi32>
    %get3A_2421 = arith.index_cast %add3A_1621 : i32 to index
    %get3A_2422 = arith.constant 0 : index
    %get3A_2423 = arith.constant 25 : index
    %get3A_2424 = memref.load %arg2[%get3A_2421, %get3A_2422, %get3A_2423] : memref<16x1x63xf32, #tpu.memory_space<smem>>
    %broadcast_in_dim3A_2425 = vector.broadcast %get3A_2424 : f32 to vector<32x32xf32>
    %select_n3A_2426 = arith.select %eq3A_2420, %broadcast_in_dim3A_2425, %select_n3A_2417 : vector<32x32xi1>, vector<32x32xf32>
    %eq3A_2427 = arith.constant 26 : i32
    %eq3A_2428 = vector.broadcast %eq3A_2427 : i32 to vector<32x32xi32>
    %eq3A_2429 = arith.cmpi eq, %add3A_8, %eq3A_2428 : vector<32x32xi32>
    %get3A_2430 = arith.index_cast %add3A_1621 : i32 to index
    %get3A_2431 = arith.constant 0 : index
    %get3A_2432 = arith.constant 26 : index
    %get3A_2433 = memref.load %arg2[%get3A_2430, %get3A_2431, %get3A_2432] : memref<16x1x63xf32, #tpu.memory_space<smem>>
    %broadcast_in_dim3A_2434 = vector.broadcast %get3A_2433 : f32 to vector<32x32xf32>
    %select_n3A_2435 = arith.select %eq3A_2429, %broadcast_in_dim3A_2434, %select_n3A_2426 : vector<32x32xi1>, vector<32x32xf32>
    %eq3A_2436 = arith.constant 27 : i32
    %eq3A_2437 = vector.broadcast %eq3A_2436 : i32 to vector<32x32xi32>
    %eq3A_2438 = arith.cmpi eq, %add3A_8, %eq3A_2437 : vector<32x32xi32>
    %get3A_2439 = arith.index_cast %add3A_1621 : i32 to index
    %get3A_2440 = arith.constant 0 : index
    %get3A_2441 = arith.constant 27 : index
    %get3A_2442 = memref.load %arg2[%get3A_2439, %get3A_2440, %get3A_2441] : memref<16x1x63xf32, #tpu.memory_space<smem>>
    %broadcast_in_dim3A_2443 = vector.broadcast %get3A_2442 : f32 to vector<32x32xf32>
    %select_n3A_2444 = arith.select %eq3A_2438, %broadcast_in_dim3A_2443, %select_n3A_2435 : vector<32x32xi1>, vector<32x32xf32>
    %eq3A_2445 = arith.constant 28 : i32
    %eq3A_2446 = vector.broadcast %eq3A_2445 : i32 to vector<32x32xi32>
    %eq3A_2447 = arith.cmpi eq, %add3A_8, %eq3A_2446 : vector<32x32xi32>
    %get3A_2448 = arith.index_cast %add3A_1621 : i32 to index
    %get3A_2449 = arith.constant 0 : index
    %get3A_2450 = arith.constant 28 : index
    %get3A_2451 = memref.load %arg2[%get3A_2448, %get3A_2449, %get3A_2450] : memref<16x1x63xf32, #tpu.memory_space<smem>>
    %broadcast_in_dim3A_2452 = vector.broadcast %get3A_2451 : f32 to vector<32x32xf32>
    %select_n3A_2453 = arith.select %eq3A_2447, %broadcast_in_dim3A_2452, %select_n3A_2444 : vector<32x32xi1>, vector<32x32xf32>
    %eq3A_2454 = arith.constant 29 : i32
    %eq3A_2455 = vector.broadcast %eq3A_2454 : i32 to vector<32x32xi32>
    %eq3A_2456 = arith.cmpi eq, %add3A_8, %eq3A_2455 : vector<32x32xi32>
    %get3A_2457 = arith.index_cast %add3A_1621 : i32 to index
    %get3A_2458 = arith.constant 0 : index
    %get3A_2459 = arith.constant 29 : index
    %get3A_2460 = memref.load %arg2[%get3A_2457, %get3A_2458, %get3A_2459] : memref<16x1x63xf32, #tpu.memory_space<smem>>
    %broadcast_in_dim3A_2461 = vector.broadcast %get3A_2460 : f32 to vector<32x32xf32>
    %select_n3A_2462 = arith.select %eq3A_2456, %broadcast_in_dim3A_2461, %select_n3A_2453 : vector<32x32xi1>, vector<32x32xf32>
    %eq3A_2463 = arith.constant 30 : i32
    %eq3A_2464 = vector.broadcast %eq3A_2463 : i32 to vector<32x32xi32>
    %eq3A_2465 = arith.cmpi eq, %add3A_8, %eq3A_2464 : vector<32x32xi32>
    %get3A_2466 = arith.index_cast %add3A_1621 : i32 to index
    %get3A_2467 = arith.constant 0 : index
    %get3A_2468 = arith.constant 30 : index
    %get3A_2469 = memref.load %arg2[%get3A_2466, %get3A_2467, %get3A_2468] : memref<16x1x63xf32, #tpu.memory_space<smem>>
    %broadcast_in_dim3A_2470 = vector.broadcast %get3A_2469 : f32 to vector<32x32xf32>
    %select_n3A_2471 = arith.select %eq3A_2465, %broadcast_in_dim3A_2470, %select_n3A_2462 : vector<32x32xi1>, vector<32x32xf32>
    %eq3A_2472 = arith.constant 31 : i32
    %eq3A_2473 = vector.broadcast %eq3A_2472 : i32 to vector<32x32xi32>
    %eq3A_2474 = arith.cmpi eq, %add3A_8, %eq3A_2473 : vector<32x32xi32>
    %get3A_2475 = arith.index_cast %add3A_1621 : i32 to index
    %get3A_2476 = arith.constant 0 : index
    %get3A_2477 = arith.constant 31 : index
    %get3A_2478 = memref.load %arg2[%get3A_2475, %get3A_2476, %get3A_2477] : memref<16x1x63xf32, #tpu.memory_space<smem>>
    %broadcast_in_dim3A_2479 = vector.broadcast %get3A_2478 : f32 to vector<32x32xf32>
    %select_n3A_2480 = arith.select %eq3A_2474, %broadcast_in_dim3A_2479, %select_n3A_2471 : vector<32x32xi1>, vector<32x32xf32>
    %eq3A_2481 = arith.constant 32 : i32
    %eq3A_2482 = vector.broadcast %eq3A_2481 : i32 to vector<32x32xi32>
    %eq3A_2483 = arith.cmpi eq, %add3A_8, %eq3A_2482 : vector<32x32xi32>
    %get3A_2484 = arith.index_cast %add3A_1621 : i32 to index
    %get3A_2485 = arith.constant 0 : index
    %get3A_2486 = arith.constant 32 : index
    %get3A_2487 = memref.load %arg2[%get3A_2484, %get3A_2485, %get3A_2486] : memref<16x1x63xf32, #tpu.memory_space<smem>>
    %broadcast_in_dim3A_2488 = vector.broadcast %get3A_2487 : f32 to vector<32x32xf32>
    %select_n3A_2489 = arith.select %eq3A_2483, %broadcast_in_dim3A_2488, %select_n3A_2480 : vector<32x32xi1>, vector<32x32xf32>
    %eq3A_2490 = arith.constant 33 : i32
    %eq3A_2491 = vector.broadcast %eq3A_2490 : i32 to vector<32x32xi32>
    %eq3A_2492 = arith.cmpi eq, %add3A_8, %eq3A_2491 : vector<32x32xi32>
    %get3A_2493 = arith.index_cast %add3A_1621 : i32 to index
    %get3A_2494 = arith.constant 0 : index
    %get3A_2495 = arith.constant 33 : index
    %get3A_2496 = memref.load %arg2[%get3A_2493, %get3A_2494, %get3A_2495] : memref<16x1x63xf32, #tpu.memory_space<smem>>
    %broadcast_in_dim3A_2497 = vector.broadcast %get3A_2496 : f32 to vector<32x32xf32>
    %select_n3A_2498 = arith.select %eq3A_2492, %broadcast_in_dim3A_2497, %select_n3A_2489 : vector<32x32xi1>, vector<32x32xf32>
    %eq3A_2499 = arith.constant 34 : i32
    %eq3A_2500 = vector.broadcast %eq3A_2499 : i32 to vector<32x32xi32>
    %eq3A_2501 = arith.cmpi eq, %add3A_8, %eq3A_2500 : vector<32x32xi32>
    %get3A_2502 = arith.index_cast %add3A_1621 : i32 to index
    %get3A_2503 = arith.constant 0 : index
    %get3A_2504 = arith.constant 34 : index
    %get3A_2505 = memref.load %arg2[%get3A_2502, %get3A_2503, %get3A_2504] : memref<16x1x63xf32, #tpu.memory_space<smem>>
    %broadcast_in_dim3A_2506 = vector.broadcast %get3A_2505 : f32 to vector<32x32xf32>
    %select_n3A_2507 = arith.select %eq3A_2501, %broadcast_in_dim3A_2506, %select_n3A_2498 : vector<32x32xi1>, vector<32x32xf32>
    %eq3A_2508 = arith.constant 35 : i32
    %eq3A_2509 = vector.broadcast %eq3A_2508 : i32 to vector<32x32xi32>
    %eq3A_2510 = arith.cmpi eq, %add3A_8, %eq3A_2509 : vector<32x32xi32>
    %get3A_2511 = arith.index_cast %add3A_1621 : i32 to index
    %get3A_2512 = arith.constant 0 : index
    %get3A_2513 = arith.constant 35 : index
    %get3A_2514 = memref.load %arg2[%get3A_2511, %get3A_2512, %get3A_2513] : memref<16x1x63xf32, #tpu.memory_space<smem>>
    %broadcast_in_dim3A_2515 = vector.broadcast %get3A_2514 : f32 to vector<32x32xf32>
    %select_n3A_2516 = arith.select %eq3A_2510, %broadcast_in_dim3A_2515, %select_n3A_2507 : vector<32x32xi1>, vector<32x32xf32>
    %eq3A_2517 = arith.constant 36 : i32
    %eq3A_2518 = vector.broadcast %eq3A_2517 : i32 to vector<32x32xi32>
    %eq3A_2519 = arith.cmpi eq, %add3A_8, %eq3A_2518 : vector<32x32xi32>
    %get3A_2520 = arith.index_cast %add3A_1621 : i32 to index
    %get3A_2521 = arith.constant 0 : index
    %get3A_2522 = arith.constant 36 : index
    %get3A_2523 = memref.load %arg2[%get3A_2520, %get3A_2521, %get3A_2522] : memref<16x1x63xf32, #tpu.memory_space<smem>>
    %broadcast_in_dim3A_2524 = vector.broadcast %get3A_2523 : f32 to vector<32x32xf32>
    %select_n3A_2525 = arith.select %eq3A_2519, %broadcast_in_dim3A_2524, %select_n3A_2516 : vector<32x32xi1>, vector<32x32xf32>
    %eq3A_2526 = arith.constant 37 : i32
    %eq3A_2527 = vector.broadcast %eq3A_2526 : i32 to vector<32x32xi32>
    %eq3A_2528 = arith.cmpi eq, %add3A_8, %eq3A_2527 : vector<32x32xi32>
    %get3A_2529 = arith.index_cast %add3A_1621 : i32 to index
    %get3A_2530 = arith.constant 0 : index
    %get3A_2531 = arith.constant 37 : index
    %get3A_2532 = memref.load %arg2[%get3A_2529, %get3A_2530, %get3A_2531] : memref<16x1x63xf32, #tpu.memory_space<smem>>
    %broadcast_in_dim3A_2533 = vector.broadcast %get3A_2532 : f32 to vector<32x32xf32>
    %select_n3A_2534 = arith.select %eq3A_2528, %broadcast_in_dim3A_2533, %select_n3A_2525 : vector<32x32xi1>, vector<32x32xf32>
    %eq3A_2535 = arith.constant 38 : i32
    %eq3A_2536 = vector.broadcast %eq3A_2535 : i32 to vector<32x32xi32>
    %eq3A_2537 = arith.cmpi eq, %add3A_8, %eq3A_2536 : vector<32x32xi32>
    %get3A_2538 = arith.index_cast %add3A_1621 : i32 to index
    %get3A_2539 = arith.constant 0 : index
    %get3A_2540 = arith.constant 38 : index
    %get3A_2541 = memref.load %arg2[%get3A_2538, %get3A_2539, %get3A_2540] : memref<16x1x63xf32, #tpu.memory_space<smem>>
    %broadcast_in_dim3A_2542 = vector.broadcast %get3A_2541 : f32 to vector<32x32xf32>
    %select_n3A_2543 = arith.select %eq3A_2537, %broadcast_in_dim3A_2542, %select_n3A_2534 : vector<32x32xi1>, vector<32x32xf32>
    %eq3A_2544 = arith.constant 39 : i32
    %eq3A_2545 = vector.broadcast %eq3A_2544 : i32 to vector<32x32xi32>
    %eq3A_2546 = arith.cmpi eq, %add3A_8, %eq3A_2545 : vector<32x32xi32>
    %get3A_2547 = arith.index_cast %add3A_1621 : i32 to index
    %get3A_2548 = arith.constant 0 : index
    %get3A_2549 = arith.constant 39 : index
    %get3A_2550 = memref.load %arg2[%get3A_2547, %get3A_2548, %get3A_2549] : memref<16x1x63xf32, #tpu.memory_space<smem>>
    %broadcast_in_dim3A_2551 = vector.broadcast %get3A_2550 : f32 to vector<32x32xf32>
    %select_n3A_2552 = arith.select %eq3A_2546, %broadcast_in_dim3A_2551, %select_n3A_2543 : vector<32x32xi1>, vector<32x32xf32>
    %eq3A_2553 = arith.constant 40 : i32
    %eq3A_2554 = vector.broadcast %eq3A_2553 : i32 to vector<32x32xi32>
    %eq3A_2555 = arith.cmpi eq, %add3A_8, %eq3A_2554 : vector<32x32xi32>
    %get3A_2556 = arith.index_cast %add3A_1621 : i32 to index
    %get3A_2557 = arith.constant 0 : index
    %get3A_2558 = arith.constant 40 : index
    %get3A_2559 = memref.load %arg2[%get3A_2556, %get3A_2557, %get3A_2558] : memref<16x1x63xf32, #tpu.memory_space<smem>>
    %broadcast_in_dim3A_2560 = vector.broadcast %get3A_2559 : f32 to vector<32x32xf32>
    %select_n3A_2561 = arith.select %eq3A_2555, %broadcast_in_dim3A_2560, %select_n3A_2552 : vector<32x32xi1>, vector<32x32xf32>
    %eq3A_2562 = arith.constant 41 : i32
    %eq3A_2563 = vector.broadcast %eq3A_2562 : i32 to vector<32x32xi32>
    %eq3A_2564 = arith.cmpi eq, %add3A_8, %eq3A_2563 : vector<32x32xi32>
    %get3A_2565 = arith.index_cast %add3A_1621 : i32 to index
    %get3A_2566 = arith.constant 0 : index
    %get3A_2567 = arith.constant 41 : index
    %get3A_2568 = memref.load %arg2[%get3A_2565, %get3A_2566, %get3A_2567] : memref<16x1x63xf32, #tpu.memory_space<smem>>
    %broadcast_in_dim3A_2569 = vector.broadcast %get3A_2568 : f32 to vector<32x32xf32>
    %select_n3A_2570 = arith.select %eq3A_2564, %broadcast_in_dim3A_2569, %select_n3A_2561 : vector<32x32xi1>, vector<32x32xf32>
    %eq3A_2571 = arith.constant 42 : i32
    %eq3A_2572 = vector.broadcast %eq3A_2571 : i32 to vector<32x32xi32>
    %eq3A_2573 = arith.cmpi eq, %add3A_8, %eq3A_2572 : vector<32x32xi32>
    %get3A_2574 = arith.index_cast %add3A_1621 : i32 to index
    %get3A_2575 = arith.constant 0 : index
    %get3A_2576 = arith.constant 42 : index
    %get3A_2577 = memref.load %arg2[%get3A_2574, %get3A_2575, %get3A_2576] : memref<16x1x63xf32, #tpu.memory_space<smem>>
    %broadcast_in_dim3A_2578 = vector.broadcast %get3A_2577 : f32 to vector<32x32xf32>
    %select_n3A_2579 = arith.select %eq3A_2573, %broadcast_in_dim3A_2578, %select_n3A_2570 : vector<32x32xi1>, vector<32x32xf32>
    %eq3A_2580 = arith.constant 43 : i32
    %eq3A_2581 = vector.broadcast %eq3A_2580 : i32 to vector<32x32xi32>
    %eq3A_2582 = arith.cmpi eq, %add3A_8, %eq3A_2581 : vector<32x32xi32>
    %get3A_2583 = arith.index_cast %add3A_1621 : i32 to index
    %get3A_2584 = arith.constant 0 : index
    %get3A_2585 = arith.constant 43 : index
    %get3A_2586 = memref.load %arg2[%get3A_2583, %get3A_2584, %get3A_2585] : memref<16x1x63xf32, #tpu.memory_space<smem>>
    %broadcast_in_dim3A_2587 = vector.broadcast %get3A_2586 : f32 to vector<32x32xf32>
    %select_n3A_2588 = arith.select %eq3A_2582, %broadcast_in_dim3A_2587, %select_n3A_2579 : vector<32x32xi1>, vector<32x32xf32>
    %eq3A_2589 = arith.constant 44 : i32
    %eq3A_2590 = vector.broadcast %eq3A_2589 : i32 to vector<32x32xi32>
    %eq3A_2591 = arith.cmpi eq, %add3A_8, %eq3A_2590 : vector<32x32xi32>
    %get3A_2592 = arith.index_cast %add3A_1621 : i32 to index
    %get3A_2593 = arith.constant 0 : index
    %get3A_2594 = arith.constant 44 : index
    %get3A_2595 = memref.load %arg2[%get3A_2592, %get3A_2593, %get3A_2594] : memref<16x1x63xf32, #tpu.memory_space<smem>>
    %broadcast_in_dim3A_2596 = vector.broadcast %get3A_2595 : f32 to vector<32x32xf32>
    %select_n3A_2597 = arith.select %eq3A_2591, %broadcast_in_dim3A_2596, %select_n3A_2588 : vector<32x32xi1>, vector<32x32xf32>
    %eq3A_2598 = arith.constant 45 : i32
    %eq3A_2599 = vector.broadcast %eq3A_2598 : i32 to vector<32x32xi32>
    %eq3A_2600 = arith.cmpi eq, %add3A_8, %eq3A_2599 : vector<32x32xi32>
    %get3A_2601 = arith.index_cast %add3A_1621 : i32 to index
    %get3A_2602 = arith.constant 0 : index
    %get3A_2603 = arith.constant 45 : index
    %get3A_2604 = memref.load %arg2[%get3A_2601, %get3A_2602, %get3A_2603] : memref<16x1x63xf32, #tpu.memory_space<smem>>
    %broadcast_in_dim3A_2605 = vector.broadcast %get3A_2604 : f32 to vector<32x32xf32>
    %select_n3A_2606 = arith.select %eq3A_2600, %broadcast_in_dim3A_2605, %select_n3A_2597 : vector<32x32xi1>, vector<32x32xf32>
    %eq3A_2607 = arith.constant 46 : i32
    %eq3A_2608 = vector.broadcast %eq3A_2607 : i32 to vector<32x32xi32>
    %eq3A_2609 = arith.cmpi eq, %add3A_8, %eq3A_2608 : vector<32x32xi32>
    %get3A_2610 = arith.index_cast %add3A_1621 : i32 to index
    %get3A_2611 = arith.constant 0 : index
    %get3A_2612 = arith.constant 46 : index
    %get3A_2613 = memref.load %arg2[%get3A_2610, %get3A_2611, %get3A_2612] : memref<16x1x63xf32, #tpu.memory_space<smem>>
    %broadcast_in_dim3A_2614 = vector.broadcast %get3A_2613 : f32 to vector<32x32xf32>
    %select_n3A_2615 = arith.select %eq3A_2609, %broadcast_in_dim3A_2614, %select_n3A_2606 : vector<32x32xi1>, vector<32x32xf32>
    %eq3A_2616 = arith.constant 47 : i32
    %eq3A_2617 = vector.broadcast %eq3A_2616 : i32 to vector<32x32xi32>
    %eq3A_2618 = arith.cmpi eq, %add3A_8, %eq3A_2617 : vector<32x32xi32>
    %get3A_2619 = arith.index_cast %add3A_1621 : i32 to index
    %get3A_2620 = arith.constant 0 : index
    %get3A_2621 = arith.constant 47 : index
    %get3A_2622 = memref.load %arg2[%get3A_2619, %get3A_2620, %get3A_2621] : memref<16x1x63xf32, #tpu.memory_space<smem>>
    %broadcast_in_dim3A_2623 = vector.broadcast %get3A_2622 : f32 to vector<32x32xf32>
    %select_n3A_2624 = arith.select %eq3A_2618, %broadcast_in_dim3A_2623, %select_n3A_2615 : vector<32x32xi1>, vector<32x32xf32>
    %eq3A_2625 = arith.constant 48 : i32
    %eq3A_2626 = vector.broadcast %eq3A_2625 : i32 to vector<32x32xi32>
    %eq3A_2627 = arith.cmpi eq, %add3A_8, %eq3A_2626 : vector<32x32xi32>
    %get3A_2628 = arith.index_cast %add3A_1621 : i32 to index
    %get3A_2629 = arith.constant 0 : index
    %get3A_2630 = arith.constant 48 : index
    %get3A_2631 = memref.load %arg2[%get3A_2628, %get3A_2629, %get3A_2630] : memref<16x1x63xf32, #tpu.memory_space<smem>>
    %broadcast_in_dim3A_2632 = vector.broadcast %get3A_2631 : f32 to vector<32x32xf32>
    %select_n3A_2633 = arith.select %eq3A_2627, %broadcast_in_dim3A_2632, %select_n3A_2624 : vector<32x32xi1>, vector<32x32xf32>
    %eq3A_2634 = arith.constant 49 : i32
    %eq3A_2635 = vector.broadcast %eq3A_2634 : i32 to vector<32x32xi32>
    %eq3A_2636 = arith.cmpi eq, %add3A_8, %eq3A_2635 : vector<32x32xi32>
    %get3A_2637 = arith.index_cast %add3A_1621 : i32 to index
    %get3A_2638 = arith.constant 0 : index
    %get3A_2639 = arith.constant 49 : index
    %get3A_2640 = memref.load %arg2[%get3A_2637, %get3A_2638, %get3A_2639] : memref<16x1x63xf32, #tpu.memory_space<smem>>
    %broadcast_in_dim3A_2641 = vector.broadcast %get3A_2640 : f32 to vector<32x32xf32>
    %select_n3A_2642 = arith.select %eq3A_2636, %broadcast_in_dim3A_2641, %select_n3A_2633 : vector<32x32xi1>, vector<32x32xf32>
    %eq3A_2643 = arith.constant 50 : i32
    %eq3A_2644 = vector.broadcast %eq3A_2643 : i32 to vector<32x32xi32>
    %eq3A_2645 = arith.cmpi eq, %add3A_8, %eq3A_2644 : vector<32x32xi32>
    %get3A_2646 = arith.index_cast %add3A_1621 : i32 to index
    %get3A_2647 = arith.constant 0 : index
    %get3A_2648 = arith.constant 50 : index
    %get3A_2649 = memref.load %arg2[%get3A_2646, %get3A_2647, %get3A_2648] : memref<16x1x63xf32, #tpu.memory_space<smem>>
    %broadcast_in_dim3A_2650 = vector.broadcast %get3A_2649 : f32 to vector<32x32xf32>
    %select_n3A_2651 = arith.select %eq3A_2645, %broadcast_in_dim3A_2650, %select_n3A_2642 : vector<32x32xi1>, vector<32x32xf32>
    %eq3A_2652 = arith.constant 51 : i32
    %eq3A_2653 = vector.broadcast %eq3A_2652 : i32 to vector<32x32xi32>
    %eq3A_2654 = arith.cmpi eq, %add3A_8, %eq3A_2653 : vector<32x32xi32>
    %get3A_2655 = arith.index_cast %add3A_1621 : i32 to index
    %get3A_2656 = arith.constant 0 : index
    %get3A_2657 = arith.constant 51 : index
    %get3A_2658 = memref.load %arg2[%get3A_2655, %get3A_2656, %get3A_2657] : memref<16x1x63xf32, #tpu.memory_space<smem>>
    %broadcast_in_dim3A_2659 = vector.broadcast %get3A_2658 : f32 to vector<32x32xf32>
    %select_n3A_2660 = arith.select %eq3A_2654, %broadcast_in_dim3A_2659, %select_n3A_2651 : vector<32x32xi1>, vector<32x32xf32>
    %eq3A_2661 = arith.constant 52 : i32
    %eq3A_2662 = vector.broadcast %eq3A_2661 : i32 to vector<32x32xi32>
    %eq3A_2663 = arith.cmpi eq, %add3A_8, %eq3A_2662 : vector<32x32xi32>
    %get3A_2664 = arith.index_cast %add3A_1621 : i32 to index
    %get3A_2665 = arith.constant 0 : index
    %get3A_2666 = arith.constant 52 : index
    %get3A_2667 = memref.load %arg2[%get3A_2664, %get3A_2665, %get3A_2666] : memref<16x1x63xf32, #tpu.memory_space<smem>>
    %broadcast_in_dim3A_2668 = vector.broadcast %get3A_2667 : f32 to vector<32x32xf32>
    %select_n3A_2669 = arith.select %eq3A_2663, %broadcast_in_dim3A_2668, %select_n3A_2660 : vector<32x32xi1>, vector<32x32xf32>
    %eq3A_2670 = arith.constant 53 : i32
    %eq3A_2671 = vector.broadcast %eq3A_2670 : i32 to vector<32x32xi32>
    %eq3A_2672 = arith.cmpi eq, %add3A_8, %eq3A_2671 : vector<32x32xi32>
    %get3A_2673 = arith.index_cast %add3A_1621 : i32 to index
    %get3A_2674 = arith.constant 0 : index
    %get3A_2675 = arith.constant 53 : index
    %get3A_2676 = memref.load %arg2[%get3A_2673, %get3A_2674, %get3A_2675] : memref<16x1x63xf32, #tpu.memory_space<smem>>
    %broadcast_in_dim3A_2677 = vector.broadcast %get3A_2676 : f32 to vector<32x32xf32>
    %select_n3A_2678 = arith.select %eq3A_2672, %broadcast_in_dim3A_2677, %select_n3A_2669 : vector<32x32xi1>, vector<32x32xf32>
    %eq3A_2679 = arith.constant 54 : i32
    %eq3A_2680 = vector.broadcast %eq3A_2679 : i32 to vector<32x32xi32>
    %eq3A_2681 = arith.cmpi eq, %add3A_8, %eq3A_2680 : vector<32x32xi32>
    %get3A_2682 = arith.index_cast %add3A_1621 : i32 to index
    %get3A_2683 = arith.constant 0 : index
    %get3A_2684 = arith.constant 54 : index
    %get3A_2685 = memref.load %arg2[%get3A_2682, %get3A_2683, %get3A_2684] : memref<16x1x63xf32, #tpu.memory_space<smem>>
    %broadcast_in_dim3A_2686 = vector.broadcast %get3A_2685 : f32 to vector<32x32xf32>
    %select_n3A_2687 = arith.select %eq3A_2681, %broadcast_in_dim3A_2686, %select_n3A_2678 : vector<32x32xi1>, vector<32x32xf32>
    %eq3A_2688 = arith.constant 55 : i32
    %eq3A_2689 = vector.broadcast %eq3A_2688 : i32 to vector<32x32xi32>
    %eq3A_2690 = arith.cmpi eq, %add3A_8, %eq3A_2689 : vector<32x32xi32>
    %get3A_2691 = arith.index_cast %add3A_1621 : i32 to index
    %get3A_2692 = arith.constant 0 : index
    %get3A_2693 = arith.constant 55 : index
    %get3A_2694 = memref.load %arg2[%get3A_2691, %get3A_2692, %get3A_2693] : memref<16x1x63xf32, #tpu.memory_space<smem>>
    %broadcast_in_dim3A_2695 = vector.broadcast %get3A_2694 : f32 to vector<32x32xf32>
    %select_n3A_2696 = arith.select %eq3A_2690, %broadcast_in_dim3A_2695, %select_n3A_2687 : vector<32x32xi1>, vector<32x32xf32>
    %eq3A_2697 = arith.constant 56 : i32
    %eq3A_2698 = vector.broadcast %eq3A_2697 : i32 to vector<32x32xi32>
    %eq3A_2699 = arith.cmpi eq, %add3A_8, %eq3A_2698 : vector<32x32xi32>
    %get3A_2700 = arith.index_cast %add3A_1621 : i32 to index
    %get3A_2701 = arith.constant 0 : index
    %get3A_2702 = arith.constant 56 : index
    %get3A_2703 = memref.load %arg2[%get3A_2700, %get3A_2701, %get3A_2702] : memref<16x1x63xf32, #tpu.memory_space<smem>>
    %broadcast_in_dim3A_2704 = vector.broadcast %get3A_2703 : f32 to vector<32x32xf32>
    %select_n3A_2705 = arith.select %eq3A_2699, %broadcast_in_dim3A_2704, %select_n3A_2696 : vector<32x32xi1>, vector<32x32xf32>
    %eq3A_2706 = arith.constant 57 : i32
    %eq3A_2707 = vector.broadcast %eq3A_2706 : i32 to vector<32x32xi32>
    %eq3A_2708 = arith.cmpi eq, %add3A_8, %eq3A_2707 : vector<32x32xi32>
    %get3A_2709 = arith.index_cast %add3A_1621 : i32 to index
    %get3A_2710 = arith.constant 0 : index
    %get3A_2711 = arith.constant 57 : index
    %get3A_2712 = memref.load %arg2[%get3A_2709, %get3A_2710, %get3A_2711] : memref<16x1x63xf32, #tpu.memory_space<smem>>
    %broadcast_in_dim3A_2713 = vector.broadcast %get3A_2712 : f32 to vector<32x32xf32>
    %select_n3A_2714 = arith.select %eq3A_2708, %broadcast_in_dim3A_2713, %select_n3A_2705 : vector<32x32xi1>, vector<32x32xf32>
    %eq3A_2715 = arith.constant 58 : i32
    %eq3A_2716 = vector.broadcast %eq3A_2715 : i32 to vector<32x32xi32>
    %eq3A_2717 = arith.cmpi eq, %add3A_8, %eq3A_2716 : vector<32x32xi32>
    %get3A_2718 = arith.index_cast %add3A_1621 : i32 to index
    %get3A_2719 = arith.constant 0 : index
    %get3A_2720 = arith.constant 58 : index
    %get3A_2721 = memref.load %arg2[%get3A_2718, %get3A_2719, %get3A_2720] : memref<16x1x63xf32, #tpu.memory_space<smem>>
    %broadcast_in_dim3A_2722 = vector.broadcast %get3A_2721 : f32 to vector<32x32xf32>
    %select_n3A_2723 = arith.select %eq3A_2717, %broadcast_in_dim3A_2722, %select_n3A_2714 : vector<32x32xi1>, vector<32x32xf32>
    %eq3A_2724 = arith.constant 59 : i32
    %eq3A_2725 = vector.broadcast %eq3A_2724 : i32 to vector<32x32xi32>
    %eq3A_2726 = arith.cmpi eq, %add3A_8, %eq3A_2725 : vector<32x32xi32>
    %get3A_2727 = arith.index_cast %add3A_1621 : i32 to index
    %get3A_2728 = arith.constant 0 : index
    %get3A_2729 = arith.constant 59 : index
    %get3A_2730 = memref.load %arg2[%get3A_2727, %get3A_2728, %get3A_2729] : memref<16x1x63xf32, #tpu.memory_space<smem>>
    %broadcast_in_dim3A_2731 = vector.broadcast %get3A_2730 : f32 to vector<32x32xf32>
    %select_n3A_2732 = arith.select %eq3A_2726, %broadcast_in_dim3A_2731, %select_n3A_2723 : vector<32x32xi1>, vector<32x32xf32>
    %eq3A_2733 = arith.constant 60 : i32
    %eq3A_2734 = vector.broadcast %eq3A_2733 : i32 to vector<32x32xi32>
    %eq3A_2735 = arith.cmpi eq, %add3A_8, %eq3A_2734 : vector<32x32xi32>
    %get3A_2736 = arith.index_cast %add3A_1621 : i32 to index
    %get3A_2737 = arith.constant 0 : index
    %get3A_2738 = arith.constant 60 : index
    %get3A_2739 = memref.load %arg2[%get3A_2736, %get3A_2737, %get3A_2738] : memref<16x1x63xf32, #tpu.memory_space<smem>>
    %broadcast_in_dim3A_2740 = vector.broadcast %get3A_2739 : f32 to vector<32x32xf32>
    %select_n3A_2741 = arith.select %eq3A_2735, %broadcast_in_dim3A_2740, %select_n3A_2732 : vector<32x32xi1>, vector<32x32xf32>
    %eq3A_2742 = arith.constant 61 : i32
    %eq3A_2743 = vector.broadcast %eq3A_2742 : i32 to vector<32x32xi32>
    %eq3A_2744 = arith.cmpi eq, %add3A_8, %eq3A_2743 : vector<32x32xi32>
    %get3A_2745 = arith.index_cast %add3A_1621 : i32 to index
    %get3A_2746 = arith.constant 0 : index
    %get3A_2747 = arith.constant 61 : index
    %get3A_2748 = memref.load %arg2[%get3A_2745, %get3A_2746, %get3A_2747] : memref<16x1x63xf32, #tpu.memory_space<smem>>
    %broadcast_in_dim3A_2749 = vector.broadcast %get3A_2748 : f32 to vector<32x32xf32>
    %select_n3A_2750 = arith.select %eq3A_2744, %broadcast_in_dim3A_2749, %select_n3A_2741 : vector<32x32xi1>, vector<32x32xf32>
    %eq3A_2751 = arith.constant 62 : i32
    %eq3A_2752 = vector.broadcast %eq3A_2751 : i32 to vector<32x32xi32>
    %eq3A_2753 = arith.cmpi eq, %add3A_8, %eq3A_2752 : vector<32x32xi32>
    %get3A_2754 = arith.index_cast %add3A_1621 : i32 to index
    %get3A_2755 = arith.constant 0 : index
    %get3A_2756 = arith.constant 62 : index
    %get3A_2757 = memref.load %arg2[%get3A_2754, %get3A_2755, %get3A_2756] : memref<16x1x63xf32, #tpu.memory_space<smem>>
    %broadcast_in_dim3A_2758 = vector.broadcast %get3A_2757 : f32 to vector<32x32xf32>
    %select_n3A_2759 = arith.select %eq3A_2753, %broadcast_in_dim3A_2758, %select_n3A_2750 : vector<32x32xi1>, vector<32x32xf32>
    %iota3A_2760 = tpu.iota {dimensions = array<i32: 1>} : vector<32x1024xi32>
    %jit3A_2761 = arith.constant 32 : i32
    %div3A_2762 = vector.broadcast %jit3A_2761 : i32 to vector<32x1024xi32>
    %div3A_2763 = arith.divsi %iota3A_2760, %div3A_2762 : vector<32x1024xi32>
    %sign3A_2764 = arith.constant 0 : i32
    %sign3A_2765 = vector.broadcast %sign3A_2764 : i32 to vector<32x1024xi32>
    %sign3A_2766 = arith.cmpi sgt, %iota3A_2760, %sign3A_2765 : vector<32x1024xi32>
    %sign3A_2767 = arith.extui %sign3A_2766 : vector<32x1024xi1> to vector<32x1024xi32>
    %sign3A_2768 = arith.constant 0 : i32
    %sign3A_2769 = vector.broadcast %sign3A_2768 : i32 to vector<32x1024xi32>
    %sign3A_2770 = arith.cmpi slt, %iota3A_2760, %sign3A_2769 : vector<32x1024xi32>
    %sign3A_2771 = arith.extui %sign3A_2770 : vector<32x1024xi1> to vector<32x1024xi32>
    %sign3A_2772 = arith.subi %sign3A_2767, %sign3A_2771 : vector<32x1024xi32>
    %sign3A_2773 = arith.constant 0 : i32
    %sign3A_2774 = arith.cmpi sgt, %jit3A_2761, %sign3A_2773 : i32
    %sign3A_2775 = arith.extui %sign3A_2774 : i1 to i32
    %sign3A_2776 = arith.constant 0 : i32
    %sign3A_2777 = arith.cmpi slt, %jit3A_2761, %sign3A_2776 : i32
    %sign3A_2778 = arith.extui %sign3A_2777 : i1 to i32
    %sign3A_2779 = arith.subi %sign3A_2775, %sign3A_2778 : i32
    %ne3A_2780 = vector.broadcast %sign3A_2779 : i32 to vector<32x1024xi32>
    %ne3A_2781 = arith.cmpi ne, %sign3A_2772, %ne3A_2780 : vector<32x1024xi32>
    %rem3A_2782 = vector.broadcast %jit3A_2761 : i32 to vector<32x1024xi32>
    %rem3A_2783 = arith.remsi %iota3A_2760, %rem3A_2782 : vector<32x1024xi32>
    %ne3A_2784 = arith.constant 0 : i32
    %ne3A_2785 = vector.broadcast %ne3A_2784 : i32 to vector<32x1024xi32>
    %ne3A_2786 = arith.cmpi ne, %rem3A_2783, %ne3A_2785 : vector<32x1024xi32>
    %and3A_2787 = arith.andi %ne3A_2781, %ne3A_2786 : vector<32x1024xi1>
    %sub3A_2788 = arith.constant 1 : i32
    %sub3A_2789 = vector.broadcast %sub3A_2788 : i32 to vector<32x1024xi32>
    %sub3A_2790 = arith.subi %div3A_2763, %sub3A_2789 : vector<32x1024xi32>
    %select_n3A_2791 = arith.select %and3A_2787, %sub3A_2790, %div3A_2763 : vector<32x1024xi1>, vector<32x1024xi32>
    %iota3A_2792 = tpu.iota {dimensions = array<i32: 0>} : vector<32x1024xi32>
    %iota3A_2793 = tpu.iota {dimensions = array<i32: 1>} : vector<32x1024xi32>
    %jit3A_2794 = arith.constant 32 : i32
    %eq3A_2795 = arith.constant 0 : i32
    %eq3A_2796 = arith.cmpi eq, %jit3A_2794, %eq3A_2795 : i32
    %jit3A_2797 = arith.constant 1 : i32
    %select_n3A_2798 = arith.select %eq3A_2796, %jit3A_2797, %jit3A_2794 : i32
    %rem3A_2799 = vector.broadcast %select_n3A_2798 : i32 to vector<32x1024xi32>
    %rem3A_2800 = arith.remsi %iota3A_2793, %rem3A_2799 : vector<32x1024xi32>
    %ne3A_2801 = arith.constant 0 : i32
    %ne3A_2802 = vector.broadcast %ne3A_2801 : i32 to vector<32x1024xi32>
    %ne3A_2803 = arith.cmpi ne, %rem3A_2800, %ne3A_2802 : vector<32x1024xi32>
    %lt3A_2804 = arith.constant 0 : i32
    %lt3A_2805 = vector.broadcast %lt3A_2804 : i32 to vector<32x1024xi32>
    %lt3A_2806 = arith.cmpi slt, %rem3A_2800, %lt3A_2805 : vector<32x1024xi32>
    %lt3A_2807 = arith.constant 0 : i32
    %lt3A_2808 = arith.cmpi slt, %select_n3A_2798, %lt3A_2807 : i32
    %ne3A_2809 = vector.broadcast %lt3A_2808 : i1 to vector<32x1024xi1>
    %ne3A_2810 = vector.broadcast %ne3A_2809 : vector<32x1024xi1> to vector<32x1024xi1>
    %ne3A_2811 = arith.xori %lt3A_2806, %ne3A_2810 : vector<32x1024xi1>
    %and3A_2812 = arith.andi %ne3A_2811, %ne3A_2803 : vector<32x1024xi1>
    %add3A_2813 = vector.broadcast %select_n3A_2798 : i32 to vector<32x1024xi32>
    %add3A_2814 = arith.addi %rem3A_2800, %add3A_2813 : vector<32x1024xi32>
    %select_n3A_2815 = arith.select %and3A_2812, %add3A_2814, %rem3A_2800 : vector<32x1024xi1>, vector<32x1024xi32>
    %iota3A_2816 = tpu.iota {dimensions = array<i32: 0>} : vector<32x1024xi32>
    %eq3A_2817 = arith.cmpi eq, %select_n3A_2791, %iota3A_2792 : vector<32x1024xi32>
    %convert_element_type3A_2818 = arith.extui %eq3A_2817 : vector<32x1024xi1> to vector<32x1024xi32>
    %convert_element_type3A_2819 = arith.sitofp %convert_element_type3A_2818 : vector<32x1024xi32> to vector<32x1024xf32>
    %eq3A_2820 = arith.cmpi eq, %select_n3A_2815, %iota3A_2816 : vector<32x1024xi32>
    %convert_element_type3A_2821 = arith.extui %eq3A_2820 : vector<32x1024xi1> to vector<32x1024xi32>
    %convert_element_type3A_2822 = arith.sitofp %convert_element_type3A_2821 : vector<32x1024xi32> to vector<32x1024xf32>
    %dot_general3A_2823 = arith.constant dense<0.000000e+00> : vector<32x1024xf32>
    %dot_general3A_2824 = tpu.matmul %select_n3A_2192, %convert_element_type3A_2819, %dot_general3A_2823 {dimension_numbers = #tpu.dot_dimension_numbers<[1], [0], [0], [1], [0, 0, 1, 1], [], []>, transpose_lhs_hint = false} : vector<32x32xf32>, vector<32x1024xf32>, vector<32x1024xf32> -> vector<32x1024xf32>
    %dot_general3A_2825 = arith.constant dense<0.000000e+00> : vector<32x1024xf32>
    %dot_general3A_2826 = tpu.matmul %select_n3A_2759, %convert_element_type3A_2822, %dot_general3A_2825 {dimension_numbers = #tpu.dot_dimension_numbers<[1], [0], [0], [1], [0, 0, 1, 1], [], []>, transpose_lhs_hint = false} : vector<32x32xf32>, vector<32x1024xf32>, vector<32x1024xf32> -> vector<32x1024xf32>
    %slice3A_2827 = vector.extract_strided_slice %dot_general3A_2824 {offsets = [0, 0], sizes = [1, 1024], strides = [1, 1]} : vector<32x1024xf32> to vector<1x1024xf32>
    %add3A_2828 = vector.broadcast %slice3A_2827 : vector<1x1024xf32> to vector<32x1024xf32>
    %add3A_2829 = arith.addf %add3A_2828, %dot_general3A_2826 : vector<32x1024xf32>
    %swap3A_2830 = arith.constant 1 : i32
    %swap3A_2831 = arith.constant 0 : i32
    %swap3A_2832 = arith.constant 0 : i32
    %swap3A_2833 = tpu.memref_slice %arg3[%swap3A_2830, %swap3A_2831, %swap3A_2832] : memref<2x1024x1024xf32, #tpu.memory_space<vmem>> -> memref<1x1024x1024xf32, #tpu.memory_space<vmem>>
    %swap3A_2834 = arith.constant 0 : index
    %swap3A_2835 = arith.constant 0 : index
    %swap3A_2836 = arith.constant 0 : index
    %swap3A_2837 = vector.load %swap3A_2833[%swap3A_2834, %swap3A_2835, %swap3A_2836] : memref<1x1024x1024xf32, #tpu.memory_space<vmem>>, vector<1x32x1024xf32>
    %swap3A_2838 = vector.shape_cast %swap3A_2837 : vector<1x32x1024xf32> to vector<32x1024xf32>
    %swap3A_2839 = vector.shape_cast %add3A_2829 : vector<32x1024xf32> to vector<1x32x1024xf32>
    tpu.vector_store %swap3A_2833[%swap3A_2834, %swap3A_2835, %swap3A_2836], %swap3A_2839 {strides = array<i32>} : memref<1x1024x1024xf32, #tpu.memory_space<vmem>>, vector<1x32x1024xf32>,
    %slice3A_2840 = vector.extract_strided_slice %dot_general3A_2824 {offsets = [1, 0], sizes = [1, 1024], strides = [1, 1]} : vector<32x1024xf32> to vector<1x1024xf32>
    %add3A_2841 = vector.broadcast %slice3A_2840 : vector<1x1024xf32> to vector<32x1024xf32>
    %add3A_2842 = arith.addf %add3A_2841, %dot_general3A_2826 : vector<32x1024xf32>
    %swap3A_2843 = arith.constant 1 : i32
    %swap3A_2844 = arith.constant 0 : i32
    %swap3A_2845 = arith.constant 0 : i32
    %swap3A_2846 = tpu.memref_slice %arg3[%swap3A_2843, %swap3A_2844, %swap3A_2845] : memref<2x1024x1024xf32, #tpu.memory_space<vmem>> -> memref<1x1024x1024xf32, #tpu.memory_space<vmem>>
    %swap3A_2847 = arith.constant 0 : index
    %swap3A_2848 = arith.constant 32 : index
    %swap3A_2849 = arith.constant 0 : index
    %swap3A_2850 = vector.load %swap3A_2846[%swap3A_2847, %swap3A_2848, %swap3A_2849] : memref<1x1024x1024xf32, #tpu.memory_space<vmem>>, vector<1x32x1024xf32>
    %swap3A_2851 = vector.shape_cast %swap3A_2850 : vector<1x32x1024xf32> to vector<32x1024xf32>
    %swap3A_2852 = vector.shape_cast %add3A_2842 : vector<32x1024xf32> to vector<1x32x1024xf32>
    tpu.vector_store %swap3A_2846[%swap3A_2847, %swap3A_2848, %swap3A_2849], %swap3A_2852 {strides = array<i32>} : memref<1x1024x1024xf32, #tpu.memory_space<vmem>>, vector<1x32x1024xf32>,
    %slice3A_2853 = vector.extract_strided_slice %dot_general3A_2824 {offsets = [2, 0], sizes = [1, 1024], strides = [1, 1]} : vector<32x1024xf32> to vector<1x1024xf32>
    %add3A_2854 = vector.broadcast %slice3A_2853 : vector<1x1024xf32> to vector<32x1024xf32>
    %add3A_2855 = arith.addf %add3A_2854, %dot_general3A_2826 : vector<32x1024xf32>
    %swap3A_2856 = arith.constant 1 : i32
    %swap3A_2857 = arith.constant 0 : i32
    %swap3A_2858 = arith.constant 0 : i32
    %swap3A_2859 = tpu.memref_slice %arg3[%swap3A_2856, %swap3A_2857, %swap3A_2858] : memref<2x1024x1024xf32, #tpu.memory_space<vmem>> -> memref<1x1024x1024xf32, #tpu.memory_space<vmem>>
    %swap3A_2860 = arith.constant 0 : index
    %swap3A_2861 = arith.constant 64 : index
    %swap3A_2862 = arith.constant 0 : index
    %swap3A_2863 = vector.load %swap3A_2859[%swap3A_2860, %swap3A_2861, %swap3A_2862] : memref<1x1024x1024xf32, #tpu.memory_space<vmem>>, vector<1x32x1024xf32>
    %swap3A_2864 = vector.shape_cast %swap3A_2863 : vector<1x32x1024xf32> to vector<32x1024xf32>
    %swap3A_2865 = vector.shape_cast %add3A_2855 : vector<32x1024xf32> to vector<1x32x1024xf32>
    tpu.vector_store %swap3A_2859[%swap3A_2860, %swap3A_2861, %swap3A_2862], %swap3A_2865 {strides = array<i32>} : memref<1x1024x1024xf32, #tpu.memory_space<vmem>>, vector<1x32x1024xf32>,
    %slice3A_2866 = vector.extract_strided_slice %dot_general3A_2824 {offsets = [3, 0], sizes = [1, 1024], strides = [1, 1]} : vector<32x1024xf32> to vector<1x1024xf32>
    %add3A_2867 = vector.broadcast %slice3A_2866 : vector<1x1024xf32> to vector<32x1024xf32>
    %add3A_2868 = arith.addf %add3A_2867, %dot_general3A_2826 : vector<32x1024xf32>
    %swap3A_2869 = arith.constant 1 : i32
    %swap3A_2870 = arith.constant 0 : i32
    %swap3A_2871 = arith.constant 0 : i32
    %swap3A_2872 = tpu.memref_slice %arg3[%swap3A_2869, %swap3A_2870, %swap3A_2871] : memref<2x1024x1024xf32, #tpu.memory_space<vmem>> -> memref<1x1024x1024xf32, #tpu.memory_space<vmem>>
    %swap3A_2873 = arith.constant 0 : index
    %swap3A_2874 = arith.constant 96 : index
    %swap3A_2875 = arith.constant 0 : index
    %swap3A_2876 = vector.load %swap3A_2872[%swap3A_2873, %swap3A_2874, %swap3A_2875] : memref<1x1024x1024xf32, #tpu.memory_space<vmem>>, vector<1x32x1024xf32>
    %swap3A_2877 = vector.shape_cast %swap3A_2876 : vector<1x32x1024xf32> to vector<32x1024xf32>
    %swap3A_2878 = vector.shape_cast %add3A_2868 : vector<32x1024xf32> to vector<1x32x1024xf32>
    tpu.vector_store %swap3A_2872[%swap3A_2873, %swap3A_2874, %swap3A_2875], %swap3A_2878 {strides = array<i32>} : memref<1x1024x1024xf32, #tpu.memory_space<vmem>>, vector<1x32x1024xf32>,
    %slice3A_2879 = vector.extract_strided_slice %dot_general3A_2824 {offsets = [4, 0], sizes = [1, 1024], strides = [1, 1]} : vector<32x1024xf32> to vector<1x1024xf32>
    %add3A_2880 = vector.broadcast %slice3A_2879 : vector<1x1024xf32> to vector<32x1024xf32>
    %add3A_2881 = arith.addf %add3A_2880, %dot_general3A_2826 : vector<32x1024xf32>
    %swap3A_2882 = arith.constant 1 : i32
    %swap3A_2883 = arith.constant 0 : i32
    %swap3A_2884 = arith.constant 0 : i32
    %swap3A_2885 = tpu.memref_slice %arg3[%swap3A_2882, %swap3A_2883, %swap3A_2884] : memref<2x1024x1024xf32, #tpu.memory_space<vmem>> -> memref<1x1024x1024xf32, #tpu.memory_space<vmem>>
    %swap3A_2886 = arith.constant 0 : index
    %swap3A_2887 = arith.constant 128 : index
    %swap3A_2888 = arith.constant 0 : index
    %swap3A_2889 = vector.load %swap3A_2885[%swap3A_2886, %swap3A_2887, %swap3A_2888] : memref<1x1024x1024xf32, #tpu.memory_space<vmem>>, vector<1x32x1024xf32>
    %swap3A_2890 = vector.shape_cast %swap3A_2889 : vector<1x32x1024xf32> to vector<32x1024xf32>
    %swap3A_2891 = vector.shape_cast %add3A_2881 : vector<32x1024xf32> to vector<1x32x1024xf32>
    tpu.vector_store %swap3A_2885[%swap3A_2886, %swap3A_2887, %swap3A_2888], %swap3A_2891 {strides = array<i32>} : memref<1x1024x1024xf32, #tpu.memory_space<vmem>>, vector<1x32x1024xf32>,
    %slice3A_2892 = vector.extract_strided_slice %dot_general3A_2824 {offsets = [5, 0], sizes = [1, 1024], strides = [1, 1]} : vector<32x1024xf32> to vector<1x1024xf32>
    %add3A_2893 = vector.broadcast %slice3A_2892 : vector<1x1024xf32> to vector<32x1024xf32>
    %add3A_2894 = arith.addf %add3A_2893, %dot_general3A_2826 : vector<32x1024xf32>
    %swap3A_2895 = arith.constant 1 : i32
    %swap3A_2896 = arith.constant 0 : i32
    %swap3A_2897 = arith.constant 0 : i32
    %swap3A_2898 = tpu.memref_slice %arg3[%swap3A_2895, %swap3A_2896, %swap3A_2897] : memref<2x1024x1024xf32, #tpu.memory_space<vmem>> -> memref<1x1024x1024xf32, #tpu.memory_space<vmem>>
    %swap3A_2899 = arith.constant 0 : index
    %swap3A_2900 = arith.constant 160 : index
    %swap3A_2901 = arith.constant 0 : index
    %swap3A_2902 = vector.load %swap3A_2898[%swap3A_2899, %swap3A_2900, %swap3A_2901] : memref<1x1024x1024xf32, #tpu.memory_space<vmem>>, vector<1x32x1024xf32>
    %swap3A_2903 = vector.shape_cast %swap3A_2902 : vector<1x32x1024xf32> to vector<32x1024xf32>
    %swap3A_2904 = vector.shape_cast %add3A_2894 : vector<32x1024xf32> to vector<1x32x1024xf32>
    tpu.vector_store %swap3A_2898[%swap3A_2899, %swap3A_2900, %swap3A_2901], %swap3A_2904 {strides = array<i32>} : memref<1x1024x1024xf32, #tpu.memory_space<vmem>>, vector<1x32x1024xf32>,
    %slice3A_2905 = vector.extract_strided_slice %dot_general3A_2824 {offsets = [6, 0], sizes = [1, 1024], strides = [1, 1]} : vector<32x1024xf32> to vector<1x1024xf32>
    %add3A_2906 = vector.broadcast %slice3A_2905 : vector<1x1024xf32> to vector<32x1024xf32>
    %add3A_2907 = arith.addf %add3A_2906, %dot_general3A_2826 : vector<32x1024xf32>
    %swap3A_2908 = arith.constant 1 : i32
    %swap3A_2909 = arith.constant 0 : i32
    %swap3A_2910 = arith.constant 0 : i32
    %swap3A_2911 = tpu.memref_slice %arg3[%swap3A_2908, %swap3A_2909, %swap3A_2910] : memref<2x1024x1024xf32, #tpu.memory_space<vmem>> -> memref<1x1024x1024xf32, #tpu.memory_space<vmem>>
    %swap3A_2912 = arith.constant 0 : index
    %swap3A_2913 = arith.constant 192 : index
    %swap3A_2914 = arith.constant 0 : index
    %swap3A_2915 = vector.load %swap3A_2911[%swap3A_2912, %swap3A_2913, %swap3A_2914] : memref<1x1024x1024xf32, #tpu.memory_space<vmem>>, vector<1x32x1024xf32>
    %swap3A_2916 = vector.shape_cast %swap3A_2915 : vector<1x32x1024xf32> to vector<32x1024xf32>
    %swap3A_2917 = vector.shape_cast %add3A_2907 : vector<32x1024xf32> to vector<1x32x1024xf32>
    tpu.vector_store %swap3A_2911[%swap3A_2912, %swap3A_2913, %swap3A_2914], %swap3A_2917 {strides = array<i32>} : memref<1x1024x1024xf32, #tpu.memory_space<vmem>>, vector<1x32x1024xf32>,
    %slice3A_2918 = vector.extract_strided_slice %dot_general3A_2824 {offsets = [7, 0], sizes = [1, 1024], strides = [1, 1]} : vector<32x1024xf32> to vector<1x1024xf32>
    %add3A_2919 = vector.broadcast %slice3A_2918 : vector<1x1024xf32> to vector<32x1024xf32>
    %add3A_2920 = arith.addf %add3A_2919, %dot_general3A_2826 : vector<32x1024xf32>
    %swap3A_2921 = arith.constant 1 : i32
    %swap3A_2922 = arith.constant 0 : i32
    %swap3A_2923 = arith.constant 0 : i32
    %swap3A_2924 = tpu.memref_slice %arg3[%swap3A_2921, %swap3A_2922, %swap3A_2923] : memref<2x1024x1024xf32, #tpu.memory_space<vmem>> -> memref<1x1024x1024xf32, #tpu.memory_space<vmem>>
    %swap3A_2925 = arith.constant 0 : index
    %swap3A_2926 = arith.constant 224 : index
    %swap3A_2927 = arith.constant 0 : index
    %swap3A_2928 = vector.load %swap3A_2924[%swap3A_2925, %swap3A_2926, %swap3A_2927] : memref<1x1024x1024xf32, #tpu.memory_space<vmem>>, vector<1x32x1024xf32>
    %swap3A_2929 = vector.shape_cast %swap3A_2928 : vector<1x32x1024xf32> to vector<32x1024xf32>
    %swap3A_2930 = vector.shape_cast %add3A_2920 : vector<32x1024xf32> to vector<1x32x1024xf32>
    tpu.vector_store %swap3A_2924[%swap3A_2925, %swap3A_2926, %swap3A_2927], %swap3A_2930 {strides = array<i32>} : memref<1x1024x1024xf32, #tpu.memory_space<vmem>>, vector<1x32x1024xf32>,
    %slice3A_2931 = vector.extract_strided_slice %dot_general3A_2824 {offsets = [8, 0], sizes = [1, 1024], strides = [1, 1]} : vector<32x1024xf32> to vector<1x1024xf32>
    %add3A_2932 = vector.broadcast %slice3A_2931 : vector<1x1024xf32> to vector<32x1024xf32>
    %add3A_2933 = arith.addf %add3A_2932, %dot_general3A_2826 : vector<32x1024xf32>
    %swap3A_2934 = arith.constant 1 : i32
    %swap3A_2935 = arith.constant 0 : i32
    %swap3A_2936 = arith.constant 0 : i32
    %swap3A_2937 = tpu.memref_slice %arg3[%swap3A_2934, %swap3A_2935, %swap3A_2936] : memref<2x1024x1024xf32, #tpu.memory_space<vmem>> -> memref<1x1024x1024xf32, #tpu.memory_space<vmem>>
    %swap3A_2938 = arith.constant 0 : index
    %swap3A_2939 = arith.constant 256 : index
    %swap3A_2940 = arith.constant 0 : index
    %swap3A_2941 = vector.load %swap3A_2937[%swap3A_2938, %swap3A_2939, %swap3A_2940] : memref<1x1024x1024xf32, #tpu.memory_space<vmem>>, vector<1x32x1024xf32>
    %swap3A_2942 = vector.shape_cast %swap3A_2941 : vector<1x32x1024xf32> to vector<32x1024xf32>
    %swap3A_2943 = vector.shape_cast %add3A_2933 : vector<32x1024xf32> to vector<1x32x1024xf32>
    tpu.vector_store %swap3A_2937[%swap3A_2938, %swap3A_2939, %swap3A_2940], %swap3A_2943 {strides = array<i32>} : memref<1x1024x1024xf32, #tpu.memory_space<vmem>>, vector<1x32x1024xf32>,
    %slice3A_2944 = vector.extract_strided_slice %dot_general3A_2824 {offsets = [9, 0], sizes = [1, 1024], strides = [1, 1]} : vector<32x1024xf32> to vector<1x1024xf32>
    %add3A_2945 = vector.broadcast %slice3A_2944 : vector<1x1024xf32> to vector<32x1024xf32>
    %add3A_2946 = arith.addf %add3A_2945, %dot_general3A_2826 : vector<32x1024xf32>
    %swap3A_2947 = arith.constant 1 : i32
    %swap3A_2948 = arith.constant 0 : i32
    %swap3A_2949 = arith.constant 0 : i32
    %swap3A_2950 = tpu.memref_slice %arg3[%swap3A_2947, %swap3A_2948, %swap3A_2949] : memref<2x1024x1024xf32, #tpu.memory_space<vmem>> -> memref<1x1024x1024xf32, #tpu.memory_space<vmem>>
    %swap3A_2951 = arith.constant 0 : index
    %swap3A_2952 = arith.constant 288 : index
    %swap3A_2953 = arith.constant 0 : index
    %swap3A_2954 = vector.load %swap3A_2950[%swap3A_2951, %swap3A_2952, %swap3A_2953] : memref<1x1024x1024xf32, #tpu.memory_space<vmem>>, vector<1x32x1024xf32>
    %swap3A_2955 = vector.shape_cast %swap3A_2954 : vector<1x32x1024xf32> to vector<32x1024xf32>
    %swap3A_2956 = vector.shape_cast %add3A_2946 : vector<32x1024xf32> to vector<1x32x1024xf32>
    tpu.vector_store %swap3A_2950[%swap3A_2951, %swap3A_2952, %swap3A_2953], %swap3A_2956 {strides = array<i32>} : memref<1x1024x1024xf32, #tpu.memory_space<vmem>>, vector<1x32x1024xf32>,
    %slice3A_2957 = vector.extract_strided_slice %dot_general3A_2824 {offsets = [10, 0], sizes = [1, 1024], strides = [1, 1]} : vector<32x1024xf32> to vector<1x1024xf32>
    %add3A_2958 = vector.broadcast %slice3A_2957 : vector<1x1024xf32> to vector<32x1024xf32>
    %add3A_2959 = arith.addf %add3A_2958, %dot_general3A_2826 : vector<32x1024xf32>
    %swap3A_2960 = arith.constant 1 : i32
    %swap3A_2961 = arith.constant 0 : i32
    %swap3A_2962 = arith.constant 0 : i32
    %swap3A_2963 = tpu.memref_slice %arg3[%swap3A_2960, %swap3A_2961, %swap3A_2962] : memref<2x1024x1024xf32, #tpu.memory_space<vmem>> -> memref<1x1024x1024xf32, #tpu.memory_space<vmem>>
    %swap3A_2964 = arith.constant 0 : index
    %swap3A_2965 = arith.constant 320 : index
    %swap3A_2966 = arith.constant 0 : index
    %swap3A_2967 = vector.load %swap3A_2963[%swap3A_2964, %swap3A_2965, %swap3A_2966] : memref<1x1024x1024xf32, #tpu.memory_space<vmem>>, vector<1x32x1024xf32>
    %swap3A_2968 = vector.shape_cast %swap3A_2967 : vector<1x32x1024xf32> to vector<32x1024xf32>
    %swap3A_2969 = vector.shape_cast %add3A_2959 : vector<32x1024xf32> to vector<1x32x1024xf32>
    tpu.vector_store %swap3A_2963[%swap3A_2964, %swap3A_2965, %swap3A_2966], %swap3A_2969 {strides = array<i32>} : memref<1x1024x1024xf32, #tpu.memory_space<vmem>>, vector<1x32x1024xf32>,
    %slice3A_2970 = vector.extract_strided_slice %dot_general3A_2824 {offsets = [11, 0], sizes = [1, 1024], strides = [1, 1]} : vector<32x1024xf32> to vector<1x1024xf32>
    %add3A_2971 = vector.broadcast %slice3A_2970 : vector<1x1024xf32> to vector<32x1024xf32>
    %add3A_2972 = arith.addf %add3A_2971, %dot_general3A_2826 : vector<32x1024xf32>
    %swap3A_2973 = arith.constant 1 : i32
    %swap3A_2974 = arith.constant 0 : i32
    %swap3A_2975 = arith.constant 0 : i32
    %swap3A_2976 = tpu.memref_slice %arg3[%swap3A_2973, %swap3A_2974, %swap3A_2975] : memref<2x1024x1024xf32, #tpu.memory_space<vmem>> -> memref<1x1024x1024xf32, #tpu.memory_space<vmem>>
    %swap3A_2977 = arith.constant 0 : index
    %swap3A_2978 = arith.constant 352 : index
    %swap3A_2979 = arith.constant 0 : index
    %swap3A_2980 = vector.load %swap3A_2976[%swap3A_2977, %swap3A_2978, %swap3A_2979] : memref<1x1024x1024xf32, #tpu.memory_space<vmem>>, vector<1x32x1024xf32>
    %swap3A_2981 = vector.shape_cast %swap3A_2980 : vector<1x32x1024xf32> to vector<32x1024xf32>
    %swap3A_2982 = vector.shape_cast %add3A_2972 : vector<32x1024xf32> to vector<1x32x1024xf32>
    tpu.vector_store %swap3A_2976[%swap3A_2977, %swap3A_2978, %swap3A_2979], %swap3A_2982 {strides = array<i32>} : memref<1x1024x1024xf32, #tpu.memory_space<vmem>>, vector<1x32x1024xf32>,
    %slice3A_2983 = vector.extract_strided_slice %dot_general3A_2824 {offsets = [12, 0], sizes = [1, 1024], strides = [1, 1]} : vector<32x1024xf32> to vector<1x1024xf32>
    %add3A_2984 = vector.broadcast %slice3A_2983 : vector<1x1024xf32> to vector<32x1024xf32>
    %add3A_2985 = arith.addf %add3A_2984, %dot_general3A_2826 : vector<32x1024xf32>
    %swap3A_2986 = arith.constant 1 : i32
    %swap3A_2987 = arith.constant 0 : i32
    %swap3A_2988 = arith.constant 0 : i32
    %swap3A_2989 = tpu.memref_slice %arg3[%swap3A_2986, %swap3A_2987, %swap3A_2988] : memref<2x1024x1024xf32, #tpu.memory_space<vmem>> -> memref<1x1024x1024xf32, #tpu.memory_space<vmem>>
    %swap3A_2990 = arith.constant 0 : index
    %swap3A_2991 = arith.constant 384 : index
    %swap3A_2992 = arith.constant 0 : index
    %swap3A_2993 = vector.load %swap3A_2989[%swap3A_2990, %swap3A_2991, %swap3A_2992] : memref<1x1024x1024xf32, #tpu.memory_space<vmem>>, vector<1x32x1024xf32>
    %swap3A_2994 = vector.shape_cast %swap3A_2993 : vector<1x32x1024xf32> to vector<32x1024xf32>
    %swap3A_2995 = vector.shape_cast %add3A_2985 : vector<32x1024xf32> to vector<1x32x1024xf32>
    tpu.vector_store %swap3A_2989[%swap3A_2990, %swap3A_2991, %swap3A_2992], %swap3A_2995 {strides = array<i32>} : memref<1x1024x1024xf32, #tpu.memory_space<vmem>>, vector<1x32x1024xf32>,
    %slice3A_2996 = vector.extract_strided_slice %dot_general3A_2824 {offsets = [13, 0], sizes = [1, 1024], strides = [1, 1]} : vector<32x1024xf32> to vector<1x1024xf32>
    %add3A_2997 = vector.broadcast %slice3A_2996 : vector<1x1024xf32> to vector<32x1024xf32>
    %add3A_2998 = arith.addf %add3A_2997, %dot_general3A_2826 : vector<32x1024xf32>
    %swap3A_2999 = arith.constant 1 : i32
    %swap3A_3000 = arith.constant 0 : i32
    %swap3A_3001 = arith.constant 0 : i32
    %swap3A_3002 = tpu.memref_slice %arg3[%swap3A_2999, %swap3A_3000, %swap3A_3001] : memref<2x1024x1024xf32, #tpu.memory_space<vmem>> -> memref<1x1024x1024xf32, #tpu.memory_space<vmem>>
    %swap3A_3003 = arith.constant 0 : index
    %swap3A_3004 = arith.constant 416 : index
    %swap3A_3005 = arith.constant 0 : index
    %swap3A_3006 = vector.load %swap3A_3002[%swap3A_3003, %swap3A_3004, %swap3A_3005] : memref<1x1024x1024xf32, #tpu.memory_space<vmem>>, vector<1x32x1024xf32>
    %swap3A_3007 = vector.shape_cast %swap3A_3006 : vector<1x32x1024xf32> to vector<32x1024xf32>
    %swap3A_3008 = vector.shape_cast %add3A_2998 : vector<32x1024xf32> to vector<1x32x1024xf32>
    tpu.vector_store %swap3A_3002[%swap3A_3003, %swap3A_3004, %swap3A_3005], %swap3A_3008 {strides = array<i32>} : memref<1x1024x1024xf32, #tpu.memory_space<vmem>>, vector<1x32x1024xf32>,
    %slice3A_3009 = vector.extract_strided_slice %dot_general3A_2824 {offsets = [14, 0], sizes = [1, 1024], strides = [1, 1]} : vector<32x1024xf32> to vector<1x1024xf32>
    %add3A_3010 = vector.broadcast %slice3A_3009 : vector<1x1024xf32> to vector<32x1024xf32>
    %add3A_3011 = arith.addf %add3A_3010, %dot_general3A_2826 : vector<32x1024xf32>
    %swap3A_3012 = arith.constant 1 : i32
    %swap3A_3013 = arith.constant 0 : i32
    %swap3A_3014 = arith.constant 0 : i32
    %swap3A_3015 = tpu.memref_slice %arg3[%swap3A_3012, %swap3A_3013, %swap3A_3014] : memref<2x1024x1024xf32, #tpu.memory_space<vmem>> -> memref<1x1024x1024xf32, #tpu.memory_space<vmem>>
    %swap3A_3016 = arith.constant 0 : index
    %swap3A_3017 = arith.constant 448 : index
    %swap3A_3018 = arith.constant 0 : index
    %swap3A_3019 = vector.load %swap3A_3015[%swap3A_3016, %swap3A_3017, %swap3A_3018] : memref<1x1024x1024xf32, #tpu.memory_space<vmem>>, vector<1x32x1024xf32>
    %swap3A_3020 = vector.shape_cast %swap3A_3019 : vector<1x32x1024xf32> to vector<32x1024xf32>
    %swap3A_3021 = vector.shape_cast %add3A_3011 : vector<32x1024xf32> to vector<1x32x1024xf32>
    tpu.vector_store %swap3A_3015[%swap3A_3016, %swap3A_3017, %swap3A_3018], %swap3A_3021 {strides = array<i32>} : memref<1x1024x1024xf32, #tpu.memory_space<vmem>>, vector<1x32x1024xf32>,
    %slice3A_3022 = vector.extract_strided_slice %dot_general3A_2824 {offsets = [15, 0], sizes = [1, 1024], strides = [1, 1]} : vector<32x1024xf32> to vector<1x1024xf32>
    %add3A_3023 = vector.broadcast %slice3A_3022 : vector<1x1024xf32> to vector<32x1024xf32>
    %add3A_3024 = arith.addf %add3A_3023, %dot_general3A_2826 : vector<32x1024xf32>
    %swap3A_3025 = arith.constant 1 : i32
    %swap3A_3026 = arith.constant 0 : i32
    %swap3A_3027 = arith.constant 0 : i32
    %swap3A_3028 = tpu.memref_slice %arg3[%swap3A_3025, %swap3A_3026, %swap3A_3027] : memref<2x1024x1024xf32, #tpu.memory_space<vmem>> -> memref<1x1024x1024xf32, #tpu.memory_space<vmem>>
    %swap3A_3029 = arith.constant 0 : index
    %swap3A_3030 = arith.constant 480 : index
    %swap3A_3031 = arith.constant 0 : index
    %swap3A_3032 = vector.load %swap3A_3028[%swap3A_3029, %swap3A_3030, %swap3A_3031] : memref<1x1024x1024xf32, #tpu.memory_space<vmem>>, vector<1x32x1024xf32>
    %swap3A_3033 = vector.shape_cast %swap3A_3032 : vector<1x32x1024xf32> to vector<32x1024xf32>
    %swap3A_3034 = vector.shape_cast %add3A_3024 : vector<32x1024xf32> to vector<1x32x1024xf32>
    tpu.vector_store %swap3A_3028[%swap3A_3029, %swap3A_3030, %swap3A_3031], %swap3A_3034 {strides = array<i32>} : memref<1x1024x1024xf32, #tpu.memory_space<vmem>>, vector<1x32x1024xf32>,
    %slice3A_3035 = vector.extract_strided_slice %dot_general3A_2824 {offsets = [16, 0], sizes = [1, 1024], strides = [1, 1]} : vector<32x1024xf32> to vector<1x1024xf32>
    %add3A_3036 = vector.broadcast %slice3A_3035 : vector<1x1024xf32> to vector<32x1024xf32>
    %add3A_3037 = arith.addf %add3A_3036, %dot_general3A_2826 : vector<32x1024xf32>
    %swap3A_3038 = arith.constant 1 : i32
    %swap3A_3039 = arith.constant 0 : i32
    %swap3A_3040 = arith.constant 0 : i32
    %swap3A_3041 = tpu.memref_slice %arg3[%swap3A_3038, %swap3A_3039, %swap3A_3040] : memref<2x1024x1024xf32, #tpu.memory_space<vmem>> -> memref<1x1024x1024xf32, #tpu.memory_space<vmem>>
    %swap3A_3042 = arith.constant 0 : index
    %swap3A_3043 = arith.constant 512 : index
    %swap3A_3044 = arith.constant 0 : index
    %swap3A_3045 = vector.load %swap3A_3041[%swap3A_3042, %swap3A_3043, %swap3A_3044] : memref<1x1024x1024xf32, #tpu.memory_space<vmem>>, vector<1x32x1024xf32>
    %swap3A_3046 = vector.shape_cast %swap3A_3045 : vector<1x32x1024xf32> to vector<32x1024xf32>
    %swap3A_3047 = vector.shape_cast %add3A_3037 : vector<32x1024xf32> to vector<1x32x1024xf32>
    tpu.vector_store %swap3A_3041[%swap3A_3042, %swap3A_3043, %swap3A_3044], %swap3A_3047 {strides = array<i32>} : memref<1x1024x1024xf32, #tpu.memory_space<vmem>>, vector<1x32x1024xf32>,
    %slice3A_3048 = vector.extract_strided_slice %dot_general3A_2824 {offsets = [17, 0], sizes = [1, 1024], strides = [1, 1]} : vector<32x1024xf32> to vector<1x1024xf32>
    %add3A_3049 = vector.broadcast %slice3A_3048 : vector<1x1024xf32> to vector<32x1024xf32>
    %add3A_3050 = arith.addf %add3A_3049, %dot_general3A_2826 : vector<32x1024xf32>
    %swap3A_3051 = arith.constant 1 : i32
    %swap3A_3052 = arith.constant 0 : i32
    %swap3A_3053 = arith.constant 0 : i32
    %swap3A_3054 = tpu.memref_slice %arg3[%swap3A_3051, %swap3A_3052, %swap3A_3053] : memref<2x1024x1024xf32, #tpu.memory_space<vmem>> -> memref<1x1024x1024xf32, #tpu.memory_space<vmem>>
    %swap3A_3055 = arith.constant 0 : index
    %swap3A_3056 = arith.constant 544 : index
    %swap3A_3057 = arith.constant 0 : index
    %swap3A_3058 = vector.load %swap3A_3054[%swap3A_3055, %swap3A_3056, %swap3A_3057] : memref<1x1024x1024xf32, #tpu.memory_space<vmem>>, vector<1x32x1024xf32>
    %swap3A_3059 = vector.shape_cast %swap3A_3058 : vector<1x32x1024xf32> to vector<32x1024xf32>
    %swap3A_3060 = vector.shape_cast %add3A_3050 : vector<32x1024xf32> to vector<1x32x1024xf32>
    tpu.vector_store %swap3A_3054[%swap3A_3055, %swap3A_3056, %swap3A_3057], %swap3A_3060 {strides = array<i32>} : memref<1x1024x1024xf32, #tpu.memory_space<vmem>>, vector<1x32x1024xf32>,
    %slice3A_3061 = vector.extract_strided_slice %dot_general3A_2824 {offsets = [18, 0], sizes = [1, 1024], strides = [1, 1]} : vector<32x1024xf32> to vector<1x1024xf32>
    %add3A_3062 = vector.broadcast %slice3A_3061 : vector<1x1024xf32> to vector<32x1024xf32>
    %add3A_3063 = arith.addf %add3A_3062, %dot_general3A_2826 : vector<32x1024xf32>
    %swap3A_3064 = arith.constant 1 : i32
    %swap3A_3065 = arith.constant 0 : i32
    %swap3A_3066 = arith.constant 0 : i32
    %swap3A_3067 = tpu.memref_slice %arg3[%swap3A_3064, %swap3A_3065, %swap3A_3066] : memref<2x1024x1024xf32, #tpu.memory_space<vmem>> -> memref<1x1024x1024xf32, #tpu.memory_space<vmem>>
    %swap3A_3068 = arith.constant 0 : index
    %swap3A_3069 = arith.constant 576 : index
    %swap3A_3070 = arith.constant 0 : index
    %swap3A_3071 = vector.load %swap3A_3067[%swap3A_3068, %swap3A_3069, %swap3A_3070] : memref<1x1024x1024xf32, #tpu.memory_space<vmem>>, vector<1x32x1024xf32>
    %swap3A_3072 = vector.shape_cast %swap3A_3071 : vector<1x32x1024xf32> to vector<32x1024xf32>
    %swap3A_3073 = vector.shape_cast %add3A_3063 : vector<32x1024xf32> to vector<1x32x1024xf32>
    tpu.vector_store %swap3A_3067[%swap3A_3068, %swap3A_3069, %swap3A_3070], %swap3A_3073 {strides = array<i32>} : memref<1x1024x1024xf32, #tpu.memory_space<vmem>>, vector<1x32x1024xf32>,
    %slice3A_3074 = vector.extract_strided_slice %dot_general3A_2824 {offsets = [19, 0], sizes = [1, 1024], strides = [1, 1]} : vector<32x1024xf32> to vector<1x1024xf32>
    %add3A_3075 = vector.broadcast %slice3A_3074 : vector<1x1024xf32> to vector<32x1024xf32>
    %add3A_3076 = arith.addf %add3A_3075, %dot_general3A_2826 : vector<32x1024xf32>
    %swap3A_3077 = arith.constant 1 : i32
    %swap3A_3078 = arith.constant 0 : i32
    %swap3A_3079 = arith.constant 0 : i32
    %swap3A_3080 = tpu.memref_slice %arg3[%swap3A_3077, %swap3A_3078, %swap3A_3079] : memref<2x1024x1024xf32, #tpu.memory_space<vmem>> -> memref<1x1024x1024xf32, #tpu.memory_space<vmem>>
    %swap3A_3081 = arith.constant 0 : index
    %swap3A_3082 = arith.constant 608 : index
    %swap3A_3083 = arith.constant 0 : index
    %swap3A_3084 = vector.load %swap3A_3080[%swap3A_3081, %swap3A_3082, %swap3A_3083] : memref<1x1024x1024xf32, #tpu.memory_space<vmem>>, vector<1x32x1024xf32>
    %swap3A_3085 = vector.shape_cast %swap3A_3084 : vector<1x32x1024xf32> to vector<32x1024xf32>
    %swap3A_3086 = vector.shape_cast %add3A_3076 : vector<32x1024xf32> to vector<1x32x1024xf32>
    tpu.vector_store %swap3A_3080[%swap3A_3081, %swap3A_3082, %swap3A_3083], %swap3A_3086 {strides = array<i32>} : memref<1x1024x1024xf32, #tpu.memory_space<vmem>>, vector<1x32x1024xf32>,
    %slice3A_3087 = vector.extract_strided_slice %dot_general3A_2824 {offsets = [20, 0], sizes = [1, 1024], strides = [1, 1]} : vector<32x1024xf32> to vector<1x1024xf32>
    %add3A_3088 = vector.broadcast %slice3A_3087 : vector<1x1024xf32> to vector<32x1024xf32>
    %add3A_3089 = arith.addf %add3A_3088, %dot_general3A_2826 : vector<32x1024xf32>
    %swap3A_3090 = arith.constant 1 : i32
    %swap3A_3091 = arith.constant 0 : i32
    %swap3A_3092 = arith.constant 0 : i32
    %swap3A_3093 = tpu.memref_slice %arg3[%swap3A_3090, %swap3A_3091, %swap3A_3092] : memref<2x1024x1024xf32, #tpu.memory_space<vmem>> -> memref<1x1024x1024xf32, #tpu.memory_space<vmem>>
    %swap3A_3094 = arith.constant 0 : index
    %swap3A_3095 = arith.constant 640 : index
    %swap3A_3096 = arith.constant 0 : index
    %swap3A_3097 = vector.load %swap3A_3093[%swap3A_3094, %swap3A_3095, %swap3A_3096] : memref<1x1024x1024xf32, #tpu.memory_space<vmem>>, vector<1x32x1024xf32>
    %swap3A_3098 = vector.shape_cast %swap3A_3097 : vector<1x32x1024xf32> to vector<32x1024xf32>
    %swap3A_3099 = vector.shape_cast %add3A_3089 : vector<32x1024xf32> to vector<1x32x1024xf32>
    tpu.vector_store %swap3A_3093[%swap3A_3094, %swap3A_3095, %swap3A_3096], %swap3A_3099 {strides = array<i32>} : memref<1x1024x1024xf32, #tpu.memory_space<vmem>>, vector<1x32x1024xf32>,
    %slice3A_3100 = vector.extract_strided_slice %dot_general3A_2824 {offsets = [21, 0], sizes = [1, 1024], strides = [1, 1]} : vector<32x1024xf32> to vector<1x1024xf32>
    %add3A_3101 = vector.broadcast %slice3A_3100 : vector<1x1024xf32> to vector<32x1024xf32>
    %add3A_3102 = arith.addf %add3A_3101, %dot_general3A_2826 : vector<32x1024xf32>
    %swap3A_3103 = arith.constant 1 : i32
    %swap3A_3104 = arith.constant 0 : i32
    %swap3A_3105 = arith.constant 0 : i32
    %swap3A_3106 = tpu.memref_slice %arg3[%swap3A_3103, %swap3A_3104, %swap3A_3105] : memref<2x1024x1024xf32, #tpu.memory_space<vmem>> -> memref<1x1024x1024xf32, #tpu.memory_space<vmem>>
    %swap3A_3107 = arith.constant 0 : index
    %swap3A_3108 = arith.constant 672 : index
    %swap3A_3109 = arith.constant 0 : index
    %swap3A_3110 = vector.load %swap3A_3106[%swap3A_3107, %swap3A_3108, %swap3A_3109] : memref<1x1024x1024xf32, #tpu.memory_space<vmem>>, vector<1x32x1024xf32>
    %swap3A_3111 = vector.shape_cast %swap3A_3110 : vector<1x32x1024xf32> to vector<32x1024xf32>
    %swap3A_3112 = vector.shape_cast %add3A_3102 : vector<32x1024xf32> to vector<1x32x1024xf32>
    tpu.vector_store %swap3A_3106[%swap3A_3107, %swap3A_3108, %swap3A_3109], %swap3A_3112 {strides = array<i32>} : memref<1x1024x1024xf32, #tpu.memory_space<vmem>>, vector<1x32x1024xf32>,
    %slice3A_3113 = vector.extract_strided_slice %dot_general3A_2824 {offsets = [22, 0], sizes = [1, 1024], strides = [1, 1]} : vector<32x1024xf32> to vector<1x1024xf32>
    %add3A_3114 = vector.broadcast %slice3A_3113 : vector<1x1024xf32> to vector<32x1024xf32>
    %add3A_3115 = arith.addf %add3A_3114, %dot_general3A_2826 : vector<32x1024xf32>
    %swap3A_3116 = arith.constant 1 : i32
    %swap3A_3117 = arith.constant 0 : i32
    %swap3A_3118 = arith.constant 0 : i32
    %swap3A_3119 = tpu.memref_slice %arg3[%swap3A_3116, %swap3A_3117, %swap3A_3118] : memref<2x1024x1024xf32, #tpu.memory_space<vmem>> -> memref<1x1024x1024xf32, #tpu.memory_space<vmem>>
    %swap3A_3120 = arith.constant 0 : index
    %swap3A_3121 = arith.constant 704 : index
    %swap3A_3122 = arith.constant 0 : index
    %swap3A_3123 = vector.load %swap3A_3119[%swap3A_3120, %swap3A_3121, %swap3A_3122] : memref<1x1024x1024xf32, #tpu.memory_space<vmem>>, vector<1x32x1024xf32>
    %swap3A_3124 = vector.shape_cast %swap3A_3123 : vector<1x32x1024xf32> to vector<32x1024xf32>
    %swap3A_3125 = vector.shape_cast %add3A_3115 : vector<32x1024xf32> to vector<1x32x1024xf32>
    tpu.vector_store %swap3A_3119[%swap3A_3120, %swap3A_3121, %swap3A_3122], %swap3A_3125 {strides = array<i32>} : memref<1x1024x1024xf32, #tpu.memory_space<vmem>>, vector<1x32x1024xf32>,
    %slice3A_3126 = vector.extract_strided_slice %dot_general3A_2824 {offsets = [23, 0], sizes = [1, 1024], strides = [1, 1]} : vector<32x1024xf32> to vector<1x1024xf32>
    %add3A_3127 = vector.broadcast %slice3A_3126 : vector<1x1024xf32> to vector<32x1024xf32>
    %add3A_3128 = arith.addf %add3A_3127, %dot_general3A_2826 : vector<32x1024xf32>
    %swap3A_3129 = arith.constant 1 : i32
    %swap3A_3130 = arith.constant 0 : i32
    %swap3A_3131 = arith.constant 0 : i32
    %swap3A_3132 = tpu.memref_slice %arg3[%swap3A_3129, %swap3A_3130, %swap3A_3131] : memref<2x1024x1024xf32, #tpu.memory_space<vmem>> -> memref<1x1024x1024xf32, #tpu.memory_space<vmem>>
    %swap3A_3133 = arith.constant 0 : index
    %swap3A_3134 = arith.constant 736 : index
    %swap3A_3135 = arith.constant 0 : index
    %swap3A_3136 = vector.load %swap3A_3132[%swap3A_3133, %swap3A_3134, %swap3A_3135] : memref<1x1024x1024xf32, #tpu.memory_space<vmem>>, vector<1x32x1024xf32>
    %swap3A_3137 = vector.shape_cast %swap3A_3136 : vector<1x32x1024xf32> to vector<32x1024xf32>
    %swap3A_3138 = vector.shape_cast %add3A_3128 : vector<32x1024xf32> to vector<1x32x1024xf32>
    tpu.vector_store %swap3A_3132[%swap3A_3133, %swap3A_3134, %swap3A_3135], %swap3A_3138 {strides = array<i32>} : memref<1x1024x1024xf32, #tpu.memory_space<vmem>>, vector<1x32x1024xf32>,
    %slice3A_3139 = vector.extract_strided_slice %dot_general3A_2824 {offsets = [24, 0], sizes = [1, 1024], strides = [1, 1]} : vector<32x1024xf32> to vector<1x1024xf32>
    %add3A_3140 = vector.broadcast %slice3A_3139 : vector<1x1024xf32> to vector<32x1024xf32>
    %add3A_3141 = arith.addf %add3A_3140, %dot_general3A_2826 : vector<32x1024xf32>
    %swap3A_3142 = arith.constant 1 : i32
    %swap3A_3143 = arith.constant 0 : i32
    %swap3A_3144 = arith.constant 0 : i32
    %swap3A_3145 = tpu.memref_slice %arg3[%swap3A_3142, %swap3A_3143, %swap3A_3144] : memref<2x1024x1024xf32, #tpu.memory_space<vmem>> -> memref<1x1024x1024xf32, #tpu.memory_space<vmem>>
    %swap3A_3146 = arith.constant 0 : index
    %swap3A_3147 = arith.constant 768 : index
    %swap3A_3148 = arith.constant 0 : index
    %swap3A_3149 = vector.load %swap3A_3145[%swap3A_3146, %swap3A_3147, %swap3A_3148] : memref<1x1024x1024xf32, #tpu.memory_space<vmem>>, vector<1x32x1024xf32>
    %swap3A_3150 = vector.shape_cast %swap3A_3149 : vector<1x32x1024xf32> to vector<32x1024xf32>
    %swap3A_3151 = vector.shape_cast %add3A_3141 : vector<32x1024xf32> to vector<1x32x1024xf32>
    tpu.vector_store %swap3A_3145[%swap3A_3146, %swap3A_3147, %swap3A_3148], %swap3A_3151 {strides = array<i32>} : memref<1x1024x1024xf32, #tpu.memory_space<vmem>>, vector<1x32x1024xf32>,
    %slice3A_3152 = vector.extract_strided_slice %dot_general3A_2824 {offsets = [25, 0], sizes = [1, 1024], strides = [1, 1]} : vector<32x1024xf32> to vector<1x1024xf32>
    %add3A_3153 = vector.broadcast %slice3A_3152 : vector<1x1024xf32> to vector<32x1024xf32>
    %add3A_3154 = arith.addf %add3A_3153, %dot_general3A_2826 : vector<32x1024xf32>
    %swap3A_3155 = arith.constant 1 : i32
    %swap3A_3156 = arith.constant 0 : i32
    %swap3A_3157 = arith.constant 0 : i32
    %swap3A_3158 = tpu.memref_slice %arg3[%swap3A_3155, %swap3A_3156, %swap3A_3157] : memref<2x1024x1024xf32, #tpu.memory_space<vmem>> -> memref<1x1024x1024xf32, #tpu.memory_space<vmem>>
    %swap3A_3159 = arith.constant 0 : index
    %swap3A_3160 = arith.constant 800 : index
    %swap3A_3161 = arith.constant 0 : index
    %swap3A_3162 = vector.load %swap3A_3158[%swap3A_3159, %swap3A_3160, %swap3A_3161] : memref<1x1024x1024xf32, #tpu.memory_space<vmem>>, vector<1x32x1024xf32>
    %swap3A_3163 = vector.shape_cast %swap3A_3162 : vector<1x32x1024xf32> to vector<32x1024xf32>
    %swap3A_3164 = vector.shape_cast %add3A_3154 : vector<32x1024xf32> to vector<1x32x1024xf32>
    tpu.vector_store %swap3A_3158[%swap3A_3159, %swap3A_3160, %swap3A_3161], %swap3A_3164 {strides = array<i32>} : memref<1x1024x1024xf32, #tpu.memory_space<vmem>>, vector<1x32x1024xf32>,
    %slice3A_3165 = vector.extract_strided_slice %dot_general3A_2824 {offsets = [26, 0], sizes = [1, 1024], strides = [1, 1]} : vector<32x1024xf32> to vector<1x1024xf32>
    %add3A_3166 = vector.broadcast %slice3A_3165 : vector<1x1024xf32> to vector<32x1024xf32>
    %add3A_3167 = arith.addf %add3A_3166, %dot_general3A_2826 : vector<32x1024xf32>
    %swap3A_3168 = arith.constant 1 : i32
    %swap3A_3169 = arith.constant 0 : i32
    %swap3A_3170 = arith.constant 0 : i32
    %swap3A_3171 = tpu.memref_slice %arg3[%swap3A_3168, %swap3A_3169, %swap3A_3170] : memref<2x1024x1024xf32, #tpu.memory_space<vmem>> -> memref<1x1024x1024xf32, #tpu.memory_space<vmem>>
    %swap3A_3172 = arith.constant 0 : index
    %swap3A_3173 = arith.constant 832 : index
    %swap3A_3174 = arith.constant 0 : index
    %swap3A_3175 = vector.load %swap3A_3171[%swap3A_3172, %swap3A_3173, %swap3A_3174] : memref<1x1024x1024xf32, #tpu.memory_space<vmem>>, vector<1x32x1024xf32>
    %swap3A_3176 = vector.shape_cast %swap3A_3175 : vector<1x32x1024xf32> to vector<32x1024xf32>
    %swap3A_3177 = vector.shape_cast %add3A_3167 : vector<32x1024xf32> to vector<1x32x1024xf32>
    tpu.vector_store %swap3A_3171[%swap3A_3172, %swap3A_3173, %swap3A_3174], %swap3A_3177 {strides = array<i32>} : memref<1x1024x1024xf32, #tpu.memory_space<vmem>>, vector<1x32x1024xf32>,
    %slice3A_3178 = vector.extract_strided_slice %dot_general3A_2824 {offsets = [27, 0], sizes = [1, 1024], strides = [1, 1]} : vector<32x1024xf32> to vector<1x1024xf32>
    %add3A_3179 = vector.broadcast %slice3A_3178 : vector<1x1024xf32> to vector<32x1024xf32>
    %add3A_3180 = arith.addf %add3A_3179, %dot_general3A_2826 : vector<32x1024xf32>
    %swap3A_3181 = arith.constant 1 : i32
    %swap3A_3182 = arith.constant 0 : i32
    %swap3A_3183 = arith.constant 0 : i32
    %swap3A_3184 = tpu.memref_slice %arg3[%swap3A_3181, %swap3A_3182, %swap3A_3183] : memref<2x1024x1024xf32, #tpu.memory_space<vmem>> -> memref<1x1024x1024xf32, #tpu.memory_space<vmem>>
    %swap3A_3185 = arith.constant 0 : index
    %swap3A_3186 = arith.constant 864 : index
    %swap3A_3187 = arith.constant 0 : index
    %swap3A_3188 = vector.load %swap3A_3184[%swap3A_3185, %swap3A_3186, %swap3A_3187] : memref<1x1024x1024xf32, #tpu.memory_space<vmem>>, vector<1x32x1024xf32>
    %swap3A_3189 = vector.shape_cast %swap3A_3188 : vector<1x32x1024xf32> to vector<32x1024xf32>
    %swap3A_3190 = vector.shape_cast %add3A_3180 : vector<32x1024xf32> to vector<1x32x1024xf32>
    tpu.vector_store %swap3A_3184[%swap3A_3185, %swap3A_3186, %swap3A_3187], %swap3A_3190 {strides = array<i32>} : memref<1x1024x1024xf32, #tpu.memory_space<vmem>>, vector<1x32x1024xf32>,
    %slice3A_3191 = vector.extract_strided_slice %dot_general3A_2824 {offsets = [28, 0], sizes = [1, 1024], strides = [1, 1]} : vector<32x1024xf32> to vector<1x1024xf32>
    %add3A_3192 = vector.broadcast %slice3A_3191 : vector<1x1024xf32> to vector<32x1024xf32>
    %add3A_3193 = arith.addf %add3A_3192, %dot_general3A_2826 : vector<32x1024xf32>
    %swap3A_3194 = arith.constant 1 : i32
    %swap3A_3195 = arith.constant 0 : i32
    %swap3A_3196 = arith.constant 0 : i32
    %swap3A_3197 = tpu.memref_slice %arg3[%swap3A_3194, %swap3A_3195, %swap3A_3196] : memref<2x1024x1024xf32, #tpu.memory_space<vmem>> -> memref<1x1024x1024xf32, #tpu.memory_space<vmem>>
    %swap3A_3198 = arith.constant 0 : index
    %swap3A_3199 = arith.constant 896 : index
    %swap3A_3200 = arith.constant 0 : index
    %swap3A_3201 = vector.load %swap3A_3197[%swap3A_3198, %swap3A_3199, %swap3A_3200] : memref<1x1024x1024xf32, #tpu.memory_space<vmem>>, vector<1x32x1024xf32>
    %swap3A_3202 = vector.shape_cast %swap3A_3201 : vector<1x32x1024xf32> to vector<32x1024xf32>
    %swap3A_3203 = vector.shape_cast %add3A_3193 : vector<32x1024xf32> to vector<1x32x1024xf32>
    tpu.vector_store %swap3A_3197[%swap3A_3198, %swap3A_3199, %swap3A_3200], %swap3A_3203 {strides = array<i32>} : memref<1x1024x1024xf32, #tpu.memory_space<vmem>>, vector<1x32x1024xf32>,
    %slice3A_3204 = vector.extract_strided_slice %dot_general3A_2824 {offsets = [29, 0], sizes = [1, 1024], strides = [1, 1]} : vector<32x1024xf32> to vector<1x1024xf32>
    %add3A_3205 = vector.broadcast %slice3A_3204 : vector<1x1024xf32> to vector<32x1024xf32>
    %add3A_3206 = arith.addf %add3A_3205, %dot_general3A_2826 : vector<32x1024xf32>
    %swap3A_3207 = arith.constant 1 : i32
    %swap3A_3208 = arith.constant 0 : i32
    %swap3A_3209 = arith.constant 0 : i32
    %swap3A_3210 = tpu.memref_slice %arg3[%swap3A_3207, %swap3A_3208, %swap3A_3209] : memref<2x1024x1024xf32, #tpu.memory_space<vmem>> -> memref<1x1024x1024xf32, #tpu.memory_space<vmem>>
    %swap3A_3211 = arith.constant 0 : index
    %swap3A_3212 = arith.constant 928 : index
    %swap3A_3213 = arith.constant 0 : index
    %swap3A_3214 = vector.load %swap3A_3210[%swap3A_3211, %swap3A_3212, %swap3A_3213] : memref<1x1024x1024xf32, #tpu.memory_space<vmem>>, vector<1x32x1024xf32>
    %swap3A_3215 = vector.shape_cast %swap3A_3214 : vector<1x32x1024xf32> to vector<32x1024xf32>
    %swap3A_3216 = vector.shape_cast %add3A_3206 : vector<32x1024xf32> to vector<1x32x1024xf32>
    tpu.vector_store %swap3A_3210[%swap3A_3211, %swap3A_3212, %swap3A_3213], %swap3A_3216 {strides = array<i32>} : memref<1x1024x1024xf32, #tpu.memory_space<vmem>>, vector<1x32x1024xf32>,
    %slice3A_3217 = vector.extract_strided_slice %dot_general3A_2824 {offsets = [30, 0], sizes = [1, 1024], strides = [1, 1]} : vector<32x1024xf32> to vector<1x1024xf32>
    %add3A_3218 = vector.broadcast %slice3A_3217 : vector<1x1024xf32> to vector<32x1024xf32>
    %add3A_3219 = arith.addf %add3A_3218, %dot_general3A_2826 : vector<32x1024xf32>
    %swap3A_3220 = arith.constant 1 : i32
    %swap3A_3221 = arith.constant 0 : i32
    %swap3A_3222 = arith.constant 0 : i32
    %swap3A_3223 = tpu.memref_slice %arg3[%swap3A_3220, %swap3A_3221, %swap3A_3222] : memref<2x1024x1024xf32, #tpu.memory_space<vmem>> -> memref<1x1024x1024xf32, #tpu.memory_space<vmem>>
    %swap3A_3224 = arith.constant 0 : index
    %swap3A_3225 = arith.constant 960 : index
    %swap3A_3226 = arith.constant 0 : index
    %swap3A_3227 = vector.load %swap3A_3223[%swap3A_3224, %swap3A_3225, %swap3A_3226] : memref<1x1024x1024xf32, #tpu.memory_space<vmem>>, vector<1x32x1024xf32>
    %swap3A_3228 = vector.shape_cast %swap3A_3227 : vector<1x32x1024xf32> to vector<32x1024xf32>
    %swap3A_3229 = vector.shape_cast %add3A_3219 : vector<32x1024xf32> to vector<1x32x1024xf32>
    tpu.vector_store %swap3A_3223[%swap3A_3224, %swap3A_3225, %swap3A_3226], %swap3A_3229 {strides = array<i32>} : memref<1x1024x1024xf32, #tpu.memory_space<vmem>>, vector<1x32x1024xf32>,
    %slice3A_3230 = vector.extract_strided_slice %dot_general3A_2824 {offsets = [31, 0], sizes = [1, 1024], strides = [1, 1]} : vector<32x1024xf32> to vector<1x1024xf32>
    %add3A_3231 = vector.broadcast %slice3A_3230 : vector<1x1024xf32> to vector<32x1024xf32>
    %add3A_3232 = arith.addf %add3A_3231, %dot_general3A_2826 : vector<32x1024xf32>
    %swap3A_3233 = arith.constant 1 : i32
    %swap3A_3234 = arith.constant 0 : i32
    %swap3A_3235 = arith.constant 0 : i32
    %swap3A_3236 = tpu.memref_slice %arg3[%swap3A_3233, %swap3A_3234, %swap3A_3235] : memref<2x1024x1024xf32, #tpu.memory_space<vmem>> -> memref<1x1024x1024xf32, #tpu.memory_space<vmem>>
    %swap3A_3237 = arith.constant 0 : index
    %swap3A_3238 = arith.constant 992 : index
    %swap3A_3239 = arith.constant 0 : index
    %swap3A_3240 = vector.load %swap3A_3236[%swap3A_3237, %swap3A_3238, %swap3A_3239] : memref<1x1024x1024xf32, #tpu.memory_space<vmem>>, vector<1x32x1024xf32>
    %swap3A_3241 = vector.shape_cast %swap3A_3240 : vector<1x32x1024xf32> to vector<32x1024xf32>
    %swap3A_3242 = vector.shape_cast %add3A_3232 : vector<32x1024xf32> to vector<1x32x1024xf32>
    tpu.vector_store %swap3A_3236[%swap3A_3237, %swap3A_3238, %swap3A_3239], %swap3A_3242 {strides = array<i32>} : memref<1x1024x1024xf32, #tpu.memory_space<vmem>>, vector<1x32x1024xf32>,
    return
  }
  func.func @transform_0(%arg0: i32) -> (i32, i32, i32) {
    %c0_i32 = arith.constant 0 : i32
    %c0_i32_0 = arith.constant 0 : i32
    %c0_i32_1 = arith.constant 0 : i32
    %c0_i32_2 = arith.constant 0 : i32
    return %c0_i32, %c0_i32_0, %c0_i32_1 : i32, i32, i32
  }
  func.func @transform_1(%arg0: i32) -> (i32, i32, i32) {
    %c0_i32 = arith.constant 0 : i32
    %c0_i32_0 = arith.constant 0 : i32
    %c0_i32_1 = arith.constant 0 : i32
    %c0_i32_2 = arith.constant 0 : i32
    return %c0_i32, %c0_i32_0, %c0_i32_1 : i32, i32, i32
  }
  func.func @transform_2(%arg0: i32) -> (i32, i32, i32) {
    %c0_i32 = arith.constant 0 : i32
    %c0_i32_0 = arith.constant 0 : i32
    %c0_i32_1 = arith.constant 0 : i32
    return %arg0, %c0_i32, %c0_i32_0 : i32, i32, i32
  }
}

</mosaic_0001>

<sc_bundles>
// kernel: kernel.5.cloned.1.call-start
scs
__scs_entry_jumppad:
0x0: {  	(pc) =	sbr.rel $0x88, $3  }
0x1: {  	(tag) =	ssettag $0x0;
	lr =	simm.s32 $0x1  }
0x2: {  	[smem:$0x3F9F] =	sst lr;
	_ =	strace $0xD0000000  }
0x3: {  	_ = 	snop  }
0x4: {  	_ = 	snop  }
0x5: {  	_ = 	snop  }
0x6: {  	_ = 	snop  }
0x7: {  	_ = 	snop  }
__scs_overlays_trampoline_lowered:
0x8: {  	[smem:$0x3FAE] =	sst s0  }
0x9: {  	[smem:$0x3FAF] =	sst s1  }
0xa: {  	[smem:$0x3FB0] =	sst s2  }
0xb: {  	[smem:$0x3FB1] =	sst s3  }
0xc: {  	[smem:$0x3FB2] =	sst s4  }
0xd: {  	[smem:$0x3FB3] =	sst s5  }
0xe: {  	[smem:$0x3FB4] =	sst s6  }
0xf: {  	[smem:$0x3FB5] =	sst s7  }
0x10: {  	[smem:$0x3FB6] =	sst s8  }
0x11: {  	[smem:$0x3FB7] =	sst s9;
	s0 =	simm.s32 @!p0 $0x0  }
0x12: {  	s1 =	sld [smem:$0x3F9D];
	s0 =	simm.s32 @p0 $0x1  }
0x13: {  	[smem:$0x3FB8] =	sst s0;
	s0 =	simm.s32 @!p1 $0x0  }
0x14: {  	s2 =	sld [smem:$0x3F9C];
	s0 =	simm.s32 @p1 $0x1  }
0x15: {  	[smem:$0x3FB9] =	sst s0;
	s0 =	simm.s32 @!p2 $0x0  }
0x16: {  	s3 =	sld [smem:$0x3FDB];
	s0 =	simm.s32 @p2 $0x1  }
0x17: {  	s4 =	simm.s32 $0x1BF5;
	[smem:$0x3FBB] =	sst s0  }
0x18: {  	s0 =	sld [smem:$0x3F9E];
	_ =	swait.ge [sflag:s4], $0x0  }
0x19: {  	s7 =	sld [smem:$0x3F9F]  }
0x1a: {  	s8 =	sadd.s32 $0xFFFFE003, lr  }
0x1b: {  	s9 =	sadd.s32 $0xFFFFFEF7, lr;
	s5 =	simm.s32 $0xFFFFFFFF;
	p2 =	slt.u32 s8, $0xFFFFF086  }
0x1c: {  	p1 =	slt.u32 s9, $0xF7A;
	s5 =	simm.s32 @!p2 $0x0  }
0x1d: {  	s5 =	simm.s32 @p1 $0x1;
	p0 =	seq.s32 s7, s2  }
0x1e: {  	s7 =	smul.u32 @!p0 $0xF7A, s2;
	p2 =	seq.s32 @!p0 s5, $0x0  }
0x1f: {  	s9 =	smul.u32 $0xF7A, s1;
	s8 =	simm.s32 @!p0 $0x1BF5;
	p2 =	por !p2, p0  }
0x20: {  	[sflag:s8] =	ssyncset.s32 @!p0 $0xFFFFF086;
	s6 =	sadd.s32 @!p0 s3, s7;
	s7 =	simm.s32 @!p0 $0x108  }
0x21: {  	s3 =	sadd.s32 s3, s9;
	s6 =	sadd.s32 @!p0 $0x88, s6;
	s7 =	simm.s32 @p2 $0x1082  }
0x22: {  	[simem:s7], [sflag:s8] =	dma.local @!p0 [hbm:s6], $0xF7A  }
0x23: {  	s9 =	sor.u32 $0xD0000000, s2;
	s6 =	simm.s32 $0x108;
	_ =	swait.ge @!p0 [sflag:s8], $0x0  }
0x24: {  	s3 =	sadd.s32 $0x88, s3;
	s6 =	simm.s32 @!p1 $0x1082;
	[sflag:s4] =	ssyncset.s32 $0xFFFFF086  }
0x25: {  	[simem:s6], [sflag:s4] =	dma.local [hbm:s3], $0xF7A  }
0x26: {  	[smem:$0x3F9F] =	sst s1;
	(tag) =	ssettag s2;
	_ =	strace s9  }
0x27: {  	s1 =	sld [smem:$0x3FAF]  }
0x28: {  	s2 =	sld [smem:$0x3FB0]  }
0x29: {  	s4 =	sld [smem:$0x3FB2]  }
0x2a: {  	p0 =	seq.s32 s5, $0x0;
	s5 =	sld [smem:$0x3FB3]  }
0x2b: {  	s6 =	sld [smem:$0x3FB4]  }
0x2c: {  	s7 =	sld [smem:$0x3FB5]  }
0x2d: {  	s3 =	simm.s32 $0x108;
	s8 =	sld [smem:$0x3FB6]  }
0x2e: {  	s3 =	simm.s32 @!p0 $0x1082;
	s9 =	sld [smem:$0x3FB7]  }
0x2f: {  	lr =	sadd.s32 s0, s3;
	s0 =	sld [smem:$0x3FAE]  }
0x30: {  	s3 =	sld [smem:$0x3FB1]  }
0x31: {  	[smem:$0x3FBA] =	sst s10  }
0x32: {  	s10 =	sld [smem:$0x3FB8];
	_ =	sdelay $0x3  }
0x33: {  	p0 =	seq.s32 s10, $0x1;
	s10 =	sld [smem:$0x3FBA];
	_ =	sdelay $0x3  }
0x34: {  	[smem:$0x3FBA] =	sst s10  }
0x35: {  	s10 =	sld [smem:$0x3FB9];
	_ =	sdelay $0x3  }
0x36: {  	p1 =	seq.s32 s10, $0x1;
	s10 =	sld [smem:$0x3FBA];
	_ =	sdelay $0x3  }
0x37: {  	[smem:$0x3FBA] =	sst s10  }
0x38: {  	s10 =	sld [smem:$0x3FBB]  }
0x39: {  	_ = 	snop;
	(pc) =	sbr.ind lr, $3  }
0x3a: {  	_ = 	snop  }
0x3b: {  	_ = 	snop  }
0x3c: {  	p2 =	seq.s32 s10, $0x1;
	s10 =	sld [smem:$0x3FBA]  }
0x3d: {  	_ =	shalt  }
0x3e: {  	_ =	shalt  }
0x3f: {  	_ =	shalt  }
0x40: {  	_ =	shalt  }
0x41: {  	_ =	shalt  }
0x42: {  	_ =	shalt  }
0x43: {  	_ =	shalt  }
0x44: {  	_ =	shalt  }
0x45: {  	_ =	shalt  }
0x46: {  	_ =	shalt  }
0x47: {  	_ =	shalt  }
0x48: {  	_ =	shalt  }
0x49: {  	_ =	shalt  }
0x4a: {  	_ =	shalt  }
0x4b: {  	_ =	shalt  }
0x4c: {  	_ =	shalt  }
0x4d: {  	_ =	shalt  }
0x4e: {  	_ =	shalt  }
0x4f: {  	_ =	shalt  }
0x50: {  	_ =	shalt  }
0x51: {  	_ =	shalt  }
0x52: {  	_ =	shalt  }
0x53: {  	_ =	shalt  }
0x54: {  	_ =	shalt  }
0x55: {  	_ =	shalt  }
0x56: {  	_ =	shalt  }
0x57: {  	_ =	shalt  }
0x58: {  	_ =	shalt  }
0x59: {  	_ =	shalt  }
0x5a: {  	_ =	shalt  }
0x5b: {  	_ =	shalt  }
0x5c: {  	_ =	shalt  }
0x5d: {  	_ =	shalt  }
0x5e: {  	_ =	shalt  }
0x5f: {  	_ =	shalt  }
0x60: {  	_ =	shalt  }
0x61: {  	_ =	shalt  }
0x62: {  	_ =	shalt  }
0x63: {  	_ =	shalt  }
0x64: {  	_ =	shalt  }
0x65: {  	_ =	shalt  }
0x66: {  	_ =	shalt  }
0x67: {  	_ =	shalt  }
0x68: {  	_ =	shalt  }
0x69: {  	_ =	shalt  }
0x6a: {  	_ =	shalt  }
0x6b: {  	_ =	shalt  }
0x6c: {  	_ =	shalt  }
0x6d: {  	_ =	shalt  }
0x6e: {  	_ =	shalt  }
0x6f: {  	_ =	shalt  }
0x70: {  	_ =	shalt  }
0x71: {  	_ =	shalt  }
0x72: {  	_ =	shalt  }
0x73: {  	_ =	shalt  }
0x74: {  	_ =	shalt  }
0x75: {  	_ =	shalt  }
0x76: {  	_ =	shalt  }
0x77: {  	_ =	shalt  }
0x78: {  	_ =	shalt  }
0x79: {  	_ =	shalt  }
0x7a: {  	_ =	shalt  }
0x7b: {  	_ =	shalt  }
0x7c: {  	_ =	shalt  }
0x7d: {  	_ =	shalt  }
0x7e: {  	_ =	shalt  }
0x7f: {  	_ =	shalt  }
0x80: {  	_ =	shalt  }
0x81: {  	_ =	shalt  }
0x82: {  	_ =	shalt  }
0x83: {  	_ =	shalt  }
0x84: {  	_ =	shalt  }
0x85: {  	_ =	shalt  }
0x86: {  	_ =	shalt  }
0x87: {  	_ =	shalt  }
.Lfunc_end0:
.L_simem_size_0:
called_computation_lowered:
.L_overlay_start_0:
0x88: {  	s0 =	sld [smem:$0x3FD9]  }
0x89: {  	s1 =	sld [smem:$0x3FFE];
	_ =	sdelay $0x3  }
0x8a: {  	s0 =	sadd.s32 s1, s0  }
0x8b: {  	[smem:$0x3FC6] =	sst s0  }
0x8c: {  	_ = 	snop  }
0x8d: {  	(tm) =	ssettm $0x1  }
0x8e: {  	s15 =	sld [smem:$0x3FFB];
	_ =	sdelay $0x3  }
0x8f: {  	_ =	strace s15  }
0x90: {  	s0 =	sld [smem:$0x3FFC];
	_ =	sdelay $0x3  }
0x91: {  	_ =	strace s0  }
0x92: {  	s0 =	sld [smem:$0x3FFD];
	_ =	sdelay $0x3  }
0x93: {  	_ =	strace s0  }
0x94: {  	_ =	strace $0x8FFFFFFF  }
0x95: {  	s16 =	sld [smem:$0x3FDB];
	_ =	sdelay $0x1  }
0x96: {  	s17 =	simm.s32 $_scs_section_size  }
0x97: {  	s2 =	simm.s32 $_size__tile_overlayer_lowered;
	s3 =	simm.s32 $_tile_overlayer_lowered  }
0x98: {  	s20 =	simm.s32 $0x1BFF;
	s19 =	sshll.u32 s3, $0x1;
	s0 =	sadd.s32 s17, s16  }
0x99: {  	s4 =	simm.s32 $0x0;
	s18 =	sshll.u32 s2, $0x1;
	s2 =	sadd.s32 s19, s0  }
0x9a: {  	[timem:s4], [sflag:s20] =	dma.local [hbm:s2], s18  }
0x9b: {  	_ =	swait.ge [sflag:s20], s18  }
0x9c: {  	s1 =	ssub.s32 $0x0, s18;
	[sflag:s20] =	ssyncset.done $0x0  }
0x9d: {  	[sflag:s20] =	ssyncadd.s32 s1;
	_ =	sdelay $0x1  }
0x9e: {  	s21 =	simm.s32 $0x1B8B  }
0x9f: {  	_ =	swait.ge [sflag:s21], $0x1  }
0xa0: {  	[sflag:s21] =	ssyncset.done $0x0  }
0xa1: {  	s23 =	simm.s32 $0x1B8E;
	s22 =	sld [smem:$0x3FFE];
	[sflag:s21] =	ssyncadd.s32 $0xFFFFFFFF  }
0xa2: {  	s24 =	simm.s32 $execute0_lowered;
	[smem:$0x3FD2] =	sst s23  }
0xa3: {  	s2 =	sshll.u32 s24, $0x1;
	_ =	strace $0x80000046;
	[dreg:$0x1] =	wrdreg $0xFFFFFFFF  }
0xa4: {  	s25 =	simm.s32 $_size_execute0_lowered;
	s0 =	sadd.s32 s0, s2;
	[dreg:$0x0] =	wrdreg $0x0  }
0xa5: {  	s2 =	sshll.u32 s25, $0x1;
	[dreg:$0x2] =	wrdreg s0  }
0xa6: {  	[dreg:$0x3] =	wrdreg s2  }
0xa7: {  	[dreg:$0x4] =	wrdreg $0xC0  }
0xa8: {  	_ =	task [dreg:s4], $0x5FFFF  }
0xa9: {  	[dreg:$0x1] =	wrdreg $0xFFFFFFFF  }
0xaa: {  	[dreg:$0x0] =	wrdreg $0x60  }
0xab: {  	[dreg:$0x2] =	wrdreg s22  }
0xac: {  	[dreg:$0x3] =	wrdreg $0x9  }
0xad: {  	_ =	task.clear_ibuf [dreg:s4], $0x4FFFF;
	_ =	strace $0x90000046  }
0xae: {  	s26 =	simm.s32 $0x9;
	_ =	strace $0x80000048  }
0xaf: {  	_ =	swait.ge [sflag:s26], $0x1  }
0xb0: {  	[sflag:s26] =	ssyncadd.s32 $0xFFFFFFFF  }
0xb1: {  	_ =	strace $0x90000048  }
0xb2: {  	_ =	sfence  }
0xb3: {  	s28 =	sld [smem:$0x0];
	_ =	sdelay $0x1  }
0xb4: {  	s29 =	srdreg.scid  }
0xb5: {  	s30 =	sshll.u32 s29, $0xD;
	s31 =	sshrl.u32 s29, $0x2  }
0xb6: {  	s1 =	sand.u32 $0x1, s29;
	s2 =	sand.u32 $0x4000, s30;
	s0 =	sadd.s32 s31, s28  }
0xb7: {  	s1 =	sor.u32 s2, s1;
	s0 =	sshll.u32 s0, $0x11  }
0xb8: {  	s0 =	sor.u32 s0, s1  }
0xb9: {  	s0 =	sadd.s32 $0x8F2B, s0  }
0xba: {  	[sflag:s0] =	ssyncadd.remote.s32 $0x1  }
0xbb: {  	_ =	sfence.sel $0xFFFF  }
0xbc: {  	[dreg:$0x0] =	wrdreg $0xFFFFFFFF;
	(pc) =	sbr.abs _section_cstart, $3  }
0xbd: {  	[dreg:$0x1] =	wrdreg $0xFFFFFFFF  }
0xbe: {  	_ =	task.clear_ibuf [dreg:s4], $0x2FFFF;
	_ =	strace $0x9FFFFFFF  }
0xbf: {  	(tm) =	ssettm $0x7FFFFFFF  }
tec
execute0_lowered:
.L_overlay_start_1:
0x0: {  	(tag) =	ssettag $0x1  }
0x1: {  	s1 =	stileid.u32  }
0x2: {  	s4 =	rddreg [dreg:$0x0];
	v0 =	vlaneseq.u32;
	s3 =	sadd.s32 $0x1F, s1  }
0x3: {  	s0 =	rddreg [dreg:$0x1];
	s2 =	simm.s32 $0x0;
	v32 =	vmul.u32 $0xFFFFFF80, v0;
	v1 =	vmov s3  }
0x4: {  	[smem:$0x7FF] =	sst s2;
	v57 =	vshll.u32 v1, $0x7  }
0x5: {  	s28 =	simm.s32 $0x1;
	s26 =	sadd.s32 $0x1000, s4;
	_ =	strace $0x80000047;
	v0 =	vadd.s32 v32, v57  }
0x6: {  	[tilespmem:s2], [sflag:$0x1] =	stream.linear.gather [hbm4b:s26+s2], $0x1F80, $0x38;
	[tilespmem:$0x3000] =	vst v63  }
0x7: {  	_ =	swait.ge [sflag:s28], $0x1F80  }
0x8: {  	[sflag:s28] =	ssyncset.done $0x0  }
0x9: {  	[sflag:s28] =	ssyncadd.s32 $0xFFFFE080  }
0xa: {  	v2 =	vld.idx.msk [tilespmem:v0+s2+$0x0], $0xffff  }
0xb: {  	v1 =	vor.u32 $0x10, v0;
	_ =	sdelay $0x3  }
0xc: {  	[tilespmem:$0x2000] =	vst v2  }
0xd: {  	v3 =	vld.idx.msk [tilespmem:v1+s2+$0x0], $0xffff  }
0xe: {  	v2 =	vor.u32 $0x1, v0;
	_ =	sdelay $0x3  }
0xf: {  	[tilespmem:$0x2800] =	vst v3  }
0x10: {  	v4 =	vld.idx.msk [tilespmem:v2+s2+$0x0], $0xffff  }
0x11: {  	v3 =	vor.u32 $0x11, v0;
	_ =	sdelay $0x3  }
0x12: {  	[tilespmem:$0x2080] =	vst v4  }
0x13: {  	v5 =	vld.idx.msk [tilespmem:v3+s2+$0x0], $0xffff  }
0x14: {  	v4 =	vor.u32 $0x2, v0;
	_ =	sdelay $0x3  }
0x15: {  	[tilespmem:$0x2880] =	vst v5  }
0x16: {  	v6 =	vld.idx.msk [tilespmem:v4+s2+$0x0], $0xffff  }
0x17: {  	v5 =	vor.u32 $0x12, v0;
	_ =	sdelay $0x3  }
0x18: {  	[tilespmem:$0x2100] =	vst v6  }
0x19: {  	v7 =	vld.idx.msk [tilespmem:v5+s2+$0x0], $0xffff  }
0x1a: {  	v6 =	vor.u32 $0x3, v0;
	_ =	sdelay $0x3  }
0x1b: {  	[tilespmem:$0x2900] =	vst v7  }
0x1c: {  	v8 =	vld.idx.msk [tilespmem:v6+s2+$0x0], $0xffff  }
0x1d: {  	v7 =	vor.u32 $0x13, v0;
	_ =	sdelay $0x3  }
0x1e: {  	[tilespmem:$0x2180] =	vst v8  }
0x1f: {  	v9 =	vld.idx.msk [tilespmem:v7+s2+$0x0], $0xffff  }
0x20: {  	v8 =	vor.u32 $0x4, v0;
	_ =	sdelay $0x3  }
0x21: {  	[tilespmem:$0x2980] =	vst v9  }
0x22: {  	v10 =	vld.idx.msk [tilespmem:v8+s2+$0x0], $0xffff  }
0x23: {  	v9 =	vor.u32 $0x14, v0;
	_ =	sdelay $0x3  }
0x24: {  	[tilespmem:$0x2200] =	vst v10  }
0x25: {  	v11 =	vld.idx.msk [tilespmem:v9+s2+$0x0], $0xffff  }
0x26: {  	v10 =	vor.u32 $0x5, v0;
	_ =	sdelay $0x3  }
0x27: {  	[tilespmem:$0x2A00] =	vst v11  }
0x28: {  	v12 =	vld.idx.msk [tilespmem:v10+s2+$0x0], $0xffff  }
0x29: {  	v11 =	vor.u32 $0x15, v0;
	_ =	sdelay $0x3  }
0x2a: {  	[tilespmem:$0x2280] =	vst v12  }
0x2b: {  	v13 =	vld.idx.msk [tilespmem:v11+s2+$0x0], $0xffff  }
0x2c: {  	v12 =	vor.u32 $0x6, v0;
	_ =	sdelay $0x3  }
0x2d: {  	[tilespmem:$0x2A80] =	vst v13  }
0x2e: {  	v14 =	vld.idx.msk [tilespmem:v12+s2+$0x0], $0xffff  }
0x2f: {  	v13 =	vor.u32 $0x16, v0;
	_ =	sdelay $0x3  }
0x30: {  	[tilespmem:$0x2300] =	vst v14  }
0x31: {  	v15 =	vld.idx.msk [tilespmem:v13+s2+$0x0], $0xffff  }
0x32: {  	v14 =	vor.u32 $0x7, v0;
	_ =	sdelay $0x3  }
0x33: {  	[tilespmem:$0x2B00] =	vst v15  }
0x34: {  	v16 =	vld.idx.msk [tilespmem:v14+s2+$0x0], $0xffff  }
0x35: {  	v15 =	vor.u32 $0x17, v0;
	_ =	sdelay $0x3  }
0x36: {  	[tilespmem:$0x2380] =	vst v16  }
0x37: {  	v17 =	vld.idx.msk [tilespmem:v15+s2+$0x0], $0xffff  }
0x38: {  	v16 =	vor.u32 $0x8, v0;
	_ =	sdelay $0x3  }
0x39: {  	[tilespmem:$0x2B80] =	vst v17  }
0x3a: {  	v18 =	vld.idx.msk [tilespmem:v16+s2+$0x0], $0xffff  }
0x3b: {  	v17 =	vor.u32 $0x18, v0;
	_ =	sdelay $0x3  }
0x3c: {  	[tilespmem:$0x2400] =	vst v18  }
0x3d: {  	v19 =	vld.idx.msk [tilespmem:v17+s2+$0x0], $0xffff  }
0x3e: {  	v18 =	vor.u32 $0x9, v0;
	_ =	sdelay $0x3  }
0x3f: {  	[tilespmem:$0x2C00] =	vst v19  }
0x40: {  	v20 =	vld.idx.msk [tilespmem:v18+s2+$0x0], $0xffff  }
0x41: {  	v19 =	vor.u32 $0x19, v0;
	_ =	sdelay $0x3  }
0x42: {  	[tilespmem:$0x2480] =	vst v20  }
0x43: {  	v21 =	vld.idx.msk [tilespmem:v19+s2+$0x0], $0xffff  }
0x44: {  	v20 =	vor.u32 $0xA, v0;
	_ =	sdelay $0x3  }
0x45: {  	[tilespmem:$0x2C80] =	vst v21  }
0x46: {  	v22 =	vld.idx.msk [tilespmem:v20+s2+$0x0], $0xffff  }
0x47: {  	v21 =	vor.u32 $0x1A, v0;
	_ =	sdelay $0x3  }
0x48: {  	[tilespmem:$0x2500] =	vst v22  }
0x49: {  	v23 =	vld.idx.msk [tilespmem:v21+s2+$0x0], $0xffff  }
0x4a: {  	v22 =	vor.u32 $0xB, v0;
	_ =	sdelay $0x3  }
0x4b: {  	[tilespmem:$0x2D00] =	vst v23  }
0x4c: {  	v24 =	vld.idx.msk [tilespmem:v22+s2+$0x0], $0xffff  }
0x4d: {  	v23 =	vor.u32 $0x1B, v0;
	_ =	sdelay $0x3  }
0x4e: {  	[tilespmem:$0x2580] =	vst v24  }
0x4f: {  	v25 =	vld.idx.msk [tilespmem:v23+s2+$0x0], $0xffff  }
0x50: {  	v24 =	vor.u32 $0xC, v0;
	_ =	sdelay $0x3  }
0x51: {  	[tilespmem:$0x2D80] =	vst v25  }
0x52: {  	v26 =	vld.idx.msk [tilespmem:v24+s2+$0x0], $0xffff  }
0x53: {  	v25 =	vor.u32 $0x1C, v0;
	_ =	sdelay $0x3  }
0x54: {  	[tilespmem:$0x2600] =	vst v26  }
0x55: {  	v27 =	vld.idx.msk [tilespmem:v25+s2+$0x0], $0xffff  }
0x56: {  	v26 =	vor.u32 $0xD, v0;
	_ =	sdelay $0x3  }
0x57: {  	[tilespmem:$0x2E00] =	vst v27  }
0x58: {  	v28 =	vld.idx.msk [tilespmem:v26+s2+$0x0], $0xffff  }
0x59: {  	v27 =	vor.u32 $0x1D, v0;
	_ =	sdelay $0x3  }
0x5a: {  	[tilespmem:$0x2680] =	vst v28  }
0x5b: {  	v29 =	vld.idx.msk [tilespmem:v27+s2+$0x0], $0xffff  }
0x5c: {  	v28 =	vor.u32 $0xE, v0;
	_ =	sdelay $0x3  }
0x5d: {  	[tilespmem:$0x2E80] =	vst v29  }
0x5e: {  	v30 =	vld.idx.msk [tilespmem:v28+s2+$0x0], $0xffff  }
0x5f: {  	v29 =	vor.u32 $0x1E, v0;
	_ =	sdelay $0x3  }
0x60: {  	[tilespmem:$0x2700] =	vst v30  }
0x61: {  	v31 =	vld.idx.msk [tilespmem:v29+s2+$0x0], $0xffff  }
0x62: {  	v30 =	vor.u32 $0xF, v0;
	_ =	sdelay $0x3  }
0x63: {  	[tilespmem:$0x2F00] =	vst v31  }
0x64: {  	v33 =	vld.idx.msk [tilespmem:v30+s2+$0x0], $0xffff  }
0x65: {  	v31 =	vor.u32 $0x1F, v0;
	_ =	sdelay $0x2  }
0x66: {  	s5 =	sadd.s32 $0xF, s1  }
0x67: {  	v34 =	vmov s5;
	[tilespmem:$0x2780] =	vst v33  }
0x68: {  	v58 =	vshll.u32 v34, $0x7;
	v59 =	vld.idx.msk [tilespmem:v31+s2+$0x0], $0xffff  }
0x69: {  	v33 =	vadd.s32 v32, v58;
	_ =	sdelay $0x3  }
0x6a: {  	[tilespmem:$0x2F80] =	vst v59  }
0x6b: {  	v34 =	vld.idx.msk [tilespmem:v33+s2+$0x0], $0xffff  }
0x6c: {  	v35 =	vor.u32 $0x10, v33;
	_ =	sdelay $0x3  }
0x6d: {  	[tilespmem:$0x2010] =	vst v34  }
0x6e: {  	v34 =	vld.idx.msk [tilespmem:v35+s2+$0x0], $0xffff  }
0x6f: {  	v60 =	vor.u32 $0x1, v33;
	_ =	sdelay $0x3  }
0x70: {  	[tilespmem:$0x2810] =	vst v34  }
0x71: {  	v34 =	vld.idx.msk [tilespmem:v60+s2+$0x0], $0xffff  }
0x72: {  	v61 =	vor.u32 $0x11, v33;
	_ =	sdelay $0x3  }
0x73: {  	[tilespmem:$0x2090] =	vst v34  }
0x74: {  	v34 =	vld.idx.msk [tilespmem:v61+s2+$0x0], $0xffff  }
0x75: {  	v62 =	vor.u32 $0x2, v33;
	_ =	sdelay $0x3  }
0x76: {  	[tilespmem:$0x2890] =	vst v34  }
0x77: {  	v34 =	vld.idx.msk [tilespmem:v62+s2+$0x0], $0xffff  }
0x78: {  	v63 =	vor.u32 $0x12, v33;
	_ =	sdelay $0x3  }
0x79: {  	[tilespmem:$0x2110] =	vst v34  }
0x7a: {  	v34 =	vld.idx.msk [tilespmem:v63+s2+$0x0], $0xffff  }
0x7b: {  	v36 =	vor.u32 $0x3, v33;
	_ =	sdelay $0x3  }
0x7c: {  	[tilespmem:$0x2910] =	vst v34  }
0x7d: {  	v34 =	vld.idx.msk [tilespmem:v36+s2+$0x0], $0xffff  }
0x7e: {  	v37 =	vor.u32 $0x13, v33;
	_ =	sdelay $0x3  }
0x7f: {  	[tilespmem:$0x2190] =	vst v34  }
0x80: {  	v34 =	vld.idx.msk [tilespmem:v37+s2+$0x0], $0xffff  }
0x81: {  	v38 =	vor.u32 $0x4, v33;
	_ =	sdelay $0x3  }
0x82: {  	[tilespmem:$0x2990] =	vst v34  }
0x83: {  	v34 =	vld.idx.msk [tilespmem:v38+s2+$0x0], $0xffff  }
0x84: {  	v39 =	vor.u32 $0x14, v33;
	_ =	sdelay $0x3  }
0x85: {  	[tilespmem:$0x2210] =	vst v34  }
0x86: {  	v34 =	vld.idx.msk [tilespmem:v39+s2+$0x0], $0xffff  }
0x87: {  	v40 =	vor.u32 $0x5, v33;
	_ =	sdelay $0x3  }
0x88: {  	[tilespmem:$0x2A10] =	vst v34  }
0x89: {  	v34 =	vld.idx.msk [tilespmem:v40+s2+$0x0], $0xffff  }
0x8a: {  	v41 =	vor.u32 $0x15, v33;
	_ =	sdelay $0x3  }
0x8b: {  	[tilespmem:$0x2290] =	vst v34  }
0x8c: {  	v34 =	vld.idx.msk [tilespmem:v41+s2+$0x0], $0xffff  }
0x8d: {  	v42 =	vor.u32 $0x6, v33;
	_ =	sdelay $0x3  }
0x8e: {  	[tilespmem:$0x2A90] =	vst v34  }
0x8f: {  	v34 =	vld.idx.msk [tilespmem:v42+s2+$0x0], $0xffff  }
0x90: {  	v43 =	vor.u32 $0x16, v33;
	_ =	sdelay $0x3  }
0x91: {  	[tilespmem:$0x2310] =	vst v34  }
0x92: {  	v34 =	vld.idx.msk [tilespmem:v43+s2+$0x0], $0xffff  }
0x93: {  	v44 =	vor.u32 $0x7, v33;
	_ =	sdelay $0x3  }
0x94: {  	[tilespmem:$0x2B10] =	vst v34  }
0x95: {  	v34 =	vld.idx.msk [tilespmem:v44+s2+$0x0], $0xffff  }
0x96: {  	v45 =	vor.u32 $0x17, v33;
	_ =	sdelay $0x3  }
0x97: {  	[tilespmem:$0x2390] =	vst v34  }
0x98: {  	v34 =	vld.idx.msk [tilespmem:v45+s2+$0x0], $0xffff  }
0x99: {  	v46 =	vor.u32 $0x8, v33;
	_ =	sdelay $0x3  }
0x9a: {  	[tilespmem:$0x2B90] =	vst v34  }
0x9b: {  	v34 =	vld.idx.msk [tilespmem:v46+s2+$0x0], $0xffff  }
0x9c: {  	v47 =	vor.u32 $0x18, v33;
	_ =	sdelay $0x3  }
0x9d: {  	[tilespmem:$0x2410] =	vst v34  }
0x9e: {  	v34 =	vld.idx.msk [tilespmem:v47+s2+$0x0], $0xffff  }
0x9f: {  	v48 =	vor.u32 $0x9, v33;
	_ =	sdelay $0x3  }
0xa0: {  	[tilespmem:$0x2C10] =	vst v34  }
0xa1: {  	v34 =	vld.idx.msk [tilespmem:v48+s2+$0x0], $0xffff  }
0xa2: {  	v49 =	vor.u32 $0x19, v33;
	_ =	sdelay $0x3  }
0xa3: {  	[tilespmem:$0x2490] =	vst v34  }
0xa4: {  	v34 =	vld.idx.msk [tilespmem:v49+s2+$0x0], $0xffff  }
0xa5: {  	v50 =	vor.u32 $0xA, v33;
	_ =	sdelay $0x3  }
0xa6: {  	[tilespmem:$0x2C90] =	vst v34  }
0xa7: {  	v34 =	vld.idx.msk [tilespmem:v50+s2+$0x0], $0xffff  }
0xa8: {  	v51 =	vor.u32 $0x1A, v33;
	_ =	sdelay $0x3  }
0xa9: {  	[tilespmem:$0x2510] =	vst v34  }
0xaa: {  	v34 =	vld.idx.msk [tilespmem:v51+s2+$0x0], $0xffff  }
0xab: {  	v52 =	vor.u32 $0xB, v33;
	_ =	sdelay $0x3  }
0xac: {  	[tilespmem:$0x2D10] =	vst v34  }
0xad: {  	v34 =	vld.idx.msk [tilespmem:v52+s2+$0x0], $0xffff  }
0xae: {  	v53 =	vor.u32 $0x1B, v33;
	_ =	sdelay $0x3  }
0xaf: {  	[tilespmem:$0x2590] =	vst v34  }
0xb0: {  	v34 =	vld.idx.msk [tilespmem:v53+s2+$0x0], $0xffff  }
0xb1: {  	v54 =	vor.u32 $0xC, v33;
	_ =	sdelay $0x3  }
0xb2: {  	[tilespmem:$0x2D90] =	vst v34  }
0xb3: {  	v34 =	vld.idx.msk [tilespmem:v54+s2+$0x0], $0xffff  }
0xb4: {  	v55 =	vor.u32 $0x1C, v33;
	_ =	sdelay $0x3  }
0xb5: {  	[tilespmem:$0x2610] =	vst v34  }
0xb6: {  	v34 =	vld.idx.msk [tilespmem:v55+s2+$0x0], $0xffff  }
0xb7: {  	v56 =	vor.u32 $0xD, v33;
	_ =	sdelay $0x3  }
0xb8: {  	[tilespmem:$0x2E10] =	vst v34  }
0xb9: {  	v34 =	vld.idx.msk [tilespmem:v56+s2+$0x0], $0xffff  }
0xba: {  	v57 =	vor.u32 $0x1D, v33;
	_ =	sdelay $0x3  }
0xbb: {  	[tilespmem:$0x2690] =	vst v34  }
0xbc: {  	v34 =	vld.idx.msk [tilespmem:v57+s2+$0x0], $0xffff  }
0xbd: {  	v58 =	vor.u32 $0xE, v33;
	_ =	sdelay $0x3  }
0xbe: {  	[tilespmem:$0x2E90] =	vst v34  }
0xbf: {  	v34 =	vld.idx.msk [tilespmem:v58+s2+$0x0], $0xffff  }
0xc0: {  	v59 =	vor.u32 $0x1E, v33;
	_ =	sdelay $0x3  }
0xc1: {  	[tilespmem:$0x2710] =	vst v34  }
0xc2: {  	v34 =	vld.idx.msk [tilespmem:v59+s2+$0x0], $0xffff  }
0xc3: {  	v60 =	vor.u32 $0xF, v33;
	_ =	sdelay $0x3  }
0xc4: {  	[tilespmem:$0x2F10] =	vst v34  }
0xc5: {  	v34 =	vld.idx.msk [tilespmem:v60+s2+$0x0], $0xffff  }
0xc6: {  	v33 =	vor.u32 $0x1F, v33;
	_ =	sdelay $0x3  }
0xc7: {  	[tilespmem:$0x2790] =	vst v34  }
0xc8: {  	v33 =	vld.idx.msk [tilespmem:v33+s2+$0x0], $0xffff;
	_ =	sdelay $0x3  }
0xc9: {  	s29 =	sadd.s32 $0x1400, s4;
	s6 =	sshll.u32 s1, $0x8  }
0xca: {  	s7 =	simm.s32 $0x2000;
	s4 =	sadd.s32 $0x3400, s4;
	s8 =	sadd.s32 s29, s6;
	[tilespmem:$0x2F90] =	vst v33  }
0xcb: {  	[hbm4b:s8+s2] =	stream.linear.scatter [tilespmem:s7], [sflag:$0x1], $0x800, $0x38;
	[tilespmem:$0x3000] =	vst v63  }
0xcc: {  	s30 =	simm.s32 $0x2800;
	s10 =	sadd.s32 $0x2F, s1;
	s9 =	sadd.s32 s4, s6  }
0xcd: {  	v61 =	vmov s10;
	[hbm4b:s9+s2] =	stream.linear.scatter [tilespmem:s30], [sflag:$0x2], $0x800, $0x38;
	[tilespmem:$0x3000] =	vst v63  }
0xce: {  	v33 =	vshll.u32 v61, $0x7;
	_ =	swait.ge [sflag:s28], $0x800  }
0xcf: {  	v32 =	vadd.s32 v32, v33;
	[sflag:s28] =	ssyncset.done $0x0  }
0xd0: {  	s31 =	simm.s32 $0x2;
	[sflag:s28] =	ssyncadd.s32 $0xFFFFF800  }
0xd1: {  	_ =	swait.ge [sflag:s31], $0x800  }
0xd2: {  	[sflag:s31] =	ssyncset.done $0x0  }
0xd3: {  	[sflag:s31] =	ssyncadd.s32 $0xFFFFF800  }
0xd4: {  	v33 =	vld.idx.msk [tilespmem:v32+s2+$0x0], $0xffff  }
0xd5: {  	v62 =	vor.u32 $0x10, v32;
	_ =	sdelay $0x3  }
0xd6: {  	[tilespmem:$0x2000] =	vst v33  }
0xd7: {  	v33 =	vld.idx.msk [tilespmem:v62+s2+$0x0], $0xffff  }
0xd8: {  	v63 =	vor.u32 $0x1, v32;
	_ =	sdelay $0x3  }
0xd9: {  	[tilespmem:$0x2800] =	vst v33  }
0xda: {  	v33 =	vld.idx.msk [tilespmem:v63+s2+$0x0], $0xffff  }
0xdb: {  	v36 =	vor.u32 $0x11, v32;
	_ =	sdelay $0x3  }
0xdc: {  	[tilespmem:$0x2080] =	vst v33  }
0xdd: {  	v33 =	vld.idx.msk [tilespmem:v36+s2+$0x0], $0xffff  }
0xde: {  	v37 =	vor.u32 $0x2, v32;
	_ =	sdelay $0x3  }
0xdf: {  	[tilespmem:$0x2880] =	vst v33  }
0xe0: {  	v33 =	vld.idx.msk [tilespmem:v37+s2+$0x0], $0xffff  }
0xe1: {  	v38 =	vor.u32 $0x12, v32;
	_ =	sdelay $0x3  }
0xe2: {  	[tilespmem:$0x2100] =	vst v33  }
0xe3: {  	v33 =	vld.idx.msk [tilespmem:v38+s2+$0x0], $0xffff  }
0xe4: {  	v39 =	vor.u32 $0x3, v32;
	_ =	sdelay $0x3  }
0xe5: {  	[tilespmem:$0x2900] =	vst v33  }
0xe6: {  	v33 =	vld.idx.msk [tilespmem:v39+s2+$0x0], $0xffff  }
0xe7: {  	v40 =	vor.u32 $0x13, v32;
	_ =	sdelay $0x3  }
0xe8: {  	[tilespmem:$0x2180] =	vst v33  }
0xe9: {  	v33 =	vld.idx.msk [tilespmem:v40+s2+$0x0], $0xffff  }
0xea: {  	v41 =	vor.u32 $0x4, v32;
	_ =	sdelay $0x3  }
0xeb: {  	[tilespmem:$0x2980] =	vst v33  }
0xec: {  	v33 =	vld.idx.msk [tilespmem:v41+s2+$0x0], $0xffff  }
0xed: {  	v42 =	vor.u32 $0x14, v32;
	_ =	sdelay $0x3  }
0xee: {  	[tilespmem:$0x2200] =	vst v33  }
0xef: {  	v33 =	vld.idx.msk [tilespmem:v42+s2+$0x0], $0xffff  }
0xf0: {  	v43 =	vor.u32 $0x5, v32;
	_ =	sdelay $0x3  }
0xf1: {  	[tilespmem:$0x2A00] =	vst v33  }
0xf2: {  	v33 =	vld.idx.msk [tilespmem:v43+s2+$0x0], $0xffff  }
0xf3: {  	v44 =	vor.u32 $0x15, v32;
	_ =	sdelay $0x3  }
0xf4: {  	[tilespmem:$0x2280] =	vst v33  }
0xf5: {  	v33 =	vld.idx.msk [tilespmem:v44+s2+$0x0], $0xffff  }
0xf6: {  	v45 =	vor.u32 $0x6, v32;
	_ =	sdelay $0x3  }
0xf7: {  	[tilespmem:$0x2A80] =	vst v33  }
0xf8: {  	v33 =	vld.idx.msk [tilespmem:v45+s2+$0x0], $0xffff  }
0xf9: {  	v46 =	vor.u32 $0x16, v32;
	_ =	sdelay $0x3  }
0xfa: {  	[tilespmem:$0x2300] =	vst v33  }
0xfb: {  	v33 =	vld.idx.msk [tilespmem:v46+s2+$0x0], $0xffff  }
0xfc: {  	v47 =	vor.u32 $0x7, v32;
	_ =	sdelay $0x3  }
0xfd: {  	[tilespmem:$0x2B00] =	vst v33  }
0xfe: {  	v33 =	vld.idx.msk [tilespmem:v47+s2+$0x0], $0xffff  }
0xff: {  	v48 =	vor.u32 $0x17, v32;
	_ =	sdelay $0x3  }
0x100: {  	[tilespmem:$0x2380] =	vst v33  }
0x101: {  	v33 =	vld.idx.msk [tilespmem:v48+s2+$0x0], $0xffff  }
0x102: {  	v49 =	vor.u32 $0x8, v32;
	_ =	sdelay $0x3  }
0x103: {  	[tilespmem:$0x2B80] =	vst v33  }
0x104: {  	v33 =	vld.idx.msk [tilespmem:v49+s2+$0x0], $0xffff  }
0x105: {  	v50 =	vor.u32 $0x18, v32;
	_ =	sdelay $0x3  }
0x106: {  	[tilespmem:$0x2400] =	vst v33  }
0x107: {  	v33 =	vld.idx.msk [tilespmem:v50+s2+$0x0], $0xffff  }
0x108: {  	v51 =	vor.u32 $0x9, v32;
	_ =	sdelay $0x3  }
0x109: {  	[tilespmem:$0x2C00] =	vst v33  }
0x10a: {  	v33 =	vld.idx.msk [tilespmem:v51+s2+$0x0], $0xffff  }
0x10b: {  	v52 =	vor.u32 $0x19, v32;
	_ =	sdelay $0x3  }
0x10c: {  	[tilespmem:$0x2480] =	vst v33  }
0x10d: {  	v33 =	vld.idx.msk [tilespmem:v52+s2+$0x0], $0xffff  }
0x10e: {  	v53 =	vor.u32 $0xA, v32;
	_ =	sdelay $0x3  }
0x10f: {  	[tilespmem:$0x2C80] =	vst v33  }
0x110: {  	v33 =	vld.idx.msk [tilespmem:v53+s2+$0x0], $0xffff  }
0x111: {  	v54 =	vor.u32 $0x1A, v32;
	_ =	sdelay $0x3  }
0x112: {  	[tilespmem:$0x2500] =	vst v33  }
0x113: {  	v33 =	vld.idx.msk [tilespmem:v54+s2+$0x0], $0xffff  }
0x114: {  	v55 =	vor.u32 $0xB, v32;
	_ =	sdelay $0x3  }
0x115: {  	[tilespmem:$0x2D00] =	vst v33  }
0x116: {  	v33 =	vld.idx.msk [tilespmem:v55+s2+$0x0], $0xffff  }
0x117: {  	v56 =	vor.u32 $0x1B, v32;
	_ =	sdelay $0x3  }
0x118: {  	[tilespmem:$0x2580] =	vst v33  }
0x119: {  	v33 =	vld.idx.msk [tilespmem:v56+s2+$0x0], $0xffff  }
0x11a: {  	v57 =	vor.u32 $0xC, v32;
	_ =	sdelay $0x3  }
0x11b: {  	[tilespmem:$0x2D80] =	vst v33  }
0x11c: {  	v33 =	vld.idx.msk [tilespmem:v57+s2+$0x0], $0xffff  }
0x11d: {  	v58 =	vor.u32 $0x1C, v32;
	_ =	sdelay $0x3  }
0x11e: {  	[tilespmem:$0x2600] =	vst v33  }
0x11f: {  	v33 =	vld.idx.msk [tilespmem:v58+s2+$0x0], $0xffff  }
0x120: {  	v59 =	vor.u32 $0xD, v32;
	_ =	sdelay $0x3  }
0x121: {  	[tilespmem:$0x2E00] =	vst v33  }
0x122: {  	v33 =	vld.idx.msk [tilespmem:v59+s2+$0x0], $0xffff  }
0x123: {  	v60 =	vor.u32 $0x1D, v32;
	_ =	sdelay $0x3  }
0x124: {  	[tilespmem:$0x2680] =	vst v33  }
0x125: {  	v33 =	vld.idx.msk [tilespmem:v60+s2+$0x0], $0xffff  }
0x126: {  	v61 =	vor.u32 $0xE, v32;
	_ =	sdelay $0x3  }
0x127: {  	[tilespmem:$0x2E80] =	vst v33  }
0x128: {  	v33 =	vld.idx.msk [tilespmem:v61+s2+$0x0], $0xffff  }
0x129: {  	v62 =	vor.u32 $0x1E, v32;
	_ =	sdelay $0x3  }
0x12a: {  	[tilespmem:$0x2700] =	vst v33  }
0x12b: {  	v33 =	vld.idx.msk [tilespmem:v62+s2+$0x0], $0xffff  }
0x12c: {  	v63 =	vor.u32 $0xF, v32;
	_ =	sdelay $0x3  }
0x12d: {  	[tilespmem:$0x2F00] =	vst v33  }
0x12e: {  	v33 =	vld.idx.msk [tilespmem:v63+s2+$0x0], $0xffff  }
0x12f: {  	v32 =	vor.u32 $0x1F, v32;
	_ =	sdelay $0x3  }
0x130: {  	[tilespmem:$0x2780] =	vst v33  }
0x131: {  	v32 =	vld.idx.msk [tilespmem:v32+s2+$0x0], $0xffff;
	_ =	sdelay $0x4  }
0x132: {  	[tilespmem:$0x2F80] =	vst v32  }
0x133: {  	v0 =	vld.idx.msk [tilespmem:v0+s2+$0x0], $0xffff;
	_ =	sdelay $0x4  }
0x134: {  	[tilespmem:$0x2010] =	vst v0  }
0x135: {  	v0 =	vld.idx.msk [tilespmem:v1+s2+$0x0], $0xffff;
	_ =	sdelay $0x4  }
0x136: {  	[tilespmem:$0x2810] =	vst v0  }
0x137: {  	v0 =	vld.idx.msk [tilespmem:v2+s2+$0x0], $0xffff;
	_ =	sdelay $0x4  }
0x138: {  	[tilespmem:$0x2090] =	vst v0  }
0x139: {  	v0 =	vld.idx.msk [tilespmem:v3+s2+$0x0], $0xffff;
	_ =	sdelay $0x4  }
0x13a: {  	[tilespmem:$0x2890] =	vst v0  }
0x13b: {  	v0 =	vld.idx.msk [tilespmem:v4+s2+$0x0], $0xffff;
	_ =	sdelay $0x4  }
0x13c: {  	[tilespmem:$0x2110] =	vst v0  }
0x13d: {  	v0 =	vld.idx.msk [tilespmem:v5+s2+$0x0], $0xffff;
	_ =	sdelay $0x4  }
0x13e: {  	[tilespmem:$0x2910] =	vst v0  }
0x13f: {  	v0 =	vld.idx.msk [tilespmem:v6+s2+$0x0], $0xffff;
	_ =	sdelay $0x4  }
0x140: {  	[tilespmem:$0x2190] =	vst v0  }
0x141: {  	v0 =	vld.idx.msk [tilespmem:v7+s2+$0x0], $0xffff;
	_ =	sdelay $0x4  }
0x142: {  	[tilespmem:$0x2990] =	vst v0  }
0x143: {  	v0 =	vld.idx.msk [tilespmem:v8+s2+$0x0], $0xffff;
	_ =	sdelay $0x4  }
0x144: {  	[tilespmem:$0x2210] =	vst v0  }
0x145: {  	v0 =	vld.idx.msk [tilespmem:v9+s2+$0x0], $0xffff;
	_ =	sdelay $0x4  }
0x146: {  	[tilespmem:$0x2A10] =	vst v0  }
0x147: {  	v0 =	vld.idx.msk [tilespmem:v10+s2+$0x0], $0xffff;
	_ =	sdelay $0x4  }
0x148: {  	[tilespmem:$0x2290] =	vst v0  }
0x149: {  	v0 =	vld.idx.msk [tilespmem:v11+s2+$0x0], $0xffff;
	_ =	sdelay $0x4  }
0x14a: {  	[tilespmem:$0x2A90] =	vst v0  }
0x14b: {  	v0 =	vld.idx.msk [tilespmem:v12+s2+$0x0], $0xffff;
	_ =	sdelay $0x4  }
0x14c: {  	[tilespmem:$0x2310] =	vst v0  }
0x14d: {  	v0 =	vld.idx.msk [tilespmem:v13+s2+$0x0], $0xffff;
	_ =	sdelay $0x4  }
0x14e: {  	[tilespmem:$0x2B10] =	vst v0  }
0x14f: {  	v0 =	vld.idx.msk [tilespmem:v14+s2+$0x0], $0xffff;
	_ =	sdelay $0x4  }
0x150: {  	[tilespmem:$0x2390] =	vst v0  }
0x151: {  	v0 =	vld.idx.msk [tilespmem:v15+s2+$0x0], $0xffff;
	_ =	sdelay $0x4  }
0x152: {  	[tilespmem:$0x2B90] =	vst v0  }
0x153: {  	v0 =	vld.idx.msk [tilespmem:v16+s2+$0x0], $0xffff;
	_ =	sdelay $0x4  }
0x154: {  	[tilespmem:$0x2410] =	vst v0  }
0x155: {  	v0 =	vld.idx.msk [tilespmem:v17+s2+$0x0], $0xffff;
	_ =	sdelay $0x4  }
0x156: {  	[tilespmem:$0x2C10] =	vst v0  }
0x157: {  	v0 =	vld.idx.msk [tilespmem:v18+s2+$0x0], $0xffff;
	_ =	sdelay $0x4  }
0x158: {  	[tilespmem:$0x2490] =	vst v0  }
0x159: {  	v0 =	vld.idx.msk [tilespmem:v19+s2+$0x0], $0xffff;
	_ =	sdelay $0x4  }
0x15a: {  	[tilespmem:$0x2C90] =	vst v0  }
0x15b: {  	v0 =	vld.idx.msk [tilespmem:v20+s2+$0x0], $0xffff;
	_ =	sdelay $0x4  }
0x15c: {  	[tilespmem:$0x2510] =	vst v0  }
0x15d: {  	v0 =	vld.idx.msk [tilespmem:v21+s2+$0x0], $0xffff;
	_ =	sdelay $0x4  }
0x15e: {  	[tilespmem:$0x2D10] =	vst v0  }
0x15f: {  	v0 =	vld.idx.msk [tilespmem:v22+s2+$0x0], $0xffff;
	_ =	sdelay $0x4  }
0x160: {  	[tilespmem:$0x2590] =	vst v0  }
0x161: {  	v0 =	vld.idx.msk [tilespmem:v23+s2+$0x0], $0xffff;
	_ =	sdelay $0x4  }
0x162: {  	[tilespmem:$0x2D90] =	vst v0  }
0x163: {  	v0 =	vld.idx.msk [tilespmem:v24+s2+$0x0], $0xffff;
	_ =	sdelay $0x4  }
0x164: {  	[tilespmem:$0x2610] =	vst v0  }
0x165: {  	v0 =	vld.idx.msk [tilespmem:v25+s2+$0x0], $0xffff;
	_ =	sdelay $0x4  }
0x166: {  	[tilespmem:$0x2E10] =	vst v0  }
0x167: {  	v0 =	vld.idx.msk [tilespmem:v26+s2+$0x0], $0xffff;
	_ =	sdelay $0x4  }
0x168: {  	[tilespmem:$0x2690] =	vst v0  }
0x169: {  	v0 =	vld.idx.msk [tilespmem:v27+s2+$0x0], $0xffff;
	_ =	sdelay $0x4  }
0x16a: {  	[tilespmem:$0x2E90] =	vst v0  }
0x16b: {  	v0 =	vld.idx.msk [tilespmem:v28+s2+$0x0], $0xffff;
	_ =	sdelay $0x4  }
0x16c: {  	[tilespmem:$0x2710] =	vst v0  }
0x16d: {  	v0 =	vld.idx.msk [tilespmem:v29+s2+$0x0], $0xffff;
	_ =	sdelay $0x4  }
0x16e: {  	[tilespmem:$0x2F10] =	vst v0  }
0x16f: {  	v0 =	vld.idx.msk [tilespmem:v30+s2+$0x0], $0xffff;
	_ =	sdelay $0x4  }
0x170: {  	[tilespmem:$0x2790] =	vst v0  }
0x171: {  	v0 =	vld.idx.msk [tilespmem:v31+s2+$0x0], $0xffff;
	_ =	sdelay $0x3  }
0x172: {  	s6 =	sor.u32 $0x1000, s6  }
0x173: {  	s5 =	sadd.s32 s29, s6;
	[tilespmem:$0x2F90] =	vst v0  }
0x174: {  	[hbm4b:s5+s2] =	stream.linear.scatter [tilespmem:s7], [sflag:$0x1], $0x800, $0x38;
	[tilespmem:$0x3000] =	vst v63  }
0x175: {  	s4 =	sadd.s32 s4, s6  }
0x176: {  	[hbm4b:s4+s2] =	stream.linear.scatter [tilespmem:s30], [sflag:$0x2], $0x800, $0x38;
	[tilespmem:$0x3000] =	vst v63  }
0x177: {  	_ =	swait.ge [sflag:s28], $0x800  }
0x178: {  	[sflag:s28] =	ssyncset.done $0x0  }
0x179: {  	[sflag:s28] =	ssyncadd.s32 $0xFFFFF800  }
0x17a: {  	_ =	swait.ge [sflag:s31], $0x800  }
0x17b: {  	[sflag:s31] =	ssyncset.done $0x0  }
0x17c: {  	[sflag:s31] =	ssyncadd.s32 $0xFFFFF800  }
0x17d: {  	_ =	sfence.sel $0x180000  }
0x17e: {  	[bflag:$0x0] =	sbarrier.arrive $0xFFFF  }
0x17f: {  	p0 =	sne.s32 s1, $0x0;
	_ =	strace $0x90000047  }
0x180: {  	s0 =	sadd.s32 @!p0 $0x100000, s0;
	[bflag:$0x2] =	sbarrier.arrive $0xFFFF  }
0x181: {  	[sflag:s0] =	ssyncadd.tile.s32 @!p0 $0x1;
	_ =	shalt  }
.Lfunc_end2:
_tile_overlayer_lowered:
.L_overlay_start_2:
0x182: {  	(tag) =	ssettag $0x2  }
0x183: {  	s0 =	rddreg [dreg:$0x0];
	s2 =	stileid.u32  }
0x184: {  	s1 =	rddreg [dreg:$0x1];
	p0 =	sne.s32 s2, $0x0  }
0x185: {  	s3 =	rddreg [dreg:$0x2];
	[bflag:$0x3] =	sbarrier.arrive $0xFFFF;
	s2 =	simm.s32 @!p0 $0x1C03  }
0x186: {  	[timem:s3], [sflag:s2] =	dma.local @!p0 [hbm:s0], s1  }
0x187: {  	s0 =	simm.s32 @!p0 $0x3  }
0x188: {  	_ =	swait.ge @!p0 [sflag:s0], s1  }
0x189: {  	s1 =	ssub.s32 @!p0 $0x0, s1;
	[sflag:s0] =	ssyncset.done @!p0 $0x0  }
0x18a: {  	[sflag:s0] =	ssyncadd.s32 @!p0 s1  }
0x18b: {  	[bflag:$0x3] =	sbarrier.arrive $0xFFFF  }
0x18c: {  	_ =	shalt  }

</sc_bundles>
